<compile_context>
chip_gen: v7x
topology: tpu7x:2x2x1
jax: 0.10.2.dev20260603
libtpu: 0.0.44.dev20260713+nightly
codegen_flags: <defaults>
</compile_context>

<pallas_src>
import functools

import jax
import jax.numpy as jnp
from jax import lax
from jax.experimental import pallas as pl
from jax.experimental.pallas import tpu as pltpu
from jax.experimental.pallas import tpu_sc as plsc

N = 10000
NP = 10240
E = 320000
B = 512
NC = 2
NS = 16
CH = 80



@functools.lru_cache(maxsize=None)
def _make_sc_scatter_add(n, w):
    ept = E // (NC * NS)
    iters = ept // CH
    rps = NP // NS
    mesh = plsc.VectorSubcoreMesh(core_axis_name="c", subcore_axis_name="s")

    @functools.partial(
        pl.kernel, mesh=mesh,
        compiler_params=pltpu.CompilerParams(use_tc_tiling_on_sc=False),
        out_type=jax.ShapeDtypeStruct((NC, NP, w), jnp.float32),
        scratch_types=[
            pltpu.VMEM((2, CH), jnp.int32),
            pltpu.VMEM((2, CH), jnp.int32),
            pltpu.VMEM((2, CH, w), jnp.float32),
            pltpu.VMEM_SHARED((NP, w), jnp.float32),
            pltpu.SemaphoreType.DMA,
        ],
    )
    def k(u_hbm, s_hbm, d_hbm, z_hbm, out_hbm, sv, dv, rows, acc, sem):
        cid = lax.axis_index("c")
        sid = lax.axis_index("s")
        pltpu.sync_copy(z_hbm.at[pl.ds(sid * rps, rps)],
                        acc.at[pl.ds(sid * rps, rps)])
        plsc.subcore_barrier()
        base = (cid * NS + sid) * ept

        def fetch(slot, off):
            pltpu.sync_copy(s_hbm.at[pl.ds(off, CH)], sv.at[slot])
            pltpu.sync_copy(d_hbm.at[pl.ds(off, CH)], dv.at[slot])
            pltpu.async_copy(u_hbm.at[sv.at[slot]], rows.at[slot], sem)

        fetch(0, base)

        def body(i, carry):
            cur = lax.rem(i, 2)
            nxt = 1 - cur

            @pl.when(i + 1 < iters)
            def _():
                fetch(nxt, base + (i + 1) * CH)

            pltpu.make_async_copy(
                u_hbm.at[sv.at[cur]], rows.at[cur], sem).wait()
            pltpu.sync_copy(rows.at[cur], acc.at[dv.at[cur]], add=True)
            return carry

        lax.fori_loop(0, iters, body, 0)
        plsc.subcore_barrier()
        pltpu.sync_copy(acc.at[pl.ds(sid * rps, rps)],
                        out_hbm.at[cid, pl.ds(sid * rps, rps)])

    return k


def _sc_scatter_add(u, s_idx, d_idx):
    n, w = u.shape
    zero = jnp.zeros((NP, w), jnp.float32)
    out = _make_sc_scatter_add(n, w)(u, s_idx, d_idx, zero)
    return out[:, :N, :]



_RB = 1000


def _mm_scale(h, w, dinv):
    din = h.shape[1]
    wp = w.shape[1]

    def body(h_ref, w_ref, dv_ref, o_ref):
        o_ref[...] = dv_ref[...] * jnp.dot(
            h_ref[...], w_ref[...], preferred_element_type=jnp.float32)

    return pl.pallas_call(
        body,
        grid=(N // _RB,),
        in_specs=[
            pl.BlockSpec((_RB, din), lambda i: (i, 0)),
            pl.BlockSpec((din, wp), lambda i: (0, 0)),
            pl.BlockSpec((_RB, 1), lambda i: (i, 0)),
        ],
        out_specs=pl.BlockSpec((_RB, wp), lambda i: (i, 0)),
        out_shape=jax.ShapeDtypeStruct((N, wp), jnp.float32),
    )(h, w, dinv)


def _combine(a0, a1, u, dinv, b):
    wp = u.shape[1]

    def body(a0_ref, a1_ref, u_ref, dv_ref, b_ref, o_ref):
        s = a0_ref[...] + a1_ref[...] + u_ref[...]
        o_ref[...] = jnp.maximum(dv_ref[...] * s + b_ref[...], 0.0)

    return pl.pallas_call(
        body,
        grid=(N // _RB,),
        in_specs=[
            pl.BlockSpec((_RB, wp), lambda i: (i, 0)),
            pl.BlockSpec((_RB, wp), lambda i: (i, 0)),
            pl.BlockSpec((_RB, wp), lambda i: (i, 0)),
            pl.BlockSpec((_RB, 1), lambda i: (i, 0)),
            pl.BlockSpec((1, wp), lambda i: (0, 0)),
        ],
        out_specs=pl.BlockSpec((_RB, wp), lambda i: (i, 0)),
        out_shape=jax.ShapeDtypeStruct((N, wp), jnp.float32),
    )(a0, a1, u, dinv, b)


def _dinv_from_deg(d0, d1):
    def body(d0_ref, d1_ref, o_ref):
        deg = 1.0 + d0_ref[:, 0:1] + d1_ref[:, 0:1]
        o_ref[...] = lax.rsqrt(deg)

    return pl.pallas_call(
        body,
        out_shape=jax.ShapeDtypeStruct((N, 1), jnp.float32),
    )(d0, d1)


def _segment_max(h, batch):
    wp = h.shape[1]

    def body(batch_ref, h_ref, o_ref):
        o_ref[...] = jnp.zeros_like(o_ref)

        def step(n, carry):
            bidx = batch_ref[n]
            row = h_ref[pl.ds(n, 1), :]
            cur = o_ref[pl.ds(bidx, 1), :]
            o_ref[pl.ds(bidx, 1), :] = jnp.maximum(cur, row)
            return carry

        lax.fori_loop(0, N, step, 0)

    return pl.pallas_call(
        body,
        in_specs=[
            pl.BlockSpec(memory_space=pltpu.SMEM),
            pl.BlockSpec(memory_space=pltpu.VMEM),
        ],
        out_specs=pl.BlockSpec(memory_space=pltpu.VMEM),
        out_shape=jax.ShapeDtypeStruct((B, wp), jnp.float32),
    )(batch, h)


def _head(g1, g2, cell, Wg1, bg1, Wg2, bg2, Wr1, br1, Wr2, br2, Wr3, br3,
          Wf1, bf1, Wf2, bf2, Wo, bo):
    def body(g1_ref, g2_ref, cell_ref, wg1, bg1_, wg2, bg2_, wr1, br1_,
             wr2, br2_, wr3, br3_, wf1, bf1_, wf2, bf2_, wo, bo_, o_ref):
        def dot(a, b):
            return jnp.dot(a, b, preferred_element_type=jnp.float32)

        d1 = dot(jnp.maximum(dot(g1_ref[...], wg1[...]) + bg1_[...], 0.0),
                 wg2[...]) + bg2_[...]
        d2 = dot(jnp.maximum(dot(g2_ref[...], wg1[...]) + bg1_[...], 0.0),
                 wg2[...]) + bg2_[...]
        c = cell_ref[...]
        nrm = jnp.sqrt(jnp.sum(c * c, axis=1, keepdims=True))
        cn = c / jnp.maximum(nrm, 1e-12)
        cv = jnp.maximum(dot(cn, wr1[...]) + br1_[...], 0.0)
        cv = jnp.maximum(dot(cv, wr2[...]) + br2_[...], 0.0)
        cv = dot(cv, wr3[...]) + br3_[...]
        xc = jnp.concatenate([d1, d2, cv], axis=1)
        xc = jnp.maximum(dot(xc, wf1[...]) + bf1_[...], 0.0)
        xc = jnp.maximum(dot(xc, wf2[...]) + bf2_[...], 0.0)
        o_ref[...] = dot(xc, wo[...]) + bo_[...]

    args = (g1, g2, cell, Wg1, bg1.reshape(1, -1), Wg2, bg2.reshape(1, -1),
            Wr1, br1.reshape(1, -1), Wr2, br2.reshape(1, -1), Wr3,
            br3.reshape(1, -1), Wf1, bf1.reshape(1, -1), Wf2,
            bf2.reshape(1, -1), Wo, bo.reshape(1, -1))
    return pl.pallas_call(
        body,
        out_shape=jax.ShapeDtypeStruct((B, 2), jnp.float32),
    )(*args)



def _pad_w(w, rows, cols):
    return jnp.pad(w, ((0, rows - w.shape[0]), (0, cols - w.shape[1])))


def _encoder(x, ei, batch, W1p, b1p, W2p, b2p, W3p, b3p):
    s_idx = ei[0]
    d_idx = ei[1]
    ones = jnp.ones((N, 16), jnp.float32)
    degp = _sc_scatter_add(ones, s_idx, d_idx)
    dinv = _dinv_from_deg(degp[0], degp[1])

    h = x
    for wgt, bias, wout in ((W1p, b1p, 80), (W2p, b2p, 160), (W3p, b3p, 320)):
        u = _mm_scale(h, wgt, dinv)
        if wout <= 160:
            agg = _sc_scatter_add(u, s_idx, d_idx)
            a0, a1 = agg[0], agg[1]
        else:
            aggl = _sc_scatter_add(u[:, :160], s_idx, d_idx)
            aggr = _sc_scatter_add(u[:, 160:], s_idx, d_idx)
            a0 = jnp.concatenate([aggl[0], aggr[0]], axis=1)
            a1 = jnp.concatenate([aggl[1], aggr[1]], axis=1)
        h = _combine(a0, a1, u, dinv, bias)
    return _segment_max(h, batch)


def kernel(x1, edge_index1, batch1, cell, x2, edge_index2, batch2, W1, b1,
           W2, b2, W3, b3, Wg1, bg1, Wg2, bg2, Wr1, br1, Wr2, br2, Wr3, br3,
           Wf1, bf1, Wf2, bf2, Wo, bo):
    W1p = _pad_w(W1, 78, 80)
    W2p = _pad_w(W2, 80, 160)
    W3p = _pad_w(W3, 160, 320)
    b1p = jnp.pad(b1, (0, 2)).reshape(1, -1)
    b2p = jnp.pad(b2, (0, 4)).reshape(1, -1)
    b3p = jnp.pad(b3, (0, 8)).reshape(1, -1)
    Wg1p = _pad_w(Wg1, 320, 160)
    bg1p = jnp.pad(bg1, (0, 4))
    Wg2p = _pad_w(Wg2, 160, 128)

    g1 = _encoder(x1, edge_index1, batch1, W1p, b1p, W2p, b2p, W3p, b3p)
    g2 = _encoder(x2, edge_index2, batch2, W1p, b1p, W2p, b2p, W3p, b3p)
    return _head(g1, g2, cell, Wg1p, bg1p, Wg2p, bg2, Wr1, br1, Wr2, br2,
                 Wr3, br3, Wf1, bf1, Wf2, bf2, Wo, bo)

# --- scband reference (transcript-rebuilt; emitter-appended) ---
"""Pipeline reference for scband-gcnnet-shared-27702539059790 (READ-ONLY COPY).

The authoritative reference and input builder live on the scoring server;
editing this copy changes nothing except your own understanding.
"""

import jax, jax.numpy as jnp
import numpy as np

N = 10000
E = 320000
B = 512
D = 78
XT = 954
OD = 128

def _w(key, shape):
    return jax.random.normal(key, shape, dtype=jnp.float32) * 0.05

def setup_inputs(seed: int = 0):
    key = jax.random.key(seed)
    ks = jax.random.split(key, 40)
    inp = {}
    inp['x1'] = jax.random.normal(ks[0], (N, D), dtype=jnp.float32)
    inp['edge_index1'] = jax.random.randint(ks[1], (2, E), 0, N, dtype=jnp.int32)
    inp['batch1'] = jnp.sort(jax.random.randint(ks[2], (N,), 0, B, dtype=jnp.int32))
    inp['cell'] = jax.random.normal(ks[3], (B, XT), dtype=jnp.float32)
    inp['x2'] = jax.random.normal(ks[4], (N, D), dtype=jnp.float32)
    inp['edge_index2'] = jax.random.randint(ks[5], (2, E), 0, N, dtype=jnp.int32)
    inp['batch2'] = jnp.sort(jax.random.randint(ks[6], (N,), 0, B, dtype=jnp.int32))
    inp['W1'] = _w(ks[7], (D, D)); inp['b1'] = jnp.zeros((D,), jnp.float32)
    inp['W2'] = _w(ks[8], (D, 2 * D)); inp['b2'] = jnp.zeros((2 * D,), jnp.float32)
    inp['W3'] = _w(ks[9], (2 * D, 4 * D)); inp['b3'] = jnp.zeros((4 * D,), jnp.float32)
    inp['Wg1'] = _w(ks[10], (4 * D, 2 * D)); inp['bg1'] = jnp.zeros((2 * D,), jnp.float32)
    inp['Wg2'] = _w(ks[11], (2 * D, OD)); inp['bg2'] = jnp.zeros((OD,), jnp.float32)
    inp['Wr1'] = _w(ks[12], (XT, 512)); inp['br1'] = jnp.zeros((512,), jnp.float32)
    inp['Wr2'] = _w(ks[13], (512, 256)); inp['br2'] = jnp.zeros((256,), jnp.float32)
    inp['Wr3'] = _w(ks[14], (256, OD)); inp['br3'] = jnp.zeros((OD,), jnp.float32)
    inp['Wf1'] = _w(ks[15], (3 * OD, 512)); inp['bf1'] = jnp.zeros((512,), jnp.float32)
    inp['Wf2'] = _w(ks[16], (512, 128)); inp['bf2'] = jnp.zeros((128,), jnp.float32)
    inp['Wo'] = _w(ks[17], (128, 2)); inp['bo'] = jnp.zeros((2,), jnp.float32)
    return inp

def _gcn(x, ei, W, b):
    n = x.shape[0]
    loop = jnp.arange(n, dtype=ei.dtype)
    s = jnp.concatenate([ei[0], loop])
    d = jnp.concatenate([ei[1], loop])
    deg = jnp.zeros((n,), jnp.float32).at[d].add(1.0)
    dinv = jnp.where(deg > 0, jax.lax.rsqrt(deg), 0.0)
    xw = x @ W
    msg = xw[s] * (dinv[s] * dinv[d])[:, None]
    return jnp.zeros((n, W.shape[1]), jnp.float32).at[d].add(msg) + b

def _drug_encoder(x, ei, batch, W1, b1, W2, b2, W3, b3, Wg1, bg1, Wg2, bg2):
    h = jax.nn.relu(_gcn(x, ei, W1, b1))
    h = jax.nn.relu(_gcn(h, ei, W2, b2))
    h = jax.nn.relu(_gcn(h, ei, W3, b3))
    g = jax.ops.segment_max(h, batch, num_segments=B)
    g = jnp.where(jnp.isfinite(g), g, 0.0)
    g = jax.nn.relu(g @ Wg1 + bg1)
    return g @ Wg2 + bg2

def reference(x1, edge_index1, batch1, cell, x2, edge_index2, batch2, W1, b1, W2, b2, W3, b3, Wg1, bg1, Wg2, bg2, Wr1, br1, Wr2, br2, Wr3, br3, Wf1, bf1, Wf2, bf2, Wo, bo):
    d1 = _drug_encoder(x1, edge_index1, batch1, W1, b1, W2, b2, W3, b3, Wg1, bg1, Wg2, bg2)
    d2 = _drug_encoder(x2, edge_index2, batch2, W1, b1, W2, b2, W3, b3, Wg1, bg1, Wg2, bg2)
    cn = cell / jnp.maximum(jnp.linalg.norm(cell, axis=1, keepdims=True), 1e-12)
    cv = jax.nn.relu(cn @ Wr1 + br1)
    cv = jax.nn.relu(cv @ Wr2 + br2)
    cv = cv @ Wr3 + br3
    xc = jnp.concatenate([d1, d2, cv], axis=1)
    xc = jax.nn.relu(xc @ Wf1 + bf1)
    xc = jax.nn.relu(xc @ Wf2 + bf2)
    return xc @ Wo + bo

if __name__ == "__main__":
    import jax
    _d = setup_inputs()
    print(jax.jit(kernel)(*tuple(_d.values())))

</pallas_src>

<mosaic_0001>
#map = affine_map<(d0, d1) -> (0, 0)>
#map1 = affine_map<(d0, d1) -> (0)>
#map2 = affine_map<(d0, d1) -> (0, 0, 0)>
module attributes {stable_mosaic.version = 14 : i64} {
  func.func @k(%arg0: i32, %arg1: i32, %arg2: memref<10000x16xf32, #tpu.memory_space<hbm>>, %arg3: memref<320000xi32, #tpu.memory_space<hbm>>, %arg4: memref<320000xi32, #tpu.memory_space<hbm>>, %arg5: memref<10240x16xf32, #tpu.memory_space<hbm>>, %arg6: memref<2x10240x16xf32, #tpu.memory_space<hbm>>, %arg7: memref<2x80xi32, #tpu.memory_space<vmem>>, %arg8: memref<2x80xi32, #tpu.memory_space<vmem>>, %arg9: memref<2x80x16xf32, #tpu.memory_space<vmem>>, %arg10: memref<10240x16xf32, #tpu.memory_space<vmem_shared>>, %arg11: memref<!tpu.dma_semaphore, #tpu.memory_space<semaphore_mem>>) attributes {dimension_semantics = [#tpu.dimension_semantics<core_parallel>, #tpu.dimension_semantics<subcore_parallel>], iteration_bounds = array<i64: 2, 16>, scalar_prefetch = 0 : i64, scratch_operands = 5 : i64, tpu.core_type = #tpu.core_type<sc_vector_subcore>, window_params = [{transform_indices = #map}, {transform_indices = #map1}, {transform_indices = #map1}, {transform_indices = #map}, {transform_indices = #map2}]} {
    %mul3A = arith.constant 640 : i32
    %mul3A_0 = arith.muli %arg1, %mul3A : i32
    %mul3A_1 = arith.constant 640 : i32
    %mul3A_2 = arith.muli %arg1, %mul3A_1 : i32
    "tpu.region"() ({
      %run_scoped3A_29 = tpu.sem_alloc : memref<!tpu.dma_semaphore, #tpu.memory_space<semaphore_mem>>
      %dma_start3A_30 = arith.constant 0 : i32
      %dma_start3A_31 = tpu.memref_slice %arg10[%mul3A_2, %dma_start3A_30] : memref<10240x16xf32, #tpu.memory_space<vmem_shared>> -> memref<640x16xf32, #tpu.memory_space<vmem_shared>>
      %dma_start3A_32 = arith.constant 0 : i32
      %dma_start3A_33 = tpu.memref_slice %arg5[%mul3A_0, %dma_start3A_32] : memref<10240x16xf32, #tpu.memory_space<hbm>> -> memref<640x16xf32, #tpu.memory_space<hbm>>
      tpu.enqueue_dma source(%dma_start3A_33 : memref<640x16xf32, #tpu.memory_space<hbm>>) target(%dma_start3A_31 : memref<640x16xf32, #tpu.memory_space<vmem_shared>>) target_semaphore(%run_scoped3A_29 : memref<!tpu.dma_semaphore, #tpu.memory_space<semaphore_mem>>)
      %dma_wait3A = arith.constant 0 : i32
      %dma_wait3A_34 = tpu.memref_slice %arg10[%mul3A_2, %dma_wait3A] : memref<10240x16xf32, #tpu.memory_space<vmem_shared>> -> memref<640x16xf32, #tpu.memory_space<vmem_shared>>
      %dma_wait3A_35 = arith.constant 0 : i32
      %dma_wait3A_36 = tpu.memref_slice %arg5[%mul3A_0, %dma_wait3A_35] : memref<10240x16xf32, #tpu.memory_space<hbm>> -> memref<640x16xf32, #tpu.memory_space<hbm>>
      tpu.wait_dma2 semaphore(%run_scoped3A_29 : memref<!tpu.dma_semaphore, #tpu.memory_space<semaphore_mem>>) src(%dma_wait3A_36 : memref<640x16xf32, #tpu.memory_space<hbm>>) dst(%dma_wait3A_34 : memref<640x16xf32, #tpu.memory_space<vmem_shared>>)
      tpu.yield
    }) : () -> ()
    %barrier3A = arith.constant 0 : index
    tpu.barrier barrier_id(%barrier3A)
    %mul3A_3 = arith.constant 16 : i32
    %mul3A_4 = arith.muli %arg0, %mul3A_3 : i32
    %add3A = arith.addi %mul3A_4, %arg1 : i32
    %mul3A_5 = arith.constant 10000 : i32
    %mul3A_6 = arith.muli %add3A, %mul3A_5 : i32
    %run_scoped3A = arith.constant 0 : i32
    "tpu.region"() ({
      %run_scoped3A_29 = tpu.sem_alloc : memref<!tpu.dma_semaphore, #tpu.memory_space<semaphore_mem>>
      %dma_start3A_30 = arith.constant 0 : i32
      %dma_start3A_31 = tpu.memref_slice %arg7[%run_scoped3A, %dma_start3A_30] : memref<2x80xi32, #tpu.memory_space<vmem>> -> memref<1x80xi32, #tpu.memory_space<vmem>>
      %dma_start3A_32 = tpu.memref_squeeze %dma_start3A_31 : memref<1x80xi32, #tpu.memory_space<vmem>> -> memref<80xi32, #tpu.memory_space<vmem>>
      %dma_start3A_33 = tpu.memref_slice %arg3[%mul3A_6] : memref<320000xi32, #tpu.memory_space<hbm>> -> memref<80xi32, #tpu.memory_space<hbm>>
      %dma_start3A_34 = arith.constant 0 : i32
      %dma_start3A_35 = tpu.memref_slice %arg7[%run_scoped3A, %dma_start3A_34] : memref<2x80xi32, #tpu.memory_space<vmem>> -> memref<1x80xi32, #tpu.memory_space<vmem>>
      %dma_start3A_36 = tpu.memref_squeeze %dma_start3A_35 : memref<1x80xi32, #tpu.memory_space<vmem>> -> memref<80xi32, #tpu.memory_space<vmem>>
      %dma_start3A_37 = tpu.memref_slice %arg3[%mul3A_6] : memref<320000xi32, #tpu.memory_space<hbm>> -> memref<80xi32, #tpu.memory_space<hbm>>
      tpu.enqueue_dma source(%dma_start3A_37 : memref<80xi32, #tpu.memory_space<hbm>>) target(%dma_start3A_36 : memref<80xi32, #tpu.memory_space<vmem>>) target_semaphore(%run_scoped3A_29 : memref<!tpu.dma_semaphore, #tpu.memory_space<semaphore_mem>>)
      %dma_wait3A = arith.constant 0 : i32
      %dma_wait3A_38 = tpu.memref_slice %arg7[%run_scoped3A, %dma_wait3A] : memref<2x80xi32, #tpu.memory_space<vmem>> -> memref<1x80xi32, #tpu.memory_space<vmem>>
      %dma_wait3A_39 = tpu.memref_squeeze %dma_wait3A_38 : memref<1x80xi32, #tpu.memory_space<vmem>> -> memref<80xi32, #tpu.memory_space<vmem>>
      %dma_wait3A_40 = tpu.memref_slice %arg3[%mul3A_6] : memref<320000xi32, #tpu.memory_space<hbm>> -> memref<80xi32, #tpu.memory_space<hbm>>
      %dma_wait3A_41 = arith.constant 0 : i32
      %dma_wait3A_42 = tpu.memref_slice %arg7[%run_scoped3A, %dma_wait3A_41] : memref<2x80xi32, #tpu.memory_space<vmem>> -> memref<1x80xi32, #tpu.memory_space<vmem>>
      %dma_wait3A_43 = tpu.memref_squeeze %dma_wait3A_42 : memref<1x80xi32, #tpu.memory_space<vmem>> -> memref<80xi32, #tpu.memory_space<vmem>>
      %dma_wait3A_44 = tpu.memref_slice %arg3[%mul3A_6] : memref<320000xi32, #tpu.memory_space<hbm>> -> memref<80xi32, #tpu.memory_space<hbm>>
      tpu.wait_dma2 semaphore(%run_scoped3A_29 : memref<!tpu.dma_semaphore, #tpu.memory_space<semaphore_mem>>) src(%dma_wait3A_44 : memref<80xi32, #tpu.memory_space<hbm>>) dst(%dma_wait3A_43 : memref<80xi32, #tpu.memory_space<vmem>>)
      tpu.yield
    }) : () -> ()
    %run_scoped3A_7 = arith.constant 0 : i32
    "tpu.region"() ({
      %run_scoped3A_29 = tpu.sem_alloc : memref<!tpu.dma_semaphore, #tpu.memory_space<semaphore_mem>>
      %dma_start3A_30 = arith.constant 0 : i32
      %dma_start3A_31 = tpu.memref_slice %arg8[%run_scoped3A_7, %dma_start3A_30] : memref<2x80xi32, #tpu.memory_space<vmem>> -> memref<1x80xi32, #tpu.memory_space<vmem>>
      %dma_start3A_32 = tpu.memref_squeeze %dma_start3A_31 : memref<1x80xi32, #tpu.memory_space<vmem>> -> memref<80xi32, #tpu.memory_space<vmem>>
      %dma_start3A_33 = tpu.memref_slice %arg4[%mul3A_6] : memref<320000xi32, #tpu.memory_space<hbm>> -> memref<80xi32, #tpu.memory_space<hbm>>
      %dma_start3A_34 = arith.constant 0 : i32
      %dma_start3A_35 = tpu.memref_slice %arg8[%run_scoped3A_7, %dma_start3A_34] : memref<2x80xi32, #tpu.memory_space<vmem>> -> memref<1x80xi32, #tpu.memory_space<vmem>>
      %dma_start3A_36 = tpu.memref_squeeze %dma_start3A_35 : memref<1x80xi32, #tpu.memory_space<vmem>> -> memref<80xi32, #tpu.memory_space<vmem>>
      %dma_start3A_37 = tpu.memref_slice %arg4[%mul3A_6] : memref<320000xi32, #tpu.memory_space<hbm>> -> memref<80xi32, #tpu.memory_space<hbm>>
      tpu.enqueue_dma source(%dma_start3A_37 : memref<80xi32, #tpu.memory_space<hbm>>) target(%dma_start3A_36 : memref<80xi32, #tpu.memory_space<vmem>>) target_semaphore(%run_scoped3A_29 : memref<!tpu.dma_semaphore, #tpu.memory_space<semaphore_mem>>)
      %dma_wait3A = arith.constant 0 : i32
      %dma_wait3A_38 = tpu.memref_slice %arg8[%run_scoped3A_7, %dma_wait3A] : memref<2x80xi32, #tpu.memory_space<vmem>> -> memref<1x80xi32, #tpu.memory_space<vmem>>
      %dma_wait3A_39 = tpu.memref_squeeze %dma_wait3A_38 : memref<1x80xi32, #tpu.memory_space<vmem>> -> memref<80xi32, #tpu.memory_space<vmem>>
      %dma_wait3A_40 = tpu.memref_slice %arg4[%mul3A_6] : memref<320000xi32, #tpu.memory_space<hbm>> -> memref<80xi32, #tpu.memory_space<hbm>>
      %dma_wait3A_41 = arith.constant 0 : i32
      %dma_wait3A_42 = tpu.memref_slice %arg8[%run_scoped3A_7, %dma_wait3A_41] : memref<2x80xi32, #tpu.memory_space<vmem>> -> memref<1x80xi32, #tpu.memory_space<vmem>>
      %dma_wait3A_43 = tpu.memref_squeeze %dma_wait3A_42 : memref<1x80xi32, #tpu.memory_space<vmem>> -> memref<80xi32, #tpu.memory_space<vmem>>
      %dma_wait3A_44 = tpu.memref_slice %arg4[%mul3A_6] : memref<320000xi32, #tpu.memory_space<hbm>> -> memref<80xi32, #tpu.memory_space<hbm>>
      tpu.wait_dma2 semaphore(%run_scoped3A_29 : memref<!tpu.dma_semaphore, #tpu.memory_space<semaphore_mem>>) src(%dma_wait3A_44 : memref<80xi32, #tpu.memory_space<hbm>>) dst(%dma_wait3A_43 : memref<80xi32, #tpu.memory_space<vmem>>)
      tpu.yield
    }) : () -> ()
    %dma_start3A = arith.constant 0 : i32
    %dma_start3A_8 = arith.constant 0 : i32
    %dma_start3A_9 = arith.constant 0 : i32
    %dma_start3A_10 = arith.constant 0 : i32
    %dma_start3A_11 = tpu.memref_slice %arg9[%dma_start3A_8, %dma_start3A_9, %dma_start3A_10] : memref<2x80x16xf32, #tpu.memory_space<vmem>> -> memref<1x80x16xf32, #tpu.memory_space<vmem>>
    %dma_start3A_12 = tpu.memref_squeeze %dma_start3A_11 : memref<1x80x16xf32, #tpu.memory_space<vmem>> -> memref<80x16xf32, #tpu.memory_space<vmem>>
    %dma_start3A_13 = arith.constant 0 : i32
    %dma_start3A_14 = tpu.memref_slice %arg7[%dma_start3A, %dma_start3A_13] : memref<2x80xi32, #tpu.memory_space<vmem>> -> memref<1x80xi32, #tpu.memory_space<vmem>>
    %dma_start3A_15 = tpu.memref_squeeze %dma_start3A_14 : memref<1x80xi32, #tpu.memory_space<vmem>> -> memref<80xi32, #tpu.memory_space<vmem>>
    %dma_start3A_16 = arith.constant 0 : i32
    %dma_start3A_17 = arith.constant 0 : i32
    %dma_start3A_18 = tpu.memref_slice %arg2[%dma_start3A_16, %dma_start3A_17] : memref<10000x16xf32, #tpu.memory_space<hbm>> -> memref<10000x16xf32, #tpu.memory_space<hbm>>
    tpu.enqueue_indirect_dma source(%dma_start3A_18 : memref<10000x16xf32, #tpu.memory_space<hbm>>) target(%dma_start3A_12 : memref<80x16xf32, #tpu.memory_space<vmem>>) offsets(%dma_start3A_15 : memref<80xi32, #tpu.memory_space<vmem>>) semaphore(%arg11 : memref<!tpu.dma_semaphore, #tpu.memory_space<semaphore_mem>>)
    %scan3A = arith.constant 0 : i32
    %scan3A_19 = arith.constant 0 : i32
    %scan3A_20 = arith.constant 125 : i32
    %scan3A_21 = arith.addi %scan3A_19, %scan3A_20 : i32
    %scan3A_22 = arith.constant 1 : i32
    scf.for %scan3A_29 = %scan3A_19 to %scan3A_21 step %scan3A_22  : i32 {
      %rem3A = arith.constant 2 : i32
      %rem3A_30 = arith.remsi %scan3A_29, %rem3A : i32
      %sub3A = arith.constant 1 : i32
      %sub3A_31 = arith.subi %sub3A, %rem3A_30 : i32
      %add3A_32 = arith.constant 1 : i32
      %add3A_33 = arith.addi %scan3A_29, %add3A_32 : i32
      %lt3A = arith.constant 125 : i32
      %lt3A_34 = arith.cmpi slt, %add3A_33, %lt3A : i32
      %convert_element_type3A = arith.extui %lt3A_34 : i1 to i32
      %cond3A = arith.constant 0 : i32
      %cond3A_35 = arith.cmpi ne, %convert_element_type3A, %cond3A : i32
      scf.if %cond3A_35 {
        %add3A_45 = arith.constant 1 : i32
        %add3A_46 = arith.addi %scan3A_29, %add3A_45 : i32
        %mul3A_47 = arith.constant 80 : i32
        %mul3A_48 = arith.muli %add3A_46, %mul3A_47 : i32
        %add3A_49 = arith.addi %mul3A_6, %mul3A_48 : i32
        "tpu.region"() ({
          %run_scoped3A_60 = tpu.sem_alloc : memref<!tpu.dma_semaphore, #tpu.memory_space<semaphore_mem>>
          %dma_start3A_61 = arith.constant 0 : i32
          %dma_start3A_62 = tpu.memref_slice %arg7[%sub3A_31, %dma_start3A_61] : memref<2x80xi32, #tpu.memory_space<vmem>> -> memref<1x80xi32, #tpu.memory_space<vmem>>
          %dma_start3A_63 = tpu.memref_squeeze %dma_start3A_62 : memref<1x80xi32, #tpu.memory_space<vmem>> -> memref<80xi32, #tpu.memory_space<vmem>>
          %dma_start3A_64 = tpu.memref_slice %arg3[%add3A_49] : memref<320000xi32, #tpu.memory_space<hbm>> -> memref<80xi32, #tpu.memory_space<hbm>>
          %dma_start3A_65 = arith.constant 0 : i32
          %dma_start3A_66 = tpu.memref_slice %arg7[%sub3A_31, %dma_start3A_65] : memref<2x80xi32, #tpu.memory_space<vmem>> -> memref<1x80xi32, #tpu.memory_space<vmem>>
          %dma_start3A_67 = tpu.memref_squeeze %dma_start3A_66 : memref<1x80xi32, #tpu.memory_space<vmem>> -> memref<80xi32, #tpu.memory_space<vmem>>
          %dma_start3A_68 = tpu.memref_slice %arg3[%add3A_49] : memref<320000xi32, #tpu.memory_space<hbm>> -> memref<80xi32, #tpu.memory_space<hbm>>
          tpu.enqueue_dma source(%dma_start3A_68 : memref<80xi32, #tpu.memory_space<hbm>>) target(%dma_start3A_67 : memref<80xi32, #tpu.memory_space<vmem>>) target_semaphore(%run_scoped3A_60 : memref<!tpu.dma_semaphore, #tpu.memory_space<semaphore_mem>>)
          %dma_wait3A_69 = arith.constant 0 : i32
          %dma_wait3A_70 = tpu.memref_slice %arg7[%sub3A_31, %dma_wait3A_69] : memref<2x80xi32, #tpu.memory_space<vmem>> -> memref<1x80xi32, #tpu.memory_space<vmem>>
          %dma_wait3A_71 = tpu.memref_squeeze %dma_wait3A_70 : memref<1x80xi32, #tpu.memory_space<vmem>> -> memref<80xi32, #tpu.memory_space<vmem>>
          %dma_wait3A_72 = tpu.memref_slice %arg3[%add3A_49] : memref<320000xi32, #tpu.memory_space<hbm>> -> memref<80xi32, #tpu.memory_space<hbm>>
          %dma_wait3A_73 = arith.constant 0 : i32
          %dma_wait3A_74 = tpu.memref_slice %arg7[%sub3A_31, %dma_wait3A_73] : memref<2x80xi32, #tpu.memory_space<vmem>> -> memref<1x80xi32, #tpu.memory_space<vmem>>
          %dma_wait3A_75 = tpu.memref_squeeze %dma_wait3A_74 : memref<1x80xi32, #tpu.memory_space<vmem>> -> memref<80xi32, #tpu.memory_space<vmem>>
          %dma_wait3A_76 = tpu.memref_slice %arg3[%add3A_49] : memref<320000xi32, #tpu.memory_space<hbm>> -> memref<80xi32, #tpu.memory_space<hbm>>
          tpu.wait_dma2 semaphore(%run_scoped3A_60 : memref<!tpu.dma_semaphore, #tpu.memory_space<semaphore_mem>>) src(%dma_wait3A_76 : memref<80xi32, #tpu.memory_space<hbm>>) dst(%dma_wait3A_75 : memref<80xi32, #tpu.memory_space<vmem>>)
          tpu.yield
        }) : () -> ()
        "tpu.region"() ({
          %run_scoped3A_60 = tpu.sem_alloc : memref<!tpu.dma_semaphore, #tpu.memory_space<semaphore_mem>>
          %dma_start3A_61 = arith.constant 0 : i32
          %dma_start3A_62 = tpu.memref_slice %arg8[%sub3A_31, %dma_start3A_61] : memref<2x80xi32, #tpu.memory_space<vmem>> -> memref<1x80xi32, #tpu.memory_space<vmem>>
          %dma_start3A_63 = tpu.memref_squeeze %dma_start3A_62 : memref<1x80xi32, #tpu.memory_space<vmem>> -> memref<80xi32, #tpu.memory_space<vmem>>
          %dma_start3A_64 = tpu.memref_slice %arg4[%add3A_49] : memref<320000xi32, #tpu.memory_space<hbm>> -> memref<80xi32, #tpu.memory_space<hbm>>
          %dma_start3A_65 = arith.constant 0 : i32
          %dma_start3A_66 = tpu.memref_slice %arg8[%sub3A_31, %dma_start3A_65] : memref<2x80xi32, #tpu.memory_space<vmem>> -> memref<1x80xi32, #tpu.memory_space<vmem>>
          %dma_start3A_67 = tpu.memref_squeeze %dma_start3A_66 : memref<1x80xi32, #tpu.memory_space<vmem>> -> memref<80xi32, #tpu.memory_space<vmem>>
          %dma_start3A_68 = tpu.memref_slice %arg4[%add3A_49] : memref<320000xi32, #tpu.memory_space<hbm>> -> memref<80xi32, #tpu.memory_space<hbm>>
          tpu.enqueue_dma source(%dma_start3A_68 : memref<80xi32, #tpu.memory_space<hbm>>) target(%dma_start3A_67 : memref<80xi32, #tpu.memory_space<vmem>>) target_semaphore(%run_scoped3A_60 : memref<!tpu.dma_semaphore, #tpu.memory_space<semaphore_mem>>)
          %dma_wait3A_69 = arith.constant 0 : i32
          %dma_wait3A_70 = tpu.memref_slice %arg8[%sub3A_31, %dma_wait3A_69] : memref<2x80xi32, #tpu.memory_space<vmem>> -> memref<1x80xi32, #tpu.memory_space<vmem>>
          %dma_wait3A_71 = tpu.memref_squeeze %dma_wait3A_70 : memref<1x80xi32, #tpu.memory_space<vmem>> -> memref<80xi32, #tpu.memory_space<vmem>>
          %dma_wait3A_72 = tpu.memref_slice %arg4[%add3A_49] : memref<320000xi32, #tpu.memory_space<hbm>> -> memref<80xi32, #tpu.memory_space<hbm>>
          %dma_wait3A_73 = arith.constant 0 : i32
          %dma_wait3A_74 = tpu.memref_slice %arg8[%sub3A_31, %dma_wait3A_73] : memref<2x80xi32, #tpu.memory_space<vmem>> -> memref<1x80xi32, #tpu.memory_space<vmem>>
          %dma_wait3A_75 = tpu.memref_squeeze %dma_wait3A_74 : memref<1x80xi32, #tpu.memory_space<vmem>> -> memref<80xi32, #tpu.memory_space<vmem>>
          %dma_wait3A_76 = tpu.memref_slice %arg4[%add3A_49] : memref<320000xi32, #tpu.memory_space<hbm>> -> memref<80xi32, #tpu.memory_space<hbm>>
          tpu.wait_dma2 semaphore(%run_scoped3A_60 : memref<!tpu.dma_semaphore, #tpu.memory_space<semaphore_mem>>) src(%dma_wait3A_76 : memref<80xi32, #tpu.memory_space<hbm>>) dst(%dma_wait3A_75 : memref<80xi32, #tpu.memory_space<vmem>>)
          tpu.yield
        }) : () -> ()
        %dma_start3A_50 = arith.constant 0 : i32
        %dma_start3A_51 = arith.constant 0 : i32
        %dma_start3A_52 = tpu.memref_slice %arg9[%sub3A_31, %dma_start3A_50, %dma_start3A_51] : memref<2x80x16xf32, #tpu.memory_space<vmem>> -> memref<1x80x16xf32, #tpu.memory_space<vmem>>
        %dma_start3A_53 = tpu.memref_squeeze %dma_start3A_52 : memref<1x80x16xf32, #tpu.memory_space<vmem>> -> memref<80x16xf32, #tpu.memory_space<vmem>>
        %dma_start3A_54 = arith.constant 0 : i32
        %dma_start3A_55 = tpu.memref_slice %arg7[%sub3A_31, %dma_start3A_54] : memref<2x80xi32, #tpu.memory_space<vmem>> -> memref<1x80xi32, #tpu.memory_space<vmem>>
        %dma_start3A_56 = tpu.memref_squeeze %dma_start3A_55 : memref<1x80xi32, #tpu.memory_space<vmem>> -> memref<80xi32, #tpu.memory_space<vmem>>
        %dma_start3A_57 = arith.constant 0 : i32
        %dma_start3A_58 = arith.constant 0 : i32
        %dma_start3A_59 = tpu.memref_slice %arg2[%dma_start3A_57, %dma_start3A_58] : memref<10000x16xf32, #tpu.memory_space<hbm>> -> memref<10000x16xf32, #tpu.memory_space<hbm>>
        tpu.enqueue_indirect_dma source(%dma_start3A_59 : memref<10000x16xf32, #tpu.memory_space<hbm>>) target(%dma_start3A_53 : memref<80x16xf32, #tpu.memory_space<vmem>>) offsets(%dma_start3A_56 : memref<80xi32, #tpu.memory_space<vmem>>) semaphore(%arg11 : memref<!tpu.dma_semaphore, #tpu.memory_space<semaphore_mem>>)
      } else {
      }
      %dma_wait3A = arith.constant 0 : i32
      %dma_wait3A_36 = arith.constant 0 : i32
      %dma_wait3A_37 = tpu.memref_slice %arg9[%rem3A_30, %dma_wait3A, %dma_wait3A_36] : memref<2x80x16xf32, #tpu.memory_space<vmem>> -> memref<1x80x16xf32, #tpu.memory_space<vmem>>
      %dma_wait3A_38 = tpu.memref_squeeze %dma_wait3A_37 : memref<1x80x16xf32, #tpu.memory_space<vmem>> -> memref<80x16xf32, #tpu.memory_space<vmem>>
      %dma_wait3A_39 = arith.constant 0 : i32
      %dma_wait3A_40 = tpu.memref_slice %arg7[%rem3A_30, %dma_wait3A_39] : memref<2x80xi32, #tpu.memory_space<vmem>> -> memref<1x80xi32, #tpu.memory_space<vmem>>
      %dma_wait3A_41 = tpu.memref_squeeze %dma_wait3A_40 : memref<1x80xi32, #tpu.memory_space<vmem>> -> memref<80xi32, #tpu.memory_space<vmem>>
      %dma_wait3A_42 = arith.constant 0 : i32
      %dma_wait3A_43 = arith.constant 0 : i32
      %dma_wait3A_44 = tpu.memref_slice %arg2[%dma_wait3A_42, %dma_wait3A_43] : memref<10000x16xf32, #tpu.memory_space<hbm>> -> memref<10000x16xf32, #tpu.memory_space<hbm>>
      tpu.wait_indirect_dma semaphore(%arg11 : memref<!tpu.dma_semaphore, #tpu.memory_space<semaphore_mem>>) src(%dma_wait3A_44 : memref<10000x16xf32, #tpu.memory_space<hbm>>) dst(%dma_wait3A_38 : memref<80x16xf32, #tpu.memory_space<vmem>>)
      "tpu.region"() ({
        %run_scoped3A_45 = tpu.sem_alloc : memref<!tpu.dma_semaphore, #tpu.memory_space<semaphore_mem>>
        %dma_start3A_46 = arith.constant 0 : i32
        %dma_start3A_47 = arith.constant 0 : i32
        %dma_start3A_48 = tpu.memref_slice %arg9[%rem3A_30, %dma_start3A_46, %dma_start3A_47] : memref<2x80x16xf32, #tpu.memory_space<vmem>> -> memref<1x80x16xf32, #tpu.memory_space<vmem>>
        %dma_start3A_49 = tpu.memref_squeeze %dma_start3A_48 : memref<1x80x16xf32, #tpu.memory_space<vmem>> -> memref<80x16xf32, #tpu.memory_space<vmem>>
        %dma_start3A_50 = arith.constant 0 : i32
        %dma_start3A_51 = tpu.memref_slice %arg8[%rem3A_30, %dma_start3A_50] : memref<2x80xi32, #tpu.memory_space<vmem>> -> memref<1x80xi32, #tpu.memory_space<vmem>>
        %dma_start3A_52 = tpu.memref_squeeze %dma_start3A_51 : memref<1x80xi32, #tpu.memory_space<vmem>> -> memref<80xi32, #tpu.memory_space<vmem>>
        %dma_start3A_53 = arith.constant 0 : i32
        %dma_start3A_54 = arith.constant 0 : i32
        %dma_start3A_55 = tpu.memref_slice %arg10[%dma_start3A_53, %dma_start3A_54] : memref<10240x16xf32, #tpu.memory_space<vmem_shared>> -> memref<10240x16xf32, #tpu.memory_space<vmem_shared>>
        tpu.enqueue_indirect_dma source(%dma_start3A_49 : memref<80x16xf32, #tpu.memory_space<vmem>>) target(%dma_start3A_55 : memref<10240x16xf32, #tpu.memory_space<vmem_shared>>) offsets(%dma_start3A_52 : memref<80xi32, #tpu.memory_space<vmem>>) semaphore(%run_scoped3A_45 : memref<!tpu.dma_semaphore, #tpu.memory_space<semaphore_mem>>) {add = true}
        %dma_wait3A_56 = arith.constant 0 : i32
        %dma_wait3A_57 = arith.constant 0 : i32
        %dma_wait3A_58 = tpu.memref_slice %arg9[%rem3A_30, %dma_wait3A_56, %dma_wait3A_57] : memref<2x80x16xf32, #tpu.memory_space<vmem>> -> memref<1x80x16xf32, #tpu.memory_space<vmem>>
        %dma_wait3A_59 = tpu.memref_squeeze %dma_wait3A_58 : memref<1x80x16xf32, #tpu.memory_space<vmem>> -> memref<80x16xf32, #tpu.memory_space<vmem>>
        %dma_wait3A_60 = arith.constant 0 : i32
        %dma_wait3A_61 = tpu.memref_slice %arg8[%rem3A_30, %dma_wait3A_60] : memref<2x80xi32, #tpu.memory_space<vmem>> -> memref<1x80xi32, #tpu.memory_space<vmem>>
        %dma_wait3A_62 = tpu.memref_squeeze %dma_wait3A_61 : memref<1x80xi32, #tpu.memory_space<vmem>> -> memref<80xi32, #tpu.memory_space<vmem>>
        %dma_wait3A_63 = arith.constant 0 : i32
        %dma_wait3A_64 = arith.constant 0 : i32
        %dma_wait3A_65 = tpu.memref_slice %arg10[%dma_wait3A_63, %dma_wait3A_64] : memref<10240x16xf32, #tpu.memory_space<vmem_shared>> -> memref<10240x16xf32, #tpu.memory_space<vmem_shared>>
        tpu.wait_indirect_dma semaphore(%run_scoped3A_45 : memref<!tpu.dma_semaphore, #tpu.memory_space<semaphore_mem>>) src(%dma_wait3A_59 : memref<80x16xf32, #tpu.memory_space<vmem>>) dst(%dma_wait3A_65 : memref<10240x16xf32, #tpu.memory_space<vmem_shared>>)
        tpu.yield
      }) : () -> ()
    }
    %scan3A_23 = arith.constant 125 : i32
    %barrier3A_24 = arith.constant 0 : index
    tpu.barrier barrier_id(%barrier3A_24)
    %mul3A_25 = arith.constant 640 : i32
    %mul3A_26 = arith.muli %arg1, %mul3A_25 : i32
    %mul3A_27 = arith.constant 640 : i32
    %mul3A_28 = arith.muli %arg1, %mul3A_27 : i32
    "tpu.region"() ({
      %run_scoped3A_29 = tpu.sem_alloc : memref<!tpu.dma_semaphore, #tpu.memory_space<semaphore_mem>>
      %dma_start3A_30 = arith.constant 0 : i32
      %dma_start3A_31 = tpu.memref_slice %arg6[%arg0, %mul3A_28, %dma_start3A_30] : memref<2x10240x16xf32, #tpu.memory_space<hbm>> -> memref<1x640x16xf32, #tpu.memory_space<hbm>>
      %dma_start3A_32 = tpu.memref_squeeze %dma_start3A_31 : memref<1x640x16xf32, #tpu.memory_space<hbm>> -> memref<640x16xf32, #tpu.memory_space<hbm>>
      %dma_start3A_33 = arith.constant 0 : i32
      %dma_start3A_34 = tpu.memref_slice %arg10[%mul3A_26, %dma_start3A_33] : memref<10240x16xf32, #tpu.memory_space<vmem_shared>> -> memref<640x16xf32, #tpu.memory_space<vmem_shared>>
      tpu.enqueue_dma source(%dma_start3A_34 : memref<640x16xf32, #tpu.memory_space<vmem_shared>>) target(%dma_start3A_32 : memref<640x16xf32, #tpu.memory_space<hbm>>) target_semaphore(%run_scoped3A_29 : memref<!tpu.dma_semaphore, #tpu.memory_space<semaphore_mem>>)
      %dma_wait3A = arith.constant 0 : i32
      %dma_wait3A_35 = tpu.memref_slice %arg6[%arg0, %mul3A_28, %dma_wait3A] : memref<2x10240x16xf32, #tpu.memory_space<hbm>> -> memref<1x640x16xf32, #tpu.memory_space<hbm>>
      %dma_wait3A_36 = tpu.memref_squeeze %dma_wait3A_35 : memref<1x640x16xf32, #tpu.memory_space<hbm>> -> memref<640x16xf32, #tpu.memory_space<hbm>>
      %dma_wait3A_37 = arith.constant 0 : i32
      %dma_wait3A_38 = tpu.memref_slice %arg10[%mul3A_26, %dma_wait3A_37] : memref<10240x16xf32, #tpu.memory_space<vmem_shared>> -> memref<640x16xf32, #tpu.memory_space<vmem_shared>>
      tpu.wait_dma2 semaphore(%run_scoped3A_29 : memref<!tpu.dma_semaphore, #tpu.memory_space<semaphore_mem>>) src(%dma_wait3A_38 : memref<640x16xf32, #tpu.memory_space<vmem_shared>>) dst(%dma_wait3A_36 : memref<640x16xf32, #tpu.memory_space<hbm>>)
      tpu.yield
    }) : () -> ()
    return
  }
}

#map = affine_map<(d0, d1) -> (0, 0)>
#map1 = affine_map<(d0, d1) -> (0)>
#map2 = affine_map<(d0, d1) -> (0, 0, 0)>
module attributes {stable_mosaic.version = 14 : i64} {
  func.func @k(%arg0: i32, %arg1: i32, %arg2: memref<10000x16xf32, #tpu.memory_space<hbm>>, %arg3: memref<320000xi32, #tpu.memory_space<hbm>>, %arg4: memref<320000xi32, #tpu.memory_space<hbm>>, %arg5: memref<10240x16xf32, #tpu.memory_space<hbm>>, %arg6: memref<2x10240x16xf32, #tpu.memory_space<hbm>>, %arg7: memref<2x80xi32, #tpu.memory_space<vmem>>, %arg8: memref<2x80xi32, #tpu.memory_space<vmem>>, %arg9: memref<2x80x16xf32, #tpu.memory_space<vmem>>, %arg10: memref<10240x16xf32, #tpu.memory_space<vmem_shared>>, %arg11: memref<!tpu.dma_semaphore, #tpu.memory_space<semaphore_mem>>) attributes {dimension_semantics = [#tpu.dimension_semantics<core_parallel>, #tpu.dimension_semantics<subcore_parallel>], iteration_bounds = array<i64: 2, 16>, scalar_prefetch = 0 : i64, scratch_operands = 5 : i64, tpu.core_type = #tpu.core_type<sc_vector_subcore>, window_params = [{transform_indices = #map}, {transform_indices = #map1}, {transform_indices = #map1}, {transform_indices = #map}, {transform_indices = #map2}]} {
    %mul3A = arith.constant 640 : i32
    %mul3A_0 = arith.muli %arg1, %mul3A : i32
    %mul3A_1 = arith.constant 640 : i32
    %mul3A_2 = arith.muli %arg1, %mul3A_1 : i32
    "tpu.region"() ({
      %run_scoped3A_29 = tpu.sem_alloc : memref<!tpu.dma_semaphore, #tpu.memory_space<semaphore_mem>>
      %dma_start3A_30 = arith.constant 0 : i32
      %dma_start3A_31 = tpu.memref_slice %arg10[%mul3A_2, %dma_start3A_30] : memref<10240x16xf32, #tpu.memory_space<vmem_shared>> -> memref<640x16xf32, #tpu.memory_space<vmem_shared>>
      %dma_start3A_32 = arith.constant 0 : i32
      %dma_start3A_33 = tpu.memref_slice %arg5[%mul3A_0, %dma_start3A_32] : memref<10240x16xf32, #tpu.memory_space<hbm>> -> memref<640x16xf32, #tpu.memory_space<hbm>>
      tpu.enqueue_dma source(%dma_start3A_33 : memref<640x16xf32, #tpu.memory_space<hbm>>) target(%dma_start3A_31 : memref<640x16xf32, #tpu.memory_space<vmem_shared>>) target_semaphore(%run_scoped3A_29 : memref<!tpu.dma_semaphore, #tpu.memory_space<semaphore_mem>>)
      %dma_wait3A = arith.constant 0 : i32
      %dma_wait3A_34 = tpu.memref_slice %arg10[%mul3A_2, %dma_wait3A] : memref<10240x16xf32, #tpu.memory_space<vmem_shared>> -> memref<640x16xf32, #tpu.memory_space<vmem_shared>>
      %dma_wait3A_35 = arith.constant 0 : i32
      %dma_wait3A_36 = tpu.memref_slice %arg5[%mul3A_0, %dma_wait3A_35] : memref<10240x16xf32, #tpu.memory_space<hbm>> -> memref<640x16xf32, #tpu.memory_space<hbm>>
      tpu.wait_dma2 semaphore(%run_scoped3A_29 : memref<!tpu.dma_semaphore, #tpu.memory_space<semaphore_mem>>) src(%dma_wait3A_36 : memref<640x16xf32, #tpu.memory_space<hbm>>) dst(%dma_wait3A_34 : memref<640x16xf32, #tpu.memory_space<vmem_shared>>)
      tpu.yield
    }) : () -> ()
    %barrier3A = arith.constant 0 : index
    tpu.barrier barrier_id(%barrier3A)
    %mul3A_3 = arith.constant 16 : i32
    %mul3A_4 = arith.muli %arg0, %mul3A_3 : i32
    %add3A = arith.addi %mul3A_4, %arg1 : i32
    %mul3A_5 = arith.constant 10000 : i32
    %mul3A_6 = arith.muli %add3A, %mul3A_5 : i32
    %run_scoped3A = arith.constant 0 : i32
    "tpu.region"() ({
      %run_scoped3A_29 = tpu.sem_alloc : memref<!tpu.dma_semaphore, #tpu.memory_space<semaphore_mem>>
      %dma_start3A_30 = arith.constant 0 : i32
      %dma_start3A_31 = tpu.memref_slice %arg7[%run_scoped3A, %dma_start3A_30] : memref<2x80xi32, #tpu.memory_space<vmem>> -> memref<1x80xi32, #tpu.memory_space<vmem>>
      %dma_start3A_32 = tpu.memref_squeeze %dma_start3A_31 : memref<1x80xi32, #tpu.memory_space<vmem>> -> memref<80xi32, #tpu.memory_space<vmem>>
      %dma_start3A_33 = tpu.memref_slice %arg3[%mul3A_6] : memref<320000xi32, #tpu.memory_space<hbm>> -> memref<80xi32, #tpu.memory_space<hbm>>
      %dma_start3A_34 = arith.constant 0 : i32
      %dma_start3A_35 = tpu.memref_slice %arg7[%run_scoped3A, %dma_start3A_34] : memref<2x80xi32, #tpu.memory_space<vmem>> -> memref<1x80xi32, #tpu.memory_space<vmem>>
      %dma_start3A_36 = tpu.memref_squeeze %dma_start3A_35 : memref<1x80xi32, #tpu.memory_space<vmem>> -> memref<80xi32, #tpu.memory_space<vmem>>
      %dma_start3A_37 = tpu.memref_slice %arg3[%mul3A_6] : memref<320000xi32, #tpu.memory_space<hbm>> -> memref<80xi32, #tpu.memory_space<hbm>>
      tpu.enqueue_dma source(%dma_start3A_37 : memref<80xi32, #tpu.memory_space<hbm>>) target(%dma_start3A_36 : memref<80xi32, #tpu.memory_space<vmem>>) target_semaphore(%run_scoped3A_29 : memref<!tpu.dma_semaphore, #tpu.memory_space<semaphore_mem>>)
      %dma_wait3A = arith.constant 0 : i32
      %dma_wait3A_38 = tpu.memref_slice %arg7[%run_scoped3A, %dma_wait3A] : memref<2x80xi32, #tpu.memory_space<vmem>> -> memref<1x80xi32, #tpu.memory_space<vmem>>
      %dma_wait3A_39 = tpu.memref_squeeze %dma_wait3A_38 : memref<1x80xi32, #tpu.memory_space<vmem>> -> memref<80xi32, #tpu.memory_space<vmem>>
      %dma_wait3A_40 = tpu.memref_slice %arg3[%mul3A_6] : memref<320000xi32, #tpu.memory_space<hbm>> -> memref<80xi32, #tpu.memory_space<hbm>>
      %dma_wait3A_41 = arith.constant 0 : i32
      %dma_wait3A_42 = tpu.memref_slice %arg7[%run_scoped3A, %dma_wait3A_41] : memref<2x80xi32, #tpu.memory_space<vmem>> -> memref<1x80xi32, #tpu.memory_space<vmem>>
      %dma_wait3A_43 = tpu.memref_squeeze %dma_wait3A_42 : memref<1x80xi32, #tpu.memory_space<vmem>> -> memref<80xi32, #tpu.memory_space<vmem>>
      %dma_wait3A_44 = tpu.memref_slice %arg3[%mul3A_6] : memref<320000xi32, #tpu.memory_space<hbm>> -> memref<80xi32, #tpu.memory_space<hbm>>
      tpu.wait_dma2 semaphore(%run_scoped3A_29 : memref<!tpu.dma_semaphore, #tpu.memory_space<semaphore_mem>>) src(%dma_wait3A_44 : memref<80xi32, #tpu.memory_space<hbm>>) dst(%dma_wait3A_43 : memref<80xi32, #tpu.memory_space<vmem>>)
      tpu.yield
    }) : () -> ()
    %run_scoped3A_7 = arith.constant 0 : i32
    "tpu.region"() ({
      %run_scoped3A_29 = tpu.sem_alloc : memref<!tpu.dma_semaphore, #tpu.memory_space<semaphore_mem>>
      %dma_start3A_30 = arith.constant 0 : i32
      %dma_start3A_31 = tpu.memref_slice %arg8[%run_scoped3A_7, %dma_start3A_30] : memref<2x80xi32, #tpu.memory_space<vmem>> -> memref<1x80xi32, #tpu.memory_space<vmem>>
      %dma_start3A_32 = tpu.memref_squeeze %dma_start3A_31 : memref<1x80xi32, #tpu.memory_space<vmem>> -> memref<80xi32, #tpu.memory_space<vmem>>
      %dma_start3A_33 = tpu.memref_slice %arg4[%mul3A_6] : memref<320000xi32, #tpu.memory_space<hbm>> -> memref<80xi32, #tpu.memory_space<hbm>>
      %dma_start3A_34 = arith.constant 0 : i32
      %dma_start3A_35 = tpu.memref_slice %arg8[%run_scoped3A_7, %dma_start3A_34] : memref<2x80xi32, #tpu.memory_space<vmem>> -> memref<1x80xi32, #tpu.memory_space<vmem>>
      %dma_start3A_36 = tpu.memref_squeeze %dma_start3A_35 : memref<1x80xi32, #tpu.memory_space<vmem>> -> memref<80xi32, #tpu.memory_space<vmem>>
      %dma_start3A_37 = tpu.memref_slice %arg4[%mul3A_6] : memref<320000xi32, #tpu.memory_space<hbm>> -> memref<80xi32, #tpu.memory_space<hbm>>
      tpu.enqueue_dma source(%dma_start3A_37 : memref<80xi32, #tpu.memory_space<hbm>>) target(%dma_start3A_36 : memref<80xi32, #tpu.memory_space<vmem>>) target_semaphore(%run_scoped3A_29 : memref<!tpu.dma_semaphore, #tpu.memory_space<semaphore_mem>>)
      %dma_wait3A = arith.constant 0 : i32
      %dma_wait3A_38 = tpu.memref_slice %arg8[%run_scoped3A_7, %dma_wait3A] : memref<2x80xi32, #tpu.memory_space<vmem>> -> memref<1x80xi32, #tpu.memory_space<vmem>>
      %dma_wait3A_39 = tpu.memref_squeeze %dma_wait3A_38 : memref<1x80xi32, #tpu.memory_space<vmem>> -> memref<80xi32, #tpu.memory_space<vmem>>
      %dma_wait3A_40 = tpu.memref_slice %arg4[%mul3A_6] : memref<320000xi32, #tpu.memory_space<hbm>> -> memref<80xi32, #tpu.memory_space<hbm>>
      %dma_wait3A_41 = arith.constant 0 : i32
      %dma_wait3A_42 = tpu.memref_slice %arg8[%run_scoped3A_7, %dma_wait3A_41] : memref<2x80xi32, #tpu.memory_space<vmem>> -> memref<1x80xi32, #tpu.memory_space<vmem>>
      %dma_wait3A_43 = tpu.memref_squeeze %dma_wait3A_42 : memref<1x80xi32, #tpu.memory_space<vmem>> -> memref<80xi32, #tpu.memory_space<vmem>>
      %dma_wait3A_44 = tpu.memref_slice %arg4[%mul3A_6] : memref<320000xi32, #tpu.memory_space<hbm>> -> memref<80xi32, #tpu.memory_space<hbm>>
      tpu.wait_dma2 semaphore(%run_scoped3A_29 : memref<!tpu.dma_semaphore, #tpu.memory_space<semaphore_mem>>) src(%dma_wait3A_44 : memref<80xi32, #tpu.memory_space<hbm>>) dst(%dma_wait3A_43 : memref<80xi32, #tpu.memory_space<vmem>>)
      tpu.yield
    }) : () -> ()
    %dma_start3A = arith.constant 0 : i32
    %dma_start3A_8 = arith.constant 0 : i32
    %dma_start3A_9 = arith.constant 0 : i32
    %dma_start3A_10 = arith.constant 0 : i32
    %dma_start3A_11 = tpu.memref_slice %arg9[%dma_start3A_8, %dma_start3A_9, %dma_start3A_10] : memref<2x80x16xf32, #tpu.memory_space<vmem>> -> memref<1x80x16xf32, #tpu.memory_space<vmem>>
    %dma_start3A_12 = tpu.memref_squeeze %dma_start3A_11 : memref<1x80x16xf32, #tpu.memory_space<vmem>> -> memref<80x16xf32, #tpu.memory_space<vmem>>
    %dma_start3A_13 = arith.constant 0 : i32
    %dma_start3A_14 = tpu.memref_slice %arg7[%dma_start3A, %dma_start3A_13] : memref<2x80xi32, #tpu.memory_space<vmem>> -> memref<1x80xi32, #tpu.memory_space<vmem>>
    %dma_start3A_15 = tpu.memref_squeeze %dma_start3A_14 : memref<1x80xi32, #tpu.memory_space<vmem>> -> memref<80xi32, #tpu.memory_space<vmem>>
    %dma_start3A_16 = arith.constant 0 : i32
    %dma_start3A_17 = arith.constant 0 : i32
    %dma_start3A_18 = tpu.memref_slice %arg2[%dma_start3A_16, %dma_start3A_17] : memref<10000x16xf32, #tpu.memory_space<hbm>> -> memref<10000x16xf32, #tpu.memory_space<hbm>>
    tpu.enqueue_indirect_dma source(%dma_start3A_18 : memref<10000x16xf32, #tpu.memory_space<hbm>>) target(%dma_start3A_12 : memref<80x16xf32, #tpu.memory_space<vmem>>) offsets(%dma_start3A_15 : memref<80xi32, #tpu.memory_space<vmem>>) semaphore(%arg11 : memref<!tpu.dma_semaphore, #tpu.memory_space<semaphore_mem>>)
    %scan3A = arith.constant 0 : i32
    %scan3A_19 = arith.constant 0 : i32
    %scan3A_20 = arith.constant 125 : i32
    %scan3A_21 = arith.addi %scan3A_19, %scan3A_20 : i32
    %scan3A_22 = arith.constant 1 : i32
    scf.for %scan3A_29 = %scan3A_19 to %scan3A_21 step %scan3A_22  : i32 {
      %rem3A = arith.constant 2 : i32
      %rem3A_30 = arith.remsi %scan3A_29, %rem3A : i32
      %sub3A = arith.constant 1 : i32
      %sub3A_31 = arith.subi %sub3A, %rem3A_30 : i32
      %add3A_32 = arith.constant 1 : i32
      %add3A_33 = arith.addi %scan3A_29, %add3A_32 : i32
      %lt3A = arith.constant 125 : i32
      %lt3A_34 = arith.cmpi slt, %add3A_33, %lt3A : i32
      %convert_element_type3A = arith.extui %lt3A_34 : i1 to i32
      %cond3A = arith.constant 0 : i32
      %cond3A_35 = arith.cmpi ne, %convert_element_type3A, %cond3A : i32
      scf.if %cond3A_35 {
        %add3A_45 = arith.constant 1 : i32
        %add3A_46 = arith.addi %scan3A_29, %add3A_45 : i32
        %mul3A_47 = arith.constant 80 : i32
        %mul3A_48 = arith.muli %add3A_46, %mul3A_47 : i32
        %add3A_49 = arith.addi %mul3A_6, %mul3A_48 : i32
        "tpu.region"() ({
          %run_scoped3A_60 = tpu.sem_alloc : memref<!tpu.dma_semaphore, #tpu.memory_space<semaphore_mem>>
          %dma_start3A_61 = arith.constant 0 : i32
          %dma_start3A_62 = tpu.memref_slice %arg7[%sub3A_31, %dma_start3A_61] : memref<2x80xi32, #tpu.memory_space<vmem>> -> memref<1x80xi32, #tpu.memory_space<vmem>>
          %dma_start3A_63 = tpu.memref_squeeze %dma_start3A_62 : memref<1x80xi32, #tpu.memory_space<vmem>> -> memref<80xi32, #tpu.memory_space<vmem>>
          %dma_start3A_64 = tpu.memref_slice %arg3[%add3A_49] : memref<320000xi32, #tpu.memory_space<hbm>> -> memref<80xi32, #tpu.memory_space<hbm>>
          %dma_start3A_65 = arith.constant 0 : i32
          %dma_start3A_66 = tpu.memref_slice %arg7[%sub3A_31, %dma_start3A_65] : memref<2x80xi32, #tpu.memory_space<vmem>> -> memref<1x80xi32, #tpu.memory_space<vmem>>
          %dma_start3A_67 = tpu.memref_squeeze %dma_start3A_66 : memref<1x80xi32, #tpu.memory_space<vmem>> -> memref<80xi32, #tpu.memory_space<vmem>>
          %dma_start3A_68 = tpu.memref_slice %arg3[%add3A_49] : memref<320000xi32, #tpu.memory_space<hbm>> -> memref<80xi32, #tpu.memory_space<hbm>>
          tpu.enqueue_dma source(%dma_start3A_68 : memref<80xi32, #tpu.memory_space<hbm>>) target(%dma_start3A_67 : memref<80xi32, #tpu.memory_space<vmem>>) target_semaphore(%run_scoped3A_60 : memref<!tpu.dma_semaphore, #tpu.memory_space<semaphore_mem>>)
          %dma_wait3A_69 = arith.constant 0 : i32
          %dma_wait3A_70 = tpu.memref_slice %arg7[%sub3A_31, %dma_wait3A_69] : memref<2x80xi32, #tpu.memory_space<vmem>> -> memref<1x80xi32, #tpu.memory_space<vmem>>
          %dma_wait3A_71 = tpu.memref_squeeze %dma_wait3A_70 : memref<1x80xi32, #tpu.memory_space<vmem>> -> memref<80xi32, #tpu.memory_space<vmem>>
          %dma_wait3A_72 = tpu.memref_slice %arg3[%add3A_49] : memref<320000xi32, #tpu.memory_space<hbm>> -> memref<80xi32, #tpu.memory_space<hbm>>
          %dma_wait3A_73 = arith.constant 0 : i32
          %dma_wait3A_74 = tpu.memref_slice %arg7[%sub3A_31, %dma_wait3A_73] : memref<2x80xi32, #tpu.memory_space<vmem>> -> memref<1x80xi32, #tpu.memory_space<vmem>>
          %dma_wait3A_75 = tpu.memref_squeeze %dma_wait3A_74 : memref<1x80xi32, #tpu.memory_space<vmem>> -> memref<80xi32, #tpu.memory_space<vmem>>
          %dma_wait3A_76 = tpu.memref_slice %arg3[%add3A_49] : memref<320000xi32, #tpu.memory_space<hbm>> -> memref<80xi32, #tpu.memory_space<hbm>>
          tpu.wait_dma2 semaphore(%run_scoped3A_60 : memref<!tpu.dma_semaphore, #tpu.memory_space<semaphore_mem>>) src(%dma_wait3A_76 : memref<80xi32, #tpu.memory_space<hbm>>) dst(%dma_wait3A_75 : memref<80xi32, #tpu.memory_space<vmem>>)
          tpu.yield
        }) : () -> ()
        "tpu.region"() ({
          %run_scoped3A_60 = tpu.sem_alloc : memref<!tpu.dma_semaphore, #tpu.memory_space<semaphore_mem>>
          %dma_start3A_61 = arith.constant 0 : i32
          %dma_start3A_62 = tpu.memref_slice %arg8[%sub3A_31, %dma_start3A_61] : memref<2x80xi32, #tpu.memory_space<vmem>> -> memref<1x80xi32, #tpu.memory_space<vmem>>
          %dma_start3A_63 = tpu.memref_squeeze %dma_start3A_62 : memref<1x80xi32, #tpu.memory_space<vmem>> -> memref<80xi32, #tpu.memory_space<vmem>>
          %dma_start3A_64 = tpu.memref_slice %arg4[%add3A_49] : memref<320000xi32, #tpu.memory_space<hbm>> -> memref<80xi32, #tpu.memory_space<hbm>>
          %dma_start3A_65 = arith.constant 0 : i32
          %dma_start3A_66 = tpu.memref_slice %arg8[%sub3A_31, %dma_start3A_65] : memref<2x80xi32, #tpu.memory_space<vmem>> -> memref<1x80xi32, #tpu.memory_space<vmem>>
          %dma_start3A_67 = tpu.memref_squeeze %dma_start3A_66 : memref<1x80xi32, #tpu.memory_space<vmem>> -> memref<80xi32, #tpu.memory_space<vmem>>
          %dma_start3A_68 = tpu.memref_slice %arg4[%add3A_49] : memref<320000xi32, #tpu.memory_space<hbm>> -> memref<80xi32, #tpu.memory_space<hbm>>
          tpu.enqueue_dma source(%dma_start3A_68 : memref<80xi32, #tpu.memory_space<hbm>>) target(%dma_start3A_67 : memref<80xi32, #tpu.memory_space<vmem>>) target_semaphore(%run_scoped3A_60 : memref<!tpu.dma_semaphore, #tpu.memory_space<semaphore_mem>>)
          %dma_wait3A_69 = arith.constant 0 : i32
          %dma_wait3A_70 = tpu.memref_slice %arg8[%sub3A_31, %dma_wait3A_69] : memref<2x80xi32, #tpu.memory_space<vmem>> -> memref<1x80xi32, #tpu.memory_space<vmem>>
          %dma_wait3A_71 = tpu.memref_squeeze %dma_wait3A_70 : memref<1x80xi32, #tpu.memory_space<vmem>> -> memref<80xi32, #tpu.memory_space<vmem>>
          %dma_wait3A_72 = tpu.memref_slice %arg4[%add3A_49] : memref<320000xi32, #tpu.memory_space<hbm>> -> memref<80xi32, #tpu.memory_space<hbm>>
          %dma_wait3A_73 = arith.constant 0 : i32
          %dma_wait3A_74 = tpu.memref_slice %arg8[%sub3A_31, %dma_wait3A_73] : memref<2x80xi32, #tpu.memory_space<vmem>> -> memref<1x80xi32, #tpu.memory_space<vmem>>
          %dma_wait3A_75 = tpu.memref_squeeze %dma_wait3A_74 : memref<1x80xi32, #tpu.memory_space<vmem>> -> memref<80xi32, #tpu.memory_space<vmem>>
          %dma_wait3A_76 = tpu.memref_slice %arg4[%add3A_49] : memref<320000xi32, #tpu.memory_space<hbm>> -> memref<80xi32, #tpu.memory_space<hbm>>
          tpu.wait_dma2 semaphore(%run_scoped3A_60 : memref<!tpu.dma_semaphore, #tpu.memory_space<semaphore_mem>>) src(%dma_wait3A_76 : memref<80xi32, #tpu.memory_space<hbm>>) dst(%dma_wait3A_75 : memref<80xi32, #tpu.memory_space<vmem>>)
          tpu.yield
        }) : () -> ()
        %dma_start3A_50 = arith.constant 0 : i32
        %dma_start3A_51 = arith.constant 0 : i32
        %dma_start3A_52 = tpu.memref_slice %arg9[%sub3A_31, %dma_start3A_50, %dma_start3A_51] : memref<2x80x16xf32, #tpu.memory_space<vmem>> -> memref<1x80x16xf32, #tpu.memory_space<vmem>>
        %dma_start3A_53 = tpu.memref_squeeze %dma_start3A_52 : memref<1x80x16xf32, #tpu.memory_space<vmem>> -> memref<80x16xf32, #tpu.memory_space<vmem>>
        %dma_start3A_54 = arith.constant 0 : i32
        %dma_start3A_55 = tpu.memref_slice %arg7[%sub3A_31, %dma_start3A_54] : memref<2x80xi32, #tpu.memory_space<vmem>> -> memref<1x80xi32, #tpu.memory_space<vmem>>
        %dma_start3A_56 = tpu.memref_squeeze %dma_start3A_55 : memref<1x80xi32, #tpu.memory_space<vmem>> -> memref<80xi32, #tpu.memory_space<vmem>>
        %dma_start3A_57 = arith.constant 0 : i32
        %dma_start3A_58 = arith.constant 0 : i32
        %dma_start3A_59 = tpu.memref_slice %arg2[%dma_start3A_57, %dma_start3A_58] : memref<10000x16xf32, #tpu.memory_space<hbm>> -> memref<10000x16xf32, #tpu.memory_space<hbm>>
        tpu.enqueue_indirect_dma source(%dma_start3A_59 : memref<10000x16xf32, #tpu.memory_space<hbm>>) target(%dma_start3A_53 : memref<80x16xf32, #tpu.memory_space<vmem>>) offsets(%dma_start3A_56 : memref<80xi32, #tpu.memory_space<vmem>>) semaphore(%arg11 : memref<!tpu.dma_semaphore, #tpu.memory_space<semaphore_mem>>)
      } else {
      }
      %dma_wait3A = arith.constant 0 : i32
      %dma_wait3A_36 = arith.constant 0 : i32
      %dma_wait3A_37 = tpu.memref_slice %arg9[%rem3A_30, %dma_wait3A, %dma_wait3A_36] : memref<2x80x16xf32, #tpu.memory_space<vmem>> -> memref<1x80x16xf32, #tpu.memory_space<vmem>>
      %dma_wait3A_38 = tpu.memref_squeeze %dma_wait3A_37 : memref<1x80x16xf32, #tpu.memory_space<vmem>> -> memref<80x16xf32, #tpu.memory_space<vmem>>
      %dma_wait3A_39 = arith.constant 0 : i32
      %dma_wait3A_40 = tpu.memref_slice %arg7[%rem3A_30, %dma_wait3A_39] : memref<2x80xi32, #tpu.memory_space<vmem>> -> memref<1x80xi32, #tpu.memory_space<vmem>>
      %dma_wait3A_41 = tpu.memref_squeeze %dma_wait3A_40 : memref<1x80xi32, #tpu.memory_space<vmem>> -> memref<80xi32, #tpu.memory_space<vmem>>
      %dma_wait3A_42 = arith.constant 0 : i32
      %dma_wait3A_43 = arith.constant 0 : i32
      %dma_wait3A_44 = tpu.memref_slice %arg2[%dma_wait3A_42, %dma_wait3A_43] : memref<10000x16xf32, #tpu.memory_space<hbm>> -> memref<10000x16xf32, #tpu.memory_space<hbm>>
      tpu.wait_indirect_dma semaphore(%arg11 : memref<!tpu.dma_semaphore, #tpu.memory_space<semaphore_mem>>) src(%dma_wait3A_44 : memref<10000x16xf32, #tpu.memory_space<hbm>>) dst(%dma_wait3A_38 : memref<80x16xf32, #tpu.memory_space<vmem>>)
      "tpu.region"() ({
        %run_scoped3A_45 = tpu.sem_alloc : memref<!tpu.dma_semaphore, #tpu.memory_space<semaphore_mem>>
        %dma_start3A_46 = arith.constant 0 : i32
        %dma_start3A_47 = arith.constant 0 : i32
        %dma_start3A_48 = tpu.memref_slice %arg9[%rem3A_30, %dma_start3A_46, %dma_start3A_47] : memref<2x80x16xf32, #tpu.memory_space<vmem>> -> memref<1x80x16xf32, #tpu.memory_space<vmem>>
        %dma_start3A_49 = tpu.memref_squeeze %dma_start3A_48 : memref<1x80x16xf32, #tpu.memory_space<vmem>> -> memref<80x16xf32, #tpu.memory_space<vmem>>
        %dma_start3A_50 = arith.constant 0 : i32
        %dma_start3A_51 = tpu.memref_slice %arg8[%rem3A_30, %dma_start3A_50] : memref<2x80xi32, #tpu.memory_space<vmem>> -> memref<1x80xi32, #tpu.memory_space<vmem>>
        %dma_start3A_52 = tpu.memref_squeeze %dma_start3A_51 : memref<1x80xi32, #tpu.memory_space<vmem>> -> memref<80xi32, #tpu.memory_space<vmem>>
        %dma_start3A_53 = arith.constant 0 : i32
        %dma_start3A_54 = arith.constant 0 : i32
        %dma_start3A_55 = tpu.memref_slice %arg10[%dma_start3A_53, %dma_start3A_54] : memref<10240x16xf32, #tpu.memory_space<vmem_shared>> -> memref<10240x16xf32, #tpu.memory_space<vmem_shared>>
        tpu.enqueue_indirect_dma source(%dma_start3A_49 : memref<80x16xf32, #tpu.memory_space<vmem>>) target(%dma_start3A_55 : memref<10240x16xf32, #tpu.memory_space<vmem_shared>>) offsets(%dma_start3A_52 : memref<80xi32, #tpu.memory_space<vmem>>) semaphore(%run_scoped3A_45 : memref<!tpu.dma_semaphore, #tpu.memory_space<semaphore_mem>>) {add = true}
        %dma_wait3A_56 = arith.constant 0 : i32
        %dma_wait3A_57 = arith.constant 0 : i32
        %dma_wait3A_58 = tpu.memref_slice %arg9[%rem3A_30, %dma_wait3A_56, %dma_wait3A_57] : memref<2x80x16xf32, #tpu.memory_space<vmem>> -> memref<1x80x16xf32, #tpu.memory_space<vmem>>
        %dma_wait3A_59 = tpu.memref_squeeze %dma_wait3A_58 : memref<1x80x16xf32, #tpu.memory_space<vmem>> -> memref<80x16xf32, #tpu.memory_space<vmem>>
        %dma_wait3A_60 = arith.constant 0 : i32
        %dma_wait3A_61 = tpu.memref_slice %arg8[%rem3A_30, %dma_wait3A_60] : memref<2x80xi32, #tpu.memory_space<vmem>> -> memref<1x80xi32, #tpu.memory_space<vmem>>
        %dma_wait3A_62 = tpu.memref_squeeze %dma_wait3A_61 : memref<1x80xi32, #tpu.memory_space<vmem>> -> memref<80xi32, #tpu.memory_space<vmem>>
        %dma_wait3A_63 = arith.constant 0 : i32
        %dma_wait3A_64 = arith.constant 0 : i32
        %dma_wait3A_65 = tpu.memref_slice %arg10[%dma_wait3A_63, %dma_wait3A_64] : memref<10240x16xf32, #tpu.memory_space<vmem_shared>> -> memref<10240x16xf32, #tpu.memory_space<vmem_shared>>
        tpu.wait_indirect_dma semaphore(%run_scoped3A_45 : memref<!tpu.dma_semaphore, #tpu.memory_space<semaphore_mem>>) src(%dma_wait3A_59 : memref<80x16xf32, #tpu.memory_space<vmem>>) dst(%dma_wait3A_65 : memref<10240x16xf32, #tpu.memory_space<vmem_shared>>)
        tpu.yield
      }) : () -> ()
    }
    %scan3A_23 = arith.constant 125 : i32
    %barrier3A_24 = arith.constant 0 : index
    tpu.barrier barrier_id(%barrier3A_24)
    %mul3A_25 = arith.constant 640 : i32
    %mul3A_26 = arith.muli %arg1, %mul3A_25 : i32
    %mul3A_27 = arith.constant 640 : i32
    %mul3A_28 = arith.muli %arg1, %mul3A_27 : i32
    "tpu.region"() ({
      %run_scoped3A_29 = tpu.sem_alloc : memref<!tpu.dma_semaphore, #tpu.memory_space<semaphore_mem>>
      %dma_start3A_30 = arith.constant 0 : i32
      %dma_start3A_31 = tpu.memref_slice %arg6[%arg0, %mul3A_28, %dma_start3A_30] : memref<2x10240x16xf32, #tpu.memory_space<hbm>> -> memref<1x640x16xf32, #tpu.memory_space<hbm>>
      %dma_start3A_32 = tpu.memref_squeeze %dma_start3A_31 : memref<1x640x16xf32, #tpu.memory_space<hbm>> -> memref<640x16xf32, #tpu.memory_space<hbm>>
      %dma_start3A_33 = arith.constant 0 : i32
      %dma_start3A_34 = tpu.memref_slice %arg10[%mul3A_26, %dma_start3A_33] : memref<10240x16xf32, #tpu.memory_space<vmem_shared>> -> memref<640x16xf32, #tpu.memory_space<vmem_shared>>
      tpu.enqueue_dma source(%dma_start3A_34 : memref<640x16xf32, #tpu.memory_space<vmem_shared>>) target(%dma_start3A_32 : memref<640x16xf32, #tpu.memory_space<hbm>>) target_semaphore(%run_scoped3A_29 : memref<!tpu.dma_semaphore, #tpu.memory_space<semaphore_mem>>)
      %dma_wait3A = arith.constant 0 : i32
      %dma_wait3A_35 = tpu.memref_slice %arg6[%arg0, %mul3A_28, %dma_wait3A] : memref<2x10240x16xf32, #tpu.memory_space<hbm>> -> memref<1x640x16xf32, #tpu.memory_space<hbm>>
      %dma_wait3A_36 = tpu.memref_squeeze %dma_wait3A_35 : memref<1x640x16xf32, #tpu.memory_space<hbm>> -> memref<640x16xf32, #tpu.memory_space<hbm>>
      %dma_wait3A_37 = arith.constant 0 : i32
      %dma_wait3A_38 = tpu.memref_slice %arg10[%mul3A_26, %dma_wait3A_37] : memref<10240x16xf32, #tpu.memory_space<vmem_shared>> -> memref<640x16xf32, #tpu.memory_space<vmem_shared>>
      tpu.wait_dma2 semaphore(%run_scoped3A_29 : memref<!tpu.dma_semaphore, #tpu.memory_space<semaphore_mem>>) src(%dma_wait3A_38 : memref<640x16xf32, #tpu.memory_space<vmem_shared>>) dst(%dma_wait3A_36 : memref<640x16xf32, #tpu.memory_space<hbm>>)
      tpu.yield
    }) : () -> ()
    return
  }
}

#map = affine_map<(d0, d1) -> (0, 0)>
#map1 = affine_map<(d0, d1) -> (0)>
#map2 = affine_map<(d0, d1) -> (0, 0, 0)>
module attributes {stable_mosaic.version = 14 : i64} {
  func.func @k(%arg0: i32, %arg1: i32, %arg2: memref<10000x80xf32, #tpu.memory_space<hbm>>, %arg3: memref<320000xi32, #tpu.memory_space<hbm>>, %arg4: memref<320000xi32, #tpu.memory_space<hbm>>, %arg5: memref<10240x80xf32, #tpu.memory_space<hbm>>, %arg6: memref<2x10240x80xf32, #tpu.memory_space<hbm>>, %arg7: memref<2x80xi32, #tpu.memory_space<vmem>>, %arg8: memref<2x80xi32, #tpu.memory_space<vmem>>, %arg9: memref<2x80x80xf32, #tpu.memory_space<vmem>>, %arg10: memref<10240x80xf32, #tpu.memory_space<vmem_shared>>, %arg11: memref<!tpu.dma_semaphore, #tpu.memory_space<semaphore_mem>>) attributes {dimension_semantics = [#tpu.dimension_semantics<core_parallel>, #tpu.dimension_semantics<subcore_parallel>], iteration_bounds = array<i64: 2, 16>, scalar_prefetch = 0 : i64, scratch_operands = 5 : i64, tpu.core_type = #tpu.core_type<sc_vector_subcore>, window_params = [{transform_indices = #map}, {transform_indices = #map1}, {transform_indices = #map1}, {transform_indices = #map}, {transform_indices = #map2}]} {
    %mul3A = arith.constant 640 : i32
    %mul3A_0 = arith.muli %arg1, %mul3A : i32
    %mul3A_1 = arith.constant 640 : i32
    %mul3A_2 = arith.muli %arg1, %mul3A_1 : i32
    "tpu.region"() ({
      %run_scoped3A_29 = tpu.sem_alloc : memref<!tpu.dma_semaphore, #tpu.memory_space<semaphore_mem>>
      %dma_start3A_30 = arith.constant 0 : i32
      %dma_start3A_31 = tpu.memref_slice %arg10[%mul3A_2, %dma_start3A_30] : memref<10240x80xf32, #tpu.memory_space<vmem_shared>> -> memref<640x80xf32, #tpu.memory_space<vmem_shared>>
      %dma_start3A_32 = arith.constant 0 : i32
      %dma_start3A_33 = tpu.memref_slice %arg5[%mul3A_0, %dma_start3A_32] : memref<10240x80xf32, #tpu.memory_space<hbm>> -> memref<640x80xf32, #tpu.memory_space<hbm>>
      tpu.enqueue_dma source(%dma_start3A_33 : memref<640x80xf32, #tpu.memory_space<hbm>>) target(%dma_start3A_31 : memref<640x80xf32, #tpu.memory_space<vmem_shared>>) target_semaphore(%run_scoped3A_29 : memref<!tpu.dma_semaphore, #tpu.memory_space<semaphore_mem>>)
      %dma_wait3A = arith.constant 0 : i32
      %dma_wait3A_34 = tpu.memref_slice %arg10[%mul3A_2, %dma_wait3A] : memref<10240x80xf32, #tpu.memory_space<vmem_shared>> -> memref<640x80xf32, #tpu.memory_space<vmem_shared>>
      %dma_wait3A_35 = arith.constant 0 : i32
      %dma_wait3A_36 = tpu.memref_slice %arg5[%mul3A_0, %dma_wait3A_35] : memref<10240x80xf32, #tpu.memory_space<hbm>> -> memref<640x80xf32, #tpu.memory_space<hbm>>
      tpu.wait_dma2 semaphore(%run_scoped3A_29 : memref<!tpu.dma_semaphore, #tpu.memory_space<semaphore_mem>>) src(%dma_wait3A_36 : memref<640x80xf32, #tpu.memory_space<hbm>>) dst(%dma_wait3A_34 : memref<640x80xf32, #tpu.memory_space<vmem_shared>>)
      tpu.yield
    }) : () -> ()
    %barrier3A = arith.constant 0 : index
    tpu.barrier barrier_id(%barrier3A)
    %mul3A_3 = arith.constant 16 : i32
    %mul3A_4 = arith.muli %arg0, %mul3A_3 : i32
    %add3A = arith.addi %mul3A_4, %arg1 : i32
    %mul3A_5 = arith.constant 10000 : i32
    %mul3A_6 = arith.muli %add3A, %mul3A_5 : i32
    %run_scoped3A = arith.constant 0 : i32
    "tpu.region"() ({
      %run_scoped3A_29 = tpu.sem_alloc : memref<!tpu.dma_semaphore, #tpu.memory_space<semaphore_mem>>
      %dma_start3A_30 = arith.constant 0 : i32
      %dma_start3A_31 = tpu.memref_slice %arg7[%run_scoped3A, %dma_start3A_30] : memref<2x80xi32, #tpu.memory_space<vmem>> -> memref<1x80xi32, #tpu.memory_space<vmem>>
      %dma_start3A_32 = tpu.memref_squeeze %dma_start3A_31 : memref<1x80xi32, #tpu.memory_space<vmem>> -> memref<80xi32, #tpu.memory_space<vmem>>
      %dma_start3A_33 = tpu.memref_slice %arg3[%mul3A_6] : memref<320000xi32, #tpu.memory_space<hbm>> -> memref<80xi32, #tpu.memory_space<hbm>>
      %dma_start3A_34 = arith.constant 0 : i32
      %dma_start3A_35 = tpu.memref_slice %arg7[%run_scoped3A, %dma_start3A_34] : memref<2x80xi32, #tpu.memory_space<vmem>> -> memref<1x80xi32, #tpu.memory_space<vmem>>
      %dma_start3A_36 = tpu.memref_squeeze %dma_start3A_35 : memref<1x80xi32, #tpu.memory_space<vmem>> -> memref<80xi32, #tpu.memory_space<vmem>>
      %dma_start3A_37 = tpu.memref_slice %arg3[%mul3A_6] : memref<320000xi32, #tpu.memory_space<hbm>> -> memref<80xi32, #tpu.memory_space<hbm>>
      tpu.enqueue_dma source(%dma_start3A_37 : memref<80xi32, #tpu.memory_space<hbm>>) target(%dma_start3A_36 : memref<80xi32, #tpu.memory_space<vmem>>) target_semaphore(%run_scoped3A_29 : memref<!tpu.dma_semaphore, #tpu.memory_space<semaphore_mem>>)
      %dma_wait3A = arith.constant 0 : i32
      %dma_wait3A_38 = tpu.memref_slice %arg7[%run_scoped3A, %dma_wait3A] : memref<2x80xi32, #tpu.memory_space<vmem>> -> memref<1x80xi32, #tpu.memory_space<vmem>>
      %dma_wait3A_39 = tpu.memref_squeeze %dma_wait3A_38 : memref<1x80xi32, #tpu.memory_space<vmem>> -> memref<80xi32, #tpu.memory_space<vmem>>
      %dma_wait3A_40 = tpu.memref_slice %arg3[%mul3A_6] : memref<320000xi32, #tpu.memory_space<hbm>> -> memref<80xi32, #tpu.memory_space<hbm>>
      %dma_wait3A_41 = arith.constant 0 : i32
      %dma_wait3A_42 = tpu.memref_slice %arg7[%run_scoped3A, %dma_wait3A_41] : memref<2x80xi32, #tpu.memory_space<vmem>> -> memref<1x80xi32, #tpu.memory_space<vmem>>
      %dma_wait3A_43 = tpu.memref_squeeze %dma_wait3A_42 : memref<1x80xi32, #tpu.memory_space<vmem>> -> memref<80xi32, #tpu.memory_space<vmem>>
      %dma_wait3A_44 = tpu.memref_slice %arg3[%mul3A_6] : memref<320000xi32, #tpu.memory_space<hbm>> -> memref<80xi32, #tpu.memory_space<hbm>>
      tpu.wait_dma2 semaphore(%run_scoped3A_29 : memref<!tpu.dma_semaphore, #tpu.memory_space<semaphore_mem>>) src(%dma_wait3A_44 : memref<80xi32, #tpu.memory_space<hbm>>) dst(%dma_wait3A_43 : memref<80xi32, #tpu.memory_space<vmem>>)
      tpu.yield
    }) : () -> ()
    %run_scoped3A_7 = arith.constant 0 : i32
    "tpu.region"() ({
      %run_scoped3A_29 = tpu.sem_alloc : memref<!tpu.dma_semaphore, #tpu.memory_space<semaphore_mem>>
      %dma_start3A_30 = arith.constant 0 : i32
      %dma_start3A_31 = tpu.memref_slice %arg8[%run_scoped3A_7, %dma_start3A_30] : memref<2x80xi32, #tpu.memory_space<vmem>> -> memref<1x80xi32, #tpu.memory_space<vmem>>
      %dma_start3A_32 = tpu.memref_squeeze %dma_start3A_31 : memref<1x80xi32, #tpu.memory_space<vmem>> -> memref<80xi32, #tpu.memory_space<vmem>>
      %dma_start3A_33 = tpu.memref_slice %arg4[%mul3A_6] : memref<320000xi32, #tpu.memory_space<hbm>> -> memref<80xi32, #tpu.memory_space<hbm>>
      %dma_start3A_34 = arith.constant 0 : i32
      %dma_start3A_35 = tpu.memref_slice %arg8[%run_scoped3A_7, %dma_start3A_34] : memref<2x80xi32, #tpu.memory_space<vmem>> -> memref<1x80xi32, #tpu.memory_space<vmem>>
      %dma_start3A_36 = tpu.memref_squeeze %dma_start3A_35 : memref<1x80xi32, #tpu.memory_space<vmem>> -> memref<80xi32, #tpu.memory_space<vmem>>
      %dma_start3A_37 = tpu.memref_slice %arg4[%mul3A_6] : memref<320000xi32, #tpu.memory_space<hbm>> -> memref<80xi32, #tpu.memory_space<hbm>>
      tpu.enqueue_dma source(%dma_start3A_37 : memref<80xi32, #tpu.memory_space<hbm>>) target(%dma_start3A_36 : memref<80xi32, #tpu.memory_space<vmem>>) target_semaphore(%run_scoped3A_29 : memref<!tpu.dma_semaphore, #tpu.memory_space<semaphore_mem>>)
      %dma_wait3A = arith.constant 0 : i32
      %dma_wait3A_38 = tpu.memref_slice %arg8[%run_scoped3A_7, %dma_wait3A] : memref<2x80xi32, #tpu.memory_space<vmem>> -> memref<1x80xi32, #tpu.memory_space<vmem>>
      %dma_wait3A_39 = tpu.memref_squeeze %dma_wait3A_38 : memref<1x80xi32, #tpu.memory_space<vmem>> -> memref<80xi32, #tpu.memory_space<vmem>>
      %dma_wait3A_40 = tpu.memref_slice %arg4[%mul3A_6] : memref<320000xi32, #tpu.memory_space<hbm>> -> memref<80xi32, #tpu.memory_space<hbm>>
      %dma_wait3A_41 = arith.constant 0 : i32
      %dma_wait3A_42 = tpu.memref_slice %arg8[%run_scoped3A_7, %dma_wait3A_41] : memref<2x80xi32, #tpu.memory_space<vmem>> -> memref<1x80xi32, #tpu.memory_space<vmem>>
      %dma_wait3A_43 = tpu.memref_squeeze %dma_wait3A_42 : memref<1x80xi32, #tpu.memory_space<vmem>> -> memref<80xi32, #tpu.memory_space<vmem>>
      %dma_wait3A_44 = tpu.memref_slice %arg4[%mul3A_6] : memref<320000xi32, #tpu.memory_space<hbm>> -> memref<80xi32, #tpu.memory_space<hbm>>
      tpu.wait_dma2 semaphore(%run_scoped3A_29 : memref<!tpu.dma_semaphore, #tpu.memory_space<semaphore_mem>>) src(%dma_wait3A_44 : memref<80xi32, #tpu.memory_space<hbm>>) dst(%dma_wait3A_43 : memref<80xi32, #tpu.memory_space<vmem>>)
      tpu.yield
    }) : () -> ()
    %dma_start3A = arith.constant 0 : i32
    %dma_start3A_8 = arith.constant 0 : i32
    %dma_start3A_9 = arith.constant 0 : i32
    %dma_start3A_10 = arith.constant 0 : i32
    %dma_start3A_11 = tpu.memref_slice %arg9[%dma_start3A_8, %dma_start3A_9, %dma_start3A_10] : memref<2x80x80xf32, #tpu.memory_space<vmem>> -> memref<1x80x80xf32, #tpu.memory_space<vmem>>
    %dma_start3A_12 = tpu.memref_squeeze %dma_start3A_11 : memref<1x80x80xf32, #tpu.memory_space<vmem>> -> memref<80x80xf32, #tpu.memory_space<vmem>>
    %dma_start3A_13 = arith.constant 0 : i32
    %dma_start3A_14 = tpu.memref_slice %arg7[%dma_start3A, %dma_start3A_13] : memref<2x80xi32, #tpu.memory_space<vmem>> -> memref<1x80xi32, #tpu.memory_space<vmem>>
    %dma_start3A_15 = tpu.memref_squeeze %dma_start3A_14 : memref<1x80xi32, #tpu.memory_space<vmem>> -> memref<80xi32, #tpu.memory_space<vmem>>
    %dma_start3A_16 = arith.constant 0 : i32
    %dma_start3A_17 = arith.constant 0 : i32
    %dma_start3A_18 = tpu.memref_slice %arg2[%dma_start3A_16, %dma_start3A_17] : memref<10000x80xf32, #tpu.memory_space<hbm>> -> memref<10000x80xf32, #tpu.memory_space<hbm>>
    tpu.enqueue_indirect_dma source(%dma_start3A_18 : memref<10000x80xf32, #tpu.memory_space<hbm>>) target(%dma_start3A_12 : memref<80x80xf32, #tpu.memory_space<vmem>>) offsets(%dma_start3A_15 : memref<80xi32, #tpu.memory_space<vmem>>) semaphore(%arg11 : memref<!tpu.dma_semaphore, #tpu.memory_space<semaphore_mem>>)
    %scan3A = arith.constant 0 : i32
    %scan3A_19 = arith.constant 0 : i32
    %scan3A_20 = arith.constant 125 : i32
    %scan3A_21 = arith.addi %scan3A_19, %scan3A_20 : i32
    %scan3A_22 = arith.constant 1 : i32
    scf.for %scan3A_29 = %scan3A_19 to %scan3A_21 step %scan3A_22  : i32 {
      %rem3A = arith.constant 2 : i32
      %rem3A_30 = arith.remsi %scan3A_29, %rem3A : i32
      %sub3A = arith.constant 1 : i32
      %sub3A_31 = arith.subi %sub3A, %rem3A_30 : i32
      %add3A_32 = arith.constant 1 : i32
      %add3A_33 = arith.addi %scan3A_29, %add3A_32 : i32
      %lt3A = arith.constant 125 : i32
      %lt3A_34 = arith.cmpi slt, %add3A_33, %lt3A : i32
      %convert_element_type3A = arith.extui %lt3A_34 : i1 to i32
      %cond3A = arith.constant 0 : i32
      %cond3A_35 = arith.cmpi ne, %convert_element_type3A, %cond3A : i32
      scf.if %cond3A_35 {
        %add3A_45 = arith.constant 1 : i32
        %add3A_46 = arith.addi %scan3A_29, %add3A_45 : i32
        %mul3A_47 = arith.constant 80 : i32
        %mul3A_48 = arith.muli %add3A_46, %mul3A_47 : i32
        %add3A_49 = arith.addi %mul3A_6, %mul3A_48 : i32
        "tpu.region"() ({
          %run_scoped3A_60 = tpu.sem_alloc : memref<!tpu.dma_semaphore, #tpu.memory_space<semaphore_mem>>
          %dma_start3A_61 = arith.constant 0 : i32
          %dma_start3A_62 = tpu.memref_slice %arg7[%sub3A_31, %dma_start3A_61] : memref<2x80xi32, #tpu.memory_space<vmem>> -> memref<1x80xi32, #tpu.memory_space<vmem>>
          %dma_start3A_63 = tpu.memref_squeeze %dma_start3A_62 : memref<1x80xi32, #tpu.memory_space<vmem>> -> memref<80xi32, #tpu.memory_space<vmem>>
          %dma_start3A_64 = tpu.memref_slice %arg3[%add3A_49] : memref<320000xi32, #tpu.memory_space<hbm>> -> memref<80xi32, #tpu.memory_space<hbm>>
          %dma_start3A_65 = arith.constant 0 : i32
          %dma_start3A_66 = tpu.memref_slice %arg7[%sub3A_31, %dma_start3A_65] : memref<2x80xi32, #tpu.memory_space<vmem>> -> memref<1x80xi32, #tpu.memory_space<vmem>>
          %dma_start3A_67 = tpu.memref_squeeze %dma_start3A_66 : memref<1x80xi32, #tpu.memory_space<vmem>> -> memref<80xi32, #tpu.memory_space<vmem>>
          %dma_start3A_68 = tpu.memref_slice %arg3[%add3A_49] : memref<320000xi32, #tpu.memory_space<hbm>> -> memref<80xi32, #tpu.memory_space<hbm>>
          tpu.enqueue_dma source(%dma_start3A_68 : memref<80xi32, #tpu.memory_space<hbm>>) target(%dma_start3A_67 : memref<80xi32, #tpu.memory_space<vmem>>) target_semaphore(%run_scoped3A_60 : memref<!tpu.dma_semaphore, #tpu.memory_space<semaphore_mem>>)
          %dma_wait3A_69 = arith.constant 0 : i32
          %dma_wait3A_70 = tpu.memref_slice %arg7[%sub3A_31, %dma_wait3A_69] : memref<2x80xi32, #tpu.memory_space<vmem>> -> memref<1x80xi32, #tpu.memory_space<vmem>>
          %dma_wait3A_71 = tpu.memref_squeeze %dma_wait3A_70 : memref<1x80xi32, #tpu.memory_space<vmem>> -> memref<80xi32, #tpu.memory_space<vmem>>
          %dma_wait3A_72 = tpu.memref_slice %arg3[%add3A_49] : memref<320000xi32, #tpu.memory_space<hbm>> -> memref<80xi32, #tpu.memory_space<hbm>>
          %dma_wait3A_73 = arith.constant 0 : i32
          %dma_wait3A_74 = tpu.memref_slice %arg7[%sub3A_31, %dma_wait3A_73] : memref<2x80xi32, #tpu.memory_space<vmem>> -> memref<1x80xi32, #tpu.memory_space<vmem>>
          %dma_wait3A_75 = tpu.memref_squeeze %dma_wait3A_74 : memref<1x80xi32, #tpu.memory_space<vmem>> -> memref<80xi32, #tpu.memory_space<vmem>>
          %dma_wait3A_76 = tpu.memref_slice %arg3[%add3A_49] : memref<320000xi32, #tpu.memory_space<hbm>> -> memref<80xi32, #tpu.memory_space<hbm>>
          tpu.wait_dma2 semaphore(%run_scoped3A_60 : memref<!tpu.dma_semaphore, #tpu.memory_space<semaphore_mem>>) src(%dma_wait3A_76 : memref<80xi32, #tpu.memory_space<hbm>>) dst(%dma_wait3A_75 : memref<80xi32, #tpu.memory_space<vmem>>)
          tpu.yield
        }) : () -> ()
        "tpu.region"() ({
          %run_scoped3A_60 = tpu.sem_alloc : memref<!tpu.dma_semaphore, #tpu.memory_space<semaphore_mem>>
          %dma_start3A_61 = arith.constant 0 : i32
          %dma_start3A_62 = tpu.memref_slice %arg8[%sub3A_31, %dma_start3A_61] : memref<2x80xi32, #tpu.memory_space<vmem>> -> memref<1x80xi32, #tpu.memory_space<vmem>>
          %dma_start3A_63 = tpu.memref_squeeze %dma_start3A_62 : memref<1x80xi32, #tpu.memory_space<vmem>> -> memref<80xi32, #tpu.memory_space<vmem>>
          %dma_start3A_64 = tpu.memref_slice %arg4[%add3A_49] : memref<320000xi32, #tpu.memory_space<hbm>> -> memref<80xi32, #tpu.memory_space<hbm>>
          %dma_start3A_65 = arith.constant 0 : i32
          %dma_start3A_66 = tpu.memref_slice %arg8[%sub3A_31, %dma_start3A_65] : memref<2x80xi32, #tpu.memory_space<vmem>> -> memref<1x80xi32, #tpu.memory_space<vmem>>
          %dma_start3A_67 = tpu.memref_squeeze %dma_start3A_66 : memref<1x80xi32, #tpu.memory_space<vmem>> -> memref<80xi32, #tpu.memory_space<vmem>>
          %dma_start3A_68 = tpu.memref_slice %arg4[%add3A_49] : memref<320000xi32, #tpu.memory_space<hbm>> -> memref<80xi32, #tpu.memory_space<hbm>>
          tpu.enqueue_dma source(%dma_start3A_68 : memref<80xi32, #tpu.memory_space<hbm>>) target(%dma_start3A_67 : memref<80xi32, #tpu.memory_space<vmem>>) target_semaphore(%run_scoped3A_60 : memref<!tpu.dma_semaphore, #tpu.memory_space<semaphore_mem>>)
          %dma_wait3A_69 = arith.constant 0 : i32
          %dma_wait3A_70 = tpu.memref_slice %arg8[%sub3A_31, %dma_wait3A_69] : memref<2x80xi32, #tpu.memory_space<vmem>> -> memref<1x80xi32, #tpu.memory_space<vmem>>
          %dma_wait3A_71 = tpu.memref_squeeze %dma_wait3A_70 : memref<1x80xi32, #tpu.memory_space<vmem>> -> memref<80xi32, #tpu.memory_space<vmem>>
          %dma_wait3A_72 = tpu.memref_slice %arg4[%add3A_49] : memref<320000xi32, #tpu.memory_space<hbm>> -> memref<80xi32, #tpu.memory_space<hbm>>
          %dma_wait3A_73 = arith.constant 0 : i32
          %dma_wait3A_74 = tpu.memref_slice %arg8[%sub3A_31, %dma_wait3A_73] : memref<2x80xi32, #tpu.memory_space<vmem>> -> memref<1x80xi32, #tpu.memory_space<vmem>>
          %dma_wait3A_75 = tpu.memref_squeeze %dma_wait3A_74 : memref<1x80xi32, #tpu.memory_space<vmem>> -> memref<80xi32, #tpu.memory_space<vmem>>
          %dma_wait3A_76 = tpu.memref_slice %arg4[%add3A_49] : memref<320000xi32, #tpu.memory_space<hbm>> -> memref<80xi32, #tpu.memory_space<hbm>>
          tpu.wait_dma2 semaphore(%run_scoped3A_60 : memref<!tpu.dma_semaphore, #tpu.memory_space<semaphore_mem>>) src(%dma_wait3A_76 : memref<80xi32, #tpu.memory_space<hbm>>) dst(%dma_wait3A_75 : memref<80xi32, #tpu.memory_space<vmem>>)
          tpu.yield
        }) : () -> ()
        %dma_start3A_50 = arith.constant 0 : i32
        %dma_start3A_51 = arith.constant 0 : i32
        %dma_start3A_52 = tpu.memref_slice %arg9[%sub3A_31, %dma_start3A_50, %dma_start3A_51] : memref<2x80x80xf32, #tpu.memory_space<vmem>> -> memref<1x80x80xf32, #tpu.memory_space<vmem>>
        %dma_start3A_53 = tpu.memref_squeeze %dma_start3A_52 : memref<1x80x80xf32, #tpu.memory_space<vmem>> -> memref<80x80xf32, #tpu.memory_space<vmem>>
        %dma_start3A_54 = arith.constant 0 : i32
        %dma_start3A_55 = tpu.memref_slice %arg7[%sub3A_31, %dma_start3A_54] : memref<2x80xi32, #tpu.memory_space<vmem>> -> memref<1x80xi32, #tpu.memory_space<vmem>>
        %dma_start3A_56 = tpu.memref_squeeze %dma_start3A_55 : memref<1x80xi32, #tpu.memory_space<vmem>> -> memref<80xi32, #tpu.memory_space<vmem>>
        %dma_start3A_57 = arith.constant 0 : i32
        %dma_start3A_58 = arith.constant 0 : i32
        %dma_start3A_59 = tpu.memref_slice %arg2[%dma_start3A_57, %dma_start3A_58] : memref<10000x80xf32, #tpu.memory_space<hbm>> -> memref<10000x80xf32, #tpu.memory_space<hbm>>
        tpu.enqueue_indirect_dma source(%dma_start3A_59 : memref<10000x80xf32, #tpu.memory_space<hbm>>) target(%dma_start3A_53 : memref<80x80xf32, #tpu.memory_space<vmem>>) offsets(%dma_start3A_56 : memref<80xi32, #tpu.memory_space<vmem>>) semaphore(%arg11 : memref<!tpu.dma_semaphore, #tpu.memory_space<semaphore_mem>>)
      } else {
      }
      %dma_wait3A = arith.constant 0 : i32
      %dma_wait3A_36 = arith.constant 0 : i32
      %dma_wait3A_37 = tpu.memref_slice %arg9[%rem3A_30, %dma_wait3A, %dma_wait3A_36] : memref<2x80x80xf32, #tpu.memory_space<vmem>> -> memref<1x80x80xf32, #tpu.memory_space<vmem>>
      %dma_wait3A_38 = tpu.memref_squeeze %dma_wait3A_37 : memref<1x80x80xf32, #tpu.memory_space<vmem>> -> memref<80x80xf32, #tpu.memory_space<vmem>>
      %dma_wait3A_39 = arith.constant 0 : i32
      %dma_wait3A_40 = tpu.memref_slice %arg7[%rem3A_30, %dma_wait3A_39] : memref<2x80xi32, #tpu.memory_space<vmem>> -> memref<1x80xi32, #tpu.memory_space<vmem>>
      %dma_wait3A_41 = tpu.memref_squeeze %dma_wait3A_40 : memref<1x80xi32, #tpu.memory_space<vmem>> -> memref<80xi32, #tpu.memory_space<vmem>>
      %dma_wait3A_42 = arith.constant 0 : i32
      %dma_wait3A_43 = arith.constant 0 : i32
      %dma_wait3A_44 = tpu.memref_slice %arg2[%dma_wait3A_42, %dma_wait3A_43] : memref<10000x80xf32, #tpu.memory_space<hbm>> -> memref<10000x80xf32, #tpu.memory_space<hbm>>
      tpu.wait_indirect_dma semaphore(%arg11 : memref<!tpu.dma_semaphore, #tpu.memory_space<semaphore_mem>>) src(%dma_wait3A_44 : memref<10000x80xf32, #tpu.memory_space<hbm>>) dst(%dma_wait3A_38 : memref<80x80xf32, #tpu.memory_space<vmem>>)
      "tpu.region"() ({
        %run_scoped3A_45 = tpu.sem_alloc : memref<!tpu.dma_semaphore, #tpu.memory_space<semaphore_mem>>
        %dma_start3A_46 = arith.constant 0 : i32
        %dma_start3A_47 = arith.constant 0 : i32
        %dma_start3A_48 = tpu.memref_slice %arg9[%rem3A_30, %dma_start3A_46, %dma_start3A_47] : memref<2x80x80xf32, #tpu.memory_space<vmem>> -> memref<1x80x80xf32, #tpu.memory_space<vmem>>
        %dma_start3A_49 = tpu.memref_squeeze %dma_start3A_48 : memref<1x80x80xf32, #tpu.memory_space<vmem>> -> memref<80x80xf32, #tpu.memory_space<vmem>>
        %dma_start3A_50 = arith.constant 0 : i32
        %dma_start3A_51 = tpu.memref_slice %arg8[%rem3A_30, %dma_start3A_50] : memref<2x80xi32, #tpu.memory_space<vmem>> -> memref<1x80xi32, #tpu.memory_space<vmem>>
        %dma_start3A_52 = tpu.memref_squeeze %dma_start3A_51 : memref<1x80xi32, #tpu.memory_space<vmem>> -> memref<80xi32, #tpu.memory_space<vmem>>
        %dma_start3A_53 = arith.constant 0 : i32
        %dma_start3A_54 = arith.constant 0 : i32
        %dma_start3A_55 = tpu.memref_slice %arg10[%dma_start3A_53, %dma_start3A_54] : memref<10240x80xf32, #tpu.memory_space<vmem_shared>> -> memref<10240x80xf32, #tpu.memory_space<vmem_shared>>
        tpu.enqueue_indirect_dma source(%dma_start3A_49 : memref<80x80xf32, #tpu.memory_space<vmem>>) target(%dma_start3A_55 : memref<10240x80xf32, #tpu.memory_space<vmem_shared>>) offsets(%dma_start3A_52 : memref<80xi32, #tpu.memory_space<vmem>>) semaphore(%run_scoped3A_45 : memref<!tpu.dma_semaphore, #tpu.memory_space<semaphore_mem>>) {add = true}
        %dma_wait3A_56 = arith.constant 0 : i32
        %dma_wait3A_57 = arith.constant 0 : i32
        %dma_wait3A_58 = tpu.memref_slice %arg9[%rem3A_30, %dma_wait3A_56, %dma_wait3A_57] : memref<2x80x80xf32, #tpu.memory_space<vmem>> -> memref<1x80x80xf32, #tpu.memory_space<vmem>>
        %dma_wait3A_59 = tpu.memref_squeeze %dma_wait3A_58 : memref<1x80x80xf32, #tpu.memory_space<vmem>> -> memref<80x80xf32, #tpu.memory_space<vmem>>
        %dma_wait3A_60 = arith.constant 0 : i32
        %dma_wait3A_61 = tpu.memref_slice %arg8[%rem3A_30, %dma_wait3A_60] : memref<2x80xi32, #tpu.memory_space<vmem>> -> memref<1x80xi32, #tpu.memory_space<vmem>>
        %dma_wait3A_62 = tpu.memref_squeeze %dma_wait3A_61 : memref<1x80xi32, #tpu.memory_space<vmem>> -> memref<80xi32, #tpu.memory_space<vmem>>
        %dma_wait3A_63 = arith.constant 0 : i32
        %dma_wait3A_64 = arith.constant 0 : i32
        %dma_wait3A_65 = tpu.memref_slice %arg10[%dma_wait3A_63, %dma_wait3A_64] : memref<10240x80xf32, #tpu.memory_space<vmem_shared>> -> memref<10240x80xf32, #tpu.memory_space<vmem_shared>>
        tpu.wait_indirect_dma semaphore(%run_scoped3A_45 : memref<!tpu.dma_semaphore, #tpu.memory_space<semaphore_mem>>) src(%dma_wait3A_59 : memref<80x80xf32, #tpu.memory_space<vmem>>) dst(%dma_wait3A_65 : memref<10240x80xf32, #tpu.memory_space<vmem_shared>>)
        tpu.yield
      }) : () -> ()
    }
    %scan3A_23 = arith.constant 125 : i32
    %barrier3A_24 = arith.constant 0 : index
    tpu.barrier barrier_id(%barrier3A_24)
    %mul3A_25 = arith.constant 640 : i32
    %mul3A_26 = arith.muli %arg1, %mul3A_25 : i32
    %mul3A_27 = arith.constant 640 : i32
    %mul3A_28 = arith.muli %arg1, %mul3A_27 : i32
    "tpu.region"() ({
      %run_scoped3A_29 = tpu.sem_alloc : memref<!tpu.dma_semaphore, #tpu.memory_space<semaphore_mem>>
      %dma_start3A_30 = arith.constant 0 : i32
      %dma_start3A_31 = tpu.memref_slice %arg6[%arg0, %mul3A_28, %dma_start3A_30] : memref<2x10240x80xf32, #tpu.memory_space<hbm>> -> memref<1x640x80xf32, #tpu.memory_space<hbm>>
      %dma_start3A_32 = tpu.memref_squeeze %dma_start3A_31 : memref<1x640x80xf32, #tpu.memory_space<hbm>> -> memref<640x80xf32, #tpu.memory_space<hbm>>
      %dma_start3A_33 = arith.constant 0 : i32
      %dma_start3A_34 = tpu.memref_slice %arg10[%mul3A_26, %dma_start3A_33] : memref<10240x80xf32, #tpu.memory_space<vmem_shared>> -> memref<640x80xf32, #tpu.memory_space<vmem_shared>>
      tpu.enqueue_dma source(%dma_start3A_34 : memref<640x80xf32, #tpu.memory_space<vmem_shared>>) target(%dma_start3A_32 : memref<640x80xf32, #tpu.memory_space<hbm>>) target_semaphore(%run_scoped3A_29 : memref<!tpu.dma_semaphore, #tpu.memory_space<semaphore_mem>>)
      %dma_wait3A = arith.constant 0 : i32
      %dma_wait3A_35 = tpu.memref_slice %arg6[%arg0, %mul3A_28, %dma_wait3A] : memref<2x10240x80xf32, #tpu.memory_space<hbm>> -> memref<1x640x80xf32, #tpu.memory_space<hbm>>
      %dma_wait3A_36 = tpu.memref_squeeze %dma_wait3A_35 : memref<1x640x80xf32, #tpu.memory_space<hbm>> -> memref<640x80xf32, #tpu.memory_space<hbm>>
      %dma_wait3A_37 = arith.constant 0 : i32
      %dma_wait3A_38 = tpu.memref_slice %arg10[%mul3A_26, %dma_wait3A_37] : memref<10240x80xf32, #tpu.memory_space<vmem_shared>> -> memref<640x80xf32, #tpu.memory_space<vmem_shared>>
      tpu.wait_dma2 semaphore(%run_scoped3A_29 : memref<!tpu.dma_semaphore, #tpu.memory_space<semaphore_mem>>) src(%dma_wait3A_38 : memref<640x80xf32, #tpu.memory_space<vmem_shared>>) dst(%dma_wait3A_36 : memref<640x80xf32, #tpu.memory_space<hbm>>)
      tpu.yield
    }) : () -> ()
    return
  }
}

#map = affine_map<(d0, d1) -> (0, 0)>
#map1 = affine_map<(d0, d1) -> (0)>
#map2 = affine_map<(d0, d1) -> (0, 0, 0)>
module attributes {stable_mosaic.version = 14 : i64} {
  func.func @k(%arg0: i32, %arg1: i32, %arg2: memref<10000x80xf32, #tpu.memory_space<hbm>>, %arg3: memref<320000xi32, #tpu.memory_space<hbm>>, %arg4: memref<320000xi32, #tpu.memory_space<hbm>>, %arg5: memref<10240x80xf32, #tpu.memory_space<hbm>>, %arg6: memref<2x10240x80xf32, #tpu.memory_space<hbm>>, %arg7: memref<2x80xi32, #tpu.memory_space<vmem>>, %arg8: memref<2x80xi32, #tpu.memory_space<vmem>>, %arg9: memref<2x80x80xf32, #tpu.memory_space<vmem>>, %arg10: memref<10240x80xf32, #tpu.memory_space<vmem_shared>>, %arg11: memref<!tpu.dma_semaphore, #tpu.memory_space<semaphore_mem>>) attributes {dimension_semantics = [#tpu.dimension_semantics<core_parallel>, #tpu.dimension_semantics<subcore_parallel>], iteration_bounds = array<i64: 2, 16>, scalar_prefetch = 0 : i64, scratch_operands = 5 : i64, tpu.core_type = #tpu.core_type<sc_vector_subcore>, window_params = [{transform_indices = #map}, {transform_indices = #map1}, {transform_indices = #map1}, {transform_indices = #map}, {transform_indices = #map2}]} {
    %mul3A = arith.constant 640 : i32
    %mul3A_0 = arith.muli %arg1, %mul3A : i32
    %mul3A_1 = arith.constant 640 : i32
    %mul3A_2 = arith.muli %arg1, %mul3A_1 : i32
    "tpu.region"() ({
      %run_scoped3A_29 = tpu.sem_alloc : memref<!tpu.dma_semaphore, #tpu.memory_space<semaphore_mem>>
      %dma_start3A_30 = arith.constant 0 : i32
      %dma_start3A_31 = tpu.memref_slice %arg10[%mul3A_2, %dma_start3A_30] : memref<10240x80xf32, #tpu.memory_space<vmem_shared>> -> memref<640x80xf32, #tpu.memory_space<vmem_shared>>
      %dma_start3A_32 = arith.constant 0 : i32
      %dma_start3A_33 = tpu.memref_slice %arg5[%mul3A_0, %dma_start3A_32] : memref<10240x80xf32, #tpu.memory_space<hbm>> -> memref<640x80xf32, #tpu.memory_space<hbm>>
      tpu.enqueue_dma source(%dma_start3A_33 : memref<640x80xf32, #tpu.memory_space<hbm>>) target(%dma_start3A_31 : memref<640x80xf32, #tpu.memory_space<vmem_shared>>) target_semaphore(%run_scoped3A_29 : memref<!tpu.dma_semaphore, #tpu.memory_space<semaphore_mem>>)
      %dma_wait3A = arith.constant 0 : i32
      %dma_wait3A_34 = tpu.memref_slice %arg10[%mul3A_2, %dma_wait3A] : memref<10240x80xf32, #tpu.memory_space<vmem_shared>> -> memref<640x80xf32, #tpu.memory_space<vmem_shared>>
      %dma_wait3A_35 = arith.constant 0 : i32
      %dma_wait3A_36 = tpu.memref_slice %arg5[%mul3A_0, %dma_wait3A_35] : memref<10240x80xf32, #tpu.memory_space<hbm>> -> memref<640x80xf32, #tpu.memory_space<hbm>>
      tpu.wait_dma2 semaphore(%run_scoped3A_29 : memref<!tpu.dma_semaphore, #tpu.memory_space<semaphore_mem>>) src(%dma_wait3A_36 : memref<640x80xf32, #tpu.memory_space<hbm>>) dst(%dma_wait3A_34 : memref<640x80xf32, #tpu.memory_space<vmem_shared>>)
      tpu.yield
    }) : () -> ()
    %barrier3A = arith.constant 0 : index
    tpu.barrier barrier_id(%barrier3A)
    %mul3A_3 = arith.constant 16 : i32
    %mul3A_4 = arith.muli %arg0, %mul3A_3 : i32
    %add3A = arith.addi %mul3A_4, %arg1 : i32
    %mul3A_5 = arith.constant 10000 : i32
    %mul3A_6 = arith.muli %add3A, %mul3A_5 : i32
    %run_scoped3A = arith.constant 0 : i32
    "tpu.region"() ({
      %run_scoped3A_29 = tpu.sem_alloc : memref<!tpu.dma_semaphore, #tpu.memory_space<semaphore_mem>>
      %dma_start3A_30 = arith.constant 0 : i32
      %dma_start3A_31 = tpu.memref_slice %arg7[%run_scoped3A, %dma_start3A_30] : memref<2x80xi32, #tpu.memory_space<vmem>> -> memref<1x80xi32, #tpu.memory_space<vmem>>
      %dma_start3A_32 = tpu.memref_squeeze %dma_start3A_31 : memref<1x80xi32, #tpu.memory_space<vmem>> -> memref<80xi32, #tpu.memory_space<vmem>>
      %dma_start3A_33 = tpu.memref_slice %arg3[%mul3A_6] : memref<320000xi32, #tpu.memory_space<hbm>> -> memref<80xi32, #tpu.memory_space<hbm>>
      %dma_start3A_34 = arith.constant 0 : i32
      %dma_start3A_35 = tpu.memref_slice %arg7[%run_scoped3A, %dma_start3A_34] : memref<2x80xi32, #tpu.memory_space<vmem>> -> memref<1x80xi32, #tpu.memory_space<vmem>>
      %dma_start3A_36 = tpu.memref_squeeze %dma_start3A_35 : memref<1x80xi32, #tpu.memory_space<vmem>> -> memref<80xi32, #tpu.memory_space<vmem>>
      %dma_start3A_37 = tpu.memref_slice %arg3[%mul3A_6] : memref<320000xi32, #tpu.memory_space<hbm>> -> memref<80xi32, #tpu.memory_space<hbm>>
      tpu.enqueue_dma source(%dma_start3A_37 : memref<80xi32, #tpu.memory_space<hbm>>) target(%dma_start3A_36 : memref<80xi32, #tpu.memory_space<vmem>>) target_semaphore(%run_scoped3A_29 : memref<!tpu.dma_semaphore, #tpu.memory_space<semaphore_mem>>)
      %dma_wait3A = arith.constant 0 : i32
      %dma_wait3A_38 = tpu.memref_slice %arg7[%run_scoped3A, %dma_wait3A] : memref<2x80xi32, #tpu.memory_space<vmem>> -> memref<1x80xi32, #tpu.memory_space<vmem>>
      %dma_wait3A_39 = tpu.memref_squeeze %dma_wait3A_38 : memref<1x80xi32, #tpu.memory_space<vmem>> -> memref<80xi32, #tpu.memory_space<vmem>>
      %dma_wait3A_40 = tpu.memref_slice %arg3[%mul3A_6] : memref<320000xi32, #tpu.memory_space<hbm>> -> memref<80xi32, #tpu.memory_space<hbm>>
      %dma_wait3A_41 = arith.constant 0 : i32
      %dma_wait3A_42 = tpu.memref_slice %arg7[%run_scoped3A, %dma_wait3A_41] : memref<2x80xi32, #tpu.memory_space<vmem>> -> memref<1x80xi32, #tpu.memory_space<vmem>>
      %dma_wait3A_43 = tpu.memref_squeeze %dma_wait3A_42 : memref<1x80xi32, #tpu.memory_space<vmem>> -> memref<80xi32, #tpu.memory_space<vmem>>
      %dma_wait3A_44 = tpu.memref_slice %arg3[%mul3A_6] : memref<320000xi32, #tpu.memory_space<hbm>> -> memref<80xi32, #tpu.memory_space<hbm>>
      tpu.wait_dma2 semaphore(%run_scoped3A_29 : memref<!tpu.dma_semaphore, #tpu.memory_space<semaphore_mem>>) src(%dma_wait3A_44 : memref<80xi32, #tpu.memory_space<hbm>>) dst(%dma_wait3A_43 : memref<80xi32, #tpu.memory_space<vmem>>)
      tpu.yield
    }) : () -> ()
    %run_scoped3A_7 = arith.constant 0 : i32
    "tpu.region"() ({
      %run_scoped3A_29 = tpu.sem_alloc : memref<!tpu.dma_semaphore, #tpu.memory_space<semaphore_mem>>
      %dma_start3A_30 = arith.constant 0 : i32
      %dma_start3A_31 = tpu.memref_slice %arg8[%run_scoped3A_7, %dma_start3A_30] : memref<2x80xi32, #tpu.memory_space<vmem>> -> memref<1x80xi32, #tpu.memory_space<vmem>>
      %dma_start3A_32 = tpu.memref_squeeze %dma_start3A_31 : memref<1x80xi32, #tpu.memory_space<vmem>> -> memref<80xi32, #tpu.memory_space<vmem>>
      %dma_start3A_33 = tpu.memref_slice %arg4[%mul3A_6] : memref<320000xi32, #tpu.memory_space<hbm>> -> memref<80xi32, #tpu.memory_space<hbm>>
      %dma_start3A_34 = arith.constant 0 : i32
      %dma_start3A_35 = tpu.memref_slice %arg8[%run_scoped3A_7, %dma_start3A_34] : memref<2x80xi32, #tpu.memory_space<vmem>> -> memref<1x80xi32, #tpu.memory_space<vmem>>
      %dma_start3A_36 = tpu.memref_squeeze %dma_start3A_35 : memref<1x80xi32, #tpu.memory_space<vmem>> -> memref<80xi32, #tpu.memory_space<vmem>>
      %dma_start3A_37 = tpu.memref_slice %arg4[%mul3A_6] : memref<320000xi32, #tpu.memory_space<hbm>> -> memref<80xi32, #tpu.memory_space<hbm>>
      tpu.enqueue_dma source(%dma_start3A_37 : memref<80xi32, #tpu.memory_space<hbm>>) target(%dma_start3A_36 : memref<80xi32, #tpu.memory_space<vmem>>) target_semaphore(%run_scoped3A_29 : memref<!tpu.dma_semaphore, #tpu.memory_space<semaphore_mem>>)
      %dma_wait3A = arith.constant 0 : i32
      %dma_wait3A_38 = tpu.memref_slice %arg8[%run_scoped3A_7, %dma_wait3A] : memref<2x80xi32, #tpu.memory_space<vmem>> -> memref<1x80xi32, #tpu.memory_space<vmem>>
      %dma_wait3A_39 = tpu.memref_squeeze %dma_wait3A_38 : memref<1x80xi32, #tpu.memory_space<vmem>> -> memref<80xi32, #tpu.memory_space<vmem>>
      %dma_wait3A_40 = tpu.memref_slice %arg4[%mul3A_6] : memref<320000xi32, #tpu.memory_space<hbm>> -> memref<80xi32, #tpu.memory_space<hbm>>
      %dma_wait3A_41 = arith.constant 0 : i32
      %dma_wait3A_42 = tpu.memref_slice %arg8[%run_scoped3A_7, %dma_wait3A_41] : memref<2x80xi32, #tpu.memory_space<vmem>> -> memref<1x80xi32, #tpu.memory_space<vmem>>
      %dma_wait3A_43 = tpu.memref_squeeze %dma_wait3A_42 : memref<1x80xi32, #tpu.memory_space<vmem>> -> memref<80xi32, #tpu.memory_space<vmem>>
      %dma_wait3A_44 = tpu.memref_slice %arg4[%mul3A_6] : memref<320000xi32, #tpu.memory_space<hbm>> -> memref<80xi32, #tpu.memory_space<hbm>>
      tpu.wait_dma2 semaphore(%run_scoped3A_29 : memref<!tpu.dma_semaphore, #tpu.memory_space<semaphore_mem>>) src(%dma_wait3A_44 : memref<80xi32, #tpu.memory_space<hbm>>) dst(%dma_wait3A_43 : memref<80xi32, #tpu.memory_space<vmem>>)
      tpu.yield
    }) : () -> ()
    %dma_start3A = arith.constant 0 : i32
    %dma_start3A_8 = arith.constant 0 : i32
    %dma_start3A_9 = arith.constant 0 : i32
    %dma_start3A_10 = arith.constant 0 : i32
    %dma_start3A_11 = tpu.memref_slice %arg9[%dma_start3A_8, %dma_start3A_9, %dma_start3A_10] : memref<2x80x80xf32, #tpu.memory_space<vmem>> -> memref<1x80x80xf32, #tpu.memory_space<vmem>>
    %dma_start3A_12 = tpu.memref_squeeze %dma_start3A_11 : memref<1x80x80xf32, #tpu.memory_space<vmem>> -> memref<80x80xf32, #tpu.memory_space<vmem>>
    %dma_start3A_13 = arith.constant 0 : i32
    %dma_start3A_14 = tpu.memref_slice %arg7[%dma_start3A, %dma_start3A_13] : memref<2x80xi32, #tpu.memory_space<vmem>> -> memref<1x80xi32, #tpu.memory_space<vmem>>
    %dma_start3A_15 = tpu.memref_squeeze %dma_start3A_14 : memref<1x80xi32, #tpu.memory_space<vmem>> -> memref<80xi32, #tpu.memory_space<vmem>>
    %dma_start3A_16 = arith.constant 0 : i32
    %dma_start3A_17 = arith.constant 0 : i32
    %dma_start3A_18 = tpu.memref_slice %arg2[%dma_start3A_16, %dma_start3A_17] : memref<10000x80xf32, #tpu.memory_space<hbm>> -> memref<10000x80xf32, #tpu.memory_space<hbm>>
    tpu.enqueue_indirect_dma source(%dma_start3A_18 : memref<10000x80xf32, #tpu.memory_space<hbm>>) target(%dma_start3A_12 : memref<80x80xf32, #tpu.memory_space<vmem>>) offsets(%dma_start3A_15 : memref<80xi32, #tpu.memory_space<vmem>>) semaphore(%arg11 : memref<!tpu.dma_semaphore, #tpu.memory_space<semaphore_mem>>)
    %scan3A = arith.constant 0 : i32
    %scan3A_19 = arith.constant 0 : i32
    %scan3A_20 = arith.constant 125 : i32
    %scan3A_21 = arith.addi %scan3A_19, %scan3A_20 : i32
    %scan3A_22 = arith.constant 1 : i32
    scf.for %scan3A_29 = %scan3A_19 to %scan3A_21 step %scan3A_22  : i32 {
      %rem3A = arith.constant 2 : i32
      %rem3A_30 = arith.remsi %scan3A_29, %rem3A : i32
      %sub3A = arith.constant 1 : i32
      %sub3A_31 = arith.subi %sub3A, %rem3A_30 : i32
      %add3A_32 = arith.constant 1 : i32
      %add3A_33 = arith.addi %scan3A_29, %add3A_32 : i32
      %lt3A = arith.constant 125 : i32
      %lt3A_34 = arith.cmpi slt, %add3A_33, %lt3A : i32
      %convert_element_type3A = arith.extui %lt3A_34 : i1 to i32
      %cond3A = arith.constant 0 : i32
      %cond3A_35 = arith.cmpi ne, %convert_element_type3A, %cond3A : i32
      scf.if %cond3A_35 {
        %add3A_45 = arith.constant 1 : i32
        %add3A_46 = arith.addi %scan3A_29, %add3A_45 : i32
        %mul3A_47 = arith.constant 80 : i32
        %mul3A_48 = arith.muli %add3A_46, %mul3A_47 : i32
        %add3A_49 = arith.addi %mul3A_6, %mul3A_48 : i32
        "tpu.region"() ({
          %run_scoped3A_60 = tpu.sem_alloc : memref<!tpu.dma_semaphore, #tpu.memory_space<semaphore_mem>>
          %dma_start3A_61 = arith.constant 0 : i32
          %dma_start3A_62 = tpu.memref_slice %arg7[%sub3A_31, %dma_start3A_61] : memref<2x80xi32, #tpu.memory_space<vmem>> -> memref<1x80xi32, #tpu.memory_space<vmem>>
          %dma_start3A_63 = tpu.memref_squeeze %dma_start3A_62 : memref<1x80xi32, #tpu.memory_space<vmem>> -> memref<80xi32, #tpu.memory_space<vmem>>
          %dma_start3A_64 = tpu.memref_slice %arg3[%add3A_49] : memref<320000xi32, #tpu.memory_space<hbm>> -> memref<80xi32, #tpu.memory_space<hbm>>
          %dma_start3A_65 = arith.constant 0 : i32
          %dma_start3A_66 = tpu.memref_slice %arg7[%sub3A_31, %dma_start3A_65] : memref<2x80xi32, #tpu.memory_space<vmem>> -> memref<1x80xi32, #tpu.memory_space<vmem>>
          %dma_start3A_67 = tpu.memref_squeeze %dma_start3A_66 : memref<1x80xi32, #tpu.memory_space<vmem>> -> memref<80xi32, #tpu.memory_space<vmem>>
          %dma_start3A_68 = tpu.memref_slice %arg3[%add3A_49] : memref<320000xi32, #tpu.memory_space<hbm>> -> memref<80xi32, #tpu.memory_space<hbm>>
          tpu.enqueue_dma source(%dma_start3A_68 : memref<80xi32, #tpu.memory_space<hbm>>) target(%dma_start3A_67 : memref<80xi32, #tpu.memory_space<vmem>>) target_semaphore(%run_scoped3A_60 : memref<!tpu.dma_semaphore, #tpu.memory_space<semaphore_mem>>)
          %dma_wait3A_69 = arith.constant 0 : i32
          %dma_wait3A_70 = tpu.memref_slice %arg7[%sub3A_31, %dma_wait3A_69] : memref<2x80xi32, #tpu.memory_space<vmem>> -> memref<1x80xi32, #tpu.memory_space<vmem>>
          %dma_wait3A_71 = tpu.memref_squeeze %dma_wait3A_70 : memref<1x80xi32, #tpu.memory_space<vmem>> -> memref<80xi32, #tpu.memory_space<vmem>>
          %dma_wait3A_72 = tpu.memref_slice %arg3[%add3A_49] : memref<320000xi32, #tpu.memory_space<hbm>> -> memref<80xi32, #tpu.memory_space<hbm>>
          %dma_wait3A_73 = arith.constant 0 : i32
          %dma_wait3A_74 = tpu.memref_slice %arg7[%sub3A_31, %dma_wait3A_73] : memref<2x80xi32, #tpu.memory_space<vmem>> -> memref<1x80xi32, #tpu.memory_space<vmem>>
          %dma_wait3A_75 = tpu.memref_squeeze %dma_wait3A_74 : memref<1x80xi32, #tpu.memory_space<vmem>> -> memref<80xi32, #tpu.memory_space<vmem>>
          %dma_wait3A_76 = tpu.memref_slice %arg3[%add3A_49] : memref<320000xi32, #tpu.memory_space<hbm>> -> memref<80xi32, #tpu.memory_space<hbm>>
          tpu.wait_dma2 semaphore(%run_scoped3A_60 : memref<!tpu.dma_semaphore, #tpu.memory_space<semaphore_mem>>) src(%dma_wait3A_76 : memref<80xi32, #tpu.memory_space<hbm>>) dst(%dma_wait3A_75 : memref<80xi32, #tpu.memory_space<vmem>>)
          tpu.yield
        }) : () -> ()
        "tpu.region"() ({
          %run_scoped3A_60 = tpu.sem_alloc : memref<!tpu.dma_semaphore, #tpu.memory_space<semaphore_mem>>
          %dma_start3A_61 = arith.constant 0 : i32
          %dma_start3A_62 = tpu.memref_slice %arg8[%sub3A_31, %dma_start3A_61] : memref<2x80xi32, #tpu.memory_space<vmem>> -> memref<1x80xi32, #tpu.memory_space<vmem>>
          %dma_start3A_63 = tpu.memref_squeeze %dma_start3A_62 : memref<1x80xi32, #tpu.memory_space<vmem>> -> memref<80xi32, #tpu.memory_space<vmem>>
          %dma_start3A_64 = tpu.memref_slice %arg4[%add3A_49] : memref<320000xi32, #tpu.memory_space<hbm>> -> memref<80xi32, #tpu.memory_space<hbm>>
          %dma_start3A_65 = arith.constant 0 : i32
          %dma_start3A_66 = tpu.memref_slice %arg8[%sub3A_31, %dma_start3A_65] : memref<2x80xi32, #tpu.memory_space<vmem>> -> memref<1x80xi32, #tpu.memory_space<vmem>>
          %dma_start3A_67 = tpu.memref_squeeze %dma_start3A_66 : memref<1x80xi32, #tpu.memory_space<vmem>> -> memref<80xi32, #tpu.memory_space<vmem>>
          %dma_start3A_68 = tpu.memref_slice %arg4[%add3A_49] : memref<320000xi32, #tpu.memory_space<hbm>> -> memref<80xi32, #tpu.memory_space<hbm>>
          tpu.enqueue_dma source(%dma_start3A_68 : memref<80xi32, #tpu.memory_space<hbm>>) target(%dma_start3A_67 : memref<80xi32, #tpu.memory_space<vmem>>) target_semaphore(%run_scoped3A_60 : memref<!tpu.dma_semaphore, #tpu.memory_space<semaphore_mem>>)
          %dma_wait3A_69 = arith.constant 0 : i32
          %dma_wait3A_70 = tpu.memref_slice %arg8[%sub3A_31, %dma_wait3A_69] : memref<2x80xi32, #tpu.memory_space<vmem>> -> memref<1x80xi32, #tpu.memory_space<vmem>>
          %dma_wait3A_71 = tpu.memref_squeeze %dma_wait3A_70 : memref<1x80xi32, #tpu.memory_space<vmem>> -> memref<80xi32, #tpu.memory_space<vmem>>
          %dma_wait3A_72 = tpu.memref_slice %arg4[%add3A_49] : memref<320000xi32, #tpu.memory_space<hbm>> -> memref<80xi32, #tpu.memory_space<hbm>>
          %dma_wait3A_73 = arith.constant 0 : i32
          %dma_wait3A_74 = tpu.memref_slice %arg8[%sub3A_31, %dma_wait3A_73] : memref<2x80xi32, #tpu.memory_space<vmem>> -> memref<1x80xi32, #tpu.memory_space<vmem>>
          %dma_wait3A_75 = tpu.memref_squeeze %dma_wait3A_74 : memref<1x80xi32, #tpu.memory_space<vmem>> -> memref<80xi32, #tpu.memory_space<vmem>>
          %dma_wait3A_76 = tpu.memref_slice %arg4[%add3A_49] : memref<320000xi32, #tpu.memory_space<hbm>> -> memref<80xi32, #tpu.memory_space<hbm>>
          tpu.wait_dma2 semaphore(%run_scoped3A_60 : memref<!tpu.dma_semaphore, #tpu.memory_space<semaphore_mem>>) src(%dma_wait3A_76 : memref<80xi32, #tpu.memory_space<hbm>>) dst(%dma_wait3A_75 : memref<80xi32, #tpu.memory_space<vmem>>)
          tpu.yield
        }) : () -> ()
        %dma_start3A_50 = arith.constant 0 : i32
        %dma_start3A_51 = arith.constant 0 : i32
        %dma_start3A_52 = tpu.memref_slice %arg9[%sub3A_31, %dma_start3A_50, %dma_start3A_51] : memref<2x80x80xf32, #tpu.memory_space<vmem>> -> memref<1x80x80xf32, #tpu.memory_space<vmem>>
        %dma_start3A_53 = tpu.memref_squeeze %dma_start3A_52 : memref<1x80x80xf32, #tpu.memory_space<vmem>> -> memref<80x80xf32, #tpu.memory_space<vmem>>
        %dma_start3A_54 = arith.constant 0 : i32
        %dma_start3A_55 = tpu.memref_slice %arg7[%sub3A_31, %dma_start3A_54] : memref<2x80xi32, #tpu.memory_space<vmem>> -> memref<1x80xi32, #tpu.memory_space<vmem>>
        %dma_start3A_56 = tpu.memref_squeeze %dma_start3A_55 : memref<1x80xi32, #tpu.memory_space<vmem>> -> memref<80xi32, #tpu.memory_space<vmem>>
        %dma_start3A_57 = arith.constant 0 : i32
        %dma_start3A_58 = arith.constant 0 : i32
        %dma_start3A_59 = tpu.memref_slice %arg2[%dma_start3A_57, %dma_start3A_58] : memref<10000x80xf32, #tpu.memory_space<hbm>> -> memref<10000x80xf32, #tpu.memory_space<hbm>>
        tpu.enqueue_indirect_dma source(%dma_start3A_59 : memref<10000x80xf32, #tpu.memory_space<hbm>>) target(%dma_start3A_53 : memref<80x80xf32, #tpu.memory_space<vmem>>) offsets(%dma_start3A_56 : memref<80xi32, #tpu.memory_space<vmem>>) semaphore(%arg11 : memref<!tpu.dma_semaphore, #tpu.memory_space<semaphore_mem>>)
      } else {
      }
      %dma_wait3A = arith.constant 0 : i32
      %dma_wait3A_36 = arith.constant 0 : i32
      %dma_wait3A_37 = tpu.memref_slice %arg9[%rem3A_30, %dma_wait3A, %dma_wait3A_36] : memref<2x80x80xf32, #tpu.memory_space<vmem>> -> memref<1x80x80xf32, #tpu.memory_space<vmem>>
      %dma_wait3A_38 = tpu.memref_squeeze %dma_wait3A_37 : memref<1x80x80xf32, #tpu.memory_space<vmem>> -> memref<80x80xf32, #tpu.memory_space<vmem>>
      %dma_wait3A_39 = arith.constant 0 : i32
      %dma_wait3A_40 = tpu.memref_slice %arg7[%rem3A_30, %dma_wait3A_39] : memref<2x80xi32, #tpu.memory_space<vmem>> -> memref<1x80xi32, #tpu.memory_space<vmem>>
      %dma_wait3A_41 = tpu.memref_squeeze %dma_wait3A_40 : memref<1x80xi32, #tpu.memory_space<vmem>> -> memref<80xi32, #tpu.memory_space<vmem>>
      %dma_wait3A_42 = arith.constant 0 : i32
      %dma_wait3A_43 = arith.constant 0 : i32
      %dma_wait3A_44 = tpu.memref_slice %arg2[%dma_wait3A_42, %dma_wait3A_43] : memref<10000x80xf32, #tpu.memory_space<hbm>> -> memref<10000x80xf32, #tpu.memory_space<hbm>>
      tpu.wait_indirect_dma semaphore(%arg11 : memref<!tpu.dma_semaphore, #tpu.memory_space<semaphore_mem>>) src(%dma_wait3A_44 : memref<10000x80xf32, #tpu.memory_space<hbm>>) dst(%dma_wait3A_38 : memref<80x80xf32, #tpu.memory_space<vmem>>)
      "tpu.region"() ({
        %run_scoped3A_45 = tpu.sem_alloc : memref<!tpu.dma_semaphore, #tpu.memory_space<semaphore_mem>>
        %dma_start3A_46 = arith.constant 0 : i32
        %dma_start3A_47 = arith.constant 0 : i32
        %dma_start3A_48 = tpu.memref_slice %arg9[%rem3A_30, %dma_start3A_46, %dma_start3A_47] : memref<2x80x80xf32, #tpu.memory_space<vmem>> -> memref<1x80x80xf32, #tpu.memory_space<vmem>>
        %dma_start3A_49 = tpu.memref_squeeze %dma_start3A_48 : memref<1x80x80xf32, #tpu.memory_space<vmem>> -> memref<80x80xf32, #tpu.memory_space<vmem>>
        %dma_start3A_50 = arith.constant 0 : i32
        %dma_start3A_51 = tpu.memref_slice %arg8[%rem3A_30, %dma_start3A_50] : memref<2x80xi32, #tpu.memory_space<vmem>> -> memref<1x80xi32, #tpu.memory_space<vmem>>
        %dma_start3A_52 = tpu.memref_squeeze %dma_start3A_51 : memref<1x80xi32, #tpu.memory_space<vmem>> -> memref<80xi32, #tpu.memory_space<vmem>>
        %dma_start3A_53 = arith.constant 0 : i32
        %dma_start3A_54 = arith.constant 0 : i32
        %dma_start3A_55 = tpu.memref_slice %arg10[%dma_start3A_53, %dma_start3A_54] : memref<10240x80xf32, #tpu.memory_space<vmem_shared>> -> memref<10240x80xf32, #tpu.memory_space<vmem_shared>>
        tpu.enqueue_indirect_dma source(%dma_start3A_49 : memref<80x80xf32, #tpu.memory_space<vmem>>) target(%dma_start3A_55 : memref<10240x80xf32, #tpu.memory_space<vmem_shared>>) offsets(%dma_start3A_52 : memref<80xi32, #tpu.memory_space<vmem>>) semaphore(%run_scoped3A_45 : memref<!tpu.dma_semaphore, #tpu.memory_space<semaphore_mem>>) {add = true}
        %dma_wait3A_56 = arith.constant 0 : i32
        %dma_wait3A_57 = arith.constant 0 : i32
        %dma_wait3A_58 = tpu.memref_slice %arg9[%rem3A_30, %dma_wait3A_56, %dma_wait3A_57] : memref<2x80x80xf32, #tpu.memory_space<vmem>> -> memref<1x80x80xf32, #tpu.memory_space<vmem>>
        %dma_wait3A_59 = tpu.memref_squeeze %dma_wait3A_58 : memref<1x80x80xf32, #tpu.memory_space<vmem>> -> memref<80x80xf32, #tpu.memory_space<vmem>>
        %dma_wait3A_60 = arith.constant 0 : i32
        %dma_wait3A_61 = tpu.memref_slice %arg8[%rem3A_30, %dma_wait3A_60] : memref<2x80xi32, #tpu.memory_space<vmem>> -> memref<1x80xi32, #tpu.memory_space<vmem>>
        %dma_wait3A_62 = tpu.memref_squeeze %dma_wait3A_61 : memref<1x80xi32, #tpu.memory_space<vmem>> -> memref<80xi32, #tpu.memory_space<vmem>>
        %dma_wait3A_63 = arith.constant 0 : i32
        %dma_wait3A_64 = arith.constant 0 : i32
        %dma_wait3A_65 = tpu.memref_slice %arg10[%dma_wait3A_63, %dma_wait3A_64] : memref<10240x80xf32, #tpu.memory_space<vmem_shared>> -> memref<10240x80xf32, #tpu.memory_space<vmem_shared>>
        tpu.wait_indirect_dma semaphore(%run_scoped3A_45 : memref<!tpu.dma_semaphore, #tpu.memory_space<semaphore_mem>>) src(%dma_wait3A_59 : memref<80x80xf32, #tpu.memory_space<vmem>>) dst(%dma_wait3A_65 : memref<10240x80xf32, #tpu.memory_space<vmem_shared>>)
        tpu.yield
      }) : () -> ()
    }
    %scan3A_23 = arith.constant 125 : i32
    %barrier3A_24 = arith.constant 0 : index
    tpu.barrier barrier_id(%barrier3A_24)
    %mul3A_25 = arith.constant 640 : i32
    %mul3A_26 = arith.muli %arg1, %mul3A_25 : i32
    %mul3A_27 = arith.constant 640 : i32
    %mul3A_28 = arith.muli %arg1, %mul3A_27 : i32
    "tpu.region"() ({
      %run_scoped3A_29 = tpu.sem_alloc : memref<!tpu.dma_semaphore, #tpu.memory_space<semaphore_mem>>
      %dma_start3A_30 = arith.constant 0 : i32
      %dma_start3A_31 = tpu.memref_slice %arg6[%arg0, %mul3A_28, %dma_start3A_30] : memref<2x10240x80xf32, #tpu.memory_space<hbm>> -> memref<1x640x80xf32, #tpu.memory_space<hbm>>
      %dma_start3A_32 = tpu.memref_squeeze %dma_start3A_31 : memref<1x640x80xf32, #tpu.memory_space<hbm>> -> memref<640x80xf32, #tpu.memory_space<hbm>>
      %dma_start3A_33 = arith.constant 0 : i32
      %dma_start3A_34 = tpu.memref_slice %arg10[%mul3A_26, %dma_start3A_33] : memref<10240x80xf32, #tpu.memory_space<vmem_shared>> -> memref<640x80xf32, #tpu.memory_space<vmem_shared>>
      tpu.enqueue_dma source(%dma_start3A_34 : memref<640x80xf32, #tpu.memory_space<vmem_shared>>) target(%dma_start3A_32 : memref<640x80xf32, #tpu.memory_space<hbm>>) target_semaphore(%run_scoped3A_29 : memref<!tpu.dma_semaphore, #tpu.memory_space<semaphore_mem>>)
      %dma_wait3A = arith.constant 0 : i32
      %dma_wait3A_35 = tpu.memref_slice %arg6[%arg0, %mul3A_28, %dma_wait3A] : memref<2x10240x80xf32, #tpu.memory_space<hbm>> -> memref<1x640x80xf32, #tpu.memory_space<hbm>>
      %dma_wait3A_36 = tpu.memref_squeeze %dma_wait3A_35 : memref<1x640x80xf32, #tpu.memory_space<hbm>> -> memref<640x80xf32, #tpu.memory_space<hbm>>
      %dma_wait3A_37 = arith.constant 0 : i32
      %dma_wait3A_38 = tpu.memref_slice %arg10[%mul3A_26, %dma_wait3A_37] : memref<10240x80xf32, #tpu.memory_space<vmem_shared>> -> memref<640x80xf32, #tpu.memory_space<vmem_shared>>
      tpu.wait_dma2 semaphore(%run_scoped3A_29 : memref<!tpu.dma_semaphore, #tpu.memory_space<semaphore_mem>>) src(%dma_wait3A_38 : memref<640x80xf32, #tpu.memory_space<vmem_shared>>) dst(%dma_wait3A_36 : memref<640x80xf32, #tpu.memory_space<hbm>>)
      tpu.yield
    }) : () -> ()
    return
  }
}

#map = affine_map<(d0, d1) -> (0, 0)>
#map1 = affine_map<(d0, d1) -> (0)>
#map2 = affine_map<(d0, d1) -> (0, 0, 0)>
module attributes {stable_mosaic.version = 14 : i64} {
  func.func @k(%arg0: i32, %arg1: i32, %arg2: memref<10000x160xf32, #tpu.memory_space<hbm>>, %arg3: memref<320000xi32, #tpu.memory_space<hbm>>, %arg4: memref<320000xi32, #tpu.memory_space<hbm>>, %arg5: memref<10240x160xf32, #tpu.memory_space<hbm>>, %arg6: memref<2x10240x160xf32, #tpu.memory_space<hbm>>, %arg7: memref<2x80xi32, #tpu.memory_space<vmem>>, %arg8: memref<2x80xi32, #tpu.memory_space<vmem>>, %arg9: memref<2x80x160xf32, #tpu.memory_space<vmem>>, %arg10: memref<10240x160xf32, #tpu.memory_space<vmem_shared>>, %arg11: memref<!tpu.dma_semaphore, #tpu.memory_space<semaphore_mem>>) attributes {dimension_semantics = [#tpu.dimension_semantics<core_parallel>, #tpu.dimension_semantics<subcore_parallel>], iteration_bounds = array<i64: 2, 16>, scalar_prefetch = 0 : i64, scratch_operands = 5 : i64, tpu.core_type = #tpu.core_type<sc_vector_subcore>, window_params = [{transform_indices = #map}, {transform_indices = #map1}, {transform_indices = #map1}, {transform_indices = #map}, {transform_indices = #map2}]} {
    %mul3A = arith.constant 640 : i32
    %mul3A_0 = arith.muli %arg1, %mul3A : i32
    %mul3A_1 = arith.constant 640 : i32
    %mul3A_2 = arith.muli %arg1, %mul3A_1 : i32
    "tpu.region"() ({
      %run_scoped3A_29 = tpu.sem_alloc : memref<!tpu.dma_semaphore, #tpu.memory_space<semaphore_mem>>
      %dma_start3A_30 = arith.constant 0 : i32
      %dma_start3A_31 = tpu.memref_slice %arg10[%mul3A_2, %dma_start3A_30] : memref<10240x160xf32, #tpu.memory_space<vmem_shared>> -> memref<640x160xf32, #tpu.memory_space<vmem_shared>>
      %dma_start3A_32 = arith.constant 0 : i32
      %dma_start3A_33 = tpu.memref_slice %arg5[%mul3A_0, %dma_start3A_32] : memref<10240x160xf32, #tpu.memory_space<hbm>> -> memref<640x160xf32, #tpu.memory_space<hbm>>
      tpu.enqueue_dma source(%dma_start3A_33 : memref<640x160xf32, #tpu.memory_space<hbm>>) target(%dma_start3A_31 : memref<640x160xf32, #tpu.memory_space<vmem_shared>>) target_semaphore(%run_scoped3A_29 : memref<!tpu.dma_semaphore, #tpu.memory_space<semaphore_mem>>)
      %dma_wait3A = arith.constant 0 : i32
      %dma_wait3A_34 = tpu.memref_slice %arg10[%mul3A_2, %dma_wait3A] : memref<10240x160xf32, #tpu.memory_space<vmem_shared>> -> memref<640x160xf32, #tpu.memory_space<vmem_shared>>
      %dma_wait3A_35 = arith.constant 0 : i32
      %dma_wait3A_36 = tpu.memref_slice %arg5[%mul3A_0, %dma_wait3A_35] : memref<10240x160xf32, #tpu.memory_space<hbm>> -> memref<640x160xf32, #tpu.memory_space<hbm>>
      tpu.wait_dma2 semaphore(%run_scoped3A_29 : memref<!tpu.dma_semaphore, #tpu.memory_space<semaphore_mem>>) src(%dma_wait3A_36 : memref<640x160xf32, #tpu.memory_space<hbm>>) dst(%dma_wait3A_34 : memref<640x160xf32, #tpu.memory_space<vmem_shared>>)
      tpu.yield
    }) : () -> ()
    %barrier3A = arith.constant 0 : index
    tpu.barrier barrier_id(%barrier3A)
    %mul3A_3 = arith.constant 16 : i32
    %mul3A_4 = arith.muli %arg0, %mul3A_3 : i32
    %add3A = arith.addi %mul3A_4, %arg1 : i32
    %mul3A_5 = arith.constant 10000 : i32
    %mul3A_6 = arith.muli %add3A, %mul3A_5 : i32
    %run_scoped3A = arith.constant 0 : i32
    "tpu.region"() ({
      %run_scoped3A_29 = tpu.sem_alloc : memref<!tpu.dma_semaphore, #tpu.memory_space<semaphore_mem>>
      %dma_start3A_30 = arith.constant 0 : i32
      %dma_start3A_31 = tpu.memref_slice %arg7[%run_scoped3A, %dma_start3A_30] : memref<2x80xi32, #tpu.memory_space<vmem>> -> memref<1x80xi32, #tpu.memory_space<vmem>>
      %dma_start3A_32 = tpu.memref_squeeze %dma_start3A_31 : memref<1x80xi32, #tpu.memory_space<vmem>> -> memref<80xi32, #tpu.memory_space<vmem>>
      %dma_start3A_33 = tpu.memref_slice %arg3[%mul3A_6] : memref<320000xi32, #tpu.memory_space<hbm>> -> memref<80xi32, #tpu.memory_space<hbm>>
      %dma_start3A_34 = arith.constant 0 : i32
      %dma_start3A_35 = tpu.memref_slice %arg7[%run_scoped3A, %dma_start3A_34] : memref<2x80xi32, #tpu.memory_space<vmem>> -> memref<1x80xi32, #tpu.memory_space<vmem>>
      %dma_start3A_36 = tpu.memref_squeeze %dma_start3A_35 : memref<1x80xi32, #tpu.memory_space<vmem>> -> memref<80xi32, #tpu.memory_space<vmem>>
      %dma_start3A_37 = tpu.memref_slice %arg3[%mul3A_6] : memref<320000xi32, #tpu.memory_space<hbm>> -> memref<80xi32, #tpu.memory_space<hbm>>
      tpu.enqueue_dma source(%dma_start3A_37 : memref<80xi32, #tpu.memory_space<hbm>>) target(%dma_start3A_36 : memref<80xi32, #tpu.memory_space<vmem>>) target_semaphore(%run_scoped3A_29 : memref<!tpu.dma_semaphore, #tpu.memory_space<semaphore_mem>>)
      %dma_wait3A = arith.constant 0 : i32
      %dma_wait3A_38 = tpu.memref_slice %arg7[%run_scoped3A, %dma_wait3A] : memref<2x80xi32, #tpu.memory_space<vmem>> -> memref<1x80xi32, #tpu.memory_space<vmem>>
      %dma_wait3A_39 = tpu.memref_squeeze %dma_wait3A_38 : memref<1x80xi32, #tpu.memory_space<vmem>> -> memref<80xi32, #tpu.memory_space<vmem>>
      %dma_wait3A_40 = tpu.memref_slice %arg3[%mul3A_6] : memref<320000xi32, #tpu.memory_space<hbm>> -> memref<80xi32, #tpu.memory_space<hbm>>
      %dma_wait3A_41 = arith.constant 0 : i32
      %dma_wait3A_42 = tpu.memref_slice %arg7[%run_scoped3A, %dma_wait3A_41] : memref<2x80xi32, #tpu.memory_space<vmem>> -> memref<1x80xi32, #tpu.memory_space<vmem>>
      %dma_wait3A_43 = tpu.memref_squeeze %dma_wait3A_42 : memref<1x80xi32, #tpu.memory_space<vmem>> -> memref<80xi32, #tpu.memory_space<vmem>>
      %dma_wait3A_44 = tpu.memref_slice %arg3[%mul3A_6] : memref<320000xi32, #tpu.memory_space<hbm>> -> memref<80xi32, #tpu.memory_space<hbm>>
      tpu.wait_dma2 semaphore(%run_scoped3A_29 : memref<!tpu.dma_semaphore, #tpu.memory_space<semaphore_mem>>) src(%dma_wait3A_44 : memref<80xi32, #tpu.memory_space<hbm>>) dst(%dma_wait3A_43 : memref<80xi32, #tpu.memory_space<vmem>>)
      tpu.yield
    }) : () -> ()
    %run_scoped3A_7 = arith.constant 0 : i32
    "tpu.region"() ({
      %run_scoped3A_29 = tpu.sem_alloc : memref<!tpu.dma_semaphore, #tpu.memory_space<semaphore_mem>>
      %dma_start3A_30 = arith.constant 0 : i32
      %dma_start3A_31 = tpu.memref_slice %arg8[%run_scoped3A_7, %dma_start3A_30] : memref<2x80xi32, #tpu.memory_space<vmem>> -> memref<1x80xi32, #tpu.memory_space<vmem>>
      %dma_start3A_32 = tpu.memref_squeeze %dma_start3A_31 : memref<1x80xi32, #tpu.memory_space<vmem>> -> memref<80xi32, #tpu.memory_space<vmem>>
      %dma_start3A_33 = tpu.memref_slice %arg4[%mul3A_6] : memref<320000xi32, #tpu.memory_space<hbm>> -> memref<80xi32, #tpu.memory_space<hbm>>
      %dma_start3A_34 = arith.constant 0 : i32
      %dma_start3A_35 = tpu.memref_slice %arg8[%run_scoped3A_7, %dma_start3A_34] : memref<2x80xi32, #tpu.memory_space<vmem>> -> memref<1x80xi32, #tpu.memory_space<vmem>>
      %dma_start3A_36 = tpu.memref_squeeze %dma_start3A_35 : memref<1x80xi32, #tpu.memory_space<vmem>> -> memref<80xi32, #tpu.memory_space<vmem>>
      %dma_start3A_37 = tpu.memref_slice %arg4[%mul3A_6] : memref<320000xi32, #tpu.memory_space<hbm>> -> memref<80xi32, #tpu.memory_space<hbm>>
      tpu.enqueue_dma source(%dma_start3A_37 : memref<80xi32, #tpu.memory_space<hbm>>) target(%dma_start3A_36 : memref<80xi32, #tpu.memory_space<vmem>>) target_semaphore(%run_scoped3A_29 : memref<!tpu.dma_semaphore, #tpu.memory_space<semaphore_mem>>)
      %dma_wait3A = arith.constant 0 : i32
      %dma_wait3A_38 = tpu.memref_slice %arg8[%run_scoped3A_7, %dma_wait3A] : memref<2x80xi32, #tpu.memory_space<vmem>> -> memref<1x80xi32, #tpu.memory_space<vmem>>
      %dma_wait3A_39 = tpu.memref_squeeze %dma_wait3A_38 : memref<1x80xi32, #tpu.memory_space<vmem>> -> memref<80xi32, #tpu.memory_space<vmem>>
      %dma_wait3A_40 = tpu.memref_slice %arg4[%mul3A_6] : memref<320000xi32, #tpu.memory_space<hbm>> -> memref<80xi32, #tpu.memory_space<hbm>>
      %dma_wait3A_41 = arith.constant 0 : i32
      %dma_wait3A_42 = tpu.memref_slice %arg8[%run_scoped3A_7, %dma_wait3A_41] : memref<2x80xi32, #tpu.memory_space<vmem>> -> memref<1x80xi32, #tpu.memory_space<vmem>>
      %dma_wait3A_43 = tpu.memref_squeeze %dma_wait3A_42 : memref<1x80xi32, #tpu.memory_space<vmem>> -> memref<80xi32, #tpu.memory_space<vmem>>
      %dma_wait3A_44 = tpu.memref_slice %arg4[%mul3A_6] : memref<320000xi32, #tpu.memory_space<hbm>> -> memref<80xi32, #tpu.memory_space<hbm>>
      tpu.wait_dma2 semaphore(%run_scoped3A_29 : memref<!tpu.dma_semaphore, #tpu.memory_space<semaphore_mem>>) src(%dma_wait3A_44 : memref<80xi32, #tpu.memory_space<hbm>>) dst(%dma_wait3A_43 : memref<80xi32, #tpu.memory_space<vmem>>)
      tpu.yield
    }) : () -> ()
    %dma_start3A = arith.constant 0 : i32
    %dma_start3A_8 = arith.constant 0 : i32
    %dma_start3A_9 = arith.constant 0 : i32
    %dma_start3A_10 = arith.constant 0 : i32
    %dma_start3A_11 = tpu.memref_slice %arg9[%dma_start3A_8, %dma_start3A_9, %dma_start3A_10] : memref<2x80x160xf32, #tpu.memory_space<vmem>> -> memref<1x80x160xf32, #tpu.memory_space<vmem>>
    %dma_start3A_12 = tpu.memref_squeeze %dma_start3A_11 : memref<1x80x160xf32, #tpu.memory_space<vmem>> -> memref<80x160xf32, #tpu.memory_space<vmem>>
    %dma_start3A_13 = arith.constant 0 : i32
    %dma_start3A_14 = tpu.memref_slice %arg7[%dma_start3A, %dma_start3A_13] : memref<2x80xi32, #tpu.memory_space<vmem>> -> memref<1x80xi32, #tpu.memory_space<vmem>>
    %dma_start3A_15 = tpu.memref_squeeze %dma_start3A_14 : memref<1x80xi32, #tpu.memory_space<vmem>> -> memref<80xi32, #tpu.memory_space<vmem>>
    %dma_start3A_16 = arith.constant 0 : i32
    %dma_start3A_17 = arith.constant 0 : i32
    %dma_start3A_18 = tpu.memref_slice %arg2[%dma_start3A_16, %dma_start3A_17] : memref<10000x160xf32, #tpu.memory_space<hbm>> -> memref<10000x160xf32, #tpu.memory_space<hbm>>
    tpu.enqueue_indirect_dma source(%dma_start3A_18 : memref<10000x160xf32, #tpu.memory_space<hbm>>) target(%dma_start3A_12 : memref<80x160xf32, #tpu.memory_space<vmem>>) offsets(%dma_start3A_15 : memref<80xi32, #tpu.memory_space<vmem>>) semaphore(%arg11 : memref<!tpu.dma_semaphore, #tpu.memory_space<semaphore_mem>>)
    %scan3A = arith.constant 0 : i32
    %scan3A_19 = arith.constant 0 : i32
    %scan3A_20 = arith.constant 125 : i32
    %scan3A_21 = arith.addi %scan3A_19, %scan3A_20 : i32
    %scan3A_22 = arith.constant 1 : i32
    scf.for %scan3A_29 = %scan3A_19 to %scan3A_21 step %scan3A_22  : i32 {
      %rem3A = arith.constant 2 : i32
      %rem3A_30 = arith.remsi %scan3A_29, %rem3A : i32
      %sub3A = arith.constant 1 : i32
      %sub3A_31 = arith.subi %sub3A, %rem3A_30 : i32
      %add3A_32 = arith.constant 1 : i32
      %add3A_33 = arith.addi %scan3A_29, %add3A_32 : i32
      %lt3A = arith.constant 125 : i32
      %lt3A_34 = arith.cmpi slt, %add3A_33, %lt3A : i32
      %convert_element_type3A = arith.extui %lt3A_34 : i1 to i32
      %cond3A = arith.constant 0 : i32
      %cond3A_35 = arith.cmpi ne, %convert_element_type3A, %cond3A : i32
      scf.if %cond3A_35 {
        %add3A_45 = arith.constant 1 : i32
        %add3A_46 = arith.addi %scan3A_29, %add3A_45 : i32
        %mul3A_47 = arith.constant 80 : i32
        %mul3A_48 = arith.muli %add3A_46, %mul3A_47 : i32
        %add3A_49 = arith.addi %mul3A_6, %mul3A_48 : i32
        "tpu.region"() ({
          %run_scoped3A_60 = tpu.sem_alloc : memref<!tpu.dma_semaphore, #tpu.memory_space<semaphore_mem>>
          %dma_start3A_61 = arith.constant 0 : i32
          %dma_start3A_62 = tpu.memref_slice %arg7[%sub3A_31, %dma_start3A_61] : memref<2x80xi32, #tpu.memory_space<vmem>> -> memref<1x80xi32, #tpu.memory_space<vmem>>
          %dma_start3A_63 = tpu.memref_squeeze %dma_start3A_62 : memref<1x80xi32, #tpu.memory_space<vmem>> -> memref<80xi32, #tpu.memory_space<vmem>>
          %dma_start3A_64 = tpu.memref_slice %arg3[%add3A_49] : memref<320000xi32, #tpu.memory_space<hbm>> -> memref<80xi32, #tpu.memory_space<hbm>>
          %dma_start3A_65 = arith.constant 0 : i32
          %dma_start3A_66 = tpu.memref_slice %arg7[%sub3A_31, %dma_start3A_65] : memref<2x80xi32, #tpu.memory_space<vmem>> -> memref<1x80xi32, #tpu.memory_space<vmem>>
          %dma_start3A_67 = tpu.memref_squeeze %dma_start3A_66 : memref<1x80xi32, #tpu.memory_space<vmem>> -> memref<80xi32, #tpu.memory_space<vmem>>
          %dma_start3A_68 = tpu.memref_slice %arg3[%add3A_49] : memref<320000xi32, #tpu.memory_space<hbm>> -> memref<80xi32, #tpu.memory_space<hbm>>
          tpu.enqueue_dma source(%dma_start3A_68 : memref<80xi32, #tpu.memory_space<hbm>>) target(%dma_start3A_67 : memref<80xi32, #tpu.memory_space<vmem>>) target_semaphore(%run_scoped3A_60 : memref<!tpu.dma_semaphore, #tpu.memory_space<semaphore_mem>>)
          %dma_wait3A_69 = arith.constant 0 : i32
          %dma_wait3A_70 = tpu.memref_slice %arg7[%sub3A_31, %dma_wait3A_69] : memref<2x80xi32, #tpu.memory_space<vmem>> -> memref<1x80xi32, #tpu.memory_space<vmem>>
          %dma_wait3A_71 = tpu.memref_squeeze %dma_wait3A_70 : memref<1x80xi32, #tpu.memory_space<vmem>> -> memref<80xi32, #tpu.memory_space<vmem>>
          %dma_wait3A_72 = tpu.memref_slice %arg3[%add3A_49] : memref<320000xi32, #tpu.memory_space<hbm>> -> memref<80xi32, #tpu.memory_space<hbm>>
          %dma_wait3A_73 = arith.constant 0 : i32
          %dma_wait3A_74 = tpu.memref_slice %arg7[%sub3A_31, %dma_wait3A_73] : memref<2x80xi32, #tpu.memory_space<vmem>> -> memref<1x80xi32, #tpu.memory_space<vmem>>
          %dma_wait3A_75 = tpu.memref_squeeze %dma_wait3A_74 : memref<1x80xi32, #tpu.memory_space<vmem>> -> memref<80xi32, #tpu.memory_space<vmem>>
          %dma_wait3A_76 = tpu.memref_slice %arg3[%add3A_49] : memref<320000xi32, #tpu.memory_space<hbm>> -> memref<80xi32, #tpu.memory_space<hbm>>
          tpu.wait_dma2 semaphore(%run_scoped3A_60 : memref<!tpu.dma_semaphore, #tpu.memory_space<semaphore_mem>>) src(%dma_wait3A_76 : memref<80xi32, #tpu.memory_space<hbm>>) dst(%dma_wait3A_75 : memref<80xi32, #tpu.memory_space<vmem>>)
          tpu.yield
        }) : () -> ()
        "tpu.region"() ({
          %run_scoped3A_60 = tpu.sem_alloc : memref<!tpu.dma_semaphore, #tpu.memory_space<semaphore_mem>>
          %dma_start3A_61 = arith.constant 0 : i32
          %dma_start3A_62 = tpu.memref_slice %arg8[%sub3A_31, %dma_start3A_61] : memref<2x80xi32, #tpu.memory_space<vmem>> -> memref<1x80xi32, #tpu.memory_space<vmem>>
          %dma_start3A_63 = tpu.memref_squeeze %dma_start3A_62 : memref<1x80xi32, #tpu.memory_space<vmem>> -> memref<80xi32, #tpu.memory_space<vmem>>
          %dma_start3A_64 = tpu.memref_slice %arg4[%add3A_49] : memref<320000xi32, #tpu.memory_space<hbm>> -> memref<80xi32, #tpu.memory_space<hbm>>
          %dma_start3A_65 = arith.constant 0 : i32
          %dma_start3A_66 = tpu.memref_slice %arg8[%sub3A_31, %dma_start3A_65] : memref<2x80xi32, #tpu.memory_space<vmem>> -> memref<1x80xi32, #tpu.memory_space<vmem>>
          %dma_start3A_67 = tpu.memref_squeeze %dma_start3A_66 : memref<1x80xi32, #tpu.memory_space<vmem>> -> memref<80xi32, #tpu.memory_space<vmem>>
          %dma_start3A_68 = tpu.memref_slice %arg4[%add3A_49] : memref<320000xi32, #tpu.memory_space<hbm>> -> memref<80xi32, #tpu.memory_space<hbm>>
          tpu.enqueue_dma source(%dma_start3A_68 : memref<80xi32, #tpu.memory_space<hbm>>) target(%dma_start3A_67 : memref<80xi32, #tpu.memory_space<vmem>>) target_semaphore(%run_scoped3A_60 : memref<!tpu.dma_semaphore, #tpu.memory_space<semaphore_mem>>)
          %dma_wait3A_69 = arith.constant 0 : i32
          %dma_wait3A_70 = tpu.memref_slice %arg8[%sub3A_31, %dma_wait3A_69] : memref<2x80xi32, #tpu.memory_space<vmem>> -> memref<1x80xi32, #tpu.memory_space<vmem>>
          %dma_wait3A_71 = tpu.memref_squeeze %dma_wait3A_70 : memref<1x80xi32, #tpu.memory_space<vmem>> -> memref<80xi32, #tpu.memory_space<vmem>>
          %dma_wait3A_72 = tpu.memref_slice %arg4[%add3A_49] : memref<320000xi32, #tpu.memory_space<hbm>> -> memref<80xi32, #tpu.memory_space<hbm>>
          %dma_wait3A_73 = arith.constant 0 : i32
          %dma_wait3A_74 = tpu.memref_slice %arg8[%sub3A_31, %dma_wait3A_73] : memref<2x80xi32, #tpu.memory_space<vmem>> -> memref<1x80xi32, #tpu.memory_space<vmem>>
          %dma_wait3A_75 = tpu.memref_squeeze %dma_wait3A_74 : memref<1x80xi32, #tpu.memory_space<vmem>> -> memref<80xi32, #tpu.memory_space<vmem>>
          %dma_wait3A_76 = tpu.memref_slice %arg4[%add3A_49] : memref<320000xi32, #tpu.memory_space<hbm>> -> memref<80xi32, #tpu.memory_space<hbm>>
          tpu.wait_dma2 semaphore(%run_scoped3A_60 : memref<!tpu.dma_semaphore, #tpu.memory_space<semaphore_mem>>) src(%dma_wait3A_76 : memref<80xi32, #tpu.memory_space<hbm>>) dst(%dma_wait3A_75 : memref<80xi32, #tpu.memory_space<vmem>>)
          tpu.yield
        }) : () -> ()
        %dma_start3A_50 = arith.constant 0 : i32
        %dma_start3A_51 = arith.constant 0 : i32
        %dma_start3A_52 = tpu.memref_slice %arg9[%sub3A_31, %dma_start3A_50, %dma_start3A_51] : memref<2x80x160xf32, #tpu.memory_space<vmem>> -> memref<1x80x160xf32, #tpu.memory_space<vmem>>
        %dma_start3A_53 = tpu.memref_squeeze %dma_start3A_52 : memref<1x80x160xf32, #tpu.memory_space<vmem>> -> memref<80x160xf32, #tpu.memory_space<vmem>>
        %dma_start3A_54 = arith.constant 0 : i32
        %dma_start3A_55 = tpu.memref_slice %arg7[%sub3A_31, %dma_start3A_54] : memref<2x80xi32, #tpu.memory_space<vmem>> -> memref<1x80xi32, #tpu.memory_space<vmem>>
        %dma_start3A_56 = tpu.memref_squeeze %dma_start3A_55 : memref<1x80xi32, #tpu.memory_space<vmem>> -> memref<80xi32, #tpu.memory_space<vmem>>
        %dma_start3A_57 = arith.constant 0 : i32
        %dma_start3A_58 = arith.constant 0 : i32
        %dma_start3A_59 = tpu.memref_slice %arg2[%dma_start3A_57, %dma_start3A_58] : memref<10000x160xf32, #tpu.memory_space<hbm>> -> memref<10000x160xf32, #tpu.memory_space<hbm>>
        tpu.enqueue_indirect_dma source(%dma_start3A_59 : memref<10000x160xf32, #tpu.memory_space<hbm>>) target(%dma_start3A_53 : memref<80x160xf32, #tpu.memory_space<vmem>>) offsets(%dma_start3A_56 : memref<80xi32, #tpu.memory_space<vmem>>) semaphore(%arg11 : memref<!tpu.dma_semaphore, #tpu.memory_space<semaphore_mem>>)
      } else {
      }
      %dma_wait3A = arith.constant 0 : i32
      %dma_wait3A_36 = arith.constant 0 : i32
      %dma_wait3A_37 = tpu.memref_slice %arg9[%rem3A_30, %dma_wait3A, %dma_wait3A_36] : memref<2x80x160xf32, #tpu.memory_space<vmem>> -> memref<1x80x160xf32, #tpu.memory_space<vmem>>
      %dma_wait3A_38 = tpu.memref_squeeze %dma_wait3A_37 : memref<1x80x160xf32, #tpu.memory_space<vmem>> -> memref<80x160xf32, #tpu.memory_space<vmem>>
      %dma_wait3A_39 = arith.constant 0 : i32
      %dma_wait3A_40 = tpu.memref_slice %arg7[%rem3A_30, %dma_wait3A_39] : memref<2x80xi32, #tpu.memory_space<vmem>> -> memref<1x80xi32, #tpu.memory_space<vmem>>
      %dma_wait3A_41 = tpu.memref_squeeze %dma_wait3A_40 : memref<1x80xi32, #tpu.memory_space<vmem>> -> memref<80xi32, #tpu.memory_space<vmem>>
      %dma_wait3A_42 = arith.constant 0 : i32
      %dma_wait3A_43 = arith.constant 0 : i32
      %dma_wait3A_44 = tpu.memref_slice %arg2[%dma_wait3A_42, %dma_wait3A_43] : memref<10000x160xf32, #tpu.memory_space<hbm>> -> memref<10000x160xf32, #tpu.memory_space<hbm>>
      tpu.wait_indirect_dma semaphore(%arg11 : memref<!tpu.dma_semaphore, #tpu.memory_space<semaphore_mem>>) src(%dma_wait3A_44 : memref<10000x160xf32, #tpu.memory_space<hbm>>) dst(%dma_wait3A_38 : memref<80x160xf32, #tpu.memory_space<vmem>>)
      "tpu.region"() ({
        %run_scoped3A_45 = tpu.sem_alloc : memref<!tpu.dma_semaphore, #tpu.memory_space<semaphore_mem>>
        %dma_start3A_46 = arith.constant 0 : i32
        %dma_start3A_47 = arith.constant 0 : i32
        %dma_start3A_48 = tpu.memref_slice %arg9[%rem3A_30, %dma_start3A_46, %dma_start3A_47] : memref<2x80x160xf32, #tpu.memory_space<vmem>> -> memref<1x80x160xf32, #tpu.memory_space<vmem>>
        %dma_start3A_49 = tpu.memref_squeeze %dma_start3A_48 : memref<1x80x160xf32, #tpu.memory_space<vmem>> -> memref<80x160xf32, #tpu.memory_space<vmem>>
        %dma_start3A_50 = arith.constant 0 : i32
        %dma_start3A_51 = tpu.memref_slice %arg8[%rem3A_30, %dma_start3A_50] : memref<2x80xi32, #tpu.memory_space<vmem>> -> memref<1x80xi32, #tpu.memory_space<vmem>>
        %dma_start3A_52 = tpu.memref_squeeze %dma_start3A_51 : memref<1x80xi32, #tpu.memory_space<vmem>> -> memref<80xi32, #tpu.memory_space<vmem>>
        %dma_start3A_53 = arith.constant 0 : i32
        %dma_start3A_54 = arith.constant 0 : i32
        %dma_start3A_55 = tpu.memref_slice %arg10[%dma_start3A_53, %dma_start3A_54] : memref<10240x160xf32, #tpu.memory_space<vmem_shared>> -> memref<10240x160xf32, #tpu.memory_space<vmem_shared>>
        tpu.enqueue_indirect_dma source(%dma_start3A_49 : memref<80x160xf32, #tpu.memory_space<vmem>>) target(%dma_start3A_55 : memref<10240x160xf32, #tpu.memory_space<vmem_shared>>) offsets(%dma_start3A_52 : memref<80xi32, #tpu.memory_space<vmem>>) semaphore(%run_scoped3A_45 : memref<!tpu.dma_semaphore, #tpu.memory_space<semaphore_mem>>) {add = true}
        %dma_wait3A_56 = arith.constant 0 : i32
        %dma_wait3A_57 = arith.constant 0 : i32
        %dma_wait3A_58 = tpu.memref_slice %arg9[%rem3A_30, %dma_wait3A_56, %dma_wait3A_57] : memref<2x80x160xf32, #tpu.memory_space<vmem>> -> memref<1x80x160xf32, #tpu.memory_space<vmem>>
        %dma_wait3A_59 = tpu.memref_squeeze %dma_wait3A_58 : memref<1x80x160xf32, #tpu.memory_space<vmem>> -> memref<80x160xf32, #tpu.memory_space<vmem>>
        %dma_wait3A_60 = arith.constant 0 : i32
        %dma_wait3A_61 = tpu.memref_slice %arg8[%rem3A_30, %dma_wait3A_60] : memref<2x80xi32, #tpu.memory_space<vmem>> -> memref<1x80xi32, #tpu.memory_space<vmem>>
        %dma_wait3A_62 = tpu.memref_squeeze %dma_wait3A_61 : memref<1x80xi32, #tpu.memory_space<vmem>> -> memref<80xi32, #tpu.memory_space<vmem>>
        %dma_wait3A_63 = arith.constant 0 : i32
        %dma_wait3A_64 = arith.constant 0 : i32
        %dma_wait3A_65 = tpu.memref_slice %arg10[%dma_wait3A_63, %dma_wait3A_64] : memref<10240x160xf32, #tpu.memory_space<vmem_shared>> -> memref<10240x160xf32, #tpu.memory_space<vmem_shared>>
        tpu.wait_indirect_dma semaphore(%run_scoped3A_45 : memref<!tpu.dma_semaphore, #tpu.memory_space<semaphore_mem>>) src(%dma_wait3A_59 : memref<80x160xf32, #tpu.memory_space<vmem>>) dst(%dma_wait3A_65 : memref<10240x160xf32, #tpu.memory_space<vmem_shared>>)
        tpu.yield
      }) : () -> ()
    }
    %scan3A_23 = arith.constant 125 : i32
    %barrier3A_24 = arith.constant 0 : index
    tpu.barrier barrier_id(%barrier3A_24)
    %mul3A_25 = arith.constant 640 : i32
    %mul3A_26 = arith.muli %arg1, %mul3A_25 : i32
    %mul3A_27 = arith.constant 640 : i32
    %mul3A_28 = arith.muli %arg1, %mul3A_27 : i32
    "tpu.region"() ({
      %run_scoped3A_29 = tpu.sem_alloc : memref<!tpu.dma_semaphore, #tpu.memory_space<semaphore_mem>>
      %dma_start3A_30 = arith.constant 0 : i32
      %dma_start3A_31 = tpu.memref_slice %arg6[%arg0, %mul3A_28, %dma_start3A_30] : memref<2x10240x160xf32, #tpu.memory_space<hbm>> -> memref<1x640x160xf32, #tpu.memory_space<hbm>>
      %dma_start3A_32 = tpu.memref_squeeze %dma_start3A_31 : memref<1x640x160xf32, #tpu.memory_space<hbm>> -> memref<640x160xf32, #tpu.memory_space<hbm>>
      %dma_start3A_33 = arith.constant 0 : i32
      %dma_start3A_34 = tpu.memref_slice %arg10[%mul3A_26, %dma_start3A_33] : memref<10240x160xf32, #tpu.memory_space<vmem_shared>> -> memref<640x160xf32, #tpu.memory_space<vmem_shared>>
      tpu.enqueue_dma source(%dma_start3A_34 : memref<640x160xf32, #tpu.memory_space<vmem_shared>>) target(%dma_start3A_32 : memref<640x160xf32, #tpu.memory_space<hbm>>) target_semaphore(%run_scoped3A_29 : memref<!tpu.dma_semaphore, #tpu.memory_space<semaphore_mem>>)
      %dma_wait3A = arith.constant 0 : i32
      %dma_wait3A_35 = tpu.memref_slice %arg6[%arg0, %mul3A_28, %dma_wait3A] : memref<2x10240x160xf32, #tpu.memory_space<hbm>> -> memref<1x640x160xf32, #tpu.memory_space<hbm>>
      %dma_wait3A_36 = tpu.memref_squeeze %dma_wait3A_35 : memref<1x640x160xf32, #tpu.memory_space<hbm>> -> memref<640x160xf32, #tpu.memory_space<hbm>>
      %dma_wait3A_37 = arith.constant 0 : i32
      %dma_wait3A_38 = tpu.memref_slice %arg10[%mul3A_26, %dma_wait3A_37] : memref<10240x160xf32, #tpu.memory_space<vmem_shared>> -> memref<640x160xf32, #tpu.memory_space<vmem_shared>>
      tpu.wait_dma2 semaphore(%run_scoped3A_29 : memref<!tpu.dma_semaphore, #tpu.memory_space<semaphore_mem>>) src(%dma_wait3A_38 : memref<640x160xf32, #tpu.memory_space<vmem_shared>>) dst(%dma_wait3A_36 : memref<640x160xf32, #tpu.memory_space<hbm>>)
      tpu.yield
    }) : () -> ()
    return
  }
}

#map = affine_map<(d0, d1) -> (0, 0)>
#map1 = affine_map<(d0, d1) -> (0)>
#map2 = affine_map<(d0, d1) -> (0, 0, 0)>
module attributes {stable_mosaic.version = 14 : i64} {
  func.func @k(%arg0: i32, %arg1: i32, %arg2: memref<10000x160xf32, #tpu.memory_space<hbm>>, %arg3: memref<320000xi32, #tpu.memory_space<hbm>>, %arg4: memref<320000xi32, #tpu.memory_space<hbm>>, %arg5: memref<10240x160xf32, #tpu.memory_space<hbm>>, %arg6: memref<2x10240x160xf32, #tpu.memory_space<hbm>>, %arg7: memref<2x80xi32, #tpu.memory_space<vmem>>, %arg8: memref<2x80xi32, #tpu.memory_space<vmem>>, %arg9: memref<2x80x160xf32, #tpu.memory_space<vmem>>, %arg10: memref<10240x160xf32, #tpu.memory_space<vmem_shared>>, %arg11: memref<!tpu.dma_semaphore, #tpu.memory_space<semaphore_mem>>) attributes {dimension_semantics = [#tpu.dimension_semantics<core_parallel>, #tpu.dimension_semantics<subcore_parallel>], iteration_bounds = array<i64: 2, 16>, scalar_prefetch = 0 : i64, scratch_operands = 5 : i64, tpu.core_type = #tpu.core_type<sc_vector_subcore>, window_params = [{transform_indices = #map}, {transform_indices = #map1}, {transform_indices = #map1}, {transform_indices = #map}, {transform_indices = #map2}]} {
    %mul3A = arith.constant 640 : i32
    %mul3A_0 = arith.muli %arg1, %mul3A : i32
    %mul3A_1 = arith.constant 640 : i32
    %mul3A_2 = arith.muli %arg1, %mul3A_1 : i32
    "tpu.region"() ({
      %run_scoped3A_29 = tpu.sem_alloc : memref<!tpu.dma_semaphore, #tpu.memory_space<semaphore_mem>>
      %dma_start3A_30 = arith.constant 0 : i32
      %dma_start3A_31 = tpu.memref_slice %arg10[%mul3A_2, %dma_start3A_30] : memref<10240x160xf32, #tpu.memory_space<vmem_shared>> -> memref<640x160xf32, #tpu.memory_space<vmem_shared>>
      %dma_start3A_32 = arith.constant 0 : i32
      %dma_start3A_33 = tpu.memref_slice %arg5[%mul3A_0, %dma_start3A_32] : memref<10240x160xf32, #tpu.memory_space<hbm>> -> memref<640x160xf32, #tpu.memory_space<hbm>>
      tpu.enqueue_dma source(%dma_start3A_33 : memref<640x160xf32, #tpu.memory_space<hbm>>) target(%dma_start3A_31 : memref<640x160xf32, #tpu.memory_space<vmem_shared>>) target_semaphore(%run_scoped3A_29 : memref<!tpu.dma_semaphore, #tpu.memory_space<semaphore_mem>>)
      %dma_wait3A = arith.constant 0 : i32
      %dma_wait3A_34 = tpu.memref_slice %arg10[%mul3A_2, %dma_wait3A] : memref<10240x160xf32, #tpu.memory_space<vmem_shared>> -> memref<640x160xf32, #tpu.memory_space<vmem_shared>>
      %dma_wait3A_35 = arith.constant 0 : i32
      %dma_wait3A_36 = tpu.memref_slice %arg5[%mul3A_0, %dma_wait3A_35] : memref<10240x160xf32, #tpu.memory_space<hbm>> -> memref<640x160xf32, #tpu.memory_space<hbm>>
      tpu.wait_dma2 semaphore(%run_scoped3A_29 : memref<!tpu.dma_semaphore, #tpu.memory_space<semaphore_mem>>) src(%dma_wait3A_36 : memref<640x160xf32, #tpu.memory_space<hbm>>) dst(%dma_wait3A_34 : memref<640x160xf32, #tpu.memory_space<vmem_shared>>)
      tpu.yield
    }) : () -> ()
    %barrier3A = arith.constant 0 : index
    tpu.barrier barrier_id(%barrier3A)
    %mul3A_3 = arith.constant 16 : i32
    %mul3A_4 = arith.muli %arg0, %mul3A_3 : i32
    %add3A = arith.addi %mul3A_4, %arg1 : i32
    %mul3A_5 = arith.constant 10000 : i32
    %mul3A_6 = arith.muli %add3A, %mul3A_5 : i32
    %run_scoped3A = arith.constant 0 : i32
    "tpu.region"() ({
      %run_scoped3A_29 = tpu.sem_alloc : memref<!tpu.dma_semaphore, #tpu.memory_space<semaphore_mem>>
      %dma_start3A_30 = arith.constant 0 : i32
      %dma_start3A_31 = tpu.memref_slice %arg7[%run_scoped3A, %dma_start3A_30] : memref<2x80xi32, #tpu.memory_space<vmem>> -> memref<1x80xi32, #tpu.memory_space<vmem>>
      %dma_start3A_32 = tpu.memref_squeeze %dma_start3A_31 : memref<1x80xi32, #tpu.memory_space<vmem>> -> memref<80xi32, #tpu.memory_space<vmem>>
      %dma_start3A_33 = tpu.memref_slice %arg3[%mul3A_6] : memref<320000xi32, #tpu.memory_space<hbm>> -> memref<80xi32, #tpu.memory_space<hbm>>
      %dma_start3A_34 = arith.constant 0 : i32
      %dma_start3A_35 = tpu.memref_slice %arg7[%run_scoped3A, %dma_start3A_34] : memref<2x80xi32, #tpu.memory_space<vmem>> -> memref<1x80xi32, #tpu.memory_space<vmem>>
      %dma_start3A_36 = tpu.memref_squeeze %dma_start3A_35 : memref<1x80xi32, #tpu.memory_space<vmem>> -> memref<80xi32, #tpu.memory_space<vmem>>
      %dma_start3A_37 = tpu.memref_slice %arg3[%mul3A_6] : memref<320000xi32, #tpu.memory_space<hbm>> -> memref<80xi32, #tpu.memory_space<hbm>>
      tpu.enqueue_dma source(%dma_start3A_37 : memref<80xi32, #tpu.memory_space<hbm>>) target(%dma_start3A_36 : memref<80xi32, #tpu.memory_space<vmem>>) target_semaphore(%run_scoped3A_29 : memref<!tpu.dma_semaphore, #tpu.memory_space<semaphore_mem>>)
      %dma_wait3A = arith.constant 0 : i32
      %dma_wait3A_38 = tpu.memref_slice %arg7[%run_scoped3A, %dma_wait3A] : memref<2x80xi32, #tpu.memory_space<vmem>> -> memref<1x80xi32, #tpu.memory_space<vmem>>
      %dma_wait3A_39 = tpu.memref_squeeze %dma_wait3A_38 : memref<1x80xi32, #tpu.memory_space<vmem>> -> memref<80xi32, #tpu.memory_space<vmem>>
      %dma_wait3A_40 = tpu.memref_slice %arg3[%mul3A_6] : memref<320000xi32, #tpu.memory_space<hbm>> -> memref<80xi32, #tpu.memory_space<hbm>>
      %dma_wait3A_41 = arith.constant 0 : i32
      %dma_wait3A_42 = tpu.memref_slice %arg7[%run_scoped3A, %dma_wait3A_41] : memref<2x80xi32, #tpu.memory_space<vmem>> -> memref<1x80xi32, #tpu.memory_space<vmem>>
      %dma_wait3A_43 = tpu.memref_squeeze %dma_wait3A_42 : memref<1x80xi32, #tpu.memory_space<vmem>> -> memref<80xi32, #tpu.memory_space<vmem>>
      %dma_wait3A_44 = tpu.memref_slice %arg3[%mul3A_6] : memref<320000xi32, #tpu.memory_space<hbm>> -> memref<80xi32, #tpu.memory_space<hbm>>
      tpu.wait_dma2 semaphore(%run_scoped3A_29 : memref<!tpu.dma_semaphore, #tpu.memory_space<semaphore_mem>>) src(%dma_wait3A_44 : memref<80xi32, #tpu.memory_space<hbm>>) dst(%dma_wait3A_43 : memref<80xi32, #tpu.memory_space<vmem>>)
      tpu.yield
    }) : () -> ()
    %run_scoped3A_7 = arith.constant 0 : i32
    "tpu.region"() ({
      %run_scoped3A_29 = tpu.sem_alloc : memref<!tpu.dma_semaphore, #tpu.memory_space<semaphore_mem>>
      %dma_start3A_30 = arith.constant 0 : i32
      %dma_start3A_31 = tpu.memref_slice %arg8[%run_scoped3A_7, %dma_start3A_30] : memref<2x80xi32, #tpu.memory_space<vmem>> -> memref<1x80xi32, #tpu.memory_space<vmem>>
      %dma_start3A_32 = tpu.memref_squeeze %dma_start3A_31 : memref<1x80xi32, #tpu.memory_space<vmem>> -> memref<80xi32, #tpu.memory_space<vmem>>
      %dma_start3A_33 = tpu.memref_slice %arg4[%mul3A_6] : memref<320000xi32, #tpu.memory_space<hbm>> -> memref<80xi32, #tpu.memory_space<hbm>>
      %dma_start3A_34 = arith.constant 0 : i32
      %dma_start3A_35 = tpu.memref_slice %arg8[%run_scoped3A_7, %dma_start3A_34] : memref<2x80xi32, #tpu.memory_space<vmem>> -> memref<1x80xi32, #tpu.memory_space<vmem>>
      %dma_start3A_36 = tpu.memref_squeeze %dma_start3A_35 : memref<1x80xi32, #tpu.memory_space<vmem>> -> memref<80xi32, #tpu.memory_space<vmem>>
      %dma_start3A_37 = tpu.memref_slice %arg4[%mul3A_6] : memref<320000xi32, #tpu.memory_space<hbm>> -> memref<80xi32, #tpu.memory_space<hbm>>
      tpu.enqueue_dma source(%dma_start3A_37 : memref<80xi32, #tpu.memory_space<hbm>>) target(%dma_start3A_36 : memref<80xi32, #tpu.memory_space<vmem>>) target_semaphore(%run_scoped3A_29 : memref<!tpu.dma_semaphore, #tpu.memory_space<semaphore_mem>>)
      %dma_wait3A = arith.constant 0 : i32
      %dma_wait3A_38 = tpu.memref_slice %arg8[%run_scoped3A_7, %dma_wait3A] : memref<2x80xi32, #tpu.memory_space<vmem>> -> memref<1x80xi32, #tpu.memory_space<vmem>>
      %dma_wait3A_39 = tpu.memref_squeeze %dma_wait3A_38 : memref<1x80xi32, #tpu.memory_space<vmem>> -> memref<80xi32, #tpu.memory_space<vmem>>
      %dma_wait3A_40 = tpu.memref_slice %arg4[%mul3A_6] : memref<320000xi32, #tpu.memory_space<hbm>> -> memref<80xi32, #tpu.memory_space<hbm>>
      %dma_wait3A_41 = arith.constant 0 : i32
      %dma_wait3A_42 = tpu.memref_slice %arg8[%run_scoped3A_7, %dma_wait3A_41] : memref<2x80xi32, #tpu.memory_space<vmem>> -> memref<1x80xi32, #tpu.memory_space<vmem>>
      %dma_wait3A_43 = tpu.memref_squeeze %dma_wait3A_42 : memref<1x80xi32, #tpu.memory_space<vmem>> -> memref<80xi32, #tpu.memory_space<vmem>>
      %dma_wait3A_44 = tpu.memref_slice %arg4[%mul3A_6] : memref<320000xi32, #tpu.memory_space<hbm>> -> memref<80xi32, #tpu.memory_space<hbm>>
      tpu.wait_dma2 semaphore(%run_scoped3A_29 : memref<!tpu.dma_semaphore, #tpu.memory_space<semaphore_mem>>) src(%dma_wait3A_44 : memref<80xi32, #tpu.memory_space<hbm>>) dst(%dma_wait3A_43 : memref<80xi32, #tpu.memory_space<vmem>>)
      tpu.yield
    }) : () -> ()
    %dma_start3A = arith.constant 0 : i32
    %dma_start3A_8 = arith.constant 0 : i32
    %dma_start3A_9 = arith.constant 0 : i32
    %dma_start3A_10 = arith.constant 0 : i32
    %dma_start3A_11 = tpu.memref_slice %arg9[%dma_start3A_8, %dma_start3A_9, %dma_start3A_10] : memref<2x80x160xf32, #tpu.memory_space<vmem>> -> memref<1x80x160xf32, #tpu.memory_space<vmem>>
    %dma_start3A_12 = tpu.memref_squeeze %dma_start3A_11 : memref<1x80x160xf32, #tpu.memory_space<vmem>> -> memref<80x160xf32, #tpu.memory_space<vmem>>
    %dma_start3A_13 = arith.constant 0 : i32
    %dma_start3A_14 = tpu.memref_slice %arg7[%dma_start3A, %dma_start3A_13] : memref<2x80xi32, #tpu.memory_space<vmem>> -> memref<1x80xi32, #tpu.memory_space<vmem>>
    %dma_start3A_15 = tpu.memref_squeeze %dma_start3A_14 : memref<1x80xi32, #tpu.memory_space<vmem>> -> memref<80xi32, #tpu.memory_space<vmem>>
    %dma_start3A_16 = arith.constant 0 : i32
    %dma_start3A_17 = arith.constant 0 : i32
    %dma_start3A_18 = tpu.memref_slice %arg2[%dma_start3A_16, %dma_start3A_17] : memref<10000x160xf32, #tpu.memory_space<hbm>> -> memref<10000x160xf32, #tpu.memory_space<hbm>>
    tpu.enqueue_indirect_dma source(%dma_start3A_18 : memref<10000x160xf32, #tpu.memory_space<hbm>>) target(%dma_start3A_12 : memref<80x160xf32, #tpu.memory_space<vmem>>) offsets(%dma_start3A_15 : memref<80xi32, #tpu.memory_space<vmem>>) semaphore(%arg11 : memref<!tpu.dma_semaphore, #tpu.memory_space<semaphore_mem>>)
    %scan3A = arith.constant 0 : i32
    %scan3A_19 = arith.constant 0 : i32
    %scan3A_20 = arith.constant 125 : i32
    %scan3A_21 = arith.addi %scan3A_19, %scan3A_20 : i32
    %scan3A_22 = arith.constant 1 : i32
    scf.for %scan3A_29 = %scan3A_19 to %scan3A_21 step %scan3A_22  : i32 {
      %rem3A = arith.constant 2 : i32
      %rem3A_30 = arith.remsi %scan3A_29, %rem3A : i32
      %sub3A = arith.constant 1 : i32
      %sub3A_31 = arith.subi %sub3A, %rem3A_30 : i32
      %add3A_32 = arith.constant 1 : i32
      %add3A_33 = arith.addi %scan3A_29, %add3A_32 : i32
      %lt3A = arith.constant 125 : i32
      %lt3A_34 = arith.cmpi slt, %add3A_33, %lt3A : i32
      %convert_element_type3A = arith.extui %lt3A_34 : i1 to i32
      %cond3A = arith.constant 0 : i32
      %cond3A_35 = arith.cmpi ne, %convert_element_type3A, %cond3A : i32
      scf.if %cond3A_35 {
        %add3A_45 = arith.constant 1 : i32
        %add3A_46 = arith.addi %scan3A_29, %add3A_45 : i32
        %mul3A_47 = arith.constant 80 : i32
        %mul3A_48 = arith.muli %add3A_46, %mul3A_47 : i32
        %add3A_49 = arith.addi %mul3A_6, %mul3A_48 : i32
        "tpu.region"() ({
          %run_scoped3A_60 = tpu.sem_alloc : memref<!tpu.dma_semaphore, #tpu.memory_space<semaphore_mem>>
          %dma_start3A_61 = arith.constant 0 : i32
          %dma_start3A_62 = tpu.memref_slice %arg7[%sub3A_31, %dma_start3A_61] : memref<2x80xi32, #tpu.memory_space<vmem>> -> memref<1x80xi32, #tpu.memory_space<vmem>>
          %dma_start3A_63 = tpu.memref_squeeze %dma_start3A_62 : memref<1x80xi32, #tpu.memory_space<vmem>> -> memref<80xi32, #tpu.memory_space<vmem>>
          %dma_start3A_64 = tpu.memref_slice %arg3[%add3A_49] : memref<320000xi32, #tpu.memory_space<hbm>> -> memref<80xi32, #tpu.memory_space<hbm>>
          %dma_start3A_65 = arith.constant 0 : i32
          %dma_start3A_66 = tpu.memref_slice %arg7[%sub3A_31, %dma_start3A_65] : memref<2x80xi32, #tpu.memory_space<vmem>> -> memref<1x80xi32, #tpu.memory_space<vmem>>
          %dma_start3A_67 = tpu.memref_squeeze %dma_start3A_66 : memref<1x80xi32, #tpu.memory_space<vmem>> -> memref<80xi32, #tpu.memory_space<vmem>>
          %dma_start3A_68 = tpu.memref_slice %arg3[%add3A_49] : memref<320000xi32, #tpu.memory_space<hbm>> -> memref<80xi32, #tpu.memory_space<hbm>>
          tpu.enqueue_dma source(%dma_start3A_68 : memref<80xi32, #tpu.memory_space<hbm>>) target(%dma_start3A_67 : memref<80xi32, #tpu.memory_space<vmem>>) target_semaphore(%run_scoped3A_60 : memref<!tpu.dma_semaphore, #tpu.memory_space<semaphore_mem>>)
          %dma_wait3A_69 = arith.constant 0 : i32
          %dma_wait3A_70 = tpu.memref_slice %arg7[%sub3A_31, %dma_wait3A_69] : memref<2x80xi32, #tpu.memory_space<vmem>> -> memref<1x80xi32, #tpu.memory_space<vmem>>
          %dma_wait3A_71 = tpu.memref_squeeze %dma_wait3A_70 : memref<1x80xi32, #tpu.memory_space<vmem>> -> memref<80xi32, #tpu.memory_space<vmem>>
          %dma_wait3A_72 = tpu.memref_slice %arg3[%add3A_49] : memref<320000xi32, #tpu.memory_space<hbm>> -> memref<80xi32, #tpu.memory_space<hbm>>
          %dma_wait3A_73 = arith.constant 0 : i32
          %dma_wait3A_74 = tpu.memref_slice %arg7[%sub3A_31, %dma_wait3A_73] : memref<2x80xi32, #tpu.memory_space<vmem>> -> memref<1x80xi32, #tpu.memory_space<vmem>>
          %dma_wait3A_75 = tpu.memref_squeeze %dma_wait3A_74 : memref<1x80xi32, #tpu.memory_space<vmem>> -> memref<80xi32, #tpu.memory_space<vmem>>
          %dma_wait3A_76 = tpu.memref_slice %arg3[%add3A_49] : memref<320000xi32, #tpu.memory_space<hbm>> -> memref<80xi32, #tpu.memory_space<hbm>>
          tpu.wait_dma2 semaphore(%run_scoped3A_60 : memref<!tpu.dma_semaphore, #tpu.memory_space<semaphore_mem>>) src(%dma_wait3A_76 : memref<80xi32, #tpu.memory_space<hbm>>) dst(%dma_wait3A_75 : memref<80xi32, #tpu.memory_space<vmem>>)
          tpu.yield
        }) : () -> ()
        "tpu.region"() ({
          %run_scoped3A_60 = tpu.sem_alloc : memref<!tpu.dma_semaphore, #tpu.memory_space<semaphore_mem>>
          %dma_start3A_61 = arith.constant 0 : i32
          %dma_start3A_62 = tpu.memref_slice %arg8[%sub3A_31, %dma_start3A_61] : memref<2x80xi32, #tpu.memory_space<vmem>> -> memref<1x80xi32, #tpu.memory_space<vmem>>
          %dma_start3A_63 = tpu.memref_squeeze %dma_start3A_62 : memref<1x80xi32, #tpu.memory_space<vmem>> -> memref<80xi32, #tpu.memory_space<vmem>>
          %dma_start3A_64 = tpu.memref_slice %arg4[%add3A_49] : memref<320000xi32, #tpu.memory_space<hbm>> -> memref<80xi32, #tpu.memory_space<hbm>>
          %dma_start3A_65 = arith.constant 0 : i32
          %dma_start3A_66 = tpu.memref_slice %arg8[%sub3A_31, %dma_start3A_65] : memref<2x80xi32, #tpu.memory_space<vmem>> -> memref<1x80xi32, #tpu.memory_space<vmem>>
          %dma_start3A_67 = tpu.memref_squeeze %dma_start3A_66 : memref<1x80xi32, #tpu.memory_space<vmem>> -> memref<80xi32, #tpu.memory_space<vmem>>
          %dma_start3A_68 = tpu.memref_slice %arg4[%add3A_49] : memref<320000xi32, #tpu.memory_space<hbm>> -> memref<80xi32, #tpu.memory_space<hbm>>
          tpu.enqueue_dma source(%dma_start3A_68 : memref<80xi32, #tpu.memory_space<hbm>>) target(%dma_start3A_67 : memref<80xi32, #tpu.memory_space<vmem>>) target_semaphore(%run_scoped3A_60 : memref<!tpu.dma_semaphore, #tpu.memory_space<semaphore_mem>>)
          %dma_wait3A_69 = arith.constant 0 : i32
          %dma_wait3A_70 = tpu.memref_slice %arg8[%sub3A_31, %dma_wait3A_69] : memref<2x80xi32, #tpu.memory_space<vmem>> -> memref<1x80xi32, #tpu.memory_space<vmem>>
          %dma_wait3A_71 = tpu.memref_squeeze %dma_wait3A_70 : memref<1x80xi32, #tpu.memory_space<vmem>> -> memref<80xi32, #tpu.memory_space<vmem>>
          %dma_wait3A_72 = tpu.memref_slice %arg4[%add3A_49] : memref<320000xi32, #tpu.memory_space<hbm>> -> memref<80xi32, #tpu.memory_space<hbm>>
          %dma_wait3A_73 = arith.constant 0 : i32
          %dma_wait3A_74 = tpu.memref_slice %arg8[%sub3A_31, %dma_wait3A_73] : memref<2x80xi32, #tpu.memory_space<vmem>> -> memref<1x80xi32, #tpu.memory_space<vmem>>
          %dma_wait3A_75 = tpu.memref_squeeze %dma_wait3A_74 : memref<1x80xi32, #tpu.memory_space<vmem>> -> memref<80xi32, #tpu.memory_space<vmem>>
          %dma_wait3A_76 = tpu.memref_slice %arg4[%add3A_49] : memref<320000xi32, #tpu.memory_space<hbm>> -> memref<80xi32, #tpu.memory_space<hbm>>
          tpu.wait_dma2 semaphore(%run_scoped3A_60 : memref<!tpu.dma_semaphore, #tpu.memory_space<semaphore_mem>>) src(%dma_wait3A_76 : memref<80xi32, #tpu.memory_space<hbm>>) dst(%dma_wait3A_75 : memref<80xi32, #tpu.memory_space<vmem>>)
          tpu.yield
        }) : () -> ()
        %dma_start3A_50 = arith.constant 0 : i32
        %dma_start3A_51 = arith.constant 0 : i32
        %dma_start3A_52 = tpu.memref_slice %arg9[%sub3A_31, %dma_start3A_50, %dma_start3A_51] : memref<2x80x160xf32, #tpu.memory_space<vmem>> -> memref<1x80x160xf32, #tpu.memory_space<vmem>>
        %dma_start3A_53 = tpu.memref_squeeze %dma_start3A_52 : memref<1x80x160xf32, #tpu.memory_space<vmem>> -> memref<80x160xf32, #tpu.memory_space<vmem>>
        %dma_start3A_54 = arith.constant 0 : i32
        %dma_start3A_55 = tpu.memref_slice %arg7[%sub3A_31, %dma_start3A_54] : memref<2x80xi32, #tpu.memory_space<vmem>> -> memref<1x80xi32, #tpu.memory_space<vmem>>
        %dma_start3A_56 = tpu.memref_squeeze %dma_start3A_55 : memref<1x80xi32, #tpu.memory_space<vmem>> -> memref<80xi32, #tpu.memory_space<vmem>>
        %dma_start3A_57 = arith.constant 0 : i32
        %dma_start3A_58 = arith.constant 0 : i32
        %dma_start3A_59 = tpu.memref_slice %arg2[%dma_start3A_57, %dma_start3A_58] : memref<10000x160xf32, #tpu.memory_space<hbm>> -> memref<10000x160xf32, #tpu.memory_space<hbm>>
        tpu.enqueue_indirect_dma source(%dma_start3A_59 : memref<10000x160xf32, #tpu.memory_space<hbm>>) target(%dma_start3A_53 : memref<80x160xf32, #tpu.memory_space<vmem>>) offsets(%dma_start3A_56 : memref<80xi32, #tpu.memory_space<vmem>>) semaphore(%arg11 : memref<!tpu.dma_semaphore, #tpu.memory_space<semaphore_mem>>)
      } else {
      }
      %dma_wait3A = arith.constant 0 : i32
      %dma_wait3A_36 = arith.constant 0 : i32
      %dma_wait3A_37 = tpu.memref_slice %arg9[%rem3A_30, %dma_wait3A, %dma_wait3A_36] : memref<2x80x160xf32, #tpu.memory_space<vmem>> -> memref<1x80x160xf32, #tpu.memory_space<vmem>>
      %dma_wait3A_38 = tpu.memref_squeeze %dma_wait3A_37 : memref<1x80x160xf32, #tpu.memory_space<vmem>> -> memref<80x160xf32, #tpu.memory_space<vmem>>
      %dma_wait3A_39 = arith.constant 0 : i32
      %dma_wait3A_40 = tpu.memref_slice %arg7[%rem3A_30, %dma_wait3A_39] : memref<2x80xi32, #tpu.memory_space<vmem>> -> memref<1x80xi32, #tpu.memory_space<vmem>>
      %dma_wait3A_41 = tpu.memref_squeeze %dma_wait3A_40 : memref<1x80xi32, #tpu.memory_space<vmem>> -> memref<80xi32, #tpu.memory_space<vmem>>
      %dma_wait3A_42 = arith.constant 0 : i32
      %dma_wait3A_43 = arith.constant 0 : i32
      %dma_wait3A_44 = tpu.memref_slice %arg2[%dma_wait3A_42, %dma_wait3A_43] : memref<10000x160xf32, #tpu.memory_space<hbm>> -> memref<10000x160xf32, #tpu.memory_space<hbm>>
      tpu.wait_indirect_dma semaphore(%arg11 : memref<!tpu.dma_semaphore, #tpu.memory_space<semaphore_mem>>) src(%dma_wait3A_44 : memref<10000x160xf32, #tpu.memory_space<hbm>>) dst(%dma_wait3A_38 : memref<80x160xf32, #tpu.memory_space<vmem>>)
      "tpu.region"() ({
        %run_scoped3A_45 = tpu.sem_alloc : memref<!tpu.dma_semaphore, #tpu.memory_space<semaphore_mem>>
        %dma_start3A_46 = arith.constant 0 : i32
        %dma_start3A_47 = arith.constant 0 : i32
        %dma_start3A_48 = tpu.memref_slice %arg9[%rem3A_30, %dma_start3A_46, %dma_start3A_47] : memref<2x80x160xf32, #tpu.memory_space<vmem>> -> memref<1x80x160xf32, #tpu.memory_space<vmem>>
        %dma_start3A_49 = tpu.memref_squeeze %dma_start3A_48 : memref<1x80x160xf32, #tpu.memory_space<vmem>> -> memref<80x160xf32, #tpu.memory_space<vmem>>
        %dma_start3A_50 = arith.constant 0 : i32
        %dma_start3A_51 = tpu.memref_slice %arg8[%rem3A_30, %dma_start3A_50] : memref<2x80xi32, #tpu.memory_space<vmem>> -> memref<1x80xi32, #tpu.memory_space<vmem>>
        %dma_start3A_52 = tpu.memref_squeeze %dma_start3A_51 : memref<1x80xi32, #tpu.memory_space<vmem>> -> memref<80xi32, #tpu.memory_space<vmem>>
        %dma_start3A_53 = arith.constant 0 : i32
        %dma_start3A_54 = arith.constant 0 : i32
        %dma_start3A_55 = tpu.memref_slice %arg10[%dma_start3A_53, %dma_start3A_54] : memref<10240x160xf32, #tpu.memory_space<vmem_shared>> -> memref<10240x160xf32, #tpu.memory_space<vmem_shared>>
        tpu.enqueue_indirect_dma source(%dma_start3A_49 : memref<80x160xf32, #tpu.memory_space<vmem>>) target(%dma_start3A_55 : memref<10240x160xf32, #tpu.memory_space<vmem_shared>>) offsets(%dma_start3A_52 : memref<80xi32, #tpu.memory_space<vmem>>) semaphore(%run_scoped3A_45 : memref<!tpu.dma_semaphore, #tpu.memory_space<semaphore_mem>>) {add = true}
        %dma_wait3A_56 = arith.constant 0 : i32
        %dma_wait3A_57 = arith.constant 0 : i32
        %dma_wait3A_58 = tpu.memref_slice %arg9[%rem3A_30, %dma_wait3A_56, %dma_wait3A_57] : memref<2x80x160xf32, #tpu.memory_space<vmem>> -> memref<1x80x160xf32, #tpu.memory_space<vmem>>
        %dma_wait3A_59 = tpu.memref_squeeze %dma_wait3A_58 : memref<1x80x160xf32, #tpu.memory_space<vmem>> -> memref<80x160xf32, #tpu.memory_space<vmem>>
        %dma_wait3A_60 = arith.constant 0 : i32
        %dma_wait3A_61 = tpu.memref_slice %arg8[%rem3A_30, %dma_wait3A_60] : memref<2x80xi32, #tpu.memory_space<vmem>> -> memref<1x80xi32, #tpu.memory_space<vmem>>
        %dma_wait3A_62 = tpu.memref_squeeze %dma_wait3A_61 : memref<1x80xi32, #tpu.memory_space<vmem>> -> memref<80xi32, #tpu.memory_space<vmem>>
        %dma_wait3A_63 = arith.constant 0 : i32
        %dma_wait3A_64 = arith.constant 0 : i32
        %dma_wait3A_65 = tpu.memref_slice %arg10[%dma_wait3A_63, %dma_wait3A_64] : memref<10240x160xf32, #tpu.memory_space<vmem_shared>> -> memref<10240x160xf32, #tpu.memory_space<vmem_shared>>
        tpu.wait_indirect_dma semaphore(%run_scoped3A_45 : memref<!tpu.dma_semaphore, #tpu.memory_space<semaphore_mem>>) src(%dma_wait3A_59 : memref<80x160xf32, #tpu.memory_space<vmem>>) dst(%dma_wait3A_65 : memref<10240x160xf32, #tpu.memory_space<vmem_shared>>)
        tpu.yield
      }) : () -> ()
    }
    %scan3A_23 = arith.constant 125 : i32
    %barrier3A_24 = arith.constant 0 : index
    tpu.barrier barrier_id(%barrier3A_24)
    %mul3A_25 = arith.constant 640 : i32
    %mul3A_26 = arith.muli %arg1, %mul3A_25 : i32
    %mul3A_27 = arith.constant 640 : i32
    %mul3A_28 = arith.muli %arg1, %mul3A_27 : i32
    "tpu.region"() ({
      %run_scoped3A_29 = tpu.sem_alloc : memref<!tpu.dma_semaphore, #tpu.memory_space<semaphore_mem>>
      %dma_start3A_30 = arith.constant 0 : i32
      %dma_start3A_31 = tpu.memref_slice %arg6[%arg0, %mul3A_28, %dma_start3A_30] : memref<2x10240x160xf32, #tpu.memory_space<hbm>> -> memref<1x640x160xf32, #tpu.memory_space<hbm>>
      %dma_start3A_32 = tpu.memref_squeeze %dma_start3A_31 : memref<1x640x160xf32, #tpu.memory_space<hbm>> -> memref<640x160xf32, #tpu.memory_space<hbm>>
      %dma_start3A_33 = arith.constant 0 : i32
      %dma_start3A_34 = tpu.memref_slice %arg10[%mul3A_26, %dma_start3A_33] : memref<10240x160xf32, #tpu.memory_space<vmem_shared>> -> memref<640x160xf32, #tpu.memory_space<vmem_shared>>
      tpu.enqueue_dma source(%dma_start3A_34 : memref<640x160xf32, #tpu.memory_space<vmem_shared>>) target(%dma_start3A_32 : memref<640x160xf32, #tpu.memory_space<hbm>>) target_semaphore(%run_scoped3A_29 : memref<!tpu.dma_semaphore, #tpu.memory_space<semaphore_mem>>)
      %dma_wait3A = arith.constant 0 : i32
      %dma_wait3A_35 = tpu.memref_slice %arg6[%arg0, %mul3A_28, %dma_wait3A] : memref<2x10240x160xf32, #tpu.memory_space<hbm>> -> memref<1x640x160xf32, #tpu.memory_space<hbm>>
      %dma_wait3A_36 = tpu.memref_squeeze %dma_wait3A_35 : memref<1x640x160xf32, #tpu.memory_space<hbm>> -> memref<640x160xf32, #tpu.memory_space<hbm>>
      %dma_wait3A_37 = arith.constant 0 : i32
      %dma_wait3A_38 = tpu.memref_slice %arg10[%mul3A_26, %dma_wait3A_37] : memref<10240x160xf32, #tpu.memory_space<vmem_shared>> -> memref<640x160xf32, #tpu.memory_space<vmem_shared>>
      tpu.wait_dma2 semaphore(%run_scoped3A_29 : memref<!tpu.dma_semaphore, #tpu.memory_space<semaphore_mem>>) src(%dma_wait3A_38 : memref<640x160xf32, #tpu.memory_space<vmem_shared>>) dst(%dma_wait3A_36 : memref<640x160xf32, #tpu.memory_space<hbm>>)
      tpu.yield
    }) : () -> ()
    return
  }
}

#map = affine_map<(d0, d1) -> (0, 0)>
#map1 = affine_map<(d0, d1) -> (0)>
#map2 = affine_map<(d0, d1) -> (0, 0, 0)>
module attributes {stable_mosaic.version = 14 : i64} {
  func.func @k(%arg0: i32, %arg1: i32, %arg2: memref<10000x160xf32, #tpu.memory_space<hbm>>, %arg3: memref<320000xi32, #tpu.memory_space<hbm>>, %arg4: memref<320000xi32, #tpu.memory_space<hbm>>, %arg5: memref<10240x160xf32, #tpu.memory_space<hbm>>, %arg6: memref<2x10240x160xf32, #tpu.memory_space<hbm>>, %arg7: memref<2x80xi32, #tpu.memory_space<vmem>>, %arg8: memref<2x80xi32, #tpu.memory_space<vmem>>, %arg9: memref<2x80x160xf32, #tpu.memory_space<vmem>>, %arg10: memref<10240x160xf32, #tpu.memory_space<vmem_shared>>, %arg11: memref<!tpu.dma_semaphore, #tpu.memory_space<semaphore_mem>>) attributes {dimension_semantics = [#tpu.dimension_semantics<core_parallel>, #tpu.dimension_semantics<subcore_parallel>], iteration_bounds = array<i64: 2, 16>, scalar_prefetch = 0 : i64, scratch_operands = 5 : i64, tpu.core_type = #tpu.core_type<sc_vector_subcore>, window_params = [{transform_indices = #map}, {transform_indices = #map1}, {transform_indices = #map1}, {transform_indices = #map}, {transform_indices = #map2}]} {
    %mul3A = arith.constant 640 : i32
    %mul3A_0 = arith.muli %arg1, %mul3A : i32
    %mul3A_1 = arith.constant 640 : i32
    %mul3A_2 = arith.muli %arg1, %mul3A_1 : i32
    "tpu.region"() ({
      %run_scoped3A_29 = tpu.sem_alloc : memref<!tpu.dma_semaphore, #tpu.memory_space<semaphore_mem>>
      %dma_start3A_30 = arith.constant 0 : i32
      %dma_start3A_31 = tpu.memref_slice %arg10[%mul3A_2, %dma_start3A_30] : memref<10240x160xf32, #tpu.memory_space<vmem_shared>> -> memref<640x160xf32, #tpu.memory_space<vmem_shared>>
      %dma_start3A_32 = arith.constant 0 : i32
      %dma_start3A_33 = tpu.memref_slice %arg5[%mul3A_0, %dma_start3A_32] : memref<10240x160xf32, #tpu.memory_space<hbm>> -> memref<640x160xf32, #tpu.memory_space<hbm>>
      tpu.enqueue_dma source(%dma_start3A_33 : memref<640x160xf32, #tpu.memory_space<hbm>>) target(%dma_start3A_31 : memref<640x160xf32, #tpu.memory_space<vmem_shared>>) target_semaphore(%run_scoped3A_29 : memref<!tpu.dma_semaphore, #tpu.memory_space<semaphore_mem>>)
      %dma_wait3A = arith.constant 0 : i32
      %dma_wait3A_34 = tpu.memref_slice %arg10[%mul3A_2, %dma_wait3A] : memref<10240x160xf32, #tpu.memory_space<vmem_shared>> -> memref<640x160xf32, #tpu.memory_space<vmem_shared>>
      %dma_wait3A_35 = arith.constant 0 : i32
      %dma_wait3A_36 = tpu.memref_slice %arg5[%mul3A_0, %dma_wait3A_35] : memref<10240x160xf32, #tpu.memory_space<hbm>> -> memref<640x160xf32, #tpu.memory_space<hbm>>
      tpu.wait_dma2 semaphore(%run_scoped3A_29 : memref<!tpu.dma_semaphore, #tpu.memory_space<semaphore_mem>>) src(%dma_wait3A_36 : memref<640x160xf32, #tpu.memory_space<hbm>>) dst(%dma_wait3A_34 : memref<640x160xf32, #tpu.memory_space<vmem_shared>>)
      tpu.yield
    }) : () -> ()
    %barrier3A = arith.constant 0 : index
    tpu.barrier barrier_id(%barrier3A)
    %mul3A_3 = arith.constant 16 : i32
    %mul3A_4 = arith.muli %arg0, %mul3A_3 : i32
    %add3A = arith.addi %mul3A_4, %arg1 : i32
    %mul3A_5 = arith.constant 10000 : i32
    %mul3A_6 = arith.muli %add3A, %mul3A_5 : i32
    %run_scoped3A = arith.constant 0 : i32
    "tpu.region"() ({
      %run_scoped3A_29 = tpu.sem_alloc : memref<!tpu.dma_semaphore, #tpu.memory_space<semaphore_mem>>
      %dma_start3A_30 = arith.constant 0 : i32
      %dma_start3A_31 = tpu.memref_slice %arg7[%run_scoped3A, %dma_start3A_30] : memref<2x80xi32, #tpu.memory_space<vmem>> -> memref<1x80xi32, #tpu.memory_space<vmem>>
      %dma_start3A_32 = tpu.memref_squeeze %dma_start3A_31 : memref<1x80xi32, #tpu.memory_space<vmem>> -> memref<80xi32, #tpu.memory_space<vmem>>
      %dma_start3A_33 = tpu.memref_slice %arg3[%mul3A_6] : memref<320000xi32, #tpu.memory_space<hbm>> -> memref<80xi32, #tpu.memory_space<hbm>>
      %dma_start3A_34 = arith.constant 0 : i32
      %dma_start3A_35 = tpu.memref_slice %arg7[%run_scoped3A, %dma_start3A_34] : memref<2x80xi32, #tpu.memory_space<vmem>> -> memref<1x80xi32, #tpu.memory_space<vmem>>
      %dma_start3A_36 = tpu.memref_squeeze %dma_start3A_35 : memref<1x80xi32, #tpu.memory_space<vmem>> -> memref<80xi32, #tpu.memory_space<vmem>>
      %dma_start3A_37 = tpu.memref_slice %arg3[%mul3A_6] : memref<320000xi32, #tpu.memory_space<hbm>> -> memref<80xi32, #tpu.memory_space<hbm>>
      tpu.enqueue_dma source(%dma_start3A_37 : memref<80xi32, #tpu.memory_space<hbm>>) target(%dma_start3A_36 : memref<80xi32, #tpu.memory_space<vmem>>) target_semaphore(%run_scoped3A_29 : memref<!tpu.dma_semaphore, #tpu.memory_space<semaphore_mem>>)
      %dma_wait3A = arith.constant 0 : i32
      %dma_wait3A_38 = tpu.memref_slice %arg7[%run_scoped3A, %dma_wait3A] : memref<2x80xi32, #tpu.memory_space<vmem>> -> memref<1x80xi32, #tpu.memory_space<vmem>>
      %dma_wait3A_39 = tpu.memref_squeeze %dma_wait3A_38 : memref<1x80xi32, #tpu.memory_space<vmem>> -> memref<80xi32, #tpu.memory_space<vmem>>
      %dma_wait3A_40 = tpu.memref_slice %arg3[%mul3A_6] : memref<320000xi32, #tpu.memory_space<hbm>> -> memref<80xi32, #tpu.memory_space<hbm>>
      %dma_wait3A_41 = arith.constant 0 : i32
      %dma_wait3A_42 = tpu.memref_slice %arg7[%run_scoped3A, %dma_wait3A_41] : memref<2x80xi32, #tpu.memory_space<vmem>> -> memref<1x80xi32, #tpu.memory_space<vmem>>
      %dma_wait3A_43 = tpu.memref_squeeze %dma_wait3A_42 : memref<1x80xi32, #tpu.memory_space<vmem>> -> memref<80xi32, #tpu.memory_space<vmem>>
      %dma_wait3A_44 = tpu.memref_slice %arg3[%mul3A_6] : memref<320000xi32, #tpu.memory_space<hbm>> -> memref<80xi32, #tpu.memory_space<hbm>>
      tpu.wait_dma2 semaphore(%run_scoped3A_29 : memref<!tpu.dma_semaphore, #tpu.memory_space<semaphore_mem>>) src(%dma_wait3A_44 : memref<80xi32, #tpu.memory_space<hbm>>) dst(%dma_wait3A_43 : memref<80xi32, #tpu.memory_space<vmem>>)
      tpu.yield
    }) : () -> ()
    %run_scoped3A_7 = arith.constant 0 : i32
    "tpu.region"() ({
      %run_scoped3A_29 = tpu.sem_alloc : memref<!tpu.dma_semaphore, #tpu.memory_space<semaphore_mem>>
      %dma_start3A_30 = arith.constant 0 : i32
      %dma_start3A_31 = tpu.memref_slice %arg8[%run_scoped3A_7, %dma_start3A_30] : memref<2x80xi32, #tpu.memory_space<vmem>> -> memref<1x80xi32, #tpu.memory_space<vmem>>
      %dma_start3A_32 = tpu.memref_squeeze %dma_start3A_31 : memref<1x80xi32, #tpu.memory_space<vmem>> -> memref<80xi32, #tpu.memory_space<vmem>>
      %dma_start3A_33 = tpu.memref_slice %arg4[%mul3A_6] : memref<320000xi32, #tpu.memory_space<hbm>> -> memref<80xi32, #tpu.memory_space<hbm>>
      %dma_start3A_34 = arith.constant 0 : i32
      %dma_start3A_35 = tpu.memref_slice %arg8[%run_scoped3A_7, %dma_start3A_34] : memref<2x80xi32, #tpu.memory_space<vmem>> -> memref<1x80xi32, #tpu.memory_space<vmem>>
      %dma_start3A_36 = tpu.memref_squeeze %dma_start3A_35 : memref<1x80xi32, #tpu.memory_space<vmem>> -> memref<80xi32, #tpu.memory_space<vmem>>
      %dma_start3A_37 = tpu.memref_slice %arg4[%mul3A_6] : memref<320000xi32, #tpu.memory_space<hbm>> -> memref<80xi32, #tpu.memory_space<hbm>>
      tpu.enqueue_dma source(%dma_start3A_37 : memref<80xi32, #tpu.memory_space<hbm>>) target(%dma_start3A_36 : memref<80xi32, #tpu.memory_space<vmem>>) target_semaphore(%run_scoped3A_29 : memref<!tpu.dma_semaphore, #tpu.memory_space<semaphore_mem>>)
      %dma_wait3A = arith.constant 0 : i32
      %dma_wait3A_38 = tpu.memref_slice %arg8[%run_scoped3A_7, %dma_wait3A] : memref<2x80xi32, #tpu.memory_space<vmem>> -> memref<1x80xi32, #tpu.memory_space<vmem>>
      %dma_wait3A_39 = tpu.memref_squeeze %dma_wait3A_38 : memref<1x80xi32, #tpu.memory_space<vmem>> -> memref<80xi32, #tpu.memory_space<vmem>>
      %dma_wait3A_40 = tpu.memref_slice %arg4[%mul3A_6] : memref<320000xi32, #tpu.memory_space<hbm>> -> memref<80xi32, #tpu.memory_space<hbm>>
      %dma_wait3A_41 = arith.constant 0 : i32
      %dma_wait3A_42 = tpu.memref_slice %arg8[%run_scoped3A_7, %dma_wait3A_41] : memref<2x80xi32, #tpu.memory_space<vmem>> -> memref<1x80xi32, #tpu.memory_space<vmem>>
      %dma_wait3A_43 = tpu.memref_squeeze %dma_wait3A_42 : memref<1x80xi32, #tpu.memory_space<vmem>> -> memref<80xi32, #tpu.memory_space<vmem>>
      %dma_wait3A_44 = tpu.memref_slice %arg4[%mul3A_6] : memref<320000xi32, #tpu.memory_space<hbm>> -> memref<80xi32, #tpu.memory_space<hbm>>
      tpu.wait_dma2 semaphore(%run_scoped3A_29 : memref<!tpu.dma_semaphore, #tpu.memory_space<semaphore_mem>>) src(%dma_wait3A_44 : memref<80xi32, #tpu.memory_space<hbm>>) dst(%dma_wait3A_43 : memref<80xi32, #tpu.memory_space<vmem>>)
      tpu.yield
    }) : () -> ()
    %dma_start3A = arith.constant 0 : i32
    %dma_start3A_8 = arith.constant 0 : i32
    %dma_start3A_9 = arith.constant 0 : i32
    %dma_start3A_10 = arith.constant 0 : i32
    %dma_start3A_11 = tpu.memref_slice %arg9[%dma_start3A_8, %dma_start3A_9, %dma_start3A_10] : memref<2x80x160xf32, #tpu.memory_space<vmem>> -> memref<1x80x160xf32, #tpu.memory_space<vmem>>
    %dma_start3A_12 = tpu.memref_squeeze %dma_start3A_11 : memref<1x80x160xf32, #tpu.memory_space<vmem>> -> memref<80x160xf32, #tpu.memory_space<vmem>>
    %dma_start3A_13 = arith.constant 0 : i32
    %dma_start3A_14 = tpu.memref_slice %arg7[%dma_start3A, %dma_start3A_13] : memref<2x80xi32, #tpu.memory_space<vmem>> -> memref<1x80xi32, #tpu.memory_space<vmem>>
    %dma_start3A_15 = tpu.memref_squeeze %dma_start3A_14 : memref<1x80xi32, #tpu.memory_space<vmem>> -> memref<80xi32, #tpu.memory_space<vmem>>
    %dma_start3A_16 = arith.constant 0 : i32
    %dma_start3A_17 = arith.constant 0 : i32
    %dma_start3A_18 = tpu.memref_slice %arg2[%dma_start3A_16, %dma_start3A_17] : memref<10000x160xf32, #tpu.memory_space<hbm>> -> memref<10000x160xf32, #tpu.memory_space<hbm>>
    tpu.enqueue_indirect_dma source(%dma_start3A_18 : memref<10000x160xf32, #tpu.memory_space<hbm>>) target(%dma_start3A_12 : memref<80x160xf32, #tpu.memory_space<vmem>>) offsets(%dma_start3A_15 : memref<80xi32, #tpu.memory_space<vmem>>) semaphore(%arg11 : memref<!tpu.dma_semaphore, #tpu.memory_space<semaphore_mem>>)
    %scan3A = arith.constant 0 : i32
    %scan3A_19 = arith.constant 0 : i32
    %scan3A_20 = arith.constant 125 : i32
    %scan3A_21 = arith.addi %scan3A_19, %scan3A_20 : i32
    %scan3A_22 = arith.constant 1 : i32
    scf.for %scan3A_29 = %scan3A_19 to %scan3A_21 step %scan3A_22  : i32 {
      %rem3A = arith.constant 2 : i32
      %rem3A_30 = arith.remsi %scan3A_29, %rem3A : i32
      %sub3A = arith.constant 1 : i32
      %sub3A_31 = arith.subi %sub3A, %rem3A_30 : i32
      %add3A_32 = arith.constant 1 : i32
      %add3A_33 = arith.addi %scan3A_29, %add3A_32 : i32
      %lt3A = arith.constant 125 : i32
      %lt3A_34 = arith.cmpi slt, %add3A_33, %lt3A : i32
      %convert_element_type3A = arith.extui %lt3A_34 : i1 to i32
      %cond3A = arith.constant 0 : i32
      %cond3A_35 = arith.cmpi ne, %convert_element_type3A, %cond3A : i32
      scf.if %cond3A_35 {
        %add3A_45 = arith.constant 1 : i32
        %add3A_46 = arith.addi %scan3A_29, %add3A_45 : i32
        %mul3A_47 = arith.constant 80 : i32
        %mul3A_48 = arith.muli %add3A_46, %mul3A_47 : i32
        %add3A_49 = arith.addi %mul3A_6, %mul3A_48 : i32
        "tpu.region"() ({
          %run_scoped3A_60 = tpu.sem_alloc : memref<!tpu.dma_semaphore, #tpu.memory_space<semaphore_mem>>
          %dma_start3A_61 = arith.constant 0 : i32
          %dma_start3A_62 = tpu.memref_slice %arg7[%sub3A_31, %dma_start3A_61] : memref<2x80xi32, #tpu.memory_space<vmem>> -> memref<1x80xi32, #tpu.memory_space<vmem>>
          %dma_start3A_63 = tpu.memref_squeeze %dma_start3A_62 : memref<1x80xi32, #tpu.memory_space<vmem>> -> memref<80xi32, #tpu.memory_space<vmem>>
          %dma_start3A_64 = tpu.memref_slice %arg3[%add3A_49] : memref<320000xi32, #tpu.memory_space<hbm>> -> memref<80xi32, #tpu.memory_space<hbm>>
          %dma_start3A_65 = arith.constant 0 : i32
          %dma_start3A_66 = tpu.memref_slice %arg7[%sub3A_31, %dma_start3A_65] : memref<2x80xi32, #tpu.memory_space<vmem>> -> memref<1x80xi32, #tpu.memory_space<vmem>>
          %dma_start3A_67 = tpu.memref_squeeze %dma_start3A_66 : memref<1x80xi32, #tpu.memory_space<vmem>> -> memref<80xi32, #tpu.memory_space<vmem>>
          %dma_start3A_68 = tpu.memref_slice %arg3[%add3A_49] : memref<320000xi32, #tpu.memory_space<hbm>> -> memref<80xi32, #tpu.memory_space<hbm>>
          tpu.enqueue_dma source(%dma_start3A_68 : memref<80xi32, #tpu.memory_space<hbm>>) target(%dma_start3A_67 : memref<80xi32, #tpu.memory_space<vmem>>) target_semaphore(%run_scoped3A_60 : memref<!tpu.dma_semaphore, #tpu.memory_space<semaphore_mem>>)
          %dma_wait3A_69 = arith.constant 0 : i32
          %dma_wait3A_70 = tpu.memref_slice %arg7[%sub3A_31, %dma_wait3A_69] : memref<2x80xi32, #tpu.memory_space<vmem>> -> memref<1x80xi32, #tpu.memory_space<vmem>>
          %dma_wait3A_71 = tpu.memref_squeeze %dma_wait3A_70 : memref<1x80xi32, #tpu.memory_space<vmem>> -> memref<80xi32, #tpu.memory_space<vmem>>
          %dma_wait3A_72 = tpu.memref_slice %arg3[%add3A_49] : memref<320000xi32, #tpu.memory_space<hbm>> -> memref<80xi32, #tpu.memory_space<hbm>>
          %dma_wait3A_73 = arith.constant 0 : i32
          %dma_wait3A_74 = tpu.memref_slice %arg7[%sub3A_31, %dma_wait3A_73] : memref<2x80xi32, #tpu.memory_space<vmem>> -> memref<1x80xi32, #tpu.memory_space<vmem>>
          %dma_wait3A_75 = tpu.memref_squeeze %dma_wait3A_74 : memref<1x80xi32, #tpu.memory_space<vmem>> -> memref<80xi32, #tpu.memory_space<vmem>>
          %dma_wait3A_76 = tpu.memref_slice %arg3[%add3A_49] : memref<320000xi32, #tpu.memory_space<hbm>> -> memref<80xi32, #tpu.memory_space<hbm>>
          tpu.wait_dma2 semaphore(%run_scoped3A_60 : memref<!tpu.dma_semaphore, #tpu.memory_space<semaphore_mem>>) src(%dma_wait3A_76 : memref<80xi32, #tpu.memory_space<hbm>>) dst(%dma_wait3A_75 : memref<80xi32, #tpu.memory_space<vmem>>)
          tpu.yield
        }) : () -> ()
        "tpu.region"() ({
          %run_scoped3A_60 = tpu.sem_alloc : memref<!tpu.dma_semaphore, #tpu.memory_space<semaphore_mem>>
          %dma_start3A_61 = arith.constant 0 : i32
          %dma_start3A_62 = tpu.memref_slice %arg8[%sub3A_31, %dma_start3A_61] : memref<2x80xi32, #tpu.memory_space<vmem>> -> memref<1x80xi32, #tpu.memory_space<vmem>>
          %dma_start3A_63 = tpu.memref_squeeze %dma_start3A_62 : memref<1x80xi32, #tpu.memory_space<vmem>> -> memref<80xi32, #tpu.memory_space<vmem>>
          %dma_start3A_64 = tpu.memref_slice %arg4[%add3A_49] : memref<320000xi32, #tpu.memory_space<hbm>> -> memref<80xi32, #tpu.memory_space<hbm>>
          %dma_start3A_65 = arith.constant 0 : i32
          %dma_start3A_66 = tpu.memref_slice %arg8[%sub3A_31, %dma_start3A_65] : memref<2x80xi32, #tpu.memory_space<vmem>> -> memref<1x80xi32, #tpu.memory_space<vmem>>
          %dma_start3A_67 = tpu.memref_squeeze %dma_start3A_66 : memref<1x80xi32, #tpu.memory_space<vmem>> -> memref<80xi32, #tpu.memory_space<vmem>>
          %dma_start3A_68 = tpu.memref_slice %arg4[%add3A_49] : memref<320000xi32, #tpu.memory_space<hbm>> -> memref<80xi32, #tpu.memory_space<hbm>>
          tpu.enqueue_dma source(%dma_start3A_68 : memref<80xi32, #tpu.memory_space<hbm>>) target(%dma_start3A_67 : memref<80xi32, #tpu.memory_space<vmem>>) target_semaphore(%run_scoped3A_60 : memref<!tpu.dma_semaphore, #tpu.memory_space<semaphore_mem>>)
          %dma_wait3A_69 = arith.constant 0 : i32
          %dma_wait3A_70 = tpu.memref_slice %arg8[%sub3A_31, %dma_wait3A_69] : memref<2x80xi32, #tpu.memory_space<vmem>> -> memref<1x80xi32, #tpu.memory_space<vmem>>
          %dma_wait3A_71 = tpu.memref_squeeze %dma_wait3A_70 : memref<1x80xi32, #tpu.memory_space<vmem>> -> memref<80xi32, #tpu.memory_space<vmem>>
          %dma_wait3A_72 = tpu.memref_slice %arg4[%add3A_49] : memref<320000xi32, #tpu.memory_space<hbm>> -> memref<80xi32, #tpu.memory_space<hbm>>
          %dma_wait3A_73 = arith.constant 0 : i32
          %dma_wait3A_74 = tpu.memref_slice %arg8[%sub3A_31, %dma_wait3A_73] : memref<2x80xi32, #tpu.memory_space<vmem>> -> memref<1x80xi32, #tpu.memory_space<vmem>>
          %dma_wait3A_75 = tpu.memref_squeeze %dma_wait3A_74 : memref<1x80xi32, #tpu.memory_space<vmem>> -> memref<80xi32, #tpu.memory_space<vmem>>
          %dma_wait3A_76 = tpu.memref_slice %arg4[%add3A_49] : memref<320000xi32, #tpu.memory_space<hbm>> -> memref<80xi32, #tpu.memory_space<hbm>>
          tpu.wait_dma2 semaphore(%run_scoped3A_60 : memref<!tpu.dma_semaphore, #tpu.memory_space<semaphore_mem>>) src(%dma_wait3A_76 : memref<80xi32, #tpu.memory_space<hbm>>) dst(%dma_wait3A_75 : memref<80xi32, #tpu.memory_space<vmem>>)
          tpu.yield
        }) : () -> ()
        %dma_start3A_50 = arith.constant 0 : i32
        %dma_start3A_51 = arith.constant 0 : i32
        %dma_start3A_52 = tpu.memref_slice %arg9[%sub3A_31, %dma_start3A_50, %dma_start3A_51] : memref<2x80x160xf32, #tpu.memory_space<vmem>> -> memref<1x80x160xf32, #tpu.memory_space<vmem>>
        %dma_start3A_53 = tpu.memref_squeeze %dma_start3A_52 : memref<1x80x160xf32, #tpu.memory_space<vmem>> -> memref<80x160xf32, #tpu.memory_space<vmem>>
        %dma_start3A_54 = arith.constant 0 : i32
        %dma_start3A_55 = tpu.memref_slice %arg7[%sub3A_31, %dma_start3A_54] : memref<2x80xi32, #tpu.memory_space<vmem>> -> memref<1x80xi32, #tpu.memory_space<vmem>>
        %dma_start3A_56 = tpu.memref_squeeze %dma_start3A_55 : memref<1x80xi32, #tpu.memory_space<vmem>> -> memref<80xi32, #tpu.memory_space<vmem>>
        %dma_start3A_57 = arith.constant 0 : i32
        %dma_start3A_58 = arith.constant 0 : i32
        %dma_start3A_59 = tpu.memref_slice %arg2[%dma_start3A_57, %dma_start3A_58] : memref<10000x160xf32, #tpu.memory_space<hbm>> -> memref<10000x160xf32, #tpu.memory_space<hbm>>
        tpu.enqueue_indirect_dma source(%dma_start3A_59 : memref<10000x160xf32, #tpu.memory_space<hbm>>) target(%dma_start3A_53 : memref<80x160xf32, #tpu.memory_space<vmem>>) offsets(%dma_start3A_56 : memref<80xi32, #tpu.memory_space<vmem>>) semaphore(%arg11 : memref<!tpu.dma_semaphore, #tpu.memory_space<semaphore_mem>>)
      } else {
      }
      %dma_wait3A = arith.constant 0 : i32
      %dma_wait3A_36 = arith.constant 0 : i32
      %dma_wait3A_37 = tpu.memref_slice %arg9[%rem3A_30, %dma_wait3A, %dma_wait3A_36] : memref<2x80x160xf32, #tpu.memory_space<vmem>> -> memref<1x80x160xf32, #tpu.memory_space<vmem>>
      %dma_wait3A_38 = tpu.memref_squeeze %dma_wait3A_37 : memref<1x80x160xf32, #tpu.memory_space<vmem>> -> memref<80x160xf32, #tpu.memory_space<vmem>>
      %dma_wait3A_39 = arith.constant 0 : i32
      %dma_wait3A_40 = tpu.memref_slice %arg7[%rem3A_30, %dma_wait3A_39] : memref<2x80xi32, #tpu.memory_space<vmem>> -> memref<1x80xi32, #tpu.memory_space<vmem>>
      %dma_wait3A_41 = tpu.memref_squeeze %dma_wait3A_40 : memref<1x80xi32, #tpu.memory_space<vmem>> -> memref<80xi32, #tpu.memory_space<vmem>>
      %dma_wait3A_42 = arith.constant 0 : i32
      %dma_wait3A_43 = arith.constant 0 : i32
      %dma_wait3A_44 = tpu.memref_slice %arg2[%dma_wait3A_42, %dma_wait3A_43] : memref<10000x160xf32, #tpu.memory_space<hbm>> -> memref<10000x160xf32, #tpu.memory_space<hbm>>
      tpu.wait_indirect_dma semaphore(%arg11 : memref<!tpu.dma_semaphore, #tpu.memory_space<semaphore_mem>>) src(%dma_wait3A_44 : memref<10000x160xf32, #tpu.memory_space<hbm>>) dst(%dma_wait3A_38 : memref<80x160xf32, #tpu.memory_space<vmem>>)
      "tpu.region"() ({
        %run_scoped3A_45 = tpu.sem_alloc : memref<!tpu.dma_semaphore, #tpu.memory_space<semaphore_mem>>
        %dma_start3A_46 = arith.constant 0 : i32
        %dma_start3A_47 = arith.constant 0 : i32
        %dma_start3A_48 = tpu.memref_slice %arg9[%rem3A_30, %dma_start3A_46, %dma_start3A_47] : memref<2x80x160xf32, #tpu.memory_space<vmem>> -> memref<1x80x160xf32, #tpu.memory_space<vmem>>
        %dma_start3A_49 = tpu.memref_squeeze %dma_start3A_48 : memref<1x80x160xf32, #tpu.memory_space<vmem>> -> memref<80x160xf32, #tpu.memory_space<vmem>>
        %dma_start3A_50 = arith.constant 0 : i32
        %dma_start3A_51 = tpu.memref_slice %arg8[%rem3A_30, %dma_start3A_50] : memref<2x80xi32, #tpu.memory_space<vmem>> -> memref<1x80xi32, #tpu.memory_space<vmem>>
        %dma_start3A_52 = tpu.memref_squeeze %dma_start3A_51 : memref<1x80xi32, #tpu.memory_space<vmem>> -> memref<80xi32, #tpu.memory_space<vmem>>
        %dma_start3A_53 = arith.constant 0 : i32
        %dma_start3A_54 = arith.constant 0 : i32
        %dma_start3A_55 = tpu.memref_slice %arg10[%dma_start3A_53, %dma_start3A_54] : memref<10240x160xf32, #tpu.memory_space<vmem_shared>> -> memref<10240x160xf32, #tpu.memory_space<vmem_shared>>
        tpu.enqueue_indirect_dma source(%dma_start3A_49 : memref<80x160xf32, #tpu.memory_space<vmem>>) target(%dma_start3A_55 : memref<10240x160xf32, #tpu.memory_space<vmem_shared>>) offsets(%dma_start3A_52 : memref<80xi32, #tpu.memory_space<vmem>>) semaphore(%run_scoped3A_45 : memref<!tpu.dma_semaphore, #tpu.memory_space<semaphore_mem>>) {add = true}
        %dma_wait3A_56 = arith.constant 0 : i32
        %dma_wait3A_57 = arith.constant 0 : i32
        %dma_wait3A_58 = tpu.memref_slice %arg9[%rem3A_30, %dma_wait3A_56, %dma_wait3A_57] : memref<2x80x160xf32, #tpu.memory_space<vmem>> -> memref<1x80x160xf32, #tpu.memory_space<vmem>>
        %dma_wait3A_59 = tpu.memref_squeeze %dma_wait3A_58 : memref<1x80x160xf32, #tpu.memory_space<vmem>> -> memref<80x160xf32, #tpu.memory_space<vmem>>
        %dma_wait3A_60 = arith.constant 0 : i32
        %dma_wait3A_61 = tpu.memref_slice %arg8[%rem3A_30, %dma_wait3A_60] : memref<2x80xi32, #tpu.memory_space<vmem>> -> memref<1x80xi32, #tpu.memory_space<vmem>>
        %dma_wait3A_62 = tpu.memref_squeeze %dma_wait3A_61 : memref<1x80xi32, #tpu.memory_space<vmem>> -> memref<80xi32, #tpu.memory_space<vmem>>
        %dma_wait3A_63 = arith.constant 0 : i32
        %dma_wait3A_64 = arith.constant 0 : i32
        %dma_wait3A_65 = tpu.memref_slice %arg10[%dma_wait3A_63, %dma_wait3A_64] : memref<10240x160xf32, #tpu.memory_space<vmem_shared>> -> memref<10240x160xf32, #tpu.memory_space<vmem_shared>>
        tpu.wait_indirect_dma semaphore(%run_scoped3A_45 : memref<!tpu.dma_semaphore, #tpu.memory_space<semaphore_mem>>) src(%dma_wait3A_59 : memref<80x160xf32, #tpu.memory_space<vmem>>) dst(%dma_wait3A_65 : memref<10240x160xf32, #tpu.memory_space<vmem_shared>>)
        tpu.yield
      }) : () -> ()
    }
    %scan3A_23 = arith.constant 125 : i32
    %barrier3A_24 = arith.constant 0 : index
    tpu.barrier barrier_id(%barrier3A_24)
    %mul3A_25 = arith.constant 640 : i32
    %mul3A_26 = arith.muli %arg1, %mul3A_25 : i32
    %mul3A_27 = arith.constant 640 : i32
    %mul3A_28 = arith.muli %arg1, %mul3A_27 : i32
    "tpu.region"() ({
      %run_scoped3A_29 = tpu.sem_alloc : memref<!tpu.dma_semaphore, #tpu.memory_space<semaphore_mem>>
      %dma_start3A_30 = arith.constant 0 : i32
      %dma_start3A_31 = tpu.memref_slice %arg6[%arg0, %mul3A_28, %dma_start3A_30] : memref<2x10240x160xf32, #tpu.memory_space<hbm>> -> memref<1x640x160xf32, #tpu.memory_space<hbm>>
      %dma_start3A_32 = tpu.memref_squeeze %dma_start3A_31 : memref<1x640x160xf32, #tpu.memory_space<hbm>> -> memref<640x160xf32, #tpu.memory_space<hbm>>
      %dma_start3A_33 = arith.constant 0 : i32
      %dma_start3A_34 = tpu.memref_slice %arg10[%mul3A_26, %dma_start3A_33] : memref<10240x160xf32, #tpu.memory_space<vmem_shared>> -> memref<640x160xf32, #tpu.memory_space<vmem_shared>>
      tpu.enqueue_dma source(%dma_start3A_34 : memref<640x160xf32, #tpu.memory_space<vmem_shared>>) target(%dma_start3A_32 : memref<640x160xf32, #tpu.memory_space<hbm>>) target_semaphore(%run_scoped3A_29 : memref<!tpu.dma_semaphore, #tpu.memory_space<semaphore_mem>>)
      %dma_wait3A = arith.constant 0 : i32
      %dma_wait3A_35 = tpu.memref_slice %arg6[%arg0, %mul3A_28, %dma_wait3A] : memref<2x10240x160xf32, #tpu.memory_space<hbm>> -> memref<1x640x160xf32, #tpu.memory_space<hbm>>
      %dma_wait3A_36 = tpu.memref_squeeze %dma_wait3A_35 : memref<1x640x160xf32, #tpu.memory_space<hbm>> -> memref<640x160xf32, #tpu.memory_space<hbm>>
      %dma_wait3A_37 = arith.constant 0 : i32
      %dma_wait3A_38 = tpu.memref_slice %arg10[%mul3A_26, %dma_wait3A_37] : memref<10240x160xf32, #tpu.memory_space<vmem_shared>> -> memref<640x160xf32, #tpu.memory_space<vmem_shared>>
      tpu.wait_dma2 semaphore(%run_scoped3A_29 : memref<!tpu.dma_semaphore, #tpu.memory_space<semaphore_mem>>) src(%dma_wait3A_38 : memref<640x160xf32, #tpu.memory_space<vmem_shared>>) dst(%dma_wait3A_36 : memref<640x160xf32, #tpu.memory_space<hbm>>)
      tpu.yield
    }) : () -> ()
    return
  }
}

#map = affine_map<(d0, d1) -> (0, 0)>
#map1 = affine_map<(d0, d1) -> (0)>
#map2 = affine_map<(d0, d1) -> (0, 0, 0)>
module attributes {stable_mosaic.version = 14 : i64} {
  func.func @k(%arg0: i32, %arg1: i32, %arg2: memref<10000x160xf32, #tpu.memory_space<hbm>>, %arg3: memref<320000xi32, #tpu.memory_space<hbm>>, %arg4: memref<320000xi32, #tpu.memory_space<hbm>>, %arg5: memref<10240x160xf32, #tpu.memory_space<hbm>>, %arg6: memref<2x10240x160xf32, #tpu.memory_space<hbm>>, %arg7: memref<2x80xi32, #tpu.memory_space<vmem>>, %arg8: memref<2x80xi32, #tpu.memory_space<vmem>>, %arg9: memref<2x80x160xf32, #tpu.memory_space<vmem>>, %arg10: memref<10240x160xf32, #tpu.memory_space<vmem_shared>>, %arg11: memref<!tpu.dma_semaphore, #tpu.memory_space<semaphore_mem>>) attributes {dimension_semantics = [#tpu.dimension_semantics<core_parallel>, #tpu.dimension_semantics<subcore_parallel>], iteration_bounds = array<i64: 2, 16>, scalar_prefetch = 0 : i64, scratch_operands = 5 : i64, tpu.core_type = #tpu.core_type<sc_vector_subcore>, window_params = [{transform_indices = #map}, {transform_indices = #map1}, {transform_indices = #map1}, {transform_indices = #map}, {transform_indices = #map2}]} {
    %mul3A = arith.constant 640 : i32
    %mul3A_0 = arith.muli %arg1, %mul3A : i32
    %mul3A_1 = arith.constant 640 : i32
    %mul3A_2 = arith.muli %arg1, %mul3A_1 : i32
    "tpu.region"() ({
      %run_scoped3A_29 = tpu.sem_alloc : memref<!tpu.dma_semaphore, #tpu.memory_space<semaphore_mem>>
      %dma_start3A_30 = arith.constant 0 : i32
      %dma_start3A_31 = tpu.memref_slice %arg10[%mul3A_2, %dma_start3A_30] : memref<10240x160xf32, #tpu.memory_space<vmem_shared>> -> memref<640x160xf32, #tpu.memory_space<vmem_shared>>
      %dma_start3A_32 = arith.constant 0 : i32
      %dma_start3A_33 = tpu.memref_slice %arg5[%mul3A_0, %dma_start3A_32] : memref<10240x160xf32, #tpu.memory_space<hbm>> -> memref<640x160xf32, #tpu.memory_space<hbm>>
      tpu.enqueue_dma source(%dma_start3A_33 : memref<640x160xf32, #tpu.memory_space<hbm>>) target(%dma_start3A_31 : memref<640x160xf32, #tpu.memory_space<vmem_shared>>) target_semaphore(%run_scoped3A_29 : memref<!tpu.dma_semaphore, #tpu.memory_space<semaphore_mem>>)
      %dma_wait3A = arith.constant 0 : i32
      %dma_wait3A_34 = tpu.memref_slice %arg10[%mul3A_2, %dma_wait3A] : memref<10240x160xf32, #tpu.memory_space<vmem_shared>> -> memref<640x160xf32, #tpu.memory_space<vmem_shared>>
      %dma_wait3A_35 = arith.constant 0 : i32
      %dma_wait3A_36 = tpu.memref_slice %arg5[%mul3A_0, %dma_wait3A_35] : memref<10240x160xf32, #tpu.memory_space<hbm>> -> memref<640x160xf32, #tpu.memory_space<hbm>>
      tpu.wait_dma2 semaphore(%run_scoped3A_29 : memref<!tpu.dma_semaphore, #tpu.memory_space<semaphore_mem>>) src(%dma_wait3A_36 : memref<640x160xf32, #tpu.memory_space<hbm>>) dst(%dma_wait3A_34 : memref<640x160xf32, #tpu.memory_space<vmem_shared>>)
      tpu.yield
    }) : () -> ()
    %barrier3A = arith.constant 0 : index
    tpu.barrier barrier_id(%barrier3A)
    %mul3A_3 = arith.constant 16 : i32
    %mul3A_4 = arith.muli %arg0, %mul3A_3 : i32
    %add3A = arith.addi %mul3A_4, %arg1 : i32
    %mul3A_5 = arith.constant 10000 : i32
    %mul3A_6 = arith.muli %add3A, %mul3A_5 : i32
    %run_scoped3A = arith.constant 0 : i32
    "tpu.region"() ({
      %run_scoped3A_29 = tpu.sem_alloc : memref<!tpu.dma_semaphore, #tpu.memory_space<semaphore_mem>>
      %dma_start3A_30 = arith.constant 0 : i32
      %dma_start3A_31 = tpu.memref_slice %arg7[%run_scoped3A, %dma_start3A_30] : memref<2x80xi32, #tpu.memory_space<vmem>> -> memref<1x80xi32, #tpu.memory_space<vmem>>
      %dma_start3A_32 = tpu.memref_squeeze %dma_start3A_31 : memref<1x80xi32, #tpu.memory_space<vmem>> -> memref<80xi32, #tpu.memory_space<vmem>>
      %dma_start3A_33 = tpu.memref_slice %arg3[%mul3A_6] : memref<320000xi32, #tpu.memory_space<hbm>> -> memref<80xi32, #tpu.memory_space<hbm>>
      %dma_start3A_34 = arith.constant 0 : i32
      %dma_start3A_35 = tpu.memref_slice %arg7[%run_scoped3A, %dma_start3A_34] : memref<2x80xi32, #tpu.memory_space<vmem>> -> memref<1x80xi32, #tpu.memory_space<vmem>>
      %dma_start3A_36 = tpu.memref_squeeze %dma_start3A_35 : memref<1x80xi32, #tpu.memory_space<vmem>> -> memref<80xi32, #tpu.memory_space<vmem>>
      %dma_start3A_37 = tpu.memref_slice %arg3[%mul3A_6] : memref<320000xi32, #tpu.memory_space<hbm>> -> memref<80xi32, #tpu.memory_space<hbm>>
      tpu.enqueue_dma source(%dma_start3A_37 : memref<80xi32, #tpu.memory_space<hbm>>) target(%dma_start3A_36 : memref<80xi32, #tpu.memory_space<vmem>>) target_semaphore(%run_scoped3A_29 : memref<!tpu.dma_semaphore, #tpu.memory_space<semaphore_mem>>)
      %dma_wait3A = arith.constant 0 : i32
      %dma_wait3A_38 = tpu.memref_slice %arg7[%run_scoped3A, %dma_wait3A] : memref<2x80xi32, #tpu.memory_space<vmem>> -> memref<1x80xi32, #tpu.memory_space<vmem>>
      %dma_wait3A_39 = tpu.memref_squeeze %dma_wait3A_38 : memref<1x80xi32, #tpu.memory_space<vmem>> -> memref<80xi32, #tpu.memory_space<vmem>>
      %dma_wait3A_40 = tpu.memref_slice %arg3[%mul3A_6] : memref<320000xi32, #tpu.memory_space<hbm>> -> memref<80xi32, #tpu.memory_space<hbm>>
      %dma_wait3A_41 = arith.constant 0 : i32
      %dma_wait3A_42 = tpu.memref_slice %arg7[%run_scoped3A, %dma_wait3A_41] : memref<2x80xi32, #tpu.memory_space<vmem>> -> memref<1x80xi32, #tpu.memory_space<vmem>>
      %dma_wait3A_43 = tpu.memref_squeeze %dma_wait3A_42 : memref<1x80xi32, #tpu.memory_space<vmem>> -> memref<80xi32, #tpu.memory_space<vmem>>
      %dma_wait3A_44 = tpu.memref_slice %arg3[%mul3A_6] : memref<320000xi32, #tpu.memory_space<hbm>> -> memref<80xi32, #tpu.memory_space<hbm>>
      tpu.wait_dma2 semaphore(%run_scoped3A_29 : memref<!tpu.dma_semaphore, #tpu.memory_space<semaphore_mem>>) src(%dma_wait3A_44 : memref<80xi32, #tpu.memory_space<hbm>>) dst(%dma_wait3A_43 : memref<80xi32, #tpu.memory_space<vmem>>)
      tpu.yield
    }) : () -> ()
    %run_scoped3A_7 = arith.constant 0 : i32
    "tpu.region"() ({
      %run_scoped3A_29 = tpu.sem_alloc : memref<!tpu.dma_semaphore, #tpu.memory_space<semaphore_mem>>
      %dma_start3A_30 = arith.constant 0 : i32
      %dma_start3A_31 = tpu.memref_slice %arg8[%run_scoped3A_7, %dma_start3A_30] : memref<2x80xi32, #tpu.memory_space<vmem>> -> memref<1x80xi32, #tpu.memory_space<vmem>>
      %dma_start3A_32 = tpu.memref_squeeze %dma_start3A_31 : memref<1x80xi32, #tpu.memory_space<vmem>> -> memref<80xi32, #tpu.memory_space<vmem>>
      %dma_start3A_33 = tpu.memref_slice %arg4[%mul3A_6] : memref<320000xi32, #tpu.memory_space<hbm>> -> memref<80xi32, #tpu.memory_space<hbm>>
      %dma_start3A_34 = arith.constant 0 : i32
      %dma_start3A_35 = tpu.memref_slice %arg8[%run_scoped3A_7, %dma_start3A_34] : memref<2x80xi32, #tpu.memory_space<vmem>> -> memref<1x80xi32, #tpu.memory_space<vmem>>
      %dma_start3A_36 = tpu.memref_squeeze %dma_start3A_35 : memref<1x80xi32, #tpu.memory_space<vmem>> -> memref<80xi32, #tpu.memory_space<vmem>>
      %dma_start3A_37 = tpu.memref_slice %arg4[%mul3A_6] : memref<320000xi32, #tpu.memory_space<hbm>> -> memref<80xi32, #tpu.memory_space<hbm>>
      tpu.enqueue_dma source(%dma_start3A_37 : memref<80xi32, #tpu.memory_space<hbm>>) target(%dma_start3A_36 : memref<80xi32, #tpu.memory_space<vmem>>) target_semaphore(%run_scoped3A_29 : memref<!tpu.dma_semaphore, #tpu.memory_space<semaphore_mem>>)
      %dma_wait3A = arith.constant 0 : i32
      %dma_wait3A_38 = tpu.memref_slice %arg8[%run_scoped3A_7, %dma_wait3A] : memref<2x80xi32, #tpu.memory_space<vmem>> -> memref<1x80xi32, #tpu.memory_space<vmem>>
      %dma_wait3A_39 = tpu.memref_squeeze %dma_wait3A_38 : memref<1x80xi32, #tpu.memory_space<vmem>> -> memref<80xi32, #tpu.memory_space<vmem>>
      %dma_wait3A_40 = tpu.memref_slice %arg4[%mul3A_6] : memref<320000xi32, #tpu.memory_space<hbm>> -> memref<80xi32, #tpu.memory_space<hbm>>
      %dma_wait3A_41 = arith.constant 0 : i32
      %dma_wait3A_42 = tpu.memref_slice %arg8[%run_scoped3A_7, %dma_wait3A_41] : memref<2x80xi32, #tpu.memory_space<vmem>> -> memref<1x80xi32, #tpu.memory_space<vmem>>
      %dma_wait3A_43 = tpu.memref_squeeze %dma_wait3A_42 : memref<1x80xi32, #tpu.memory_space<vmem>> -> memref<80xi32, #tpu.memory_space<vmem>>
      %dma_wait3A_44 = tpu.memref_slice %arg4[%mul3A_6] : memref<320000xi32, #tpu.memory_space<hbm>> -> memref<80xi32, #tpu.memory_space<hbm>>
      tpu.wait_dma2 semaphore(%run_scoped3A_29 : memref<!tpu.dma_semaphore, #tpu.memory_space<semaphore_mem>>) src(%dma_wait3A_44 : memref<80xi32, #tpu.memory_space<hbm>>) dst(%dma_wait3A_43 : memref<80xi32, #tpu.memory_space<vmem>>)
      tpu.yield
    }) : () -> ()
    %dma_start3A = arith.constant 0 : i32
    %dma_start3A_8 = arith.constant 0 : i32
    %dma_start3A_9 = arith.constant 0 : i32
    %dma_start3A_10 = arith.constant 0 : i32
    %dma_start3A_11 = tpu.memref_slice %arg9[%dma_start3A_8, %dma_start3A_9, %dma_start3A_10] : memref<2x80x160xf32, #tpu.memory_space<vmem>> -> memref<1x80x160xf32, #tpu.memory_space<vmem>>
    %dma_start3A_12 = tpu.memref_squeeze %dma_start3A_11 : memref<1x80x160xf32, #tpu.memory_space<vmem>> -> memref<80x160xf32, #tpu.memory_space<vmem>>
    %dma_start3A_13 = arith.constant 0 : i32
    %dma_start3A_14 = tpu.memref_slice %arg7[%dma_start3A, %dma_start3A_13] : memref<2x80xi32, #tpu.memory_space<vmem>> -> memref<1x80xi32, #tpu.memory_space<vmem>>
    %dma_start3A_15 = tpu.memref_squeeze %dma_start3A_14 : memref<1x80xi32, #tpu.memory_space<vmem>> -> memref<80xi32, #tpu.memory_space<vmem>>
    %dma_start3A_16 = arith.constant 0 : i32
    %dma_start3A_17 = arith.constant 0 : i32
    %dma_start3A_18 = tpu.memref_slice %arg2[%dma_start3A_16, %dma_start3A_17] : memref<10000x160xf32, #tpu.memory_space<hbm>> -> memref<10000x160xf32, #tpu.memory_space<hbm>>
    tpu.enqueue_indirect_dma source(%dma_start3A_18 : memref<10000x160xf32, #tpu.memory_space<hbm>>) target(%dma_start3A_12 : memref<80x160xf32, #tpu.memory_space<vmem>>) offsets(%dma_start3A_15 : memref<80xi32, #tpu.memory_space<vmem>>) semaphore(%arg11 : memref<!tpu.dma_semaphore, #tpu.memory_space<semaphore_mem>>)
    %scan3A = arith.constant 0 : i32
    %scan3A_19 = arith.constant 0 : i32
    %scan3A_20 = arith.constant 125 : i32
    %scan3A_21 = arith.addi %scan3A_19, %scan3A_20 : i32
    %scan3A_22 = arith.constant 1 : i32
    scf.for %scan3A_29 = %scan3A_19 to %scan3A_21 step %scan3A_22  : i32 {
      %rem3A = arith.constant 2 : i32
      %rem3A_30 = arith.remsi %scan3A_29, %rem3A : i32
      %sub3A = arith.constant 1 : i32
      %sub3A_31 = arith.subi %sub3A, %rem3A_30 : i32
      %add3A_32 = arith.constant 1 : i32
      %add3A_33 = arith.addi %scan3A_29, %add3A_32 : i32
      %lt3A = arith.constant 125 : i32
      %lt3A_34 = arith.cmpi slt, %add3A_33, %lt3A : i32
      %convert_element_type3A = arith.extui %lt3A_34 : i1 to i32
      %cond3A = arith.constant 0 : i32
      %cond3A_35 = arith.cmpi ne, %convert_element_type3A, %cond3A : i32
      scf.if %cond3A_35 {
        %add3A_45 = arith.constant 1 : i32
        %add3A_46 = arith.addi %scan3A_29, %add3A_45 : i32
        %mul3A_47 = arith.constant 80 : i32
        %mul3A_48 = arith.muli %add3A_46, %mul3A_47 : i32
        %add3A_49 = arith.addi %mul3A_6, %mul3A_48 : i32
        "tpu.region"() ({
          %run_scoped3A_60 = tpu.sem_alloc : memref<!tpu.dma_semaphore, #tpu.memory_space<semaphore_mem>>
          %dma_start3A_61 = arith.constant 0 : i32
          %dma_start3A_62 = tpu.memref_slice %arg7[%sub3A_31, %dma_start3A_61] : memref<2x80xi32, #tpu.memory_space<vmem>> -> memref<1x80xi32, #tpu.memory_space<vmem>>
          %dma_start3A_63 = tpu.memref_squeeze %dma_start3A_62 : memref<1x80xi32, #tpu.memory_space<vmem>> -> memref<80xi32, #tpu.memory_space<vmem>>
          %dma_start3A_64 = tpu.memref_slice %arg3[%add3A_49] : memref<320000xi32, #tpu.memory_space<hbm>> -> memref<80xi32, #tpu.memory_space<hbm>>
          %dma_start3A_65 = arith.constant 0 : i32
          %dma_start3A_66 = tpu.memref_slice %arg7[%sub3A_31, %dma_start3A_65] : memref<2x80xi32, #tpu.memory_space<vmem>> -> memref<1x80xi32, #tpu.memory_space<vmem>>
          %dma_start3A_67 = tpu.memref_squeeze %dma_start3A_66 : memref<1x80xi32, #tpu.memory_space<vmem>> -> memref<80xi32, #tpu.memory_space<vmem>>
          %dma_start3A_68 = tpu.memref_slice %arg3[%add3A_49] : memref<320000xi32, #tpu.memory_space<hbm>> -> memref<80xi32, #tpu.memory_space<hbm>>
          tpu.enqueue_dma source(%dma_start3A_68 : memref<80xi32, #tpu.memory_space<hbm>>) target(%dma_start3A_67 : memref<80xi32, #tpu.memory_space<vmem>>) target_semaphore(%run_scoped3A_60 : memref<!tpu.dma_semaphore, #tpu.memory_space<semaphore_mem>>)
          %dma_wait3A_69 = arith.constant 0 : i32
          %dma_wait3A_70 = tpu.memref_slice %arg7[%sub3A_31, %dma_wait3A_69] : memref<2x80xi32, #tpu.memory_space<vmem>> -> memref<1x80xi32, #tpu.memory_space<vmem>>
          %dma_wait3A_71 = tpu.memref_squeeze %dma_wait3A_70 : memref<1x80xi32, #tpu.memory_space<vmem>> -> memref<80xi32, #tpu.memory_space<vmem>>
          %dma_wait3A_72 = tpu.memref_slice %arg3[%add3A_49] : memref<320000xi32, #tpu.memory_space<hbm>> -> memref<80xi32, #tpu.memory_space<hbm>>
          %dma_wait3A_73 = arith.constant 0 : i32
          %dma_wait3A_74 = tpu.memref_slice %arg7[%sub3A_31, %dma_wait3A_73] : memref<2x80xi32, #tpu.memory_space<vmem>> -> memref<1x80xi32, #tpu.memory_space<vmem>>
          %dma_wait3A_75 = tpu.memref_squeeze %dma_wait3A_74 : memref<1x80xi32, #tpu.memory_space<vmem>> -> memref<80xi32, #tpu.memory_space<vmem>>
          %dma_wait3A_76 = tpu.memref_slice %arg3[%add3A_49] : memref<320000xi32, #tpu.memory_space<hbm>> -> memref<80xi32, #tpu.memory_space<hbm>>
          tpu.wait_dma2 semaphore(%run_scoped3A_60 : memref<!tpu.dma_semaphore, #tpu.memory_space<semaphore_mem>>) src(%dma_wait3A_76 : memref<80xi32, #tpu.memory_space<hbm>>) dst(%dma_wait3A_75 : memref<80xi32, #tpu.memory_space<vmem>>)
          tpu.yield
        }) : () -> ()
        "tpu.region"() ({
          %run_scoped3A_60 = tpu.sem_alloc : memref<!tpu.dma_semaphore, #tpu.memory_space<semaphore_mem>>
          %dma_start3A_61 = arith.constant 0 : i32
          %dma_start3A_62 = tpu.memref_slice %arg8[%sub3A_31, %dma_start3A_61] : memref<2x80xi32, #tpu.memory_space<vmem>> -> memref<1x80xi32, #tpu.memory_space<vmem>>
          %dma_start3A_63 = tpu.memref_squeeze %dma_start3A_62 : memref<1x80xi32, #tpu.memory_space<vmem>> -> memref<80xi32, #tpu.memory_space<vmem>>
          %dma_start3A_64 = tpu.memref_slice %arg4[%add3A_49] : memref<320000xi32, #tpu.memory_space<hbm>> -> memref<80xi32, #tpu.memory_space<hbm>>
          %dma_start3A_65 = arith.constant 0 : i32
          %dma_start3A_66 = tpu.memref_slice %arg8[%sub3A_31, %dma_start3A_65] : memref<2x80xi32, #tpu.memory_space<vmem>> -> memref<1x80xi32, #tpu.memory_space<vmem>>
          %dma_start3A_67 = tpu.memref_squeeze %dma_start3A_66 : memref<1x80xi32, #tpu.memory_space<vmem>> -> memref<80xi32, #tpu.memory_space<vmem>>
          %dma_start3A_68 = tpu.memref_slice %arg4[%add3A_49] : memref<320000xi32, #tpu.memory_space<hbm>> -> memref<80xi32, #tpu.memory_space<hbm>>
          tpu.enqueue_dma source(%dma_start3A_68 : memref<80xi32, #tpu.memory_space<hbm>>) target(%dma_start3A_67 : memref<80xi32, #tpu.memory_space<vmem>>) target_semaphore(%run_scoped3A_60 : memref<!tpu.dma_semaphore, #tpu.memory_space<semaphore_mem>>)
          %dma_wait3A_69 = arith.constant 0 : i32
          %dma_wait3A_70 = tpu.memref_slice %arg8[%sub3A_31, %dma_wait3A_69] : memref<2x80xi32, #tpu.memory_space<vmem>> -> memref<1x80xi32, #tpu.memory_space<vmem>>
          %dma_wait3A_71 = tpu.memref_squeeze %dma_wait3A_70 : memref<1x80xi32, #tpu.memory_space<vmem>> -> memref<80xi32, #tpu.memory_space<vmem>>
          %dma_wait3A_72 = tpu.memref_slice %arg4[%add3A_49] : memref<320000xi32, #tpu.memory_space<hbm>> -> memref<80xi32, #tpu.memory_space<hbm>>
          %dma_wait3A_73 = arith.constant 0 : i32
          %dma_wait3A_74 = tpu.memref_slice %arg8[%sub3A_31, %dma_wait3A_73] : memref<2x80xi32, #tpu.memory_space<vmem>> -> memref<1x80xi32, #tpu.memory_space<vmem>>
          %dma_wait3A_75 = tpu.memref_squeeze %dma_wait3A_74 : memref<1x80xi32, #tpu.memory_space<vmem>> -> memref<80xi32, #tpu.memory_space<vmem>>
          %dma_wait3A_76 = tpu.memref_slice %arg4[%add3A_49] : memref<320000xi32, #tpu.memory_space<hbm>> -> memref<80xi32, #tpu.memory_space<hbm>>
          tpu.wait_dma2 semaphore(%run_scoped3A_60 : memref<!tpu.dma_semaphore, #tpu.memory_space<semaphore_mem>>) src(%dma_wait3A_76 : memref<80xi32, #tpu.memory_space<hbm>>) dst(%dma_wait3A_75 : memref<80xi32, #tpu.memory_space<vmem>>)
          tpu.yield
        }) : () -> ()
        %dma_start3A_50 = arith.constant 0 : i32
        %dma_start3A_51 = arith.constant 0 : i32
        %dma_start3A_52 = tpu.memref_slice %arg9[%sub3A_31, %dma_start3A_50, %dma_start3A_51] : memref<2x80x160xf32, #tpu.memory_space<vmem>> -> memref<1x80x160xf32, #tpu.memory_space<vmem>>
        %dma_start3A_53 = tpu.memref_squeeze %dma_start3A_52 : memref<1x80x160xf32, #tpu.memory_space<vmem>> -> memref<80x160xf32, #tpu.memory_space<vmem>>
        %dma_start3A_54 = arith.constant 0 : i32
        %dma_start3A_55 = tpu.memref_slice %arg7[%sub3A_31, %dma_start3A_54] : memref<2x80xi32, #tpu.memory_space<vmem>> -> memref<1x80xi32, #tpu.memory_space<vmem>>
        %dma_start3A_56 = tpu.memref_squeeze %dma_start3A_55 : memref<1x80xi32, #tpu.memory_space<vmem>> -> memref<80xi32, #tpu.memory_space<vmem>>
        %dma_start3A_57 = arith.constant 0 : i32
        %dma_start3A_58 = arith.constant 0 : i32
        %dma_start3A_59 = tpu.memref_slice %arg2[%dma_start3A_57, %dma_start3A_58] : memref<10000x160xf32, #tpu.memory_space<hbm>> -> memref<10000x160xf32, #tpu.memory_space<hbm>>
        tpu.enqueue_indirect_dma source(%dma_start3A_59 : memref<10000x160xf32, #tpu.memory_space<hbm>>) target(%dma_start3A_53 : memref<80x160xf32, #tpu.memory_space<vmem>>) offsets(%dma_start3A_56 : memref<80xi32, #tpu.memory_space<vmem>>) semaphore(%arg11 : memref<!tpu.dma_semaphore, #tpu.memory_space<semaphore_mem>>)
      } else {
      }
      %dma_wait3A = arith.constant 0 : i32
      %dma_wait3A_36 = arith.constant 0 : i32
      %dma_wait3A_37 = tpu.memref_slice %arg9[%rem3A_30, %dma_wait3A, %dma_wait3A_36] : memref<2x80x160xf32, #tpu.memory_space<vmem>> -> memref<1x80x160xf32, #tpu.memory_space<vmem>>
      %dma_wait3A_38 = tpu.memref_squeeze %dma_wait3A_37 : memref<1x80x160xf32, #tpu.memory_space<vmem>> -> memref<80x160xf32, #tpu.memory_space<vmem>>
      %dma_wait3A_39 = arith.constant 0 : i32
      %dma_wait3A_40 = tpu.memref_slice %arg7[%rem3A_30, %dma_wait3A_39] : memref<2x80xi32, #tpu.memory_space<vmem>> -> memref<1x80xi32, #tpu.memory_space<vmem>>
      %dma_wait3A_41 = tpu.memref_squeeze %dma_wait3A_40 : memref<1x80xi32, #tpu.memory_space<vmem>> -> memref<80xi32, #tpu.memory_space<vmem>>
      %dma_wait3A_42 = arith.constant 0 : i32
      %dma_wait3A_43 = arith.constant 0 : i32
      %dma_wait3A_44 = tpu.memref_slice %arg2[%dma_wait3A_42, %dma_wait3A_43] : memref<10000x160xf32, #tpu.memory_space<hbm>> -> memref<10000x160xf32, #tpu.memory_space<hbm>>
      tpu.wait_indirect_dma semaphore(%arg11 : memref<!tpu.dma_semaphore, #tpu.memory_space<semaphore_mem>>) src(%dma_wait3A_44 : memref<10000x160xf32, #tpu.memory_space<hbm>>) dst(%dma_wait3A_38 : memref<80x160xf32, #tpu.memory_space<vmem>>)
      "tpu.region"() ({
        %run_scoped3A_45 = tpu.sem_alloc : memref<!tpu.dma_semaphore, #tpu.memory_space<semaphore_mem>>
        %dma_start3A_46 = arith.constant 0 : i32
        %dma_start3A_47 = arith.constant 0 : i32
        %dma_start3A_48 = tpu.memref_slice %arg9[%rem3A_30, %dma_start3A_46, %dma_start3A_47] : memref<2x80x160xf32, #tpu.memory_space<vmem>> -> memref<1x80x160xf32, #tpu.memory_space<vmem>>
        %dma_start3A_49 = tpu.memref_squeeze %dma_start3A_48 : memref<1x80x160xf32, #tpu.memory_space<vmem>> -> memref<80x160xf32, #tpu.memory_space<vmem>>
        %dma_start3A_50 = arith.constant 0 : i32
        %dma_start3A_51 = tpu.memref_slice %arg8[%rem3A_30, %dma_start3A_50] : memref<2x80xi32, #tpu.memory_space<vmem>> -> memref<1x80xi32, #tpu.memory_space<vmem>>
        %dma_start3A_52 = tpu.memref_squeeze %dma_start3A_51 : memref<1x80xi32, #tpu.memory_space<vmem>> -> memref<80xi32, #tpu.memory_space<vmem>>
        %dma_start3A_53 = arith.constant 0 : i32
        %dma_start3A_54 = arith.constant 0 : i32
        %dma_start3A_55 = tpu.memref_slice %arg10[%dma_start3A_53, %dma_start3A_54] : memref<10240x160xf32, #tpu.memory_space<vmem_shared>> -> memref<10240x160xf32, #tpu.memory_space<vmem_shared>>
        tpu.enqueue_indirect_dma source(%dma_start3A_49 : memref<80x160xf32, #tpu.memory_space<vmem>>) target(%dma_start3A_55 : memref<10240x160xf32, #tpu.memory_space<vmem_shared>>) offsets(%dma_start3A_52 : memref<80xi32, #tpu.memory_space<vmem>>) semaphore(%run_scoped3A_45 : memref<!tpu.dma_semaphore, #tpu.memory_space<semaphore_mem>>) {add = true}
        %dma_wait3A_56 = arith.constant 0 : i32
        %dma_wait3A_57 = arith.constant 0 : i32
        %dma_wait3A_58 = tpu.memref_slice %arg9[%rem3A_30, %dma_wait3A_56, %dma_wait3A_57] : memref<2x80x160xf32, #tpu.memory_space<vmem>> -> memref<1x80x160xf32, #tpu.memory_space<vmem>>
        %dma_wait3A_59 = tpu.memref_squeeze %dma_wait3A_58 : memref<1x80x160xf32, #tpu.memory_space<vmem>> -> memref<80x160xf32, #tpu.memory_space<vmem>>
        %dma_wait3A_60 = arith.constant 0 : i32
        %dma_wait3A_61 = tpu.memref_slice %arg8[%rem3A_30, %dma_wait3A_60] : memref<2x80xi32, #tpu.memory_space<vmem>> -> memref<1x80xi32, #tpu.memory_space<vmem>>
        %dma_wait3A_62 = tpu.memref_squeeze %dma_wait3A_61 : memref<1x80xi32, #tpu.memory_space<vmem>> -> memref<80xi32, #tpu.memory_space<vmem>>
        %dma_wait3A_63 = arith.constant 0 : i32
        %dma_wait3A_64 = arith.constant 0 : i32
        %dma_wait3A_65 = tpu.memref_slice %arg10[%dma_wait3A_63, %dma_wait3A_64] : memref<10240x160xf32, #tpu.memory_space<vmem_shared>> -> memref<10240x160xf32, #tpu.memory_space<vmem_shared>>
        tpu.wait_indirect_dma semaphore(%run_scoped3A_45 : memref<!tpu.dma_semaphore, #tpu.memory_space<semaphore_mem>>) src(%dma_wait3A_59 : memref<80x160xf32, #tpu.memory_space<vmem>>) dst(%dma_wait3A_65 : memref<10240x160xf32, #tpu.memory_space<vmem_shared>>)
        tpu.yield
      }) : () -> ()
    }
    %scan3A_23 = arith.constant 125 : i32
    %barrier3A_24 = arith.constant 0 : index
    tpu.barrier barrier_id(%barrier3A_24)
    %mul3A_25 = arith.constant 640 : i32
    %mul3A_26 = arith.muli %arg1, %mul3A_25 : i32
    %mul3A_27 = arith.constant 640 : i32
    %mul3A_28 = arith.muli %arg1, %mul3A_27 : i32
    "tpu.region"() ({
      %run_scoped3A_29 = tpu.sem_alloc : memref<!tpu.dma_semaphore, #tpu.memory_space<semaphore_mem>>
      %dma_start3A_30 = arith.constant 0 : i32
      %dma_start3A_31 = tpu.memref_slice %arg6[%arg0, %mul3A_28, %dma_start3A_30] : memref<2x10240x160xf32, #tpu.memory_space<hbm>> -> memref<1x640x160xf32, #tpu.memory_space<hbm>>
      %dma_start3A_32 = tpu.memref_squeeze %dma_start3A_31 : memref<1x640x160xf32, #tpu.memory_space<hbm>> -> memref<640x160xf32, #tpu.memory_space<hbm>>
      %dma_start3A_33 = arith.constant 0 : i32
      %dma_start3A_34 = tpu.memref_slice %arg10[%mul3A_26, %dma_start3A_33] : memref<10240x160xf32, #tpu.memory_space<vmem_shared>> -> memref<640x160xf32, #tpu.memory_space<vmem_shared>>
      tpu.enqueue_dma source(%dma_start3A_34 : memref<640x160xf32, #tpu.memory_space<vmem_shared>>) target(%dma_start3A_32 : memref<640x160xf32, #tpu.memory_space<hbm>>) target_semaphore(%run_scoped3A_29 : memref<!tpu.dma_semaphore, #tpu.memory_space<semaphore_mem>>)
      %dma_wait3A = arith.constant 0 : i32
      %dma_wait3A_35 = tpu.memref_slice %arg6[%arg0, %mul3A_28, %dma_wait3A] : memref<2x10240x160xf32, #tpu.memory_space<hbm>> -> memref<1x640x160xf32, #tpu.memory_space<hbm>>
      %dma_wait3A_36 = tpu.memref_squeeze %dma_wait3A_35 : memref<1x640x160xf32, #tpu.memory_space<hbm>> -> memref<640x160xf32, #tpu.memory_space<hbm>>
      %dma_wait3A_37 = arith.constant 0 : i32
      %dma_wait3A_38 = tpu.memref_slice %arg10[%mul3A_26, %dma_wait3A_37] : memref<10240x160xf32, #tpu.memory_space<vmem_shared>> -> memref<640x160xf32, #tpu.memory_space<vmem_shared>>
      tpu.wait_dma2 semaphore(%run_scoped3A_29 : memref<!tpu.dma_semaphore, #tpu.memory_space<semaphore_mem>>) src(%dma_wait3A_38 : memref<640x160xf32, #tpu.memory_space<vmem_shared>>) dst(%dma_wait3A_36 : memref<640x160xf32, #tpu.memory_space<hbm>>)
      tpu.yield
    }) : () -> ()
    return
  }
}

#map = affine_map<(d0, d1) -> (0, 0)>
#map1 = affine_map<(d0, d1) -> (0)>
#map2 = affine_map<(d0, d1) -> (0, 0, 0)>
module attributes {stable_mosaic.version = 14 : i64} {
  func.func @k(%arg0: i32, %arg1: i32, %arg2: memref<10000x160xf32, #tpu.memory_space<hbm>>, %arg3: memref<320000xi32, #tpu.memory_space<hbm>>, %arg4: memref<320000xi32, #tpu.memory_space<hbm>>, %arg5: memref<10240x160xf32, #tpu.memory_space<hbm>>, %arg6: memref<2x10240x160xf32, #tpu.memory_space<hbm>>, %arg7: memref<2x80xi32, #tpu.memory_space<vmem>>, %arg8: memref<2x80xi32, #tpu.memory_space<vmem>>, %arg9: memref<2x80x160xf32, #tpu.memory_space<vmem>>, %arg10: memref<10240x160xf32, #tpu.memory_space<vmem_shared>>, %arg11: memref<!tpu.dma_semaphore, #tpu.memory_space<semaphore_mem>>) attributes {dimension_semantics = [#tpu.dimension_semantics<core_parallel>, #tpu.dimension_semantics<subcore_parallel>], iteration_bounds = array<i64: 2, 16>, scalar_prefetch = 0 : i64, scratch_operands = 5 : i64, tpu.core_type = #tpu.core_type<sc_vector_subcore>, window_params = [{transform_indices = #map}, {transform_indices = #map1}, {transform_indices = #map1}, {transform_indices = #map}, {transform_indices = #map2}]} {
    %mul3A = arith.constant 640 : i32
    %mul3A_0 = arith.muli %arg1, %mul3A : i32
    %mul3A_1 = arith.constant 640 : i32
    %mul3A_2 = arith.muli %arg1, %mul3A_1 : i32
    "tpu.region"() ({
      %run_scoped3A_29 = tpu.sem_alloc : memref<!tpu.dma_semaphore, #tpu.memory_space<semaphore_mem>>
      %dma_start3A_30 = arith.constant 0 : i32
      %dma_start3A_31 = tpu.memref_slice %arg10[%mul3A_2, %dma_start3A_30] : memref<10240x160xf32, #tpu.memory_space<vmem_shared>> -> memref<640x160xf32, #tpu.memory_space<vmem_shared>>
      %dma_start3A_32 = arith.constant 0 : i32
      %dma_start3A_33 = tpu.memref_slice %arg5[%mul3A_0, %dma_start3A_32] : memref<10240x160xf32, #tpu.memory_space<hbm>> -> memref<640x160xf32, #tpu.memory_space<hbm>>
      tpu.enqueue_dma source(%dma_start3A_33 : memref<640x160xf32, #tpu.memory_space<hbm>>) target(%dma_start3A_31 : memref<640x160xf32, #tpu.memory_space<vmem_shared>>) target_semaphore(%run_scoped3A_29 : memref<!tpu.dma_semaphore, #tpu.memory_space<semaphore_mem>>)
      %dma_wait3A = arith.constant 0 : i32
      %dma_wait3A_34 = tpu.memref_slice %arg10[%mul3A_2, %dma_wait3A] : memref<10240x160xf32, #tpu.memory_space<vmem_shared>> -> memref<640x160xf32, #tpu.memory_space<vmem_shared>>
      %dma_wait3A_35 = arith.constant 0 : i32
      %dma_wait3A_36 = tpu.memref_slice %arg5[%mul3A_0, %dma_wait3A_35] : memref<10240x160xf32, #tpu.memory_space<hbm>> -> memref<640x160xf32, #tpu.memory_space<hbm>>
      tpu.wait_dma2 semaphore(%run_scoped3A_29 : memref<!tpu.dma_semaphore, #tpu.memory_space<semaphore_mem>>) src(%dma_wait3A_36 : memref<640x160xf32, #tpu.memory_space<hbm>>) dst(%dma_wait3A_34 : memref<640x160xf32, #tpu.memory_space<vmem_shared>>)
      tpu.yield
    }) : () -> ()
    %barrier3A = arith.constant 0 : index
    tpu.barrier barrier_id(%barrier3A)
    %mul3A_3 = arith.constant 16 : i32
    %mul3A_4 = arith.muli %arg0, %mul3A_3 : i32
    %add3A = arith.addi %mul3A_4, %arg1 : i32
    %mul3A_5 = arith.constant 10000 : i32
    %mul3A_6 = arith.muli %add3A, %mul3A_5 : i32
    %run_scoped3A = arith.constant 0 : i32
    "tpu.region"() ({
      %run_scoped3A_29 = tpu.sem_alloc : memref<!tpu.dma_semaphore, #tpu.memory_space<semaphore_mem>>
      %dma_start3A_30 = arith.constant 0 : i32
      %dma_start3A_31 = tpu.memref_slice %arg7[%run_scoped3A, %dma_start3A_30] : memref<2x80xi32, #tpu.memory_space<vmem>> -> memref<1x80xi32, #tpu.memory_space<vmem>>
      %dma_start3A_32 = tpu.memref_squeeze %dma_start3A_31 : memref<1x80xi32, #tpu.memory_space<vmem>> -> memref<80xi32, #tpu.memory_space<vmem>>
      %dma_start3A_33 = tpu.memref_slice %arg3[%mul3A_6] : memref<320000xi32, #tpu.memory_space<hbm>> -> memref<80xi32, #tpu.memory_space<hbm>>
      %dma_start3A_34 = arith.constant 0 : i32
      %dma_start3A_35 = tpu.memref_slice %arg7[%run_scoped3A, %dma_start3A_34] : memref<2x80xi32, #tpu.memory_space<vmem>> -> memref<1x80xi32, #tpu.memory_space<vmem>>
      %dma_start3A_36 = tpu.memref_squeeze %dma_start3A_35 : memref<1x80xi32, #tpu.memory_space<vmem>> -> memref<80xi32, #tpu.memory_space<vmem>>
      %dma_start3A_37 = tpu.memref_slice %arg3[%mul3A_6] : memref<320000xi32, #tpu.memory_space<hbm>> -> memref<80xi32, #tpu.memory_space<hbm>>
      tpu.enqueue_dma source(%dma_start3A_37 : memref<80xi32, #tpu.memory_space<hbm>>) target(%dma_start3A_36 : memref<80xi32, #tpu.memory_space<vmem>>) target_semaphore(%run_scoped3A_29 : memref<!tpu.dma_semaphore, #tpu.memory_space<semaphore_mem>>)
      %dma_wait3A = arith.constant 0 : i32
      %dma_wait3A_38 = tpu.memref_slice %arg7[%run_scoped3A, %dma_wait3A] : memref<2x80xi32, #tpu.memory_space<vmem>> -> memref<1x80xi32, #tpu.memory_space<vmem>>
      %dma_wait3A_39 = tpu.memref_squeeze %dma_wait3A_38 : memref<1x80xi32, #tpu.memory_space<vmem>> -> memref<80xi32, #tpu.memory_space<vmem>>
      %dma_wait3A_40 = tpu.memref_slice %arg3[%mul3A_6] : memref<320000xi32, #tpu.memory_space<hbm>> -> memref<80xi32, #tpu.memory_space<hbm>>
      %dma_wait3A_41 = arith.constant 0 : i32
      %dma_wait3A_42 = tpu.memref_slice %arg7[%run_scoped3A, %dma_wait3A_41] : memref<2x80xi32, #tpu.memory_space<vmem>> -> memref<1x80xi32, #tpu.memory_space<vmem>>
      %dma_wait3A_43 = tpu.memref_squeeze %dma_wait3A_42 : memref<1x80xi32, #tpu.memory_space<vmem>> -> memref<80xi32, #tpu.memory_space<vmem>>
      %dma_wait3A_44 = tpu.memref_slice %arg3[%mul3A_6] : memref<320000xi32, #tpu.memory_space<hbm>> -> memref<80xi32, #tpu.memory_space<hbm>>
      tpu.wait_dma2 semaphore(%run_scoped3A_29 : memref<!tpu.dma_semaphore, #tpu.memory_space<semaphore_mem>>) src(%dma_wait3A_44 : memref<80xi32, #tpu.memory_space<hbm>>) dst(%dma_wait3A_43 : memref<80xi32, #tpu.memory_space<vmem>>)
      tpu.yield
    }) : () -> ()
    %run_scoped3A_7 = arith.constant 0 : i32
    "tpu.region"() ({
      %run_scoped3A_29 = tpu.sem_alloc : memref<!tpu.dma_semaphore, #tpu.memory_space<semaphore_mem>>
      %dma_start3A_30 = arith.constant 0 : i32
      %dma_start3A_31 = tpu.memref_slice %arg8[%run_scoped3A_7, %dma_start3A_30] : memref<2x80xi32, #tpu.memory_space<vmem>> -> memref<1x80xi32, #tpu.memory_space<vmem>>
      %dma_start3A_32 = tpu.memref_squeeze %dma_start3A_31 : memref<1x80xi32, #tpu.memory_space<vmem>> -> memref<80xi32, #tpu.memory_space<vmem>>
      %dma_start3A_33 = tpu.memref_slice %arg4[%mul3A_6] : memref<320000xi32, #tpu.memory_space<hbm>> -> memref<80xi32, #tpu.memory_space<hbm>>
      %dma_start3A_34 = arith.constant 0 : i32
      %dma_start3A_35 = tpu.memref_slice %arg8[%run_scoped3A_7, %dma_start3A_34] : memref<2x80xi32, #tpu.memory_space<vmem>> -> memref<1x80xi32, #tpu.memory_space<vmem>>
      %dma_start3A_36 = tpu.memref_squeeze %dma_start3A_35 : memref<1x80xi32, #tpu.memory_space<vmem>> -> memref<80xi32, #tpu.memory_space<vmem>>
      %dma_start3A_37 = tpu.memref_slice %arg4[%mul3A_6] : memref<320000xi32, #tpu.memory_space<hbm>> -> memref<80xi32, #tpu.memory_space<hbm>>
      tpu.enqueue_dma source(%dma_start3A_37 : memref<80xi32, #tpu.memory_space<hbm>>) target(%dma_start3A_36 : memref<80xi32, #tpu.memory_space<vmem>>) target_semaphore(%run_scoped3A_29 : memref<!tpu.dma_semaphore, #tpu.memory_space<semaphore_mem>>)
      %dma_wait3A = arith.constant 0 : i32
      %dma_wait3A_38 = tpu.memref_slice %arg8[%run_scoped3A_7, %dma_wait3A] : memref<2x80xi32, #tpu.memory_space<vmem>> -> memref<1x80xi32, #tpu.memory_space<vmem>>
      %dma_wait3A_39 = tpu.memref_squeeze %dma_wait3A_38 : memref<1x80xi32, #tpu.memory_space<vmem>> -> memref<80xi32, #tpu.memory_space<vmem>>
      %dma_wait3A_40 = tpu.memref_slice %arg4[%mul3A_6] : memref<320000xi32, #tpu.memory_space<hbm>> -> memref<80xi32, #tpu.memory_space<hbm>>
      %dma_wait3A_41 = arith.constant 0 : i32
      %dma_wait3A_42 = tpu.memref_slice %arg8[%run_scoped3A_7, %dma_wait3A_41] : memref<2x80xi32, #tpu.memory_space<vmem>> -> memref<1x80xi32, #tpu.memory_space<vmem>>
      %dma_wait3A_43 = tpu.memref_squeeze %dma_wait3A_42 : memref<1x80xi32, #tpu.memory_space<vmem>> -> memref<80xi32, #tpu.memory_space<vmem>>
      %dma_wait3A_44 = tpu.memref_slice %arg4[%mul3A_6] : memref<320000xi32, #tpu.memory_space<hbm>> -> memref<80xi32, #tpu.memory_space<hbm>>
      tpu.wait_dma2 semaphore(%run_scoped3A_29 : memref<!tpu.dma_semaphore, #tpu.memory_space<semaphore_mem>>) src(%dma_wait3A_44 : memref<80xi32, #tpu.memory_space<hbm>>) dst(%dma_wait3A_43 : memref<80xi32, #tpu.memory_space<vmem>>)
      tpu.yield
    }) : () -> ()
    %dma_start3A = arith.constant 0 : i32
    %dma_start3A_8 = arith.constant 0 : i32
    %dma_start3A_9 = arith.constant 0 : i32
    %dma_start3A_10 = arith.constant 0 : i32
    %dma_start3A_11 = tpu.memref_slice %arg9[%dma_start3A_8, %dma_start3A_9, %dma_start3A_10] : memref<2x80x160xf32, #tpu.memory_space<vmem>> -> memref<1x80x160xf32, #tpu.memory_space<vmem>>
    %dma_start3A_12 = tpu.memref_squeeze %dma_start3A_11 : memref<1x80x160xf32, #tpu.memory_space<vmem>> -> memref<80x160xf32, #tpu.memory_space<vmem>>
    %dma_start3A_13 = arith.constant 0 : i32
    %dma_start3A_14 = tpu.memref_slice %arg7[%dma_start3A, %dma_start3A_13] : memref<2x80xi32, #tpu.memory_space<vmem>> -> memref<1x80xi32, #tpu.memory_space<vmem>>
    %dma_start3A_15 = tpu.memref_squeeze %dma_start3A_14 : memref<1x80xi32, #tpu.memory_space<vmem>> -> memref<80xi32, #tpu.memory_space<vmem>>
    %dma_start3A_16 = arith.constant 0 : i32
    %dma_start3A_17 = arith.constant 0 : i32
    %dma_start3A_18 = tpu.memref_slice %arg2[%dma_start3A_16, %dma_start3A_17] : memref<10000x160xf32, #tpu.memory_space<hbm>> -> memref<10000x160xf32, #tpu.memory_space<hbm>>
    tpu.enqueue_indirect_dma source(%dma_start3A_18 : memref<10000x160xf32, #tpu.memory_space<hbm>>) target(%dma_start3A_12 : memref<80x160xf32, #tpu.memory_space<vmem>>) offsets(%dma_start3A_15 : memref<80xi32, #tpu.memory_space<vmem>>) semaphore(%arg11 : memref<!tpu.dma_semaphore, #tpu.memory_space<semaphore_mem>>)
    %scan3A = arith.constant 0 : i32
    %scan3A_19 = arith.constant 0 : i32
    %scan3A_20 = arith.constant 125 : i32
    %scan3A_21 = arith.addi %scan3A_19, %scan3A_20 : i32
    %scan3A_22 = arith.constant 1 : i32
    scf.for %scan3A_29 = %scan3A_19 to %scan3A_21 step %scan3A_22  : i32 {
      %rem3A = arith.constant 2 : i32
      %rem3A_30 = arith.remsi %scan3A_29, %rem3A : i32
      %sub3A = arith.constant 1 : i32
      %sub3A_31 = arith.subi %sub3A, %rem3A_30 : i32
      %add3A_32 = arith.constant 1 : i32
      %add3A_33 = arith.addi %scan3A_29, %add3A_32 : i32
      %lt3A = arith.constant 125 : i32
      %lt3A_34 = arith.cmpi slt, %add3A_33, %lt3A : i32
      %convert_element_type3A = arith.extui %lt3A_34 : i1 to i32
      %cond3A = arith.constant 0 : i32
      %cond3A_35 = arith.cmpi ne, %convert_element_type3A, %cond3A : i32
      scf.if %cond3A_35 {
        %add3A_45 = arith.constant 1 : i32
        %add3A_46 = arith.addi %scan3A_29, %add3A_45 : i32
        %mul3A_47 = arith.constant 80 : i32
        %mul3A_48 = arith.muli %add3A_46, %mul3A_47 : i32
        %add3A_49 = arith.addi %mul3A_6, %mul3A_48 : i32
        "tpu.region"() ({
          %run_scoped3A_60 = tpu.sem_alloc : memref<!tpu.dma_semaphore, #tpu.memory_space<semaphore_mem>>
          %dma_start3A_61 = arith.constant 0 : i32
          %dma_start3A_62 = tpu.memref_slice %arg7[%sub3A_31, %dma_start3A_61] : memref<2x80xi32, #tpu.memory_space<vmem>> -> memref<1x80xi32, #tpu.memory_space<vmem>>
          %dma_start3A_63 = tpu.memref_squeeze %dma_start3A_62 : memref<1x80xi32, #tpu.memory_space<vmem>> -> memref<80xi32, #tpu.memory_space<vmem>>
          %dma_start3A_64 = tpu.memref_slice %arg3[%add3A_49] : memref<320000xi32, #tpu.memory_space<hbm>> -> memref<80xi32, #tpu.memory_space<hbm>>
          %dma_start3A_65 = arith.constant 0 : i32
          %dma_start3A_66 = tpu.memref_slice %arg7[%sub3A_31, %dma_start3A_65] : memref<2x80xi32, #tpu.memory_space<vmem>> -> memref<1x80xi32, #tpu.memory_space<vmem>>
          %dma_start3A_67 = tpu.memref_squeeze %dma_start3A_66 : memref<1x80xi32, #tpu.memory_space<vmem>> -> memref<80xi32, #tpu.memory_space<vmem>>
          %dma_start3A_68 = tpu.memref_slice %arg3[%add3A_49] : memref<320000xi32, #tpu.memory_space<hbm>> -> memref<80xi32, #tpu.memory_space<hbm>>
          tpu.enqueue_dma source(%dma_start3A_68 : memref<80xi32, #tpu.memory_space<hbm>>) target(%dma_start3A_67 : memref<80xi32, #tpu.memory_space<vmem>>) target_semaphore(%run_scoped3A_60 : memref<!tpu.dma_semaphore, #tpu.memory_space<semaphore_mem>>)
          %dma_wait3A_69 = arith.constant 0 : i32
          %dma_wait3A_70 = tpu.memref_slice %arg7[%sub3A_31, %dma_wait3A_69] : memref<2x80xi32, #tpu.memory_space<vmem>> -> memref<1x80xi32, #tpu.memory_space<vmem>>
          %dma_wait3A_71 = tpu.memref_squeeze %dma_wait3A_70 : memref<1x80xi32, #tpu.memory_space<vmem>> -> memref<80xi32, #tpu.memory_space<vmem>>
          %dma_wait3A_72 = tpu.memref_slice %arg3[%add3A_49] : memref<320000xi32, #tpu.memory_space<hbm>> -> memref<80xi32, #tpu.memory_space<hbm>>
          %dma_wait3A_73 = arith.constant 0 : i32
          %dma_wait3A_74 = tpu.memref_slice %arg7[%sub3A_31, %dma_wait3A_73] : memref<2x80xi32, #tpu.memory_space<vmem>> -> memref<1x80xi32, #tpu.memory_space<vmem>>
          %dma_wait3A_75 = tpu.memref_squeeze %dma_wait3A_74 : memref<1x80xi32, #tpu.memory_space<vmem>> -> memref<80xi32, #tpu.memory_space<vmem>>
          %dma_wait3A_76 = tpu.memref_slice %arg3[%add3A_49] : memref<320000xi32, #tpu.memory_space<hbm>> -> memref<80xi32, #tpu.memory_space<hbm>>
          tpu.wait_dma2 semaphore(%run_scoped3A_60 : memref<!tpu.dma_semaphore, #tpu.memory_space<semaphore_mem>>) src(%dma_wait3A_76 : memref<80xi32, #tpu.memory_space<hbm>>) dst(%dma_wait3A_75 : memref<80xi32, #tpu.memory_space<vmem>>)
          tpu.yield
        }) : () -> ()
        "tpu.region"() ({
          %run_scoped3A_60 = tpu.sem_alloc : memref<!tpu.dma_semaphore, #tpu.memory_space<semaphore_mem>>
          %dma_start3A_61 = arith.constant 0 : i32
          %dma_start3A_62 = tpu.memref_slice %arg8[%sub3A_31, %dma_start3A_61] : memref<2x80xi32, #tpu.memory_space<vmem>> -> memref<1x80xi32, #tpu.memory_space<vmem>>
          %dma_start3A_63 = tpu.memref_squeeze %dma_start3A_62 : memref<1x80xi32, #tpu.memory_space<vmem>> -> memref<80xi32, #tpu.memory_space<vmem>>
          %dma_start3A_64 = tpu.memref_slice %arg4[%add3A_49] : memref<320000xi32, #tpu.memory_space<hbm>> -> memref<80xi32, #tpu.memory_space<hbm>>
          %dma_start3A_65 = arith.constant 0 : i32
          %dma_start3A_66 = tpu.memref_slice %arg8[%sub3A_31, %dma_start3A_65] : memref<2x80xi32, #tpu.memory_space<vmem>> -> memref<1x80xi32, #tpu.memory_space<vmem>>
          %dma_start3A_67 = tpu.memref_squeeze %dma_start3A_66 : memref<1x80xi32, #tpu.memory_space<vmem>> -> memref<80xi32, #tpu.memory_space<vmem>>
          %dma_start3A_68 = tpu.memref_slice %arg4[%add3A_49] : memref<320000xi32, #tpu.memory_space<hbm>> -> memref<80xi32, #tpu.memory_space<hbm>>
          tpu.enqueue_dma source(%dma_start3A_68 : memref<80xi32, #tpu.memory_space<hbm>>) target(%dma_start3A_67 : memref<80xi32, #tpu.memory_space<vmem>>) target_semaphore(%run_scoped3A_60 : memref<!tpu.dma_semaphore, #tpu.memory_space<semaphore_mem>>)
          %dma_wait3A_69 = arith.constant 0 : i32
          %dma_wait3A_70 = tpu.memref_slice %arg8[%sub3A_31, %dma_wait3A_69] : memref<2x80xi32, #tpu.memory_space<vmem>> -> memref<1x80xi32, #tpu.memory_space<vmem>>
          %dma_wait3A_71 = tpu.memref_squeeze %dma_wait3A_70 : memref<1x80xi32, #tpu.memory_space<vmem>> -> memref<80xi32, #tpu.memory_space<vmem>>
          %dma_wait3A_72 = tpu.memref_slice %arg4[%add3A_49] : memref<320000xi32, #tpu.memory_space<hbm>> -> memref<80xi32, #tpu.memory_space<hbm>>
          %dma_wait3A_73 = arith.constant 0 : i32
          %dma_wait3A_74 = tpu.memref_slice %arg8[%sub3A_31, %dma_wait3A_73] : memref<2x80xi32, #tpu.memory_space<vmem>> -> memref<1x80xi32, #tpu.memory_space<vmem>>
          %dma_wait3A_75 = tpu.memref_squeeze %dma_wait3A_74 : memref<1x80xi32, #tpu.memory_space<vmem>> -> memref<80xi32, #tpu.memory_space<vmem>>
          %dma_wait3A_76 = tpu.memref_slice %arg4[%add3A_49] : memref<320000xi32, #tpu.memory_space<hbm>> -> memref<80xi32, #tpu.memory_space<hbm>>
          tpu.wait_dma2 semaphore(%run_scoped3A_60 : memref<!tpu.dma_semaphore, #tpu.memory_space<semaphore_mem>>) src(%dma_wait3A_76 : memref<80xi32, #tpu.memory_space<hbm>>) dst(%dma_wait3A_75 : memref<80xi32, #tpu.memory_space<vmem>>)
          tpu.yield
        }) : () -> ()
        %dma_start3A_50 = arith.constant 0 : i32
        %dma_start3A_51 = arith.constant 0 : i32
        %dma_start3A_52 = tpu.memref_slice %arg9[%sub3A_31, %dma_start3A_50, %dma_start3A_51] : memref<2x80x160xf32, #tpu.memory_space<vmem>> -> memref<1x80x160xf32, #tpu.memory_space<vmem>>
        %dma_start3A_53 = tpu.memref_squeeze %dma_start3A_52 : memref<1x80x160xf32, #tpu.memory_space<vmem>> -> memref<80x160xf32, #tpu.memory_space<vmem>>
        %dma_start3A_54 = arith.constant 0 : i32
        %dma_start3A_55 = tpu.memref_slice %arg7[%sub3A_31, %dma_start3A_54] : memref<2x80xi32, #tpu.memory_space<vmem>> -> memref<1x80xi32, #tpu.memory_space<vmem>>
        %dma_start3A_56 = tpu.memref_squeeze %dma_start3A_55 : memref<1x80xi32, #tpu.memory_space<vmem>> -> memref<80xi32, #tpu.memory_space<vmem>>
        %dma_start3A_57 = arith.constant 0 : i32
        %dma_start3A_58 = arith.constant 0 : i32
        %dma_start3A_59 = tpu.memref_slice %arg2[%dma_start3A_57, %dma_start3A_58] : memref<10000x160xf32, #tpu.memory_space<hbm>> -> memref<10000x160xf32, #tpu.memory_space<hbm>>
        tpu.enqueue_indirect_dma source(%dma_start3A_59 : memref<10000x160xf32, #tpu.memory_space<hbm>>) target(%dma_start3A_53 : memref<80x160xf32, #tpu.memory_space<vmem>>) offsets(%dma_start3A_56 : memref<80xi32, #tpu.memory_space<vmem>>) semaphore(%arg11 : memref<!tpu.dma_semaphore, #tpu.memory_space<semaphore_mem>>)
      } else {
      }
      %dma_wait3A = arith.constant 0 : i32
      %dma_wait3A_36 = arith.constant 0 : i32
      %dma_wait3A_37 = tpu.memref_slice %arg9[%rem3A_30, %dma_wait3A, %dma_wait3A_36] : memref<2x80x160xf32, #tpu.memory_space<vmem>> -> memref<1x80x160xf32, #tpu.memory_space<vmem>>
      %dma_wait3A_38 = tpu.memref_squeeze %dma_wait3A_37 : memref<1x80x160xf32, #tpu.memory_space<vmem>> -> memref<80x160xf32, #tpu.memory_space<vmem>>
      %dma_wait3A_39 = arith.constant 0 : i32
      %dma_wait3A_40 = tpu.memref_slice %arg7[%rem3A_30, %dma_wait3A_39] : memref<2x80xi32, #tpu.memory_space<vmem>> -> memref<1x80xi32, #tpu.memory_space<vmem>>
      %dma_wait3A_41 = tpu.memref_squeeze %dma_wait3A_40 : memref<1x80xi32, #tpu.memory_space<vmem>> -> memref<80xi32, #tpu.memory_space<vmem>>
      %dma_wait3A_42 = arith.constant 0 : i32
      %dma_wait3A_43 = arith.constant 0 : i32
      %dma_wait3A_44 = tpu.memref_slice %arg2[%dma_wait3A_42, %dma_wait3A_43] : memref<10000x160xf32, #tpu.memory_space<hbm>> -> memref<10000x160xf32, #tpu.memory_space<hbm>>
      tpu.wait_indirect_dma semaphore(%arg11 : memref<!tpu.dma_semaphore, #tpu.memory_space<semaphore_mem>>) src(%dma_wait3A_44 : memref<10000x160xf32, #tpu.memory_space<hbm>>) dst(%dma_wait3A_38 : memref<80x160xf32, #tpu.memory_space<vmem>>)
      "tpu.region"() ({
        %run_scoped3A_45 = tpu.sem_alloc : memref<!tpu.dma_semaphore, #tpu.memory_space<semaphore_mem>>
        %dma_start3A_46 = arith.constant 0 : i32
        %dma_start3A_47 = arith.constant 0 : i32
        %dma_start3A_48 = tpu.memref_slice %arg9[%rem3A_30, %dma_start3A_46, %dma_start3A_47] : memref<2x80x160xf32, #tpu.memory_space<vmem>> -> memref<1x80x160xf32, #tpu.memory_space<vmem>>
        %dma_start3A_49 = tpu.memref_squeeze %dma_start3A_48 : memref<1x80x160xf32, #tpu.memory_space<vmem>> -> memref<80x160xf32, #tpu.memory_space<vmem>>
        %dma_start3A_50 = arith.constant 0 : i32
        %dma_start3A_51 = tpu.memref_slice %arg8[%rem3A_30, %dma_start3A_50] : memref<2x80xi32, #tpu.memory_space<vmem>> -> memref<1x80xi32, #tpu.memory_space<vmem>>
        %dma_start3A_52 = tpu.memref_squeeze %dma_start3A_51 : memref<1x80xi32, #tpu.memory_space<vmem>> -> memref<80xi32, #tpu.memory_space<vmem>>
        %dma_start3A_53 = arith.constant 0 : i32
        %dma_start3A_54 = arith.constant 0 : i32
        %dma_start3A_55 = tpu.memref_slice %arg10[%dma_start3A_53, %dma_start3A_54] : memref<10240x160xf32, #tpu.memory_space<vmem_shared>> -> memref<10240x160xf32, #tpu.memory_space<vmem_shared>>
        tpu.enqueue_indirect_dma source(%dma_start3A_49 : memref<80x160xf32, #tpu.memory_space<vmem>>) target(%dma_start3A_55 : memref<10240x160xf32, #tpu.memory_space<vmem_shared>>) offsets(%dma_start3A_52 : memref<80xi32, #tpu.memory_space<vmem>>) semaphore(%run_scoped3A_45 : memref<!tpu.dma_semaphore, #tpu.memory_space<semaphore_mem>>) {add = true}
        %dma_wait3A_56 = arith.constant 0 : i32
        %dma_wait3A_57 = arith.constant 0 : i32
        %dma_wait3A_58 = tpu.memref_slice %arg9[%rem3A_30, %dma_wait3A_56, %dma_wait3A_57] : memref<2x80x160xf32, #tpu.memory_space<vmem>> -> memref<1x80x160xf32, #tpu.memory_space<vmem>>
        %dma_wait3A_59 = tpu.memref_squeeze %dma_wait3A_58 : memref<1x80x160xf32, #tpu.memory_space<vmem>> -> memref<80x160xf32, #tpu.memory_space<vmem>>
        %dma_wait3A_60 = arith.constant 0 : i32
        %dma_wait3A_61 = tpu.memref_slice %arg8[%rem3A_30, %dma_wait3A_60] : memref<2x80xi32, #tpu.memory_space<vmem>> -> memref<1x80xi32, #tpu.memory_space<vmem>>
        %dma_wait3A_62 = tpu.memref_squeeze %dma_wait3A_61 : memref<1x80xi32, #tpu.memory_space<vmem>> -> memref<80xi32, #tpu.memory_space<vmem>>
        %dma_wait3A_63 = arith.constant 0 : i32
        %dma_wait3A_64 = arith.constant 0 : i32
        %dma_wait3A_65 = tpu.memref_slice %arg10[%dma_wait3A_63, %dma_wait3A_64] : memref<10240x160xf32, #tpu.memory_space<vmem_shared>> -> memref<10240x160xf32, #tpu.memory_space<vmem_shared>>
        tpu.wait_indirect_dma semaphore(%run_scoped3A_45 : memref<!tpu.dma_semaphore, #tpu.memory_space<semaphore_mem>>) src(%dma_wait3A_59 : memref<80x160xf32, #tpu.memory_space<vmem>>) dst(%dma_wait3A_65 : memref<10240x160xf32, #tpu.memory_space<vmem_shared>>)
        tpu.yield
      }) : () -> ()
    }
    %scan3A_23 = arith.constant 125 : i32
    %barrier3A_24 = arith.constant 0 : index
    tpu.barrier barrier_id(%barrier3A_24)
    %mul3A_25 = arith.constant 640 : i32
    %mul3A_26 = arith.muli %arg1, %mul3A_25 : i32
    %mul3A_27 = arith.constant 640 : i32
    %mul3A_28 = arith.muli %arg1, %mul3A_27 : i32
    "tpu.region"() ({
      %run_scoped3A_29 = tpu.sem_alloc : memref<!tpu.dma_semaphore, #tpu.memory_space<semaphore_mem>>
      %dma_start3A_30 = arith.constant 0 : i32
      %dma_start3A_31 = tpu.memref_slice %arg6[%arg0, %mul3A_28, %dma_start3A_30] : memref<2x10240x160xf32, #tpu.memory_space<hbm>> -> memref<1x640x160xf32, #tpu.memory_space<hbm>>
      %dma_start3A_32 = tpu.memref_squeeze %dma_start3A_31 : memref<1x640x160xf32, #tpu.memory_space<hbm>> -> memref<640x160xf32, #tpu.memory_space<hbm>>
      %dma_start3A_33 = arith.constant 0 : i32
      %dma_start3A_34 = tpu.memref_slice %arg10[%mul3A_26, %dma_start3A_33] : memref<10240x160xf32, #tpu.memory_space<vmem_shared>> -> memref<640x160xf32, #tpu.memory_space<vmem_shared>>
      tpu.enqueue_dma source(%dma_start3A_34 : memref<640x160xf32, #tpu.memory_space<vmem_shared>>) target(%dma_start3A_32 : memref<640x160xf32, #tpu.memory_space<hbm>>) target_semaphore(%run_scoped3A_29 : memref<!tpu.dma_semaphore, #tpu.memory_space<semaphore_mem>>)
      %dma_wait3A = arith.constant 0 : i32
      %dma_wait3A_35 = tpu.memref_slice %arg6[%arg0, %mul3A_28, %dma_wait3A] : memref<2x10240x160xf32, #tpu.memory_space<hbm>> -> memref<1x640x160xf32, #tpu.memory_space<hbm>>
      %dma_wait3A_36 = tpu.memref_squeeze %dma_wait3A_35 : memref<1x640x160xf32, #tpu.memory_space<hbm>> -> memref<640x160xf32, #tpu.memory_space<hbm>>
      %dma_wait3A_37 = arith.constant 0 : i32
      %dma_wait3A_38 = tpu.memref_slice %arg10[%mul3A_26, %dma_wait3A_37] : memref<10240x160xf32, #tpu.memory_space<vmem_shared>> -> memref<640x160xf32, #tpu.memory_space<vmem_shared>>
      tpu.wait_dma2 semaphore(%run_scoped3A_29 : memref<!tpu.dma_semaphore, #tpu.memory_space<semaphore_mem>>) src(%dma_wait3A_38 : memref<640x160xf32, #tpu.memory_space<vmem_shared>>) dst(%dma_wait3A_36 : memref<640x160xf32, #tpu.memory_space<hbm>>)
      tpu.yield
    }) : () -> ()
    return
  }
}

#map = affine_map<(d0, d1) -> (0, 0)>
#map1 = affine_map<(d0, d1) -> (0)>
#map2 = affine_map<(d0, d1) -> (0, 0, 0)>
module attributes {stable_mosaic.version = 14 : i64} {
  func.func @k(%arg0: i32, %arg1: i32, %arg2: memref<10000x160xf32, #tpu.memory_space<hbm>>, %arg3: memref<320000xi32, #tpu.memory_space<hbm>>, %arg4: memref<320000xi32, #tpu.memory_space<hbm>>, %arg5: memref<10240x160xf32, #tpu.memory_space<hbm>>, %arg6: memref<2x10240x160xf32, #tpu.memory_space<hbm>>, %arg7: memref<2x80xi32, #tpu.memory_space<vmem>>, %arg8: memref<2x80xi32, #tpu.memory_space<vmem>>, %arg9: memref<2x80x160xf32, #tpu.memory_space<vmem>>, %arg10: memref<10240x160xf32, #tpu.memory_space<vmem_shared>>, %arg11: memref<!tpu.dma_semaphore, #tpu.memory_space<semaphore_mem>>) attributes {dimension_semantics = [#tpu.dimension_semantics<core_parallel>, #tpu.dimension_semantics<subcore_parallel>], iteration_bounds = array<i64: 2, 16>, scalar_prefetch = 0 : i64, scratch_operands = 5 : i64, tpu.core_type = #tpu.core_type<sc_vector_subcore>, window_params = [{transform_indices = #map}, {transform_indices = #map1}, {transform_indices = #map1}, {transform_indices = #map}, {transform_indices = #map2}]} {
    %mul3A = arith.constant 640 : i32
    %mul3A_0 = arith.muli %arg1, %mul3A : i32
    %mul3A_1 = arith.constant 640 : i32
    %mul3A_2 = arith.muli %arg1, %mul3A_1 : i32
    "tpu.region"() ({
      %run_scoped3A_29 = tpu.sem_alloc : memref<!tpu.dma_semaphore, #tpu.memory_space<semaphore_mem>>
      %dma_start3A_30 = arith.constant 0 : i32
      %dma_start3A_31 = tpu.memref_slice %arg10[%mul3A_2, %dma_start3A_30] : memref<10240x160xf32, #tpu.memory_space<vmem_shared>> -> memref<640x160xf32, #tpu.memory_space<vmem_shared>>
      %dma_start3A_32 = arith.constant 0 : i32
      %dma_start3A_33 = tpu.memref_slice %arg5[%mul3A_0, %dma_start3A_32] : memref<10240x160xf32, #tpu.memory_space<hbm>> -> memref<640x160xf32, #tpu.memory_space<hbm>>
      tpu.enqueue_dma source(%dma_start3A_33 : memref<640x160xf32, #tpu.memory_space<hbm>>) target(%dma_start3A_31 : memref<640x160xf32, #tpu.memory_space<vmem_shared>>) target_semaphore(%run_scoped3A_29 : memref<!tpu.dma_semaphore, #tpu.memory_space<semaphore_mem>>)
      %dma_wait3A = arith.constant 0 : i32
      %dma_wait3A_34 = tpu.memref_slice %arg10[%mul3A_2, %dma_wait3A] : memref<10240x160xf32, #tpu.memory_space<vmem_shared>> -> memref<640x160xf32, #tpu.memory_space<vmem_shared>>
      %dma_wait3A_35 = arith.constant 0 : i32
      %dma_wait3A_36 = tpu.memref_slice %arg5[%mul3A_0, %dma_wait3A_35] : memref<10240x160xf32, #tpu.memory_space<hbm>> -> memref<640x160xf32, #tpu.memory_space<hbm>>
      tpu.wait_dma2 semaphore(%run_scoped3A_29 : memref<!tpu.dma_semaphore, #tpu.memory_space<semaphore_mem>>) src(%dma_wait3A_36 : memref<640x160xf32, #tpu.memory_space<hbm>>) dst(%dma_wait3A_34 : memref<640x160xf32, #tpu.memory_space<vmem_shared>>)
      tpu.yield
    }) : () -> ()
    %barrier3A = arith.constant 0 : index
    tpu.barrier barrier_id(%barrier3A)
    %mul3A_3 = arith.constant 16 : i32
    %mul3A_4 = arith.muli %arg0, %mul3A_3 : i32
    %add3A = arith.addi %mul3A_4, %arg1 : i32
    %mul3A_5 = arith.constant 10000 : i32
    %mul3A_6 = arith.muli %add3A, %mul3A_5 : i32
    %run_scoped3A = arith.constant 0 : i32
    "tpu.region"() ({
      %run_scoped3A_29 = tpu.sem_alloc : memref<!tpu.dma_semaphore, #tpu.memory_space<semaphore_mem>>
      %dma_start3A_30 = arith.constant 0 : i32
      %dma_start3A_31 = tpu.memref_slice %arg7[%run_scoped3A, %dma_start3A_30] : memref<2x80xi32, #tpu.memory_space<vmem>> -> memref<1x80xi32, #tpu.memory_space<vmem>>
      %dma_start3A_32 = tpu.memref_squeeze %dma_start3A_31 : memref<1x80xi32, #tpu.memory_space<vmem>> -> memref<80xi32, #tpu.memory_space<vmem>>
      %dma_start3A_33 = tpu.memref_slice %arg3[%mul3A_6] : memref<320000xi32, #tpu.memory_space<hbm>> -> memref<80xi32, #tpu.memory_space<hbm>>
      %dma_start3A_34 = arith.constant 0 : i32
      %dma_start3A_35 = tpu.memref_slice %arg7[%run_scoped3A, %dma_start3A_34] : memref<2x80xi32, #tpu.memory_space<vmem>> -> memref<1x80xi32, #tpu.memory_space<vmem>>
      %dma_start3A_36 = tpu.memref_squeeze %dma_start3A_35 : memref<1x80xi32, #tpu.memory_space<vmem>> -> memref<80xi32, #tpu.memory_space<vmem>>
      %dma_start3A_37 = tpu.memref_slice %arg3[%mul3A_6] : memref<320000xi32, #tpu.memory_space<hbm>> -> memref<80xi32, #tpu.memory_space<hbm>>
      tpu.enqueue_dma source(%dma_start3A_37 : memref<80xi32, #tpu.memory_space<hbm>>) target(%dma_start3A_36 : memref<80xi32, #tpu.memory_space<vmem>>) target_semaphore(%run_scoped3A_29 : memref<!tpu.dma_semaphore, #tpu.memory_space<semaphore_mem>>)
      %dma_wait3A = arith.constant 0 : i32
      %dma_wait3A_38 = tpu.memref_slice %arg7[%run_scoped3A, %dma_wait3A] : memref<2x80xi32, #tpu.memory_space<vmem>> -> memref<1x80xi32, #tpu.memory_space<vmem>>
      %dma_wait3A_39 = tpu.memref_squeeze %dma_wait3A_38 : memref<1x80xi32, #tpu.memory_space<vmem>> -> memref<80xi32, #tpu.memory_space<vmem>>
      %dma_wait3A_40 = tpu.memref_slice %arg3[%mul3A_6] : memref<320000xi32, #tpu.memory_space<hbm>> -> memref<80xi32, #tpu.memory_space<hbm>>
      %dma_wait3A_41 = arith.constant 0 : i32
      %dma_wait3A_42 = tpu.memref_slice %arg7[%run_scoped3A, %dma_wait3A_41] : memref<2x80xi32, #tpu.memory_space<vmem>> -> memref<1x80xi32, #tpu.memory_space<vmem>>
      %dma_wait3A_43 = tpu.memref_squeeze %dma_wait3A_42 : memref<1x80xi32, #tpu.memory_space<vmem>> -> memref<80xi32, #tpu.memory_space<vmem>>
      %dma_wait3A_44 = tpu.memref_slice %arg3[%mul3A_6] : memref<320000xi32, #tpu.memory_space<hbm>> -> memref<80xi32, #tpu.memory_space<hbm>>
      tpu.wait_dma2 semaphore(%run_scoped3A_29 : memref<!tpu.dma_semaphore, #tpu.memory_space<semaphore_mem>>) src(%dma_wait3A_44 : memref<80xi32, #tpu.memory_space<hbm>>) dst(%dma_wait3A_43 : memref<80xi32, #tpu.memory_space<vmem>>)
      tpu.yield
    }) : () -> ()
    %run_scoped3A_7 = arith.constant 0 : i32
    "tpu.region"() ({
      %run_scoped3A_29 = tpu.sem_alloc : memref<!tpu.dma_semaphore, #tpu.memory_space<semaphore_mem>>
      %dma_start3A_30 = arith.constant 0 : i32
      %dma_start3A_31 = tpu.memref_slice %arg8[%run_scoped3A_7, %dma_start3A_30] : memref<2x80xi32, #tpu.memory_space<vmem>> -> memref<1x80xi32, #tpu.memory_space<vmem>>
      %dma_start3A_32 = tpu.memref_squeeze %dma_start3A_31 : memref<1x80xi32, #tpu.memory_space<vmem>> -> memref<80xi32, #tpu.memory_space<vmem>>
      %dma_start3A_33 = tpu.memref_slice %arg4[%mul3A_6] : memref<320000xi32, #tpu.memory_space<hbm>> -> memref<80xi32, #tpu.memory_space<hbm>>
      %dma_start3A_34 = arith.constant 0 : i32
      %dma_start3A_35 = tpu.memref_slice %arg8[%run_scoped3A_7, %dma_start3A_34] : memref<2x80xi32, #tpu.memory_space<vmem>> -> memref<1x80xi32, #tpu.memory_space<vmem>>
      %dma_start3A_36 = tpu.memref_squeeze %dma_start3A_35 : memref<1x80xi32, #tpu.memory_space<vmem>> -> memref<80xi32, #tpu.memory_space<vmem>>
      %dma_start3A_37 = tpu.memref_slice %arg4[%mul3A_6] : memref<320000xi32, #tpu.memory_space<hbm>> -> memref<80xi32, #tpu.memory_space<hbm>>
      tpu.enqueue_dma source(%dma_start3A_37 : memref<80xi32, #tpu.memory_space<hbm>>) target(%dma_start3A_36 : memref<80xi32, #tpu.memory_space<vmem>>) target_semaphore(%run_scoped3A_29 : memref<!tpu.dma_semaphore, #tpu.memory_space<semaphore_mem>>)
      %dma_wait3A = arith.constant 0 : i32
      %dma_wait3A_38 = tpu.memref_slice %arg8[%run_scoped3A_7, %dma_wait3A] : memref<2x80xi32, #tpu.memory_space<vmem>> -> memref<1x80xi32, #tpu.memory_space<vmem>>
      %dma_wait3A_39 = tpu.memref_squeeze %dma_wait3A_38 : memref<1x80xi32, #tpu.memory_space<vmem>> -> memref<80xi32, #tpu.memory_space<vmem>>
      %dma_wait3A_40 = tpu.memref_slice %arg4[%mul3A_6] : memref<320000xi32, #tpu.memory_space<hbm>> -> memref<80xi32, #tpu.memory_space<hbm>>
      %dma_wait3A_41 = arith.constant 0 : i32
      %dma_wait3A_42 = tpu.memref_slice %arg8[%run_scoped3A_7, %dma_wait3A_41] : memref<2x80xi32, #tpu.memory_space<vmem>> -> memref<1x80xi32, #tpu.memory_space<vmem>>
      %dma_wait3A_43 = tpu.memref_squeeze %dma_wait3A_42 : memref<1x80xi32, #tpu.memory_space<vmem>> -> memref<80xi32, #tpu.memory_space<vmem>>
      %dma_wait3A_44 = tpu.memref_slice %arg4[%mul3A_6] : memref<320000xi32, #tpu.memory_space<hbm>> -> memref<80xi32, #tpu.memory_space<hbm>>
      tpu.wait_dma2 semaphore(%run_scoped3A_29 : memref<!tpu.dma_semaphore, #tpu.memory_space<semaphore_mem>>) src(%dma_wait3A_44 : memref<80xi32, #tpu.memory_space<hbm>>) dst(%dma_wait3A_43 : memref<80xi32, #tpu.memory_space<vmem>>)
      tpu.yield
    }) : () -> ()
    %dma_start3A = arith.constant 0 : i32
    %dma_start3A_8 = arith.constant 0 : i32
    %dma_start3A_9 = arith.constant 0 : i32
    %dma_start3A_10 = arith.constant 0 : i32
    %dma_start3A_11 = tpu.memref_slice %arg9[%dma_start3A_8, %dma_start3A_9, %dma_start3A_10] : memref<2x80x160xf32, #tpu.memory_space<vmem>> -> memref<1x80x160xf32, #tpu.memory_space<vmem>>
    %dma_start3A_12 = tpu.memref_squeeze %dma_start3A_11 : memref<1x80x160xf32, #tpu.memory_space<vmem>> -> memref<80x160xf32, #tpu.memory_space<vmem>>
    %dma_start3A_13 = arith.constant 0 : i32
    %dma_start3A_14 = tpu.memref_slice %arg7[%dma_start3A, %dma_start3A_13] : memref<2x80xi32, #tpu.memory_space<vmem>> -> memref<1x80xi32, #tpu.memory_space<vmem>>
    %dma_start3A_15 = tpu.memref_squeeze %dma_start3A_14 : memref<1x80xi32, #tpu.memory_space<vmem>> -> memref<80xi32, #tpu.memory_space<vmem>>
    %dma_start3A_16 = arith.constant 0 : i32
    %dma_start3A_17 = arith.constant 0 : i32
    %dma_start3A_18 = tpu.memref_slice %arg2[%dma_start3A_16, %dma_start3A_17] : memref<10000x160xf32, #tpu.memory_space<hbm>> -> memref<10000x160xf32, #tpu.memory_space<hbm>>
    tpu.enqueue_indirect_dma source(%dma_start3A_18 : memref<10000x160xf32, #tpu.memory_space<hbm>>) target(%dma_start3A_12 : memref<80x160xf32, #tpu.memory_space<vmem>>) offsets(%dma_start3A_15 : memref<80xi32, #tpu.memory_space<vmem>>) semaphore(%arg11 : memref<!tpu.dma_semaphore, #tpu.memory_space<semaphore_mem>>)
    %scan3A = arith.constant 0 : i32
    %scan3A_19 = arith.constant 0 : i32
    %scan3A_20 = arith.constant 125 : i32
    %scan3A_21 = arith.addi %scan3A_19, %scan3A_20 : i32
    %scan3A_22 = arith.constant 1 : i32
    scf.for %scan3A_29 = %scan3A_19 to %scan3A_21 step %scan3A_22  : i32 {
      %rem3A = arith.constant 2 : i32
      %rem3A_30 = arith.remsi %scan3A_29, %rem3A : i32
      %sub3A = arith.constant 1 : i32
      %sub3A_31 = arith.subi %sub3A, %rem3A_30 : i32
      %add3A_32 = arith.constant 1 : i32
      %add3A_33 = arith.addi %scan3A_29, %add3A_32 : i32
      %lt3A = arith.constant 125 : i32
      %lt3A_34 = arith.cmpi slt, %add3A_33, %lt3A : i32
      %convert_element_type3A = arith.extui %lt3A_34 : i1 to i32
      %cond3A = arith.constant 0 : i32
      %cond3A_35 = arith.cmpi ne, %convert_element_type3A, %cond3A : i32
      scf.if %cond3A_35 {
        %add3A_45 = arith.constant 1 : i32
        %add3A_46 = arith.addi %scan3A_29, %add3A_45 : i32
        %mul3A_47 = arith.constant 80 : i32
        %mul3A_48 = arith.muli %add3A_46, %mul3A_47 : i32
        %add3A_49 = arith.addi %mul3A_6, %mul3A_48 : i32
        "tpu.region"() ({
          %run_scoped3A_60 = tpu.sem_alloc : memref<!tpu.dma_semaphore, #tpu.memory_space<semaphore_mem>>
          %dma_start3A_61 = arith.constant 0 : i32
          %dma_start3A_62 = tpu.memref_slice %arg7[%sub3A_31, %dma_start3A_61] : memref<2x80xi32, #tpu.memory_space<vmem>> -> memref<1x80xi32, #tpu.memory_space<vmem>>
          %dma_start3A_63 = tpu.memref_squeeze %dma_start3A_62 : memref<1x80xi32, #tpu.memory_space<vmem>> -> memref<80xi32, #tpu.memory_space<vmem>>
          %dma_start3A_64 = tpu.memref_slice %arg3[%add3A_49] : memref<320000xi32, #tpu.memory_space<hbm>> -> memref<80xi32, #tpu.memory_space<hbm>>
          %dma_start3A_65 = arith.constant 0 : i32
          %dma_start3A_66 = tpu.memref_slice %arg7[%sub3A_31, %dma_start3A_65] : memref<2x80xi32, #tpu.memory_space<vmem>> -> memref<1x80xi32, #tpu.memory_space<vmem>>
          %dma_start3A_67 = tpu.memref_squeeze %dma_start3A_66 : memref<1x80xi32, #tpu.memory_space<vmem>> -> memref<80xi32, #tpu.memory_space<vmem>>
          %dma_start3A_68 = tpu.memref_slice %arg3[%add3A_49] : memref<320000xi32, #tpu.memory_space<hbm>> -> memref<80xi32, #tpu.memory_space<hbm>>
          tpu.enqueue_dma source(%dma_start3A_68 : memref<80xi32, #tpu.memory_space<hbm>>) target(%dma_start3A_67 : memref<80xi32, #tpu.memory_space<vmem>>) target_semaphore(%run_scoped3A_60 : memref<!tpu.dma_semaphore, #tpu.memory_space<semaphore_mem>>)
          %dma_wait3A_69 = arith.constant 0 : i32
          %dma_wait3A_70 = tpu.memref_slice %arg7[%sub3A_31, %dma_wait3A_69] : memref<2x80xi32, #tpu.memory_space<vmem>> -> memref<1x80xi32, #tpu.memory_space<vmem>>
          %dma_wait3A_71 = tpu.memref_squeeze %dma_wait3A_70 : memref<1x80xi32, #tpu.memory_space<vmem>> -> memref<80xi32, #tpu.memory_space<vmem>>
          %dma_wait3A_72 = tpu.memref_slice %arg3[%add3A_49] : memref<320000xi32, #tpu.memory_space<hbm>> -> memref<80xi32, #tpu.memory_space<hbm>>
          %dma_wait3A_73 = arith.constant 0 : i32
          %dma_wait3A_74 = tpu.memref_slice %arg7[%sub3A_31, %dma_wait3A_73] : memref<2x80xi32, #tpu.memory_space<vmem>> -> memref<1x80xi32, #tpu.memory_space<vmem>>
          %dma_wait3A_75 = tpu.memref_squeeze %dma_wait3A_74 : memref<1x80xi32, #tpu.memory_space<vmem>> -> memref<80xi32, #tpu.memory_space<vmem>>
          %dma_wait3A_76 = tpu.memref_slice %arg3[%add3A_49] : memref<320000xi32, #tpu.memory_space<hbm>> -> memref<80xi32, #tpu.memory_space<hbm>>
          tpu.wait_dma2 semaphore(%run_scoped3A_60 : memref<!tpu.dma_semaphore, #tpu.memory_space<semaphore_mem>>) src(%dma_wait3A_76 : memref<80xi32, #tpu.memory_space<hbm>>) dst(%dma_wait3A_75 : memref<80xi32, #tpu.memory_space<vmem>>)
          tpu.yield
        }) : () -> ()
        "tpu.region"() ({
          %run_scoped3A_60 = tpu.sem_alloc : memref<!tpu.dma_semaphore, #tpu.memory_space<semaphore_mem>>
          %dma_start3A_61 = arith.constant 0 : i32
          %dma_start3A_62 = tpu.memref_slice %arg8[%sub3A_31, %dma_start3A_61] : memref<2x80xi32, #tpu.memory_space<vmem>> -> memref<1x80xi32, #tpu.memory_space<vmem>>
          %dma_start3A_63 = tpu.memref_squeeze %dma_start3A_62 : memref<1x80xi32, #tpu.memory_space<vmem>> -> memref<80xi32, #tpu.memory_space<vmem>>
          %dma_start3A_64 = tpu.memref_slice %arg4[%add3A_49] : memref<320000xi32, #tpu.memory_space<hbm>> -> memref<80xi32, #tpu.memory_space<hbm>>
          %dma_start3A_65 = arith.constant 0 : i32
          %dma_start3A_66 = tpu.memref_slice %arg8[%sub3A_31, %dma_start3A_65] : memref<2x80xi32, #tpu.memory_space<vmem>> -> memref<1x80xi32, #tpu.memory_space<vmem>>
          %dma_start3A_67 = tpu.memref_squeeze %dma_start3A_66 : memref<1x80xi32, #tpu.memory_space<vmem>> -> memref<80xi32, #tpu.memory_space<vmem>>
          %dma_start3A_68 = tpu.memref_slice %arg4[%add3A_49] : memref<320000xi32, #tpu.memory_space<hbm>> -> memref<80xi32, #tpu.memory_space<hbm>>
          tpu.enqueue_dma source(%dma_start3A_68 : memref<80xi32, #tpu.memory_space<hbm>>) target(%dma_start3A_67 : memref<80xi32, #tpu.memory_space<vmem>>) target_semaphore(%run_scoped3A_60 : memref<!tpu.dma_semaphore, #tpu.memory_space<semaphore_mem>>)
          %dma_wait3A_69 = arith.constant 0 : i32
          %dma_wait3A_70 = tpu.memref_slice %arg8[%sub3A_31, %dma_wait3A_69] : memref<2x80xi32, #tpu.memory_space<vmem>> -> memref<1x80xi32, #tpu.memory_space<vmem>>
          %dma_wait3A_71 = tpu.memref_squeeze %dma_wait3A_70 : memref<1x80xi32, #tpu.memory_space<vmem>> -> memref<80xi32, #tpu.memory_space<vmem>>
          %dma_wait3A_72 = tpu.memref_slice %arg4[%add3A_49] : memref<320000xi32, #tpu.memory_space<hbm>> -> memref<80xi32, #tpu.memory_space<hbm>>
          %dma_wait3A_73 = arith.constant 0 : i32
          %dma_wait3A_74 = tpu.memref_slice %arg8[%sub3A_31, %dma_wait3A_73] : memref<2x80xi32, #tpu.memory_space<vmem>> -> memref<1x80xi32, #tpu.memory_space<vmem>>
          %dma_wait3A_75 = tpu.memref_squeeze %dma_wait3A_74 : memref<1x80xi32, #tpu.memory_space<vmem>> -> memref<80xi32, #tpu.memory_space<vmem>>
          %dma_wait3A_76 = tpu.memref_slice %arg4[%add3A_49] : memref<320000xi32, #tpu.memory_space<hbm>> -> memref<80xi32, #tpu.memory_space<hbm>>
          tpu.wait_dma2 semaphore(%run_scoped3A_60 : memref<!tpu.dma_semaphore, #tpu.memory_space<semaphore_mem>>) src(%dma_wait3A_76 : memref<80xi32, #tpu.memory_space<hbm>>) dst(%dma_wait3A_75 : memref<80xi32, #tpu.memory_space<vmem>>)
          tpu.yield
        }) : () -> ()
        %dma_start3A_50 = arith.constant 0 : i32
        %dma_start3A_51 = arith.constant 0 : i32
        %dma_start3A_52 = tpu.memref_slice %arg9[%sub3A_31, %dma_start3A_50, %dma_start3A_51] : memref<2x80x160xf32, #tpu.memory_space<vmem>> -> memref<1x80x160xf32, #tpu.memory_space<vmem>>
        %dma_start3A_53 = tpu.memref_squeeze %dma_start3A_52 : memref<1x80x160xf32, #tpu.memory_space<vmem>> -> memref<80x160xf32, #tpu.memory_space<vmem>>
        %dma_start3A_54 = arith.constant 0 : i32
        %dma_start3A_55 = tpu.memref_slice %arg7[%sub3A_31, %dma_start3A_54] : memref<2x80xi32, #tpu.memory_space<vmem>> -> memref<1x80xi32, #tpu.memory_space<vmem>>
        %dma_start3A_56 = tpu.memref_squeeze %dma_start3A_55 : memref<1x80xi32, #tpu.memory_space<vmem>> -> memref<80xi32, #tpu.memory_space<vmem>>
        %dma_start3A_57 = arith.constant 0 : i32
        %dma_start3A_58 = arith.constant 0 : i32
        %dma_start3A_59 = tpu.memref_slice %arg2[%dma_start3A_57, %dma_start3A_58] : memref<10000x160xf32, #tpu.memory_space<hbm>> -> memref<10000x160xf32, #tpu.memory_space<hbm>>
        tpu.enqueue_indirect_dma source(%dma_start3A_59 : memref<10000x160xf32, #tpu.memory_space<hbm>>) target(%dma_start3A_53 : memref<80x160xf32, #tpu.memory_space<vmem>>) offsets(%dma_start3A_56 : memref<80xi32, #tpu.memory_space<vmem>>) semaphore(%arg11 : memref<!tpu.dma_semaphore, #tpu.memory_space<semaphore_mem>>)
      } else {
      }
      %dma_wait3A = arith.constant 0 : i32
      %dma_wait3A_36 = arith.constant 0 : i32
      %dma_wait3A_37 = tpu.memref_slice %arg9[%rem3A_30, %dma_wait3A, %dma_wait3A_36] : memref<2x80x160xf32, #tpu.memory_space<vmem>> -> memref<1x80x160xf32, #tpu.memory_space<vmem>>
      %dma_wait3A_38 = tpu.memref_squeeze %dma_wait3A_37 : memref<1x80x160xf32, #tpu.memory_space<vmem>> -> memref<80x160xf32, #tpu.memory_space<vmem>>
      %dma_wait3A_39 = arith.constant 0 : i32
      %dma_wait3A_40 = tpu.memref_slice %arg7[%rem3A_30, %dma_wait3A_39] : memref<2x80xi32, #tpu.memory_space<vmem>> -> memref<1x80xi32, #tpu.memory_space<vmem>>
      %dma_wait3A_41 = tpu.memref_squeeze %dma_wait3A_40 : memref<1x80xi32, #tpu.memory_space<vmem>> -> memref<80xi32, #tpu.memory_space<vmem>>
      %dma_wait3A_42 = arith.constant 0 : i32
      %dma_wait3A_43 = arith.constant 0 : i32
      %dma_wait3A_44 = tpu.memref_slice %arg2[%dma_wait3A_42, %dma_wait3A_43] : memref<10000x160xf32, #tpu.memory_space<hbm>> -> memref<10000x160xf32, #tpu.memory_space<hbm>>
      tpu.wait_indirect_dma semaphore(%arg11 : memref<!tpu.dma_semaphore, #tpu.memory_space<semaphore_mem>>) src(%dma_wait3A_44 : memref<10000x160xf32, #tpu.memory_space<hbm>>) dst(%dma_wait3A_38 : memref<80x160xf32, #tpu.memory_space<vmem>>)
      "tpu.region"() ({
        %run_scoped3A_45 = tpu.sem_alloc : memref<!tpu.dma_semaphore, #tpu.memory_space<semaphore_mem>>
        %dma_start3A_46 = arith.constant 0 : i32
        %dma_start3A_47 = arith.constant 0 : i32
        %dma_start3A_48 = tpu.memref_slice %arg9[%rem3A_30, %dma_start3A_46, %dma_start3A_47] : memref<2x80x160xf32, #tpu.memory_space<vmem>> -> memref<1x80x160xf32, #tpu.memory_space<vmem>>
        %dma_start3A_49 = tpu.memref_squeeze %dma_start3A_48 : memref<1x80x160xf32, #tpu.memory_space<vmem>> -> memref<80x160xf32, #tpu.memory_space<vmem>>
        %dma_start3A_50 = arith.constant 0 : i32
        %dma_start3A_51 = tpu.memref_slice %arg8[%rem3A_30, %dma_start3A_50] : memref<2x80xi32, #tpu.memory_space<vmem>> -> memref<1x80xi32, #tpu.memory_space<vmem>>
        %dma_start3A_52 = tpu.memref_squeeze %dma_start3A_51 : memref<1x80xi32, #tpu.memory_space<vmem>> -> memref<80xi32, #tpu.memory_space<vmem>>
        %dma_start3A_53 = arith.constant 0 : i32
        %dma_start3A_54 = arith.constant 0 : i32
        %dma_start3A_55 = tpu.memref_slice %arg10[%dma_start3A_53, %dma_start3A_54] : memref<10240x160xf32, #tpu.memory_space<vmem_shared>> -> memref<10240x160xf32, #tpu.memory_space<vmem_shared>>
        tpu.enqueue_indirect_dma source(%dma_start3A_49 : memref<80x160xf32, #tpu.memory_space<vmem>>) target(%dma_start3A_55 : memref<10240x160xf32, #tpu.memory_space<vmem_shared>>) offsets(%dma_start3A_52 : memref<80xi32, #tpu.memory_space<vmem>>) semaphore(%run_scoped3A_45 : memref<!tpu.dma_semaphore, #tpu.memory_space<semaphore_mem>>) {add = true}
        %dma_wait3A_56 = arith.constant 0 : i32
        %dma_wait3A_57 = arith.constant 0 : i32
        %dma_wait3A_58 = tpu.memref_slice %arg9[%rem3A_30, %dma_wait3A_56, %dma_wait3A_57] : memref<2x80x160xf32, #tpu.memory_space<vmem>> -> memref<1x80x160xf32, #tpu.memory_space<vmem>>
        %dma_wait3A_59 = tpu.memref_squeeze %dma_wait3A_58 : memref<1x80x160xf32, #tpu.memory_space<vmem>> -> memref<80x160xf32, #tpu.memory_space<vmem>>
        %dma_wait3A_60 = arith.constant 0 : i32
        %dma_wait3A_61 = tpu.memref_slice %arg8[%rem3A_30, %dma_wait3A_60] : memref<2x80xi32, #tpu.memory_space<vmem>> -> memref<1x80xi32, #tpu.memory_space<vmem>>
        %dma_wait3A_62 = tpu.memref_squeeze %dma_wait3A_61 : memref<1x80xi32, #tpu.memory_space<vmem>> -> memref<80xi32, #tpu.memory_space<vmem>>
        %dma_wait3A_63 = arith.constant 0 : i32
        %dma_wait3A_64 = arith.constant 0 : i32
        %dma_wait3A_65 = tpu.memref_slice %arg10[%dma_wait3A_63, %dma_wait3A_64] : memref<10240x160xf32, #tpu.memory_space<vmem_shared>> -> memref<10240x160xf32, #tpu.memory_space<vmem_shared>>
        tpu.wait_indirect_dma semaphore(%run_scoped3A_45 : memref<!tpu.dma_semaphore, #tpu.memory_space<semaphore_mem>>) src(%dma_wait3A_59 : memref<80x160xf32, #tpu.memory_space<vmem>>) dst(%dma_wait3A_65 : memref<10240x160xf32, #tpu.memory_space<vmem_shared>>)
        tpu.yield
      }) : () -> ()
    }
    %scan3A_23 = arith.constant 125 : i32
    %barrier3A_24 = arith.constant 0 : index
    tpu.barrier barrier_id(%barrier3A_24)
    %mul3A_25 = arith.constant 640 : i32
    %mul3A_26 = arith.muli %arg1, %mul3A_25 : i32
    %mul3A_27 = arith.constant 640 : i32
    %mul3A_28 = arith.muli %arg1, %mul3A_27 : i32
    "tpu.region"() ({
      %run_scoped3A_29 = tpu.sem_alloc : memref<!tpu.dma_semaphore, #tpu.memory_space<semaphore_mem>>
      %dma_start3A_30 = arith.constant 0 : i32
      %dma_start3A_31 = tpu.memref_slice %arg6[%arg0, %mul3A_28, %dma_start3A_30] : memref<2x10240x160xf32, #tpu.memory_space<hbm>> -> memref<1x640x160xf32, #tpu.memory_space<hbm>>
      %dma_start3A_32 = tpu.memref_squeeze %dma_start3A_31 : memref<1x640x160xf32, #tpu.memory_space<hbm>> -> memref<640x160xf32, #tpu.memory_space<hbm>>
      %dma_start3A_33 = arith.constant 0 : i32
      %dma_start3A_34 = tpu.memref_slice %arg10[%mul3A_26, %dma_start3A_33] : memref<10240x160xf32, #tpu.memory_space<vmem_shared>> -> memref<640x160xf32, #tpu.memory_space<vmem_shared>>
      tpu.enqueue_dma source(%dma_start3A_34 : memref<640x160xf32, #tpu.memory_space<vmem_shared>>) target(%dma_start3A_32 : memref<640x160xf32, #tpu.memory_space<hbm>>) target_semaphore(%run_scoped3A_29 : memref<!tpu.dma_semaphore, #tpu.memory_space<semaphore_mem>>)
      %dma_wait3A = arith.constant 0 : i32
      %dma_wait3A_35 = tpu.memref_slice %arg6[%arg0, %mul3A_28, %dma_wait3A] : memref<2x10240x160xf32, #tpu.memory_space<hbm>> -> memref<1x640x160xf32, #tpu.memory_space<hbm>>
      %dma_wait3A_36 = tpu.memref_squeeze %dma_wait3A_35 : memref<1x640x160xf32, #tpu.memory_space<hbm>> -> memref<640x160xf32, #tpu.memory_space<hbm>>
      %dma_wait3A_37 = arith.constant 0 : i32
      %dma_wait3A_38 = tpu.memref_slice %arg10[%mul3A_26, %dma_wait3A_37] : memref<10240x160xf32, #tpu.memory_space<vmem_shared>> -> memref<640x160xf32, #tpu.memory_space<vmem_shared>>
      tpu.wait_dma2 semaphore(%run_scoped3A_29 : memref<!tpu.dma_semaphore, #tpu.memory_space<semaphore_mem>>) src(%dma_wait3A_38 : memref<640x160xf32, #tpu.memory_space<vmem_shared>>) dst(%dma_wait3A_36 : memref<640x160xf32, #tpu.memory_space<hbm>>)
      tpu.yield
    }) : () -> ()
    return
  }
}

module attributes {stable_mosaic.version = 14 : i64} {
  func.func @body(%arg0: memref<10000x16xf32, #tpu.memory_space<vmem>>, %arg1: memref<10000x16xf32, #tpu.memory_space<vmem>>, %arg2: memref<10000x1xf32, #tpu.memory_space<vmem>>) attributes {dimension_semantics = [], scalar_prefetch = 0 : i64, scratch_operands = 0 : i64, tpu.core_type = #tpu.core_type<tc>} {
    %get3A = arith.constant 0 : index
    %get3A_0 = arith.constant 0 : index
    %get3A_1 = vector.load %arg0[%get3A, %get3A_0] : memref<10000x16xf32, #tpu.memory_space<vmem>>, vector<10000x1xf32>
    %add3A = arith.constant 1.000000e+00 : f32
    %add3A_2 = vector.broadcast %add3A : f32 to vector<10000x1xf32>
    %add3A_3 = arith.addf %add3A_2, %get3A_1 : vector<10000x1xf32>
    %get3A_4 = arith.constant 0 : index
    %get3A_5 = arith.constant 0 : index
    %get3A_6 = vector.load %arg1[%get3A_4, %get3A_5] : memref<10000x16xf32, #tpu.memory_space<vmem>>, vector<10000x1xf32>
    %add3A_7 = arith.addf %add3A_3, %get3A_6 : vector<10000x1xf32>
    %rsqrt3A = math.rsqrt %add3A_7 : vector<10000x1xf32>
    %swap3A = arith.constant 0 : index
    %swap3A_8 = arith.constant 0 : index
    %swap3A_9 = vector.load %arg2[%swap3A, %swap3A_8] : memref<10000x1xf32, #tpu.memory_space<vmem>>, vector<10000x1xf32>
    tpu.vector_store %arg2[%swap3A, %swap3A_8], %rsqrt3A {strides = array<i32>} : memref<10000x1xf32, #tpu.memory_space<vmem>>, vector<10000x1xf32>,
    return
  }
}

module attributes {stable_mosaic.version = 14 : i64} {
  func.func @body(%arg0: i32, %arg1: memref<1000x78xf32, #tpu.memory_space<vmem>>, %arg2: memref<78x80xf32, #tpu.memory_space<vmem>>, %arg3: memref<1000x1xf32, #tpu.memory_space<vmem>>, %arg4: memref<1000x80xf32, #tpu.memory_space<vmem>>) attributes {dimension_semantics = [#tpu.dimension_semantics<arbitrary>], iteration_bounds = array<i64: 10>, scalar_prefetch = 0 : i64, scratch_operands = 0 : i64, tpu.core_type = #tpu.core_type<tc>, window_params = [{transform_indices = @transform_0, window_bounds = array<i64: 1000, 78>}, {pipeline_mode = #tpu.pipeline_mode<synchronous>, transform_indices = @transform_1, window_bounds = array<i64: 78, 80>}, {transform_indices = @transform_2, window_bounds = array<i64: 1000, 1>}, {transform_indices = @transform_3, window_bounds = array<i64: 1000, 80>}]} {
    %get3A = arith.constant 0 : index
    %get3A_0 = arith.constant 0 : index
    %get3A_1 = vector.load %arg3[%get3A, %get3A_0] : memref<1000x1xf32, #tpu.memory_space<vmem>>, vector<1000x1xf32>
    %get3A_2 = arith.constant 0 : index
    %get3A_3 = arith.constant 0 : index
    %get3A_4 = vector.load %arg1[%get3A_2, %get3A_3] : memref<1000x78xf32, #tpu.memory_space<vmem>>, vector<1000x78xf32>
    %get3A_5 = arith.constant 0 : index
    %get3A_6 = arith.constant 0 : index
    %get3A_7 = vector.load %arg2[%get3A_5, %get3A_6] : memref<78x80xf32, #tpu.memory_space<vmem>>, vector<78x80xf32>
    %dot_general3A = arith.constant dense<0.000000e+00> : vector<1000x80xf32>
    %dot_general3A_8 = tpu.matmul %get3A_4, %get3A_7, %dot_general3A {dimension_numbers = #tpu.dot_dimension_numbers<[1], [0], [0], [1], [0, 0, 1, 1], [], []>, transpose_lhs_hint = false} : vector<1000x78xf32>, vector<78x80xf32>, vector<1000x80xf32> -> vector<1000x80xf32>
    %mul3A = vector.broadcast %get3A_1 : vector<1000x1xf32> to vector<1000x80xf32>
    %mul3A_9 = arith.mulf %mul3A, %dot_general3A_8 : vector<1000x80xf32>
    %swap3A = arith.constant 0 : index
    %swap3A_10 = arith.constant 0 : index
    %swap3A_11 = vector.load %arg4[%swap3A, %swap3A_10] : memref<1000x80xf32, #tpu.memory_space<vmem>>, vector<1000x80xf32>
    tpu.vector_store %arg4[%swap3A, %swap3A_10], %mul3A_9 {strides = array<i32>} : memref<1000x80xf32, #tpu.memory_space<vmem>>, vector<1000x80xf32>,
    return
  }
  func.func @transform_0(%arg0: i32) -> (i32, i32) {
    %c0_i32 = arith.constant 0 : i32
    %c0_i32_0 = arith.constant 0 : i32
    return %arg0, %c0_i32 : i32, i32
  }
  func.func @transform_1(%arg0: i32) -> (i32, i32) {
    %c0_i32 = arith.constant 0 : i32
    %c0_i32_0 = arith.constant 0 : i32
    %c0_i32_1 = arith.constant 0 : i32
    return %c0_i32, %c0_i32_0 : i32, i32
  }
  func.func @transform_2(%arg0: i32) -> (i32, i32) {
    %c0_i32 = arith.constant 0 : i32
    %c0_i32_0 = arith.constant 0 : i32
    return %arg0, %c0_i32 : i32, i32
  }
  func.func @transform_3(%arg0: i32) -> (i32, i32) {
    %c0_i32 = arith.constant 0 : i32
    %c0_i32_0 = arith.constant 0 : i32
    return %arg0, %c0_i32 : i32, i32
  }
}

module attributes {stable_mosaic.version = 14 : i64} {
  func.func @body(%arg0: i32, %arg1: memref<1000x80xf32, #tpu.memory_space<vmem>>, %arg2: memref<1000x80xf32, #tpu.memory_space<vmem>>, %arg3: memref<1000x80xf32, #tpu.memory_space<vmem>>, %arg4: memref<1000x1xf32, #tpu.memory_space<vmem>>, %arg5: memref<1x80xf32, #tpu.memory_space<vmem>>, %arg6: memref<1000x80xf32, #tpu.memory_space<vmem>>) attributes {dimension_semantics = [#tpu.dimension_semantics<arbitrary>], iteration_bounds = array<i64: 10>, scalar_prefetch = 0 : i64, scratch_operands = 0 : i64, tpu.core_type = #tpu.core_type<tc>, window_params = [{transform_indices = @transform_0, window_bounds = array<i64: 1000, 80>}, {transform_indices = @transform_1, window_bounds = array<i64: 1000, 80>}, {transform_indices = @transform_2, window_bounds = array<i64: 1000, 80>}, {transform_indices = @transform_3, window_bounds = array<i64: 1000, 1>}, {pipeline_mode = #tpu.pipeline_mode<synchronous>, transform_indices = @transform_4, window_bounds = array<i64: 1, 80>}, {transform_indices = @transform_5, window_bounds = array<i64: 1000, 80>}]} {
    %get3A = arith.constant 0 : index
    %get3A_0 = arith.constant 0 : index
    %get3A_1 = vector.load %arg1[%get3A, %get3A_0] : memref<1000x80xf32, #tpu.memory_space<vmem>>, vector<1000x80xf32>
    %get3A_2 = arith.constant 0 : index
    %get3A_3 = arith.constant 0 : index
    %get3A_4 = vector.load %arg2[%get3A_2, %get3A_3] : memref<1000x80xf32, #tpu.memory_space<vmem>>, vector<1000x80xf32>
    %add3A = arith.addf %get3A_1, %get3A_4 : vector<1000x80xf32>
    %get3A_5 = arith.constant 0 : index
    %get3A_6 = arith.constant 0 : index
    %get3A_7 = vector.load %arg3[%get3A_5, %get3A_6] : memref<1000x80xf32, #tpu.memory_space<vmem>>, vector<1000x80xf32>
    %add3A_8 = arith.addf %add3A, %get3A_7 : vector<1000x80xf32>
    %get3A_9 = arith.constant 0 : index
    %get3A_10 = arith.constant 0 : index
    %get3A_11 = vector.load %arg4[%get3A_9, %get3A_10] : memref<1000x1xf32, #tpu.memory_space<vmem>>, vector<1000x1xf32>
    %mul3A = vector.broadcast %get3A_11 : vector<1000x1xf32> to vector<1000x80xf32>
    %mul3A_12 = arith.mulf %mul3A, %add3A_8 : vector<1000x80xf32>
    %get3A_13 = arith.constant 0 : index
    %get3A_14 = arith.constant 0 : index
    %get3A_15 = vector.load %arg5[%get3A_13, %get3A_14] : memref<1x80xf32, #tpu.memory_space<vmem>>, vector<1x80xf32>
    %add3A_16 = vector.broadcast %get3A_15 : vector<1x80xf32> to vector<1000x80xf32>
    %add3A_17 = arith.addf %mul3A_12, %add3A_16 : vector<1000x80xf32>
    %max3A = arith.constant 0.000000e+00 : f32
    %max3A_18 = vector.broadcast %max3A : f32 to vector<1000x80xf32>
    %max3A_19 = arith.maximumf %add3A_17, %max3A_18 : vector<1000x80xf32>
    %swap3A = arith.constant 0 : index
    %swap3A_20 = arith.constant 0 : index
    %swap3A_21 = vector.load %arg6[%swap3A, %swap3A_20] : memref<1000x80xf32, #tpu.memory_space<vmem>>, vector<1000x80xf32>
    tpu.vector_store %arg6[%swap3A, %swap3A_20], %max3A_19 {strides = array<i32>} : memref<1000x80xf32, #tpu.memory_space<vmem>>, vector<1000x80xf32>,
    return
  }
  func.func @transform_0(%arg0: i32) -> (i32, i32) {
    %c0_i32 = arith.constant 0 : i32
    %c0_i32_0 = arith.constant 0 : i32
    return %arg0, %c0_i32 : i32, i32
  }
  func.func @transform_1(%arg0: i32) -> (i32, i32) {
    %c0_i32 = arith.constant 0 : i32
    %c0_i32_0 = arith.constant 0 : i32
    return %arg0, %c0_i32 : i32, i32
  }
  func.func @transform_2(%arg0: i32) -> (i32, i32) {
    %c0_i32 = arith.constant 0 : i32
    %c0_i32_0 = arith.constant 0 : i32
    return %arg0, %c0_i32 : i32, i32
  }
  func.func @transform_3(%arg0: i32) -> (i32, i32) {
    %c0_i32 = arith.constant 0 : i32
    %c0_i32_0 = arith.constant 0 : i32
    return %arg0, %c0_i32 : i32, i32
  }
  func.func @transform_4(%arg0: i32) -> (i32, i32) {
    %c0_i32 = arith.constant 0 : i32
    %c0_i32_0 = arith.constant 0 : i32
    %c0_i32_1 = arith.constant 0 : i32
    return %c0_i32, %c0_i32_0 : i32, i32
  }
  func.func @transform_5(%arg0: i32) -> (i32, i32) {
    %c0_i32 = arith.constant 0 : i32
    %c0_i32_0 = arith.constant 0 : i32
    return %arg0, %c0_i32 : i32, i32
  }
}

module attributes {stable_mosaic.version = 14 : i64} {
  func.func @body(%arg0: i32, %arg1: memref<1000x80xf32, #tpu.memory_space<vmem>>, %arg2: memref<80x160xf32, #tpu.memory_space<vmem>>, %arg3: memref<1000x1xf32, #tpu.memory_space<vmem>>, %arg4: memref<1000x160xf32, #tpu.memory_space<vmem>>) attributes {dimension_semantics = [#tpu.dimension_semantics<arbitrary>], iteration_bounds = array<i64: 10>, scalar_prefetch = 0 : i64, scratch_operands = 0 : i64, tpu.core_type = #tpu.core_type<tc>, window_params = [{transform_indices = @transform_0, window_bounds = array<i64: 1000, 80>}, {pipeline_mode = #tpu.pipeline_mode<synchronous>, transform_indices = @transform_1, window_bounds = array<i64: 80, 160>}, {transform_indices = @transform_2, window_bounds = array<i64: 1000, 1>}, {transform_indices = @transform_3, window_bounds = array<i64: 1000, 160>}]} {
    %get3A = arith.constant 0 : index
    %get3A_0 = arith.constant 0 : index
    %get3A_1 = vector.load %arg3[%get3A, %get3A_0] : memref<1000x1xf32, #tpu.memory_space<vmem>>, vector<1000x1xf32>
    %get3A_2 = arith.constant 0 : index
    %get3A_3 = arith.constant 0 : index
    %get3A_4 = vector.load %arg1[%get3A_2, %get3A_3] : memref<1000x80xf32, #tpu.memory_space<vmem>>, vector<1000x80xf32>
    %get3A_5 = arith.constant 0 : index
    %get3A_6 = arith.constant 0 : index
    %get3A_7 = vector.load %arg2[%get3A_5, %get3A_6] : memref<80x160xf32, #tpu.memory_space<vmem>>, vector<80x160xf32>
    %dot_general3A = arith.constant dense<0.000000e+00> : vector<1000x160xf32>
    %dot_general3A_8 = tpu.matmul %get3A_4, %get3A_7, %dot_general3A {dimension_numbers = #tpu.dot_dimension_numbers<[1], [0], [0], [1], [0, 0, 1, 1], [], []>, transpose_lhs_hint = false} : vector<1000x80xf32>, vector<80x160xf32>, vector<1000x160xf32> -> vector<1000x160xf32>
    %mul3A = vector.broadcast %get3A_1 : vector<1000x1xf32> to vector<1000x160xf32>
    %mul3A_9 = arith.mulf %mul3A, %dot_general3A_8 : vector<1000x160xf32>
    %swap3A = arith.constant 0 : index
    %swap3A_10 = arith.constant 0 : index
    %swap3A_11 = vector.load %arg4[%swap3A, %swap3A_10] : memref<1000x160xf32, #tpu.memory_space<vmem>>, vector<1000x160xf32>
    tpu.vector_store %arg4[%swap3A, %swap3A_10], %mul3A_9 {strides = array<i32>} : memref<1000x160xf32, #tpu.memory_space<vmem>>, vector<1000x160xf32>,
    return
  }
  func.func @transform_0(%arg0: i32) -> (i32, i32) {
    %c0_i32 = arith.constant 0 : i32
    %c0_i32_0 = arith.constant 0 : i32
    return %arg0, %c0_i32 : i32, i32
  }
  func.func @transform_1(%arg0: i32) -> (i32, i32) {
    %c0_i32 = arith.constant 0 : i32
    %c0_i32_0 = arith.constant 0 : i32
    %c0_i32_1 = arith.constant 0 : i32
    return %c0_i32, %c0_i32_0 : i32, i32
  }
  func.func @transform_2(%arg0: i32) -> (i32, i32) {
    %c0_i32 = arith.constant 0 : i32
    %c0_i32_0 = arith.constant 0 : i32
    return %arg0, %c0_i32 : i32, i32
  }
  func.func @transform_3(%arg0: i32) -> (i32, i32) {
    %c0_i32 = arith.constant 0 : i32
    %c0_i32_0 = arith.constant 0 : i32
    return %arg0, %c0_i32 : i32, i32
  }
}

module attributes {stable_mosaic.version = 14 : i64} {
  func.func @body(%arg0: i32, %arg1: memref<1000x160xf32, #tpu.memory_space<vmem>>, %arg2: memref<1000x160xf32, #tpu.memory_space<vmem>>, %arg3: memref<1000x160xf32, #tpu.memory_space<vmem>>, %arg4: memref<1000x1xf32, #tpu.memory_space<vmem>>, %arg5: memref<1x160xf32, #tpu.memory_space<vmem>>, %arg6: memref<1000x160xf32, #tpu.memory_space<vmem>>) attributes {dimension_semantics = [#tpu.dimension_semantics<arbitrary>], iteration_bounds = array<i64: 10>, scalar_prefetch = 0 : i64, scratch_operands = 0 : i64, tpu.core_type = #tpu.core_type<tc>, window_params = [{transform_indices = @transform_0, window_bounds = array<i64: 1000, 160>}, {transform_indices = @transform_1, window_bounds = array<i64: 1000, 160>}, {transform_indices = @transform_2, window_bounds = array<i64: 1000, 160>}, {transform_indices = @transform_3, window_bounds = array<i64: 1000, 1>}, {pipeline_mode = #tpu.pipeline_mode<synchronous>, transform_indices = @transform_4, window_bounds = array<i64: 1, 160>}, {transform_indices = @transform_5, window_bounds = array<i64: 1000, 160>}]} {
    %get3A = arith.constant 0 : index
    %get3A_0 = arith.constant 0 : index
    %get3A_1 = vector.load %arg1[%get3A, %get3A_0] : memref<1000x160xf32, #tpu.memory_space<vmem>>, vector<1000x160xf32>
    %get3A_2 = arith.constant 0 : index
    %get3A_3 = arith.constant 0 : index
    %get3A_4 = vector.load %arg2[%get3A_2, %get3A_3] : memref<1000x160xf32, #tpu.memory_space<vmem>>, vector<1000x160xf32>
    %add3A = arith.addf %get3A_1, %get3A_4 : vector<1000x160xf32>
    %get3A_5 = arith.constant 0 : index
    %get3A_6 = arith.constant 0 : index
    %get3A_7 = vector.load %arg3[%get3A_5, %get3A_6] : memref<1000x160xf32, #tpu.memory_space<vmem>>, vector<1000x160xf32>
    %add3A_8 = arith.addf %add3A, %get3A_7 : vector<1000x160xf32>
    %get3A_9 = arith.constant 0 : index
    %get3A_10 = arith.constant 0 : index
    %get3A_11 = vector.load %arg4[%get3A_9, %get3A_10] : memref<1000x1xf32, #tpu.memory_space<vmem>>, vector<1000x1xf32>
    %mul3A = vector.broadcast %get3A_11 : vector<1000x1xf32> to vector<1000x160xf32>
    %mul3A_12 = arith.mulf %mul3A, %add3A_8 : vector<1000x160xf32>
    %get3A_13 = arith.constant 0 : index
    %get3A_14 = arith.constant 0 : index
    %get3A_15 = vector.load %arg5[%get3A_13, %get3A_14] : memref<1x160xf32, #tpu.memory_space<vmem>>, vector<1x160xf32>
    %add3A_16 = vector.broadcast %get3A_15 : vector<1x160xf32> to vector<1000x160xf32>
    %add3A_17 = arith.addf %mul3A_12, %add3A_16 : vector<1000x160xf32>
    %max3A = arith.constant 0.000000e+00 : f32
    %max3A_18 = vector.broadcast %max3A : f32 to vector<1000x160xf32>
    %max3A_19 = arith.maximumf %add3A_17, %max3A_18 : vector<1000x160xf32>
    %swap3A = arith.constant 0 : index
    %swap3A_20 = arith.constant 0 : index
    %swap3A_21 = vector.load %arg6[%swap3A, %swap3A_20] : memref<1000x160xf32, #tpu.memory_space<vmem>>, vector<1000x160xf32>
    tpu.vector_store %arg6[%swap3A, %swap3A_20], %max3A_19 {strides = array<i32>} : memref<1000x160xf32, #tpu.memory_space<vmem>>, vector<1000x160xf32>,
    return
  }
  func.func @transform_0(%arg0: i32) -> (i32, i32) {
    %c0_i32 = arith.constant 0 : i32
    %c0_i32_0 = arith.constant 0 : i32
    return %arg0, %c0_i32 : i32, i32
  }
  func.func @transform_1(%arg0: i32) -> (i32, i32) {
    %c0_i32 = arith.constant 0 : i32
    %c0_i32_0 = arith.constant 0 : i32
    return %arg0, %c0_i32 : i32, i32
  }
  func.func @transform_2(%arg0: i32) -> (i32, i32) {
    %c0_i32 = arith.constant 0 : i32
    %c0_i32_0 = arith.constant 0 : i32
    return %arg0, %c0_i32 : i32, i32
  }
  func.func @transform_3(%arg0: i32) -> (i32, i32) {
    %c0_i32 = arith.constant 0 : i32
    %c0_i32_0 = arith.constant 0 : i32
    return %arg0, %c0_i32 : i32, i32
  }
  func.func @transform_4(%arg0: i32) -> (i32, i32) {
    %c0_i32 = arith.constant 0 : i32
    %c0_i32_0 = arith.constant 0 : i32
    %c0_i32_1 = arith.constant 0 : i32
    return %c0_i32, %c0_i32_0 : i32, i32
  }
  func.func @transform_5(%arg0: i32) -> (i32, i32) {
    %c0_i32 = arith.constant 0 : i32
    %c0_i32_0 = arith.constant 0 : i32
    return %arg0, %c0_i32 : i32, i32
  }
}

module attributes {stable_mosaic.version = 14 : i64} {
  func.func @body(%arg0: i32, %arg1: memref<1000x160xf32, #tpu.memory_space<vmem>>, %arg2: memref<160x320xf32, #tpu.memory_space<vmem>>, %arg3: memref<1000x1xf32, #tpu.memory_space<vmem>>, %arg4: memref<1000x320xf32, #tpu.memory_space<vmem>>) attributes {dimension_semantics = [#tpu.dimension_semantics<arbitrary>], iteration_bounds = array<i64: 10>, scalar_prefetch = 0 : i64, scratch_operands = 0 : i64, tpu.core_type = #tpu.core_type<tc>, window_params = [{transform_indices = @transform_0, window_bounds = array<i64: 1000, 160>}, {pipeline_mode = #tpu.pipeline_mode<synchronous>, transform_indices = @transform_1, window_bounds = array<i64: 160, 320>}, {transform_indices = @transform_2, window_bounds = array<i64: 1000, 1>}, {transform_indices = @transform_3, window_bounds = array<i64: 1000, 320>}]} {
    %get3A = arith.constant 0 : index
    %get3A_0 = arith.constant 0 : index
    %get3A_1 = vector.load %arg3[%get3A, %get3A_0] : memref<1000x1xf32, #tpu.memory_space<vmem>>, vector<1000x1xf32>
    %get3A_2 = arith.constant 0 : index
    %get3A_3 = arith.constant 0 : index
    %get3A_4 = vector.load %arg1[%get3A_2, %get3A_3] : memref<1000x160xf32, #tpu.memory_space<vmem>>, vector<1000x160xf32>
    %get3A_5 = arith.constant 0 : index
    %get3A_6 = arith.constant 0 : index
    %get3A_7 = vector.load %arg2[%get3A_5, %get3A_6] : memref<160x320xf32, #tpu.memory_space<vmem>>, vector<160x320xf32>
    %dot_general3A = arith.constant dense<0.000000e+00> : vector<1000x320xf32>
    %dot_general3A_8 = tpu.matmul %get3A_4, %get3A_7, %dot_general3A {dimension_numbers = #tpu.dot_dimension_numbers<[1], [0], [0], [1], [0, 0, 1, 1], [], []>, transpose_lhs_hint = false} : vector<1000x160xf32>, vector<160x320xf32>, vector<1000x320xf32> -> vector<1000x320xf32>
    %mul3A = vector.broadcast %get3A_1 : vector<1000x1xf32> to vector<1000x320xf32>
    %mul3A_9 = arith.mulf %mul3A, %dot_general3A_8 : vector<1000x320xf32>
    %swap3A = arith.constant 0 : index
    %swap3A_10 = arith.constant 0 : index
    %swap3A_11 = vector.load %arg4[%swap3A, %swap3A_10] : memref<1000x320xf32, #tpu.memory_space<vmem>>, vector<1000x320xf32>
    tpu.vector_store %arg4[%swap3A, %swap3A_10], %mul3A_9 {strides = array<i32>} : memref<1000x320xf32, #tpu.memory_space<vmem>>, vector<1000x320xf32>,
    return
  }
  func.func @transform_0(%arg0: i32) -> (i32, i32) {
    %c0_i32 = arith.constant 0 : i32
    %c0_i32_0 = arith.constant 0 : i32
    return %arg0, %c0_i32 : i32, i32
  }
  func.func @transform_1(%arg0: i32) -> (i32, i32) {
    %c0_i32 = arith.constant 0 : i32
    %c0_i32_0 = arith.constant 0 : i32
    %c0_i32_1 = arith.constant 0 : i32
    return %c0_i32, %c0_i32_0 : i32, i32
  }
  func.func @transform_2(%arg0: i32) -> (i32, i32) {
    %c0_i32 = arith.constant 0 : i32
    %c0_i32_0 = arith.constant 0 : i32
    return %arg0, %c0_i32 : i32, i32
  }
  func.func @transform_3(%arg0: i32) -> (i32, i32) {
    %c0_i32 = arith.constant 0 : i32
    %c0_i32_0 = arith.constant 0 : i32
    return %arg0, %c0_i32 : i32, i32
  }
}

module attributes {stable_mosaic.version = 14 : i64} {
  func.func @body(%arg0: i32, %arg1: memref<1000x320xf32, #tpu.memory_space<vmem>>, %arg2: memref<1000x320xf32, #tpu.memory_space<vmem>>, %arg3: memref<1000x320xf32, #tpu.memory_space<vmem>>, %arg4: memref<1000x1xf32, #tpu.memory_space<vmem>>, %arg5: memref<1x320xf32, #tpu.memory_space<vmem>>, %arg6: memref<1000x320xf32, #tpu.memory_space<vmem>>) attributes {dimension_semantics = [#tpu.dimension_semantics<arbitrary>], iteration_bounds = array<i64: 10>, scalar_prefetch = 0 : i64, scratch_operands = 0 : i64, tpu.core_type = #tpu.core_type<tc>, window_params = [{transform_indices = @transform_0, window_bounds = array<i64: 1000, 320>}, {transform_indices = @transform_1, window_bounds = array<i64: 1000, 320>}, {transform_indices = @transform_2, window_bounds = array<i64: 1000, 320>}, {transform_indices = @transform_3, window_bounds = array<i64: 1000, 1>}, {pipeline_mode = #tpu.pipeline_mode<synchronous>, transform_indices = @transform_4, window_bounds = array<i64: 1, 320>}, {transform_indices = @transform_5, window_bounds = array<i64: 1000, 320>}]} {
    %get3A = arith.constant 0 : index
    %get3A_0 = arith.constant 0 : index
    %get3A_1 = vector.load %arg1[%get3A, %get3A_0] : memref<1000x320xf32, #tpu.memory_space<vmem>>, vector<1000x320xf32>
    %get3A_2 = arith.constant 0 : index
    %get3A_3 = arith.constant 0 : index
    %get3A_4 = vector.load %arg2[%get3A_2, %get3A_3] : memref<1000x320xf32, #tpu.memory_space<vmem>>, vector<1000x320xf32>
    %add3A = arith.addf %get3A_1, %get3A_4 : vector<1000x320xf32>
    %get3A_5 = arith.constant 0 : index
    %get3A_6 = arith.constant 0 : index
    %get3A_7 = vector.load %arg3[%get3A_5, %get3A_6] : memref<1000x320xf32, #tpu.memory_space<vmem>>, vector<1000x320xf32>
    %add3A_8 = arith.addf %add3A, %get3A_7 : vector<1000x320xf32>
    %get3A_9 = arith.constant 0 : index
    %get3A_10 = arith.constant 0 : index
    %get3A_11 = vector.load %arg4[%get3A_9, %get3A_10] : memref<1000x1xf32, #tpu.memory_space<vmem>>, vector<1000x1xf32>
    %mul3A = vector.broadcast %get3A_11 : vector<1000x1xf32> to vector<1000x320xf32>
    %mul3A_12 = arith.mulf %mul3A, %add3A_8 : vector<1000x320xf32>
    %get3A_13 = arith.constant 0 : index
    %get3A_14 = arith.constant 0 : index
    %get3A_15 = vector.load %arg5[%get3A_13, %get3A_14] : memref<1x320xf32, #tpu.memory_space<vmem>>, vector<1x320xf32>
    %add3A_16 = vector.broadcast %get3A_15 : vector<1x320xf32> to vector<1000x320xf32>
    %add3A_17 = arith.addf %mul3A_12, %add3A_16 : vector<1000x320xf32>
    %max3A = arith.constant 0.000000e+00 : f32
    %max3A_18 = vector.broadcast %max3A : f32 to vector<1000x320xf32>
    %max3A_19 = arith.maximumf %add3A_17, %max3A_18 : vector<1000x320xf32>
    %swap3A = arith.constant 0 : index
    %swap3A_20 = arith.constant 0 : index
    %swap3A_21 = vector.load %arg6[%swap3A, %swap3A_20] : memref<1000x320xf32, #tpu.memory_space<vmem>>, vector<1000x320xf32>
    tpu.vector_store %arg6[%swap3A, %swap3A_20], %max3A_19 {strides = array<i32>} : memref<1000x320xf32, #tpu.memory_space<vmem>>, vector<1000x320xf32>,
    return
  }
  func.func @transform_0(%arg0: i32) -> (i32, i32) {
    %c0_i32 = arith.constant 0 : i32
    %c0_i32_0 = arith.constant 0 : i32
    return %arg0, %c0_i32 : i32, i32
  }
  func.func @transform_1(%arg0: i32) -> (i32, i32) {
    %c0_i32 = arith.constant 0 : i32
    %c0_i32_0 = arith.constant 0 : i32
    return %arg0, %c0_i32 : i32, i32
  }
  func.func @transform_2(%arg0: i32) -> (i32, i32) {
    %c0_i32 = arith.constant 0 : i32
    %c0_i32_0 = arith.constant 0 : i32
    return %arg0, %c0_i32 : i32, i32
  }
  func.func @transform_3(%arg0: i32) -> (i32, i32) {
    %c0_i32 = arith.constant 0 : i32
    %c0_i32_0 = arith.constant 0 : i32
    return %arg0, %c0_i32 : i32, i32
  }
  func.func @transform_4(%arg0: i32) -> (i32, i32) {
    %c0_i32 = arith.constant 0 : i32
    %c0_i32_0 = arith.constant 0 : i32
    %c0_i32_1 = arith.constant 0 : i32
    return %c0_i32, %c0_i32_0 : i32, i32
  }
  func.func @transform_5(%arg0: i32) -> (i32, i32) {
    %c0_i32 = arith.constant 0 : i32
    %c0_i32_0 = arith.constant 0 : i32
    return %arg0, %c0_i32 : i32, i32
  }
}

module attributes {stable_mosaic.version = 14 : i64} {
  func.func @body(%arg0: memref<10000xi32, #tpu.memory_space<smem>>, %arg1: memref<10000x320xf32, #tpu.memory_space<vmem>>, %arg2: memref<512x320xf32, #tpu.memory_space<vmem>>) attributes {dimension_semantics = [], scalar_prefetch = 0 : i64, scratch_operands = 0 : i64, tpu.core_type = #tpu.core_type<tc>} {
    %broadcast_in_dim3A = arith.constant 0.000000e+00 : f32
    %broadcast_in_dim3A_0 = vector.broadcast %broadcast_in_dim3A : f32 to vector<512x320xf32>
    %swap3A = arith.constant 0 : index
    %swap3A_1 = arith.constant 0 : index
    %swap3A_2 = vector.load %arg2[%swap3A, %swap3A_1] : memref<512x320xf32, #tpu.memory_space<vmem>>, vector<512x320xf32>
    tpu.vector_store %arg2[%swap3A, %swap3A_1], %broadcast_in_dim3A_0 {strides = array<i32>} : memref<512x320xf32, #tpu.memory_space<vmem>>, vector<512x320xf32>,
    %scan3A = arith.constant 0 : i32
    %scan3A_3 = arith.constant 10000 : i32
    %scan3A_4 = arith.addi %scan3A, %scan3A_3 : i32
    %scan3A_5 = arith.constant 1 : i32
    scf.for %scan3A_7 = %scan3A to %scan3A_4 step %scan3A_5  : i32 {
      %get3A = arith.index_cast %scan3A_7 : i32 to index
      %get3A_8 = memref.load %arg0[%get3A] : memref<10000xi32, #tpu.memory_space<smem>>
      %get3A_9 = arith.index_cast %scan3A_7 : i32 to index
      %get3A_10 = arith.constant 0 : index
      %get3A_11 = vector.load %arg1[%get3A_9, %get3A_10] : memref<10000x320xf32, #tpu.memory_space<vmem>>, vector<1x320xf32>
      %get3A_12 = arith.index_cast %get3A_8 : i32 to index
      %get3A_13 = arith.constant 0 : index
      %get3A_14 = vector.load %arg2[%get3A_12, %get3A_13] : memref<512x320xf32, #tpu.memory_space<vmem>>, vector<1x320xf32>
      %max3A = arith.maximumf %get3A_14, %get3A_11 : vector<1x320xf32>
      %swap3A_15 = arith.index_cast %get3A_8 : i32 to index
      %swap3A_16 = arith.constant 0 : index
      %swap3A_17 = vector.load %arg2[%swap3A_15, %swap3A_16] : memref<512x320xf32, #tpu.memory_space<vmem>>, vector<1x320xf32>
      tpu.vector_store %arg2[%swap3A_15, %swap3A_16], %max3A {strides = array<i32>} : memref<512x320xf32, #tpu.memory_space<vmem>>, vector<1x320xf32>,
    }
    %scan3A_6 = arith.constant 10000 : i32
    return
  }
}

module attributes {stable_mosaic.version = 14 : i64} {
  func.func @body(%arg0: memref<512x320xf32, #tpu.memory_space<vmem>>, %arg1: memref<512x320xf32, #tpu.memory_space<vmem>>, %arg2: memref<512x954xf32, #tpu.memory_space<vmem>>, %arg3: memref<320x160xf32, #tpu.memory_space<vmem>>, %arg4: memref<1x160xf32, #tpu.memory_space<vmem>>, %arg5: memref<160x128xf32, #tpu.memory_space<vmem>>, %arg6: memref<1x128xf32, #tpu.memory_space<vmem>>, %arg7: memref<954x512xf32, #tpu.memory_space<vmem>>, %arg8: memref<1x512xf32, #tpu.memory_space<vmem>>, %arg9: memref<512x256xf32, #tpu.memory_space<vmem>>, %arg10: memref<1x256xf32, #tpu.memory_space<vmem>>, %arg11: memref<256x128xf32, #tpu.memory_space<vmem>>, %arg12: memref<1x128xf32, #tpu.memory_space<vmem>>, %arg13: memref<384x512xf32, #tpu.memory_space<vmem>>, %arg14: memref<1x512xf32, #tpu.memory_space<vmem>>, %arg15: memref<512x128xf32, #tpu.memory_space<vmem>>, %arg16: memref<1x128xf32, #tpu.memory_space<vmem>>, %arg17: memref<128x2xf32, #tpu.memory_space<vmem>>, %arg18: memref<1x2xf32, #tpu.memory_space<vmem>>, %arg19: memref<512x2xf32, #tpu.memory_space<vmem>>) attributes {dimension_semantics = [], scalar_prefetch = 0 : i64, scratch_operands = 0 : i64, tpu.core_type = #tpu.core_type<tc>} {
    %get3A = arith.constant 0 : index
    %get3A_0 = arith.constant 0 : index
    %get3A_1 = vector.load %arg0[%get3A, %get3A_0] : memref<512x320xf32, #tpu.memory_space<vmem>>, vector<512x320xf32>
    %get3A_2 = arith.constant 0 : index
    %get3A_3 = arith.constant 0 : index
    %get3A_4 = vector.load %arg3[%get3A_2, %get3A_3] : memref<320x160xf32, #tpu.memory_space<vmem>>, vector<320x160xf32>
    %dot_general3A = arith.constant dense<0.000000e+00> : vector<512x160xf32>
    %dot_general3A_5 = tpu.matmul %get3A_1, %get3A_4, %dot_general3A {dimension_numbers = #tpu.dot_dimension_numbers<[1], [0], [0], [1], [0, 0, 1, 1], [], []>, transpose_lhs_hint = false} : vector<512x320xf32>, vector<320x160xf32>, vector<512x160xf32> -> vector<512x160xf32>
    %get3A_6 = arith.constant 0 : index
    %get3A_7 = arith.constant 0 : index
    %get3A_8 = vector.load %arg4[%get3A_6, %get3A_7] : memref<1x160xf32, #tpu.memory_space<vmem>>, vector<1x160xf32>
    %add3A = vector.broadcast %get3A_8 : vector<1x160xf32> to vector<512x160xf32>
    %add3A_9 = arith.addf %dot_general3A_5, %add3A : vector<512x160xf32>
    %max3A = arith.constant 0.000000e+00 : f32
    %max3A_10 = vector.broadcast %max3A : f32 to vector<512x160xf32>
    %max3A_11 = arith.maximumf %add3A_9, %max3A_10 : vector<512x160xf32>
    %get3A_12 = arith.constant 0 : index
    %get3A_13 = arith.constant 0 : index
    %get3A_14 = vector.load %arg5[%get3A_12, %get3A_13] : memref<160x128xf32, #tpu.memory_space<vmem>>, vector<160x128xf32>
    %dot_general3A_15 = arith.constant dense<0.000000e+00> : vector<512x128xf32>
    %dot_general3A_16 = tpu.matmul %max3A_11, %get3A_14, %dot_general3A_15 {dimension_numbers = #tpu.dot_dimension_numbers<[1], [0], [0], [1], [0, 0, 1, 1], [], []>, transpose_lhs_hint = false} : vector<512x160xf32>, vector<160x128xf32>, vector<512x128xf32> -> vector<512x128xf32>
    %get3A_17 = arith.constant 0 : index
    %get3A_18 = arith.constant 0 : index
    %get3A_19 = vector.load %arg6[%get3A_17, %get3A_18] : memref<1x128xf32, #tpu.memory_space<vmem>>, vector<1x128xf32>
    %add3A_20 = vector.broadcast %get3A_19 : vector<1x128xf32> to vector<512x128xf32>
    %add3A_21 = arith.addf %dot_general3A_16, %add3A_20 : vector<512x128xf32>
    %get3A_22 = arith.constant 0 : index
    %get3A_23 = arith.constant 0 : index
    %get3A_24 = vector.load %arg1[%get3A_22, %get3A_23] : memref<512x320xf32, #tpu.memory_space<vmem>>, vector<512x320xf32>
    %get3A_25 = arith.constant 0 : index
    %get3A_26 = arith.constant 0 : index
    %get3A_27 = vector.load %arg3[%get3A_25, %get3A_26] : memref<320x160xf32, #tpu.memory_space<vmem>>, vector<320x160xf32>
    %dot_general3A_28 = arith.constant dense<0.000000e+00> : vector<512x160xf32>
    %dot_general3A_29 = tpu.matmul %get3A_24, %get3A_27, %dot_general3A_28 {dimension_numbers = #tpu.dot_dimension_numbers<[1], [0], [0], [1], [0, 0, 1, 1], [], []>, transpose_lhs_hint = false} : vector<512x320xf32>, vector<320x160xf32>, vector<512x160xf32> -> vector<512x160xf32>
    %get3A_30 = arith.constant 0 : index
    %get3A_31 = arith.constant 0 : index
    %get3A_32 = vector.load %arg4[%get3A_30, %get3A_31] : memref<1x160xf32, #tpu.memory_space<vmem>>, vector<1x160xf32>
    %add3A_33 = vector.broadcast %get3A_32 : vector<1x160xf32> to vector<512x160xf32>
    %add3A_34 = arith.addf %dot_general3A_29, %add3A_33 : vector<512x160xf32>
    %max3A_35 = arith.constant 0.000000e+00 : f32
    %max3A_36 = vector.broadcast %max3A_35 : f32 to vector<512x160xf32>
    %max3A_37 = arith.maximumf %add3A_34, %max3A_36 : vector<512x160xf32>
    %get3A_38 = arith.constant 0 : index
    %get3A_39 = arith.constant 0 : index
    %get3A_40 = vector.load %arg5[%get3A_38, %get3A_39] : memref<160x128xf32, #tpu.memory_space<vmem>>, vector<160x128xf32>
    %dot_general3A_41 = arith.constant dense<0.000000e+00> : vector<512x128xf32>
    %dot_general3A_42 = tpu.matmul %max3A_37, %get3A_40, %dot_general3A_41 {dimension_numbers = #tpu.dot_dimension_numbers<[1], [0], [0], [1], [0, 0, 1, 1], [], []>, transpose_lhs_hint = false} : vector<512x160xf32>, vector<160x128xf32>, vector<512x128xf32> -> vector<512x128xf32>
    %get3A_43 = arith.constant 0 : index
    %get3A_44 = arith.constant 0 : index
    %get3A_45 = vector.load %arg6[%get3A_43, %get3A_44] : memref<1x128xf32, #tpu.memory_space<vmem>>, vector<1x128xf32>
    %add3A_46 = vector.broadcast %get3A_45 : vector<1x128xf32> to vector<512x128xf32>
    %add3A_47 = arith.addf %dot_general3A_42, %add3A_46 : vector<512x128xf32>
    %get3A_48 = arith.constant 0 : index
    %get3A_49 = arith.constant 0 : index
    %get3A_50 = vector.load %arg2[%get3A_48, %get3A_49] : memref<512x954xf32, #tpu.memory_space<vmem>>, vector<512x954xf32>
    %mul3A = arith.mulf %get3A_50, %get3A_50 : vector<512x954xf32>
    %reduce_sum3A = arith.constant dense<0.000000e+00> : vector<512xf32>
    %reduce_sum3A_51 = vector.multi_reduction <add>, %mul3A, %reduce_sum3A [1] : vector<512x954xf32> to vector<512xf32>
    %broadcast_in_dim3A = vector.shape_cast %reduce_sum3A_51 : vector<512xf32> to vector<512x1xf32>
    %sqrt3A = math.sqrt %broadcast_in_dim3A : vector<512x1xf32>
    %max3A_52 = arith.constant 9.99999996E-13 : f32
    %max3A_53 = vector.broadcast %max3A_52 : f32 to vector<512x1xf32>
    %max3A_54 = arith.maximumf %sqrt3A, %max3A_53 : vector<512x1xf32>
    %div3A = vector.broadcast %max3A_54 : vector<512x1xf32> to vector<512x954xf32>
    %div3A_55 = arith.divf %get3A_50, %div3A : vector<512x954xf32>
    %get3A_56 = arith.constant 0 : index
    %get3A_57 = arith.constant 0 : index
    %get3A_58 = vector.load %arg7[%get3A_56, %get3A_57] : memref<954x512xf32, #tpu.memory_space<vmem>>, vector<954x512xf32>
    %dot_general3A_59 = arith.constant dense<0.000000e+00> : vector<512x512xf32>
    %dot_general3A_60 = tpu.matmul %div3A_55, %get3A_58, %dot_general3A_59 {dimension_numbers = #tpu.dot_dimension_numbers<[1], [0], [0], [1], [0, 0, 1, 1], [], []>, transpose_lhs_hint = false} : vector<512x954xf32>, vector<954x512xf32>, vector<512x512xf32> -> vector<512x512xf32>
    %get3A_61 = arith.constant 0 : index
    %get3A_62 = arith.constant 0 : index
    %get3A_63 = vector.load %arg8[%get3A_61, %get3A_62] : memref<1x512xf32, #tpu.memory_space<vmem>>, vector<1x512xf32>
    %add3A_64 = vector.broadcast %get3A_63 : vector<1x512xf32> to vector<512x512xf32>
    %add3A_65 = arith.addf %dot_general3A_60, %add3A_64 : vector<512x512xf32>
    %max3A_66 = arith.constant 0.000000e+00 : f32
    %max3A_67 = vector.broadcast %max3A_66 : f32 to vector<512x512xf32>
    %max3A_68 = arith.maximumf %add3A_65, %max3A_67 : vector<512x512xf32>
    %get3A_69 = arith.constant 0 : index
    %get3A_70 = arith.constant 0 : index
    %get3A_71 = vector.load %arg9[%get3A_69, %get3A_70] : memref<512x256xf32, #tpu.memory_space<vmem>>, vector<512x256xf32>
    %dot_general3A_72 = arith.constant dense<0.000000e+00> : vector<512x256xf32>
    %dot_general3A_73 = tpu.matmul %max3A_68, %get3A_71, %dot_general3A_72 {dimension_numbers = #tpu.dot_dimension_numbers<[1], [0], [0], [1], [0, 0, 1, 1], [], []>, transpose_lhs_hint = false} : vector<512x512xf32>, vector<512x256xf32>, vector<512x256xf32> -> vector<512x256xf32>
    %get3A_74 = arith.constant 0 : index
    %get3A_75 = arith.constant 0 : index
    %get3A_76 = vector.load %arg10[%get3A_74, %get3A_75] : memref<1x256xf32, #tpu.memory_space<vmem>>, vector<1x256xf32>
    %add3A_77 = vector.broadcast %get3A_76 : vector<1x256xf32> to vector<512x256xf32>
    %add3A_78 = arith.addf %dot_general3A_73, %add3A_77 : vector<512x256xf32>
    %max3A_79 = arith.constant 0.000000e+00 : f32
    %max3A_80 = vector.broadcast %max3A_79 : f32 to vector<512x256xf32>
    %max3A_81 = arith.maximumf %add3A_78, %max3A_80 : vector<512x256xf32>
    %get3A_82 = arith.constant 0 : index
    %get3A_83 = arith.constant 0 : index
    %get3A_84 = vector.load %arg11[%get3A_82, %get3A_83] : memref<256x128xf32, #tpu.memory_space<vmem>>, vector<256x128xf32>
    %dot_general3A_85 = arith.constant dense<0.000000e+00> : vector<512x128xf32>
    %dot_general3A_86 = tpu.matmul %max3A_81, %get3A_84, %dot_general3A_85 {dimension_numbers = #tpu.dot_dimension_numbers<[1], [0], [0], [1], [0, 0, 1, 1], [], []>, transpose_lhs_hint = false} : vector<512x256xf32>, vector<256x128xf32>, vector<512x128xf32> -> vector<512x128xf32>
    %get3A_87 = arith.constant 0 : index
    %get3A_88 = arith.constant 0 : index
    %get3A_89 = vector.load %arg12[%get3A_87, %get3A_88] : memref<1x128xf32, #tpu.memory_space<vmem>>, vector<1x128xf32>
    %add3A_90 = vector.broadcast %get3A_89 : vector<1x128xf32> to vector<512x128xf32>
    %add3A_91 = arith.addf %dot_general3A_86, %add3A_90 : vector<512x128xf32>
    %concatenate3A = tpu.concatenate %add3A_21, %add3A_47, %add3A_91 in 1 : vector<512x128xf32>, vector<512x128xf32>, vector<512x128xf32> -> vector<512x384xf32>
    %get3A_92 = arith.constant 0 : index
    %get3A_93 = arith.constant 0 : index
    %get3A_94 = vector.load %arg13[%get3A_92, %get3A_93] : memref<384x512xf32, #tpu.memory_space<vmem>>, vector<384x512xf32>
    %dot_general3A_95 = arith.constant dense<0.000000e+00> : vector<512x512xf32>
    %dot_general3A_96 = tpu.matmul %concatenate3A, %get3A_94, %dot_general3A_95 {dimension_numbers = #tpu.dot_dimension_numbers<[1], [0], [0], [1], [0, 0, 1, 1], [], []>, transpose_lhs_hint = false} : vector<512x384xf32>, vector<384x512xf32>, vector<512x512xf32> -> vector<512x512xf32>
    %get3A_97 = arith.constant 0 : index
    %get3A_98 = arith.constant 0 : index
    %get3A_99 = vector.load %arg14[%get3A_97, %get3A_98] : memref<1x512xf32, #tpu.memory_space<vmem>>, vector<1x512xf32>
    %add3A_100 = vector.broadcast %get3A_99 : vector<1x512xf32> to vector<512x512xf32>
    %add3A_101 = arith.addf %dot_general3A_96, %add3A_100 : vector<512x512xf32>
    %max3A_102 = arith.constant 0.000000e+00 : f32
    %max3A_103 = vector.broadcast %max3A_102 : f32 to vector<512x512xf32>
    %max3A_104 = arith.maximumf %add3A_101, %max3A_103 : vector<512x512xf32>
    %get3A_105 = arith.constant 0 : index
    %get3A_106 = arith.constant 0 : index
    %get3A_107 = vector.load %arg15[%get3A_105, %get3A_106] : memref<512x128xf32, #tpu.memory_space<vmem>>, vector<512x128xf32>
    %dot_general3A_108 = arith.constant dense<0.000000e+00> : vector<512x128xf32>
    %dot_general3A_109 = tpu.matmul %max3A_104, %get3A_107, %dot_general3A_108 {dimension_numbers = #tpu.dot_dimension_numbers<[1], [0], [0], [1], [0, 0, 1, 1], [], []>, transpose_lhs_hint = false} : vector<512x512xf32>, vector<512x128xf32>, vector<512x128xf32> -> vector<512x128xf32>
    %get3A_110 = arith.constant 0 : index
    %get3A_111 = arith.constant 0 : index
    %get3A_112 = vector.load %arg16[%get3A_110, %get3A_111] : memref<1x128xf32, #tpu.memory_space<vmem>>, vector<1x128xf32>
    %add3A_113 = vector.broadcast %get3A_112 : vector<1x128xf32> to vector<512x128xf32>
    %add3A_114 = arith.addf %dot_general3A_109, %add3A_113 : vector<512x128xf32>
    %max3A_115 = arith.constant 0.000000e+00 : f32
    %max3A_116 = vector.broadcast %max3A_115 : f32 to vector<512x128xf32>
    %max3A_117 = arith.maximumf %add3A_114, %max3A_116 : vector<512x128xf32>
    %get3A_118 = arith.constant 0 : index
    %get3A_119 = arith.constant 0 : index
    %get3A_120 = vector.load %arg17[%get3A_118, %get3A_119] : memref<128x2xf32, #tpu.memory_space<vmem>>, vector<128x2xf32>
    %dot_general3A_121 = arith.constant dense<0.000000e+00> : vector<512x2xf32>
    %dot_general3A_122 = tpu.matmul %max3A_117, %get3A_120, %dot_general3A_121 {dimension_numbers = #tpu.dot_dimension_numbers<[1], [0], [0], [1], [0, 0, 1, 1], [], []>, transpose_lhs_hint = false} : vector<512x128xf32>, vector<128x2xf32>, vector<512x2xf32> -> vector<512x2xf32>
    %get3A_123 = arith.constant 0 : index
    %get3A_124 = arith.constant 0 : index
    %get3A_125 = vector.load %arg18[%get3A_123, %get3A_124] : memref<1x2xf32, #tpu.memory_space<vmem>>, vector<1x2xf32>
    %add3A_126 = vector.broadcast %get3A_125 : vector<1x2xf32> to vector<512x2xf32>
    %add3A_127 = arith.addf %dot_general3A_122, %add3A_126 : vector<512x2xf32>
    %swap3A = arith.constant 0 : index
    %swap3A_128 = arith.constant 0 : index
    %swap3A_129 = vector.load %arg19[%swap3A, %swap3A_128] : memref<512x2xf32, #tpu.memory_space<vmem>>, vector<512x2xf32>
    tpu.vector_store %arg19[%swap3A, %swap3A_128], %add3A_127 {strides = array<i32>} : memref<512x2xf32, #tpu.memory_space<vmem>>, vector<512x2xf32>,
    return
  }
}

</mosaic_0001>

<sc_bundles>
// kernel: kernel.29.cloned.1.call-start
scs
__scs_entry_jumppad:
0x0: {  	(pc) =	sbr.rel $0x88, $3  }
0x1: {  	(tag) =	ssettag $0x0;
	lr =	simm.s32 $0x1  }
0x2: {  	[smem:$0x3F84] =	sst lr;
	_ =	strace $0xD0000000  }
0x3: {  	_ = 	snop  }
0x4: {  	_ = 	snop  }
0x5: {  	_ = 	snop  }
0x6: {  	_ = 	snop  }
0x7: {  	_ = 	snop  }
__scs_overlays_trampoline_lowered:
0x8: {  	[smem:$0x3F93] =	sst s0  }
0x9: {  	[smem:$0x3F94] =	sst s1  }
0xa: {  	[smem:$0x3F95] =	sst s2  }
0xb: {  	[smem:$0x3F96] =	sst s3  }
0xc: {  	[smem:$0x3F97] =	sst s4  }
0xd: {  	[smem:$0x3F98] =	sst s5  }
0xe: {  	[smem:$0x3F99] =	sst s6  }
0xf: {  	[smem:$0x3F9A] =	sst s7  }
0x10: {  	[smem:$0x3F9B] =	sst s8  }
0x11: {  	[smem:$0x3F9C] =	sst s9;
	s0 =	simm.s32 @!p0 $0x0  }
0x12: {  	s1 =	sld [smem:$0x3F82];
	s0 =	simm.s32 @p0 $0x1  }
0x13: {  	[smem:$0x3F9D] =	sst s0;
	s0 =	simm.s32 @!p1 $0x0  }
0x14: {  	s2 =	sld [smem:$0x3F81];
	s0 =	simm.s32 @p1 $0x1  }
0x15: {  	[smem:$0x3F9E] =	sst s0;
	s0 =	simm.s32 @!p2 $0x0  }
0x16: {  	s3 =	sld [smem:$0x3FDB];
	s0 =	simm.s32 @p2 $0x1  }
0x17: {  	s4 =	simm.s32 $0x1BF5;
	[smem:$0x3FA0] =	sst s0  }
0x18: {  	s0 =	sld [smem:$0x3F83];
	_ =	swait.ge [sflag:s4], $0x0  }
0x19: {  	s7 =	sld [smem:$0x3F84]  }
0x1a: {  	s8 =	sadd.s32 $0xFFFFE003, lr  }
0x1b: {  	s9 =	sadd.s32 $0xFFFFFEF7, lr;
	s5 =	simm.s32 $0xFFFFFFFF;
	p2 =	slt.u32 s8, $0xFFFFF086  }
0x1c: {  	p1 =	slt.u32 s9, $0xF7A;
	s5 =	simm.s32 @!p2 $0x0  }
0x1d: {  	s5 =	simm.s32 @p1 $0x1;
	p0 =	seq.s32 s7, s2  }
0x1e: {  	s7 =	smul.u32 @!p0 $0xF7A, s2;
	p2 =	seq.s32 @!p0 s5, $0x0  }
0x1f: {  	s9 =	smul.u32 $0xF7A, s1;
	s8 =	simm.s32 @!p0 $0x1BF5;
	p2 =	por !p2, p0  }
0x20: {  	[sflag:s8] =	ssyncset.s32 @!p0 $0xFFFFF086;
	s6 =	sadd.s32 @!p0 s3, s7;
	s7 =	simm.s32 @!p0 $0x108  }
0x21: {  	s3 =	sadd.s32 s3, s9;
	s6 =	sadd.s32 @!p0 $0x88, s6;
	s7 =	simm.s32 @p2 $0x1082  }
0x22: {  	[simem:s7], [sflag:s8] =	dma.local @!p0 [hbm:s6], $0xF7A  }
0x23: {  	s9 =	sor.u32 $0xD0000000, s2;
	s6 =	simm.s32 $0x108;
	_ =	swait.ge @!p0 [sflag:s8], $0x0  }
0x24: {  	s3 =	sadd.s32 $0x88, s3;
	s6 =	simm.s32 @!p1 $0x1082;
	[sflag:s4] =	ssyncset.s32 $0xFFFFF086  }
0x25: {  	[simem:s6], [sflag:s4] =	dma.local [hbm:s3], $0xF7A  }
0x26: {  	[smem:$0x3F84] =	sst s1;
	(tag) =	ssettag s2;
	_ =	strace s9  }
0x27: {  	s1 =	sld [smem:$0x3F94]  }
0x28: {  	s2 =	sld [smem:$0x3F95]  }
0x29: {  	s4 =	sld [smem:$0x3F97]  }
0x2a: {  	p0 =	seq.s32 s5, $0x0;
	s5 =	sld [smem:$0x3F98]  }
0x2b: {  	s6 =	sld [smem:$0x3F99]  }
0x2c: {  	s7 =	sld [smem:$0x3F9A]  }
0x2d: {  	s3 =	simm.s32 $0x108;
	s8 =	sld [smem:$0x3F9B]  }
0x2e: {  	s3 =	simm.s32 @!p0 $0x1082;
	s9 =	sld [smem:$0x3F9C]  }
0x2f: {  	lr =	sadd.s32 s0, s3;
	s0 =	sld [smem:$0x3F93]  }
0x30: {  	s3 =	sld [smem:$0x3F96]  }
0x31: {  	[smem:$0x3F9F] =	sst s10  }
0x32: {  	s10 =	sld [smem:$0x3F9D];
	_ =	sdelay $0x3  }
0x33: {  	p0 =	seq.s32 s10, $0x1;
	s10 =	sld [smem:$0x3F9F];
	_ =	sdelay $0x3  }
0x34: {  	[smem:$0x3F9F] =	sst s10  }
0x35: {  	s10 =	sld [smem:$0x3F9E];
	_ =	sdelay $0x3  }
0x36: {  	p1 =	seq.s32 s10, $0x1;
	s10 =	sld [smem:$0x3F9F];
	_ =	sdelay $0x3  }
0x37: {  	[smem:$0x3F9F] =	sst s10  }
0x38: {  	s10 =	sld [smem:$0x3FA0]  }
0x39: {  	_ = 	snop;
	(pc) =	sbr.ind lr, $3  }
0x3a: {  	_ = 	snop  }
0x3b: {  	_ = 	snop  }
0x3c: {  	p2 =	seq.s32 s10, $0x1;
	s10 =	sld [smem:$0x3F9F]  }
0x3d: {  	_ =	shalt  }
0x3e: {  	_ =	shalt  }
0x3f: {  	_ =	shalt  }
0x40: {  	_ =	shalt  }
0x41: {  	_ =	shalt  }
0x42: {  	_ =	shalt  }
0x43: {  	_ =	shalt  }
0x44: {  	_ =	shalt  }
0x45: {  	_ =	shalt  }
0x46: {  	_ =	shalt  }
0x47: {  	_ =	shalt  }
0x48: {  	_ =	shalt  }
0x49: {  	_ =	shalt  }
0x4a: {  	_ =	shalt  }
0x4b: {  	_ =	shalt  }
0x4c: {  	_ =	shalt  }
0x4d: {  	_ =	shalt  }
0x4e: {  	_ =	shalt  }
0x4f: {  	_ =	shalt  }
0x50: {  	_ =	shalt  }
0x51: {  	_ =	shalt  }
0x52: {  	_ =	shalt  }
0x53: {  	_ =	shalt  }
0x54: {  	_ =	shalt  }
0x55: {  	_ =	shalt  }
0x56: {  	_ =	shalt  }
0x57: {  	_ =	shalt  }
0x58: {  	_ =	shalt  }
0x59: {  	_ =	shalt  }
0x5a: {  	_ =	shalt  }
0x5b: {  	_ =	shalt  }
0x5c: {  	_ =	shalt  }
0x5d: {  	_ =	shalt  }
0x5e: {  	_ =	shalt  }
0x5f: {  	_ =	shalt  }
0x60: {  	_ =	shalt  }
0x61: {  	_ =	shalt  }
0x62: {  	_ =	shalt  }
0x63: {  	_ =	shalt  }
0x64: {  	_ =	shalt  }
0x65: {  	_ =	shalt  }
0x66: {  	_ =	shalt  }
0x67: {  	_ =	shalt  }
0x68: {  	_ =	shalt  }
0x69: {  	_ =	shalt  }
0x6a: {  	_ =	shalt  }
0x6b: {  	_ =	shalt  }
0x6c: {  	_ =	shalt  }
0x6d: {  	_ =	shalt  }
0x6e: {  	_ =	shalt  }
0x6f: {  	_ =	shalt  }
0x70: {  	_ =	shalt  }
0x71: {  	_ =	shalt  }
0x72: {  	_ =	shalt  }
0x73: {  	_ =	shalt  }
0x74: {  	_ =	shalt  }
0x75: {  	_ =	shalt  }
0x76: {  	_ =	shalt  }
0x77: {  	_ =	shalt  }
0x78: {  	_ =	shalt  }
0x79: {  	_ =	shalt  }
0x7a: {  	_ =	shalt  }
0x7b: {  	_ =	shalt  }
0x7c: {  	_ =	shalt  }
0x7d: {  	_ =	shalt  }
0x7e: {  	_ =	shalt  }
0x7f: {  	_ =	shalt  }
0x80: {  	_ =	shalt  }
0x81: {  	_ =	shalt  }
0x82: {  	_ =	shalt  }
0x83: {  	_ =	shalt  }
0x84: {  	_ =	shalt  }
0x85: {  	_ =	shalt  }
0x86: {  	_ =	shalt  }
0x87: {  	_ =	shalt  }
.Lfunc_end0:
.L_simem_size_0:
called_computation_lowered:
.L_overlay_start_0:
0x88: {  	s2 =	sld [smem:$0x3FD9]  }
0x89: {  	s3 =	sld [smem:$0x3FFE];
	_ =	sdelay $0x1  }
0x8a: {  	s1 =	srdreg.scid  }
0x8b: {  	s0 =	sand.u32 $0x1, s1  }
0x8c: {  	s17 =	sshll.u32 s0, $0xA;
	s2 =	sadd.s32 s3, s2  }
0x8d: {  	s2 =	sadd.s32 s2, s17  }
0x8e: {  	[smem:$0x3FAB] =	sst s2  }
0x8f: {  	_ = 	snop  }
0x90: {  	(tm) =	ssettm $0x1  }
0x91: {  	s18 =	sld [smem:$0x3FFB];
	_ =	sdelay $0x3  }
0x92: {  	_ =	strace s18  }
0x93: {  	s2 =	sld [smem:$0x3FFC];
	_ =	sdelay $0x3  }
0x94: {  	_ =	strace s2  }
0x95: {  	s2 =	sld [smem:$0x3FFD];
	_ =	sdelay $0x3  }
0x96: {  	_ =	strace s2  }
0x97: {  	_ =	strace $0x8FFFFFFF  }
0x98: {  	s19 =	sld [smem:$0x3FDB];
	_ =	sdelay $0x1  }
0x99: {  	s20 =	simm.s32 $_scs_section_size  }
0x9a: {  	s4 =	simm.s32 $_size__tile_overlayer_lowered;
	s5 =	simm.s32 $_tile_overlayer_lowered  }
0x9b: {  	s6 =	simm.s32 $0x1BFF;
	s21 =	sshll.u32 s5, $0x1;
	s3 =	sadd.s32 s20, s19  }
0x9c: {  	s22 =	simm.s32 $0x0;
	s4 =	sshll.u32 s4, $0x1;
	s5 =	sadd.s32 s21, s3  }
0x9d: {  	[timem:s22], [sflag:s6] =	dma.local [hbm:s5], s4  }
0x9e: {  	_ =	swait.ge [sflag:s6], s4  }
0x9f: {  	s4 =	ssub.s32 $0x0, s4;
	[sflag:s6] =	ssyncset.done $0x0  }
0xa0: {  	[sflag:s6] =	ssyncadd.s32 s4;
	_ =	sdelay $0x1  }
0xa1: {  	s23 =	simm.s32 $0x1B8B  }
0xa2: {  	_ =	swait.ge [sflag:s23], $0x1  }
0xa3: {  	[sflag:s23] =	ssyncset.done $0x0  }
0xa4: {  	[sflag:s23] =	ssyncadd.s32 $0xFFFFFFFF  }
0xa5: {  	s4 =	sld [smem:$0x0]  }
0xa6: {  	s5 =	sand.u32 $0xFFFFFFFE, s1  }
0xa7: {  	p0 =	sne.s32 s1, s5  }
0xa8: {  	s5 =	sshll.u32 @p0 s5, $0xE  }
0xa9: {  	s5 =	sadd.s32 @p0 $0x11B8D, s5;
	s6 =	sshll.u32 @p0 s4, $0x11  }
0xaa: {  	s5 =	sor.u32 @p0 s6, s5  }
0xab: {  	[sflag:s5] =	ssyncadd.remote.s32 @p0 $0x1;
	_ =	sdelay $0x1  }
0xac: {  	s5 =	simm.s32 @p0 $0x1B8D  }
0xad: {  	_ =	swait.eq @p0 [sflag:s5], $0x1  }
0xae: {  	[sflag:s5] =	ssyncadd.s32 @p0 $0xFFFFFFFF  }
0xaf: {  	s6 =	sshll.u32 @!p0 s1, $0xE  }
0xb0: {  	s6 =	sor.u32 @!p0 $0x4000, s6;
	s5 =	simm.s32 @!p0 $0x1B8D  }
0xb1: {  	s4 =	sshll.u32 @!p0 s4, $0x11;
	s6 =	sadd.s32 @!p0 $0x11B8D, s6;
	_ =	swait.eq @!p0 [sflag:s5], $0x1  }
0xb2: {  	s4 =	sor.u32 @!p0 s4, s6;
	[sflag:s5] =	ssyncadd.s32 @!p0 $0xFFFFFFFF  }
0xb3: {  	s25 =	simm.s32 $0x1B8E;
	s24 =	sld [smem:$0x3FFE];
	[sflag:s4] =	ssyncadd.remote.s32 @!p0 $0x1  }
0xb4: {  	s26 =	simm.s32 $execute0_lowered;
	[smem:$0x3FD2] =	sst s25  }
0xb5: {  	s5 =	sshll.u32 s26, $0x1;
	_ =	strace $0x80000049;
	[dreg:$0x1] =	wrdreg $0xFFFFFFFF  }
0xb6: {  	s28 =	simm.s32 $_size_execute0_lowered;
	s3 =	sadd.s32 s3, s5;
	[dreg:$0x0] =	wrdreg $0x0  }
0xb7: {  	s5 =	sshll.u32 s28, $0x1;
	[dreg:$0x2] =	wrdreg s3  }
0xb8: {  	[dreg:$0x3] =	wrdreg s5  }
0xb9: {  	[dreg:$0x4] =	wrdreg $0xC0  }
0xba: {  	_ =	task [dreg:s22], $0x5FFFF  }
0xbb: {  	[dreg:$0x1] =	wrdreg $0xFFFFFFFF  }
0xbc: {  	[dreg:$0x0] =	wrdreg $0x60  }
0xbd: {  	[dreg:$0x2] =	wrdreg s24  }
0xbe: {  	[dreg:$0x3] =	wrdreg $0xB400  }
0xbf: {  	[dreg:$0x4] =	wrdreg $0x9  }
0xc0: {  	_ =	task.clear_ibuf [dreg:s22], $0x5FFFF;
	_ =	strace $0x90000049  }
0xc1: {  	s29 =	simm.s32 $0x9;
	_ =	strace $0x8000004B  }
0xc2: {  	_ =	swait.ge [sflag:s29], $0x1  }
0xc3: {  	[sflag:s29] =	ssyncadd.s32 $0xFFFFFFFF  }
0xc4: {  	_ =	strace $0x9000004B  }
0xc5: {  	_ =	sfence  }
0xc6: {  	s30 =	sld [smem:$0x0];
	_ =	sdelay $0x2  }
0xc7: {  	s31 =	sshll.u32 s1, $0xD;
	s1 =	sshrl.u32 s1, $0x2  }
0xc8: {  	s4 =	sand.u32 $0x4000, s31;
	s1 =	sadd.s32 s1, s30  }
0xc9: {  	s0 =	sor.u32 s4, s0;
	s1 =	sshll.u32 s1, $0x11  }
0xca: {  	s0 =	sor.u32 s1, s0  }
0xcb: {  	s0 =	sadd.s32 $0x8F2B, s0  }
0xcc: {  	[sflag:s0] =	ssyncadd.remote.s32 $0x1  }
0xcd: {  	_ =	sfence.sel $0xFFFF  }
0xce: {  	[dreg:$0x0] =	wrdreg $0xFFFFFFFF;
	(pc) =	sbr.abs _section_cstart, $3  }
0xcf: {  	[dreg:$0x1] =	wrdreg $0xFFFFFFFF  }
0xd0: {  	_ =	task.clear_ibuf [dreg:s22], $0x2FFFF;
	_ =	strace $0x9FFFFFFF  }
0xd1: {  	(tm) =	ssettm $0x7FFFFFFF  }
tec
execute0_lowered:
.L_overlay_start_1:
0x0: {  	(tag) =	ssettag $0x1  }
0x1: {  	s7 =	rddreg [dreg:$0x0]  }
0x2: {  	s2 =	rddreg [dreg:$0x1]  }
0x3: {  	s0 =	rddreg [dreg:$0x2]  }
0x4: {  	s3 =	simm.s32 $0x0;
	s1 =	stileid.u32;
	s4 =	srdreg.scid  }
0x5: {  	s17 =	simm.s32 $0x50;
	s18 =	simm.s32 $0x140;
	s19 =	simm.s32 $0x1  }
0x6: {  	s20 =	simm.s32 $0x0;
	[smem:$0x7FF] =	sst s3;
	s8 =	smul.u32 $0x2800, s1  }
0x7: {  	s9 =	sand.u32 $0x1, s4;
	s4 =	sadd.s32 $0x25600, s7;
	s5 =	sadd.s32 $0x3E400, s7  }
0x8: {  	s6 =	sadd.s32 $0x34600, s7;
	s31 =	sshll.u32 s1, $0x6;
	s16 =	smul.u32 $0x2710, s1  }
0x9: {  	_ =	strace $0x8000004A;
	s10 =	smul.u32 $0x28000, s9;
	s12 =	sshll.u32 s9, $0x4  }
0xa: {  	s13 =	ssub.s32 $0x2, s9;
	s30 =	smul.u32 $0x27100, s9;
	s11 =	sshrl.u32 s8, $0x3  }
0xb: {  	s12 =	sor.u32 s1, s12;
	s26 =	sshrl.u32 s13, $0x1;
	s15 =	sadd.s32 s8, s2  }
0xc: {  	s11 =	sadd.s32 s11, s7;
	s10 =	sadd.s32 s8, s10;
	s28 =	smul.u32 $0x2710, s12  }
0xd: {  	s29 =	ssub.s32 s13, s26;
	s8 =	sor.u32 $0x1C02, s31;
	s13 =	sadd.s32 s16, s30  }
0xe: {  	s16 =	simm.s32 $0xA0;
	s10 =	sshrl.u32 s10, $0x3;
	s12 =	smax.u32 s29, $0x1  }
0xf: {  	s13 =	sadd.s32 $0x50, s13;
	s14 =	sadd.s32 s10, s7;
	s10 =	sshrl.u32 s28, $0x3  }
0x10: {  	s7 =	sadd.s32 $0x20600, s11;
	s9 =	sadd.s32 s5, s10;
	s10 =	sadd.s32 s6, s10  }
0x11: {  	s11 =	sadd.s32 $0x48200, s14;
	s14 =	sshrl.u32 s15, $0x3;
	s15 =	simm.s32 $0x2  }
.LBB2_1:
0x12: {  	[spmem:s14], [sflag:s8] =	dma.local [hbm:s7], $0x500  }
0x13: {  	_ =	swait.ge [sflag:s15], $0x500  }
0x14: {  	[sflag:s15] =	ssyncset.done $0x0  }
0x15: {  	[sflag:s15] =	ssyncadd.s32 $0xFFFFFB00  }
0x16: {  	[bflag:$0x0] =	sbarrier.arrive $0xFFFF  }
0x17: {  	[tilespmem:s3], [sflag:$0x2] =	stream.linear.gather [hbm4b:s9+s3], $0x50, $0x38;
	[tilespmem:$0x3340] =	vst v63  }
0x18: {  	_ =	swait.ge [sflag:s15], $0x50  }
0x19: {  	[sflag:s15] =	ssyncset.done $0x0  }
0x1a: {  	[sflag:s15] =	ssyncadd.s32 $0xFFFFFFB0  }
0x1b: {  	[tilespmem:s16], [sflag:$0x2] =	stream.linear.gather [hbm4b:s10+s3], $0x50, $0x38;
	[tilespmem:$0x3340] =	vst v63  }
0x1c: {  	s21 =	sand.u32 $0x1, s3;
	_ =	swait.ge [sflag:s15], $0x50  }
0x1d: {  	s22 =	sxor.u32 $0x1, s21;
	[sflag:s15] =	ssyncset.done $0x0  }
0x1e: {  	s24 =	sshrl.u32 s13, $0x3;
	s23 =	smul.u32 $0x50, s22;
	[sflag:s15] =	ssyncadd.s32 $0xFFFFFFB0  }
0x1f: {  	[tilespmem:s18], [sflag:$0x1] =	stream.indirect.gather [hbm4b:s4+s17], $0x10, s3, s17, $0xb8;
	[tilespmem:$0x3340] =	vst v63  }
0x20: {  	s25 =	sadd.s32 s5, s24  }
0x21: {  	[tilespmem:s23], [sflag:$0x2] =	stream.linear.gather [hbm4b:s25+s3], $0x50, $0x38;
	[tilespmem:$0x3340] =	vst v63  }
0x22: {  	_ =	swait.ge [sflag:s15], $0x50  }
0x23: {  	s24 =	sadd.s32 s6, s24;
	[sflag:s15] =	ssyncset.done $0x0  }
0x24: {  	s22 =	smul.u32 $0x1400, s22;
	s30 =	sadd.s32 $0xA0, s23;
	[sflag:s15] =	ssyncadd.s32 $0xFFFFFFB0  }
0x25: {  	[tilespmem:s30], [sflag:$0x2] =	stream.linear.gather [hbm4b:s24+s3], $0x50, $0x38;
	[tilespmem:$0x3340] =	vst v63  }
0x26: {  	s31 =	smul.u32 $0x1400, s21;
	_ =	swait.ge [sflag:s15], $0x50  }
0x27: {  	s26 =	smul.u32 $0x140, s21;
	s22 =	sshrl.u32 s22, $0x2;
	[sflag:s15] =	ssyncset.done $0x0  }
0x28: {  	s21 =	simm.s32 $0x2;
	s29 =	sadd.s32 $0x140, s22;
	[sflag:s15] =	ssyncadd.s32 $0xFFFFFFB0  }
0x29: {  	[tilespmem:s29], [sflag:$0x1] =	stream.indirect.gather [hbm4b:s4+s17], $0x10, s23, s17, $0xb8;
	[tilespmem:$0x3340] =	vst v63  }
0x2a: {  	s31 =	sshrl.u32 s31, $0x2;
	s30 =	sshrl.u32 s26, $0x2;
	_ =	swait.ge [sflag:s19], $0x500  }
0x2b: {  	s24 =	simm.s32 $0x1;
	s22 =	sadd.s32 $0xA0, s30;
	[sflag:s19] =	ssyncset.done $0x0  }
0x2c: {  	s25 =	sand.u32 $0x1, s24;
	s23 =	sadd.s32 $0x140, s31;
	[sflag:s19] =	ssyncadd.s32 $0xFFFFFB00  }
0x2d: {  	[spmem:s2] =	stream.indirect.scatter.add.f32 [tilespmem:s23], [sflag:$0x2], $0x10, s22, s17, $0xb8;
	[tilespmem:$0x3340] =	vst v63  }
0x2e: {  	s24 =	sadd.s32 $0x50, s13;
	s28 =	sxor.u32 $0x1, s25;
	s22 =	smul.u32 $0x1400, s25  }
0x2f: {  	s26 =	sshrl.u32 s24, $0x3;
	s23 =	smul.u32 $0x50, s28;
	_ =	swait.ge [sflag:s15], $0x500  }
.LBB2_2:
0x30: {  	s29 =	sadd.s32 s5, s26  }
0x31: {  	s28 =	smul.u32 $0x1400, s28;
	[sflag:s15] =	ssyncset.done $0x0;
	s30 =	smov.u32 s21  }
0x32: {  	p0 =	sne.s32 s21, $0x7B;
	s25 =	smul.u32 $0x140, s25;
	[sflag:s15] =	ssyncadd.s32 $0xFFFFFB00  }
0x33: {  	[tilespmem:s23], [sflag:$0x2] =	stream.linear.gather [hbm4b:s29+s3], $0x50, $0x38;
	[tilespmem:$0x3340] =	vst v63  }
0x34: {  	s21 =	sadd.s32 $0x1, s21;
	s25 =	sshrl.u32 s25, $0x2;
	_ =	swait.ge [sflag:s15], $0x50  }
0x35: {  	s26 =	sadd.s32 s6, s26;
	s29 =	sadd.s32 $0xA0, s23;
	[sflag:s15] =	ssyncset.done $0x0  }
0x36: {  	[sflag:s15] =	ssyncadd.s32 $0xFFFFFFB0  }
0x37: {  	[tilespmem:s29], [sflag:$0x2] =	stream.linear.gather [hbm4b:s26+s3], $0x50, $0x38;
	[tilespmem:$0x3340] =	vst v63  }
0x38: {  	s26 =	sshrl.u32 s28, $0x2;
	_ =	swait.ge [sflag:s15], $0x50  }
0x39: {  	s26 =	sadd.s32 $0x140, s26;
	[sflag:s15] =	ssyncset.done $0x0  }
0x3a: {  	s22 =	sshrl.u32 s22, $0x2;
	s24 =	sadd.s32 $0x50, s24;
	[sflag:s15] =	ssyncadd.s32 $0xFFFFFFB0  }
0x3b: {  	[tilespmem:s26], [sflag:$0x1] =	stream.indirect.gather [hbm4b:s4+s17], $0x10, s23, s17, $0xb8;
	[tilespmem:$0x3340] =	vst v63  }
.Ltmp0:
0x3c: {  	s23 =	sadd.s32 $0xA0, s25;
	_ =	swait.ge [sflag:s19], $0x500;
	(pc) =	sbr.rel @p0 .LBB2_2-.Ltmp0, $4  }
0x3d: {  	s25 =	sand.u32 $0x1, s30;
	s26 =	sadd.s32 $0x140, s22;
	[sflag:s19] =	ssyncset.done $0x0  }
0x3e: {  	s28 =	sxor.u32 $0x1, s25;
	s22 =	smul.u32 $0x1400, s25;
	[sflag:s19] =	ssyncadd.s32 $0xFFFFFB00  }
0x3f: {  	[spmem:s2] =	stream.indirect.scatter.add.f32 [tilespmem:s26], [sflag:$0x2], $0x10, s23, s17, $0xb8;
	[tilespmem:$0x3340] =	vst v63  }
0x40: {  	s23 =	smul.u32 $0x50, s28;
	s26 =	sshrl.u32 s24, $0x3;
	_ =	swait.ge [sflag:s15], $0x500  }
0x41: {  	[sflag:s15] =	ssyncset.done $0x0  }
0x42: {  	s21 =	sadd.s32 s5, s26;
	[sflag:s15] =	ssyncadd.s32 $0xFFFFFB00  }
0x43: {  	[tilespmem:s23], [sflag:$0x2] =	stream.linear.gather [hbm4b:s21+s3], $0x50, $0x38;
	[tilespmem:$0x3340] =	vst v63  }
0x44: {  	_ =	swait.ge [sflag:s15], $0x50  }
0x45: {  	s28 =	smul.u32 $0x1400, s28;
	[sflag:s15] =	ssyncset.done $0x0  }
0x46: {  	s29 =	sadd.s32 s6, s26;
	s24 =	sadd.s32 $0xA0, s23;
	[sflag:s15] =	ssyncadd.s32 $0xFFFFFFB0  }
0x47: {  	[tilespmem:s24], [sflag:$0x2] =	stream.linear.gather [hbm4b:s29+s3], $0x50, $0x38;
	[tilespmem:$0x3340] =	vst v63  }
0x48: {  	_ =	swait.ge [sflag:s15], $0x50  }
0x49: {  	s21 =	sshrl.u32 s28, $0x2;
	[sflag:s15] =	ssyncset.done $0x0  }
0x4a: {  	s30 =	smul.u32 $0x140, s25;
	s21 =	sadd.s32 $0x140, s21;
	[sflag:s15] =	ssyncadd.s32 $0xFFFFFFB0  }
0x4b: {  	[tilespmem:s21], [sflag:$0x1] =	stream.indirect.gather [hbm4b:s4+s17], $0x10, s23, s17, $0xb8;
	[tilespmem:$0x3340] =	vst v63  }
0x4c: {  	_ =	swait.ge [sflag:s19], $0x500  }
0x4d: {  	s22 =	sshrl.u32 s22, $0x2;
	s31 =	sshrl.u32 s30, $0x2;
	[sflag:s19] =	ssyncset.done $0x0  }
0x4e: {  	s22 =	sadd.s32 $0x140, s22;
	s21 =	sadd.s32 $0xA0, s31;
	[sflag:s19] =	ssyncadd.s32 $0xFFFFFB00  }
0x4f: {  	[spmem:s2] =	stream.indirect.scatter.add.f32 [tilespmem:s22], [sflag:$0x2], $0x10, s21, s17, $0xb8;
	[tilespmem:$0x3340] =	vst v63  }
0x50: {  	_ =	swait.ge [sflag:s15], $0x500  }
0x51: {  	[sflag:s15] =	ssyncset.done $0x0  }
0x52: {  	[sflag:s15] =	ssyncadd.s32 $0xFFFFFB00  }
0x53: {  	_ =	swait.ge [sflag:s19], $0x500  }
0x54: {  	[sflag:s19] =	ssyncset.done $0x0  }
0x55: {  	[sflag:s19] =	ssyncadd.s32 $0xFFFFFB00  }
0x56: {  	[spmem:s2] =	stream.indirect.scatter.add.f32 [tilespmem:s18], [sflag:$0x2], $0x10, s16, s17, $0xb8;
	[tilespmem:$0x3340] =	vst v63  }
0x57: {  	_ =	swait.ge [sflag:s15], $0x500  }
0x58: {  	s20 =	sadd.s32 $0x1, s20;
	[sflag:s15] =	ssyncset.done $0x0  }
0x59: {  	p0 =	sne.s32 s20, s12;
	[sflag:s15] =	ssyncadd.s32 $0xFFFFFB00  }
.Ltmp1:
0x5a: {  	[bflag:$0x0] =	sbarrier.arrive $0xFFFF;
	(pc) =	sbr.rel @p0 .LBB2_1-.Ltmp1, $4  }
0x5b: {  	[hbm:s11], [sflag:s8] =	dma.local [spmem:s14], $0x500  }
0x5c: {  	_ =	swait.ge [sflag:s15], $0x500  }
0x5d: {  	[sflag:s15] =	ssyncset.done $0x0  }
0x5e: {  	[sflag:s15] =	ssyncadd.s32 $0xFFFFFB00  }
0x5f: {  	_ =	sfence.sel $0x180000  }
0x60: {  	[bflag:$0x0] =	sbarrier.arrive $0xFFFF  }
0x61: {  	p0 =	sne.s32 s1, $0x0;
	_ =	strace $0x9000004A  }
0x62: {  	s0 =	sadd.s32 @!p0 $0x100000, s0;
	[bflag:$0x2] =	sbarrier.arrive $0xFFFF  }
0x63: {  	[sflag:s0] =	ssyncadd.tile.s32 @!p0 $0x1;
	_ =	shalt  }
.Lfunc_end2:
_tile_overlayer_lowered:
.L_overlay_start_2:
0x64: {  	(tag) =	ssettag $0x2  }
0x65: {  	s0 =	rddreg [dreg:$0x0];
	s2 =	stileid.u32  }
0x66: {  	s1 =	rddreg [dreg:$0x1];
	p0 =	sne.s32 s2, $0x0  }
0x67: {  	s3 =	rddreg [dreg:$0x2];
	[bflag:$0x3] =	sbarrier.arrive $0xFFFF;
	s2 =	simm.s32 @!p0 $0x1C02  }
0x68: {  	[timem:s3], [sflag:s2] =	dma.local @!p0 [hbm:s0], s1  }
0x69: {  	s0 =	simm.s32 @!p0 $0x2  }
0x6a: {  	_ =	swait.ge @!p0 [sflag:s0], s1  }
0x6b: {  	s1 =	ssub.s32 @!p0 $0x0, s1;
	[sflag:s0] =	ssyncset.done @!p0 $0x0  }
0x6c: {  	[sflag:s0] =	ssyncadd.s32 @!p0 s1  }
0x6d: {  	[bflag:$0x3] =	sbarrier.arrive $0xFFFF  }
0x6e: {  	_ =	shalt  }

// kernel: kernel.32.cloned.1.call-start
scs
__scs_entry_jumppad:
0x0: {  	(pc) =	sbr.rel $0x88, $3  }
0x1: {  	(tag) =	ssettag $0x0;
	lr =	simm.s32 $0x1  }
0x2: {  	[smem:$0x3F84] =	sst lr;
	_ =	strace $0xD0000000  }
0x3: {  	_ = 	snop  }
0x4: {  	_ = 	snop  }
0x5: {  	_ = 	snop  }
0x6: {  	_ = 	snop  }
0x7: {  	_ = 	snop  }
__scs_overlays_trampoline_lowered:
0x8: {  	[smem:$0x3F93] =	sst s0  }
0x9: {  	[smem:$0x3F94] =	sst s1  }
0xa: {  	[smem:$0x3F95] =	sst s2  }
0xb: {  	[smem:$0x3F96] =	sst s3  }
0xc: {  	[smem:$0x3F97] =	sst s4  }
0xd: {  	[smem:$0x3F98] =	sst s5  }
0xe: {  	[smem:$0x3F99] =	sst s6  }
0xf: {  	[smem:$0x3F9A] =	sst s7  }
0x10: {  	[smem:$0x3F9B] =	sst s8  }
0x11: {  	[smem:$0x3F9C] =	sst s9;
	s0 =	simm.s32 @!p0 $0x0  }
0x12: {  	s1 =	sld [smem:$0x3F82];
	s0 =	simm.s32 @p0 $0x1  }
0x13: {  	[smem:$0x3F9D] =	sst s0;
	s0 =	simm.s32 @!p1 $0x0  }
0x14: {  	s2 =	sld [smem:$0x3F81];
	s0 =	simm.s32 @p1 $0x1  }
0x15: {  	[smem:$0x3F9E] =	sst s0;
	s0 =	simm.s32 @!p2 $0x0  }
0x16: {  	s3 =	sld [smem:$0x3FDB];
	s0 =	simm.s32 @p2 $0x1  }
0x17: {  	s4 =	simm.s32 $0x1BF5;
	[smem:$0x3FA0] =	sst s0  }
0x18: {  	s0 =	sld [smem:$0x3F83];
	_ =	swait.ge [sflag:s4], $0x0  }
0x19: {  	s7 =	sld [smem:$0x3F84]  }
0x1a: {  	s8 =	sadd.s32 $0xFFFFE003, lr  }
0x1b: {  	s9 =	sadd.s32 $0xFFFFFEF7, lr;
	s5 =	simm.s32 $0xFFFFFFFF;
	p2 =	slt.u32 s8, $0xFFFFF086  }
0x1c: {  	p1 =	slt.u32 s9, $0xF7A;
	s5 =	simm.s32 @!p2 $0x0  }
0x1d: {  	s5 =	simm.s32 @p1 $0x1;
	p0 =	seq.s32 s7, s2  }
0x1e: {  	s7 =	smul.u32 @!p0 $0xF7A, s2;
	p2 =	seq.s32 @!p0 s5, $0x0  }
0x1f: {  	s9 =	smul.u32 $0xF7A, s1;
	s8 =	simm.s32 @!p0 $0x1BF5;
	p2 =	por !p2, p0  }
0x20: {  	[sflag:s8] =	ssyncset.s32 @!p0 $0xFFFFF086;
	s6 =	sadd.s32 @!p0 s3, s7;
	s7 =	simm.s32 @!p0 $0x108  }
0x21: {  	s3 =	sadd.s32 s3, s9;
	s6 =	sadd.s32 @!p0 $0x88, s6;
	s7 =	simm.s32 @p2 $0x1082  }
0x22: {  	[simem:s7], [sflag:s8] =	dma.local @!p0 [hbm:s6], $0xF7A  }
0x23: {  	s9 =	sor.u32 $0xD0000000, s2;
	s6 =	simm.s32 $0x108;
	_ =	swait.ge @!p0 [sflag:s8], $0x0  }
0x24: {  	s3 =	sadd.s32 $0x88, s3;
	s6 =	simm.s32 @!p1 $0x1082;
	[sflag:s4] =	ssyncset.s32 $0xFFFFF086  }
0x25: {  	[simem:s6], [sflag:s4] =	dma.local [hbm:s3], $0xF7A  }
0x26: {  	[smem:$0x3F84] =	sst s1;
	(tag) =	ssettag s2;
	_ =	strace s9  }
0x27: {  	s1 =	sld [smem:$0x3F94]  }
0x28: {  	s2 =	sld [smem:$0x3F95]  }
0x29: {  	s4 =	sld [smem:$0x3F97]  }
0x2a: {  	p0 =	seq.s32 s5, $0x0;
	s5 =	sld [smem:$0x3F98]  }
0x2b: {  	s6 =	sld [smem:$0x3F99]  }
0x2c: {  	s7 =	sld [smem:$0x3F9A]  }
0x2d: {  	s3 =	simm.s32 $0x108;
	s8 =	sld [smem:$0x3F9B]  }
0x2e: {  	s3 =	simm.s32 @!p0 $0x1082;
	s9 =	sld [smem:$0x3F9C]  }
0x2f: {  	lr =	sadd.s32 s0, s3;
	s0 =	sld [smem:$0x3F93]  }
0x30: {  	s3 =	sld [smem:$0x3F96]  }
0x31: {  	[smem:$0x3F9F] =	sst s10  }
0x32: {  	s10 =	sld [smem:$0x3F9D];
	_ =	sdelay $0x3  }
0x33: {  	p0 =	seq.s32 s10, $0x1;
	s10 =	sld [smem:$0x3F9F];
	_ =	sdelay $0x3  }
0x34: {  	[smem:$0x3F9F] =	sst s10  }
0x35: {  	s10 =	sld [smem:$0x3F9E];
	_ =	sdelay $0x3  }
0x36: {  	p1 =	seq.s32 s10, $0x1;
	s10 =	sld [smem:$0x3F9F];
	_ =	sdelay $0x3  }
0x37: {  	[smem:$0x3F9F] =	sst s10  }
0x38: {  	s10 =	sld [smem:$0x3FA0]  }
0x39: {  	_ = 	snop;
	(pc) =	sbr.ind lr, $3  }
0x3a: {  	_ = 	snop  }
0x3b: {  	_ = 	snop  }
0x3c: {  	p2 =	seq.s32 s10, $0x1;
	s10 =	sld [smem:$0x3F9F]  }
0x3d: {  	_ =	shalt  }
0x3e: {  	_ =	shalt  }
0x3f: {  	_ =	shalt  }
0x40: {  	_ =	shalt  }
0x41: {  	_ =	shalt  }
0x42: {  	_ =	shalt  }
0x43: {  	_ =	shalt  }
0x44: {  	_ =	shalt  }
0x45: {  	_ =	shalt  }
0x46: {  	_ =	shalt  }
0x47: {  	_ =	shalt  }
0x48: {  	_ =	shalt  }
0x49: {  	_ =	shalt  }
0x4a: {  	_ =	shalt  }
0x4b: {  	_ =	shalt  }
0x4c: {  	_ =	shalt  }
0x4d: {  	_ =	shalt  }
0x4e: {  	_ =	shalt  }
0x4f: {  	_ =	shalt  }
0x50: {  	_ =	shalt  }
0x51: {  	_ =	shalt  }
0x52: {  	_ =	shalt  }
0x53: {  	_ =	shalt  }
0x54: {  	_ =	shalt  }
0x55: {  	_ =	shalt  }
0x56: {  	_ =	shalt  }
0x57: {  	_ =	shalt  }
0x58: {  	_ =	shalt  }
0x59: {  	_ =	shalt  }
0x5a: {  	_ =	shalt  }
0x5b: {  	_ =	shalt  }
0x5c: {  	_ =	shalt  }
0x5d: {  	_ =	shalt  }
0x5e: {  	_ =	shalt  }
0x5f: {  	_ =	shalt  }
0x60: {  	_ =	shalt  }
0x61: {  	_ =	shalt  }
0x62: {  	_ =	shalt  }
0x63: {  	_ =	shalt  }
0x64: {  	_ =	shalt  }
0x65: {  	_ =	shalt  }
0x66: {  	_ =	shalt  }
0x67: {  	_ =	shalt  }
0x68: {  	_ =	shalt  }
0x69: {  	_ =	shalt  }
0x6a: {  	_ =	shalt  }
0x6b: {  	_ =	shalt  }
0x6c: {  	_ =	shalt  }
0x6d: {  	_ =	shalt  }
0x6e: {  	_ =	shalt  }
0x6f: {  	_ =	shalt  }
0x70: {  	_ =	shalt  }
0x71: {  	_ =	shalt  }
0x72: {  	_ =	shalt  }
0x73: {  	_ =	shalt  }
0x74: {  	_ =	shalt  }
0x75: {  	_ =	shalt  }
0x76: {  	_ =	shalt  }
0x77: {  	_ =	shalt  }
0x78: {  	_ =	shalt  }
0x79: {  	_ =	shalt  }
0x7a: {  	_ =	shalt  }
0x7b: {  	_ =	shalt  }
0x7c: {  	_ =	shalt  }
0x7d: {  	_ =	shalt  }
0x7e: {  	_ =	shalt  }
0x7f: {  	_ =	shalt  }
0x80: {  	_ =	shalt  }
0x81: {  	_ =	shalt  }
0x82: {  	_ =	shalt  }
0x83: {  	_ =	shalt  }
0x84: {  	_ =	shalt  }
0x85: {  	_ =	shalt  }
0x86: {  	_ =	shalt  }
0x87: {  	_ =	shalt  }
.Lfunc_end0:
.L_simem_size_0:
called_computation.1_lowered:
.L_overlay_start_0:
0x88: {  	s2 =	sld [smem:$0x3FD9]  }
0x89: {  	s3 =	sld [smem:$0x3FFE];
	_ =	sdelay $0x1  }
0x8a: {  	s1 =	srdreg.scid  }
0x8b: {  	s0 =	sand.u32 $0x1, s1  }
0x8c: {  	s17 =	sshll.u32 s0, $0xA;
	s2 =	sadd.s32 s3, s2  }
0x8d: {  	s2 =	sadd.s32 s2, s17  }
0x8e: {  	[smem:$0x3FAB] =	sst s2  }
0x8f: {  	_ = 	snop  }
0x90: {  	(tm) =	ssettm $0x1  }
0x91: {  	s18 =	sld [smem:$0x3FFB];
	_ =	sdelay $0x3  }
0x92: {  	_ =	strace s18  }
0x93: {  	s2 =	sld [smem:$0x3FFC];
	_ =	sdelay $0x3  }
0x94: {  	_ =	strace s2  }
0x95: {  	s2 =	sld [smem:$0x3FFD];
	_ =	sdelay $0x3  }
0x96: {  	_ =	strace s2  }
0x97: {  	_ =	strace $0x8FFFFFFF  }
0x98: {  	s19 =	sld [smem:$0x3FDB];
	_ =	sdelay $0x1  }
0x99: {  	s20 =	simm.s32 $_scs_section_size  }
0x9a: {  	s4 =	simm.s32 $_size__tile_overlayer_lowered;
	s5 =	simm.s32 $_tile_overlayer_lowered  }
0x9b: {  	s6 =	simm.s32 $0x1BFF;
	s21 =	sshll.u32 s5, $0x1;
	s3 =	sadd.s32 s20, s19  }
0x9c: {  	s22 =	simm.s32 $0x0;
	s4 =	sshll.u32 s4, $0x1;
	s5 =	sadd.s32 s21, s3  }
0x9d: {  	[timem:s22], [sflag:s6] =	dma.local [hbm:s5], s4  }
0x9e: {  	_ =	swait.ge [sflag:s6], s4  }
0x9f: {  	s4 =	ssub.s32 $0x0, s4;
	[sflag:s6] =	ssyncset.done $0x0  }
0xa0: {  	[sflag:s6] =	ssyncadd.s32 s4;
	_ =	sdelay $0x1  }
0xa1: {  	s23 =	simm.s32 $0x1B8B  }
0xa2: {  	_ =	swait.ge [sflag:s23], $0x1  }
0xa3: {  	[sflag:s23] =	ssyncset.done $0x0  }
0xa4: {  	[sflag:s23] =	ssyncadd.s32 $0xFFFFFFFF  }
0xa5: {  	s4 =	sld [smem:$0x0]  }
0xa6: {  	s5 =	sand.u32 $0xFFFFFFFE, s1  }
0xa7: {  	p0 =	sne.s32 s1, s5  }
0xa8: {  	s5 =	sshll.u32 @p0 s5, $0xE  }
0xa9: {  	s5 =	sadd.s32 @p0 $0x11B8D, s5;
	s6 =	sshll.u32 @p0 s4, $0x11  }
0xaa: {  	s5 =	sor.u32 @p0 s6, s5  }
0xab: {  	[sflag:s5] =	ssyncadd.remote.s32 @p0 $0x1;
	_ =	sdelay $0x1  }
0xac: {  	s5 =	simm.s32 @p0 $0x1B8D  }
0xad: {  	_ =	swait.eq @p0 [sflag:s5], $0x1  }
0xae: {  	[sflag:s5] =	ssyncadd.s32 @p0 $0xFFFFFFFF  }
0xaf: {  	s6 =	sshll.u32 @!p0 s1, $0xE  }
0xb0: {  	s6 =	sor.u32 @!p0 $0x4000, s6;
	s5 =	simm.s32 @!p0 $0x1B8D  }
0xb1: {  	s4 =	sshll.u32 @!p0 s4, $0x11;
	s6 =	sadd.s32 @!p0 $0x11B8D, s6;
	_ =	swait.eq @!p0 [sflag:s5], $0x1  }
0xb2: {  	s4 =	sor.u32 @!p0 s4, s6;
	[sflag:s5] =	ssyncadd.s32 @!p0 $0xFFFFFFFF  }
0xb3: {  	s25 =	simm.s32 $0x1B8E;
	s24 =	sld [smem:$0x3FFE];
	[sflag:s4] =	ssyncadd.remote.s32 @!p0 $0x1  }
0xb4: {  	s26 =	simm.s32 $execute0_lowered;
	[smem:$0x3FD2] =	sst s25  }
0xb5: {  	s5 =	sshll.u32 s26, $0x1;
	_ =	strace $0x8000004F;
	[dreg:$0x1] =	wrdreg $0xFFFFFFFF  }
0xb6: {  	s28 =	simm.s32 $_size_execute0_lowered;
	s3 =	sadd.s32 s3, s5;
	[dreg:$0x0] =	wrdreg $0x0  }
0xb7: {  	s5 =	sshll.u32 s28, $0x1;
	[dreg:$0x2] =	wrdreg s3  }
0xb8: {  	[dreg:$0x3] =	wrdreg s5  }
0xb9: {  	[dreg:$0x4] =	wrdreg $0xC0  }
0xba: {  	_ =	task [dreg:s22], $0x5FFFF  }
0xbb: {  	[dreg:$0x1] =	wrdreg $0xFFFFFFFF  }
0xbc: {  	[dreg:$0x0] =	wrdreg $0x60  }
0xbd: {  	[dreg:$0x2] =	wrdreg s24  }
0xbe: {  	[dreg:$0x3] =	wrdreg $0x33400  }
0xbf: {  	[dreg:$0x4] =	wrdreg $0x9  }
0xc0: {  	_ =	task.clear_ibuf [dreg:s22], $0x5FFFF;
	_ =	strace $0x9000004F  }
0xc1: {  	s29 =	simm.s32 $0x9;
	_ =	strace $0x80000051  }
0xc2: {  	_ =	swait.ge [sflag:s29], $0x1  }
0xc3: {  	[sflag:s29] =	ssyncadd.s32 $0xFFFFFFFF  }
0xc4: {  	_ =	strace $0x90000051  }
0xc5: {  	_ =	sfence  }
0xc6: {  	s30 =	sld [smem:$0x0];
	_ =	sdelay $0x2  }
0xc7: {  	s31 =	sshll.u32 s1, $0xD;
	s1 =	sshrl.u32 s1, $0x2  }
0xc8: {  	s4 =	sand.u32 $0x4000, s31;
	s1 =	sadd.s32 s1, s30  }
0xc9: {  	s0 =	sor.u32 s4, s0;
	s1 =	sshll.u32 s1, $0x11  }
0xca: {  	s0 =	sor.u32 s1, s0  }
0xcb: {  	s0 =	sadd.s32 $0x8F2B, s0  }
0xcc: {  	[sflag:s0] =	ssyncadd.remote.s32 $0x1  }
0xcd: {  	_ =	sfence.sel $0xFFFF  }
0xce: {  	[dreg:$0x0] =	wrdreg $0xFFFFFFFF;
	(pc) =	sbr.abs _section_cstart, $3  }
0xcf: {  	[dreg:$0x1] =	wrdreg $0xFFFFFFFF  }
0xd0: {  	_ =	task.clear_ibuf [dreg:s22], $0x2FFFF;
	_ =	strace $0x9FFFFFFF  }
0xd1: {  	(tm) =	ssettm $0x7FFFFFFF  }
tec
execute0_lowered:
.L_overlay_start_1:
0x0: {  	(tag) =	ssettag $0x1  }
0x1: {  	s7 =	rddreg [dreg:$0x0]  }
0x2: {  	s2 =	rddreg [dreg:$0x1]  }
0x3: {  	s0 =	rddreg [dreg:$0x2]  }
0x4: {  	s3 =	simm.s32 $0x0;
	s1 =	stileid.u32;
	s4 =	srdreg.scid  }
0x5: {  	s17 =	simm.s32 $0x50;
	s18 =	simm.s32 $0x140;
	s19 =	simm.s32 $0x1  }
0x6: {  	s20 =	simm.s32 $0x0;
	[smem:$0x7FF] =	sst s3;
	s8 =	smul.u32 $0xC800, s1  }
0x7: {  	s9 =	sand.u32 $0x1, s4;
	s4 =	sadd.s32 $0x152200, s7;
	s5 =	sadd.s32 $0x3E400, s7  }
0x8: {  	s6 =	sadd.s32 $0x34600, s7;
	s31 =	sshll.u32 s1, $0x6;
	s16 =	smul.u32 $0x2710, s1  }
0x9: {  	_ =	strace $0x80000050;
	s10 =	smul.u32 $0xC8000, s9;
	s12 =	sshll.u32 s9, $0x4  }
0xa: {  	s13 =	ssub.s32 $0x2, s9;
	s30 =	smul.u32 $0x27100, s9;
	s11 =	sshrl.u32 s8, $0x3  }
0xb: {  	s12 =	sor.u32 s1, s12;
	s26 =	sshrl.u32 s13, $0x1;
	s15 =	sadd.s32 s8, s2  }
0xc: {  	s11 =	sadd.s32 s11, s7;
	s10 =	sadd.s32 s8, s10;
	s28 =	smul.u32 $0x2710, s12  }
0xd: {  	s29 =	ssub.s32 s13, s26;
	s8 =	sor.u32 $0x1C02, s31;
	s13 =	sadd.s32 s16, s30  }
0xe: {  	s16 =	simm.s32 $0xA0;
	s10 =	sshrl.u32 s10, $0x3;
	s12 =	smax.u32 s29, $0x1  }
0xf: {  	s13 =	sadd.s32 $0x50, s13;
	s14 =	sadd.s32 s10, s7;
	s10 =	sshrl.u32 s28, $0x3  }
0x10: {  	s7 =	sadd.s32 $0xB8E00, s11;
	s9 =	sadd.s32 s5, s10;
	s10 =	sadd.s32 s6, s10  }
0x11: {  	s11 =	sadd.s32 $0x16AA00, s14;
	s14 =	sshrl.u32 s15, $0x3;
	s15 =	simm.s32 $0x2  }
.LBB2_1:
0x12: {  	[spmem:s14], [sflag:s8] =	dma.local [hbm:s7], $0x1900  }
0x13: {  	_ =	swait.ge [sflag:s15], $0x1900  }
0x14: {  	[sflag:s15] =	ssyncset.done $0x0  }
0x15: {  	[sflag:s15] =	ssyncadd.s32 $0xFFFFE700  }
0x16: {  	[bflag:$0x0] =	sbarrier.arrive $0xFFFF  }
0x17: {  	[tilespmem:s3], [sflag:$0x2] =	stream.linear.gather [hbm4b:s9+s3], $0x50, $0x38;
	[tilespmem:$0xFB40] =	vst v63  }
0x18: {  	_ =	swait.ge [sflag:s15], $0x50  }
0x19: {  	[sflag:s15] =	ssyncset.done $0x0  }
0x1a: {  	[sflag:s15] =	ssyncadd.s32 $0xFFFFFFB0  }
0x1b: {  	[tilespmem:s16], [sflag:$0x2] =	stream.linear.gather [hbm4b:s10+s3], $0x50, $0x38;
	[tilespmem:$0xFB40] =	vst v63  }
0x1c: {  	s21 =	sand.u32 $0x1, s3;
	_ =	swait.ge [sflag:s15], $0x50  }
0x1d: {  	s22 =	sxor.u32 $0x1, s21;
	[sflag:s15] =	ssyncset.done $0x0  }
0x1e: {  	s24 =	sshrl.u32 s13, $0x3;
	s23 =	smul.u32 $0x50, s22;
	[sflag:s15] =	ssyncadd.s32 $0xFFFFFFB0  }
0x1f: {  	[tilespmem:s18], [sflag:$0x1] =	stream.indirect.gather [hbm4b:s4+s17], $0x50, s3, s17, $0xb8;
	[tilespmem:$0xFB40] =	vst v63  }
0x20: {  	s25 =	sadd.s32 s5, s24  }
0x21: {  	[tilespmem:s23], [sflag:$0x2] =	stream.linear.gather [hbm4b:s25+s3], $0x50, $0x38;
	[tilespmem:$0xFB40] =	vst v63  }
0x22: {  	_ =	swait.ge [sflag:s15], $0x50  }
0x23: {  	s24 =	sadd.s32 s6, s24;
	[sflag:s15] =	ssyncset.done $0x0  }
0x24: {  	s22 =	smul.u32 $0x6400, s22;
	s30 =	sadd.s32 $0xA0, s23;
	[sflag:s15] =	ssyncadd.s32 $0xFFFFFFB0  }
0x25: {  	[tilespmem:s30], [sflag:$0x2] =	stream.linear.gather [hbm4b:s24+s3], $0x50, $0x38;
	[tilespmem:$0xFB40] =	vst v63  }
0x26: {  	s31 =	smul.u32 $0x6400, s21;
	_ =	swait.ge [sflag:s15], $0x50  }
0x27: {  	s26 =	smul.u32 $0x140, s21;
	s22 =	sshrl.u32 s22, $0x2;
	[sflag:s15] =	ssyncset.done $0x0  }
0x28: {  	s21 =	simm.s32 $0x2;
	s29 =	sadd.s32 $0x140, s22;
	[sflag:s15] =	ssyncadd.s32 $0xFFFFFFB0  }
0x29: {  	[tilespmem:s29], [sflag:$0x1] =	stream.indirect.gather [hbm4b:s4+s17], $0x50, s23, s17, $0xb8;
	[tilespmem:$0xFB40] =	vst v63  }
0x2a: {  	s31 =	sshrl.u32 s31, $0x2;
	s30 =	sshrl.u32 s26, $0x2;
	_ =	swait.ge [sflag:s19], $0x1900  }
0x2b: {  	s24 =	simm.s32 $0x1;
	s22 =	sadd.s32 $0xA0, s30;
	[sflag:s19] =	ssyncset.done $0x0  }
0x2c: {  	s25 =	sand.u32 $0x1, s24;
	s23 =	sadd.s32 $0x140, s31;
	[sflag:s19] =	ssyncadd.s32 $0xFFFFE700  }
0x2d: {  	[spmem:s2] =	stream.indirect.scatter.add.f32 [tilespmem:s23], [sflag:$0x2], $0x50, s22, s17, $0xb8;
	[tilespmem:$0xFB40] =	vst v63  }
0x2e: {  	s24 =	sadd.s32 $0x50, s13;
	s28 =	sxor.u32 $0x1, s25;
	s22 =	smul.u32 $0x6400, s25  }
0x2f: {  	s26 =	sshrl.u32 s24, $0x3;
	s23 =	smul.u32 $0x50, s28;
	_ =	swait.ge [sflag:s15], $0x1900  }
.LBB2_2:
0x30: {  	s29 =	sadd.s32 s5, s26  }
0x31: {  	s28 =	smul.u32 $0x6400, s28;
	[sflag:s15] =	ssyncset.done $0x0;
	s30 =	smov.u32 s21  }
0x32: {  	p0 =	sne.s32 s21, $0x7B;
	s25 =	smul.u32 $0x140, s25;
	[sflag:s15] =	ssyncadd.s32 $0xFFFFE700  }
0x33: {  	[tilespmem:s23], [sflag:$0x2] =	stream.linear.gather [hbm4b:s29+s3], $0x50, $0x38;
	[tilespmem:$0xFB40] =	vst v63  }
0x34: {  	s21 =	sadd.s32 $0x1, s21;
	s25 =	sshrl.u32 s25, $0x2;
	_ =	swait.ge [sflag:s15], $0x50  }
0x35: {  	s26 =	sadd.s32 s6, s26;
	s29 =	sadd.s32 $0xA0, s23;
	[sflag:s15] =	ssyncset.done $0x0  }
0x36: {  	[sflag:s15] =	ssyncadd.s32 $0xFFFFFFB0  }
0x37: {  	[tilespmem:s29], [sflag:$0x2] =	stream.linear.gather [hbm4b:s26+s3], $0x50, $0x38;
	[tilespmem:$0xFB40] =	vst v63  }
0x38: {  	s26 =	sshrl.u32 s28, $0x2;
	_ =	swait.ge [sflag:s15], $0x50  }
0x39: {  	s26 =	sadd.s32 $0x140, s26;
	[sflag:s15] =	ssyncset.done $0x0  }
0x3a: {  	s22 =	sshrl.u32 s22, $0x2;
	s24 =	sadd.s32 $0x50, s24;
	[sflag:s15] =	ssyncadd.s32 $0xFFFFFFB0  }
0x3b: {  	[tilespmem:s26], [sflag:$0x1] =	stream.indirect.gather [hbm4b:s4+s17], $0x50, s23, s17, $0xb8;
	[tilespmem:$0xFB40] =	vst v63  }
.Ltmp0:
0x3c: {  	s23 =	sadd.s32 $0xA0, s25;
	_ =	swait.ge [sflag:s19], $0x1900;
	(pc) =	sbr.rel @p0 .LBB2_2-.Ltmp0, $4  }
0x3d: {  	s25 =	sand.u32 $0x1, s30;
	s26 =	sadd.s32 $0x140, s22;
	[sflag:s19] =	ssyncset.done $0x0  }
0x3e: {  	s28 =	sxor.u32 $0x1, s25;
	s22 =	smul.u32 $0x6400, s25;
	[sflag:s19] =	ssyncadd.s32 $0xFFFFE700  }
0x3f: {  	[spmem:s2] =	stream.indirect.scatter.add.f32 [tilespmem:s26], [sflag:$0x2], $0x50, s23, s17, $0xb8;
	[tilespmem:$0xFB40] =	vst v63  }
0x40: {  	s23 =	smul.u32 $0x50, s28;
	s26 =	sshrl.u32 s24, $0x3;
	_ =	swait.ge [sflag:s15], $0x1900  }
0x41: {  	[sflag:s15] =	ssyncset.done $0x0  }
0x42: {  	s21 =	sadd.s32 s5, s26;
	[sflag:s15] =	ssyncadd.s32 $0xFFFFE700  }
0x43: {  	[tilespmem:s23], [sflag:$0x2] =	stream.linear.gather [hbm4b:s21+s3], $0x50, $0x38;
	[tilespmem:$0xFB40] =	vst v63  }
0x44: {  	_ =	swait.ge [sflag:s15], $0x50  }
0x45: {  	s28 =	smul.u32 $0x6400, s28;
	[sflag:s15] =	ssyncset.done $0x0  }
0x46: {  	s29 =	sadd.s32 s6, s26;
	s24 =	sadd.s32 $0xA0, s23;
	[sflag:s15] =	ssyncadd.s32 $0xFFFFFFB0  }
0x47: {  	[tilespmem:s24], [sflag:$0x2] =	stream.linear.gather [hbm4b:s29+s3], $0x50, $0x38;
	[tilespmem:$0xFB40] =	vst v63  }
0x48: {  	_ =	swait.ge [sflag:s15], $0x50  }
0x49: {  	s21 =	sshrl.u32 s28, $0x2;
	[sflag:s15] =	ssyncset.done $0x0  }
0x4a: {  	s30 =	smul.u32 $0x140, s25;
	s21 =	sadd.s32 $0x140, s21;
	[sflag:s15] =	ssyncadd.s32 $0xFFFFFFB0  }
0x4b: {  	[tilespmem:s21], [sflag:$0x1] =	stream.indirect.gather [hbm4b:s4+s17], $0x50, s23, s17, $0xb8;
	[tilespmem:$0xFB40] =	vst v63  }
0x4c: {  	_ =	swait.ge [sflag:s19], $0x1900  }
0x4d: {  	s22 =	sshrl.u32 s22, $0x2;
	s31 =	sshrl.u32 s30, $0x2;
	[sflag:s19] =	ssyncset.done $0x0  }
0x4e: {  	s22 =	sadd.s32 $0x140, s22;
	s21 =	sadd.s32 $0xA0, s31;
	[sflag:s19] =	ssyncadd.s32 $0xFFFFE700  }
0x4f: {  	[spmem:s2] =	stream.indirect.scatter.add.f32 [tilespmem:s22], [sflag:$0x2], $0x50, s21, s17, $0xb8;
	[tilespmem:$0xFB40] =	vst v63  }
0x50: {  	_ =	swait.ge [sflag:s15], $0x1900  }
0x51: {  	[sflag:s15] =	ssyncset.done $0x0  }
0x52: {  	[sflag:s15] =	ssyncadd.s32 $0xFFFFE700  }
0x53: {  	_ =	swait.ge [sflag:s19], $0x1900  }
0x54: {  	[sflag:s19] =	ssyncset.done $0x0  }
0x55: {  	[sflag:s19] =	ssyncadd.s32 $0xFFFFE700  }
0x56: {  	[spmem:s2] =	stream.indirect.scatter.add.f32 [tilespmem:s18], [sflag:$0x2], $0x50, s16, s17, $0xb8;
	[tilespmem:$0xFB40] =	vst v63  }
0x57: {  	_ =	swait.ge [sflag:s15], $0x1900  }
0x58: {  	s20 =	sadd.s32 $0x1, s20;
	[sflag:s15] =	ssyncset.done $0x0  }
0x59: {  	p0 =	sne.s32 s20, s12;
	[sflag:s15] =	ssyncadd.s32 $0xFFFFE700  }
.Ltmp1:
0x5a: {  	[bflag:$0x0] =	sbarrier.arrive $0xFFFF;
	(pc) =	sbr.rel @p0 .LBB2_1-.Ltmp1, $4  }
0x5b: {  	[hbm:s11], [sflag:s8] =	dma.local [spmem:s14], $0x1900  }
0x5c: {  	_ =	swait.ge [sflag:s15], $0x1900  }
0x5d: {  	[sflag:s15] =	ssyncset.done $0x0  }
0x5e: {  	[sflag:s15] =	ssyncadd.s32 $0xFFFFE700  }
0x5f: {  	_ =	sfence.sel $0x180000  }
0x60: {  	[bflag:$0x0] =	sbarrier.arrive $0xFFFF  }
0x61: {  	p0 =	sne.s32 s1, $0x0;
	_ =	strace $0x90000050  }
0x62: {  	s0 =	sadd.s32 @!p0 $0x100000, s0;
	[bflag:$0x2] =	sbarrier.arrive $0xFFFF  }
0x63: {  	[sflag:s0] =	ssyncadd.tile.s32 @!p0 $0x1;
	_ =	shalt  }
.Lfunc_end2:
_tile_overlayer_lowered:
.L_overlay_start_2:
0x64: {  	(tag) =	ssettag $0x2  }
0x65: {  	s0 =	rddreg [dreg:$0x0];
	s2 =	stileid.u32  }
0x66: {  	s1 =	rddreg [dreg:$0x1];
	p0 =	sne.s32 s2, $0x0  }
0x67: {  	s3 =	rddreg [dreg:$0x2];
	[bflag:$0x3] =	sbarrier.arrive $0xFFFF;
	s2 =	simm.s32 @!p0 $0x1C02  }
0x68: {  	[timem:s3], [sflag:s2] =	dma.local @!p0 [hbm:s0], s1  }
0x69: {  	s0 =	simm.s32 @!p0 $0x2  }
0x6a: {  	_ =	swait.ge @!p0 [sflag:s0], s1  }
0x6b: {  	s1 =	ssub.s32 @!p0 $0x0, s1;
	[sflag:s0] =	ssyncset.done @!p0 $0x0  }
0x6c: {  	[sflag:s0] =	ssyncadd.s32 @!p0 s1  }
0x6d: {  	[bflag:$0x3] =	sbarrier.arrive $0xFFFF  }
0x6e: {  	_ =	shalt  }

// kernel: kernel.35.cloned.1.call-start
scs
__scs_entry_jumppad:
0x0: {  	(pc) =	sbr.rel $0x88, $3  }
0x1: {  	(tag) =	ssettag $0x0;
	lr =	simm.s32 $0x1  }
0x2: {  	[smem:$0x3F84] =	sst lr;
	_ =	strace $0xD0000000  }
0x3: {  	_ = 	snop  }
0x4: {  	_ = 	snop  }
0x5: {  	_ = 	snop  }
0x6: {  	_ = 	snop  }
0x7: {  	_ = 	snop  }
__scs_overlays_trampoline_lowered:
0x8: {  	[smem:$0x3F93] =	sst s0  }
0x9: {  	[smem:$0x3F94] =	sst s1  }
0xa: {  	[smem:$0x3F95] =	sst s2  }
0xb: {  	[smem:$0x3F96] =	sst s3  }
0xc: {  	[smem:$0x3F97] =	sst s4  }
0xd: {  	[smem:$0x3F98] =	sst s5  }
0xe: {  	[smem:$0x3F99] =	sst s6  }
0xf: {  	[smem:$0x3F9A] =	sst s7  }
0x10: {  	[smem:$0x3F9B] =	sst s8  }
0x11: {  	[smem:$0x3F9C] =	sst s9;
	s0 =	simm.s32 @!p0 $0x0  }
0x12: {  	s1 =	sld [smem:$0x3F82];
	s0 =	simm.s32 @p0 $0x1  }
0x13: {  	[smem:$0x3F9D] =	sst s0;
	s0 =	simm.s32 @!p1 $0x0  }
0x14: {  	s2 =	sld [smem:$0x3F81];
	s0 =	simm.s32 @p1 $0x1  }
0x15: {  	[smem:$0x3F9E] =	sst s0;
	s0 =	simm.s32 @!p2 $0x0  }
0x16: {  	s3 =	sld [smem:$0x3FDB];
	s0 =	simm.s32 @p2 $0x1  }
0x17: {  	s4 =	simm.s32 $0x1BF5;
	[smem:$0x3FA0] =	sst s0  }
0x18: {  	s0 =	sld [smem:$0x3F83];
	_ =	swait.ge [sflag:s4], $0x0  }
0x19: {  	s7 =	sld [smem:$0x3F84]  }
0x1a: {  	s8 =	sadd.s32 $0xFFFFE003, lr  }
0x1b: {  	s9 =	sadd.s32 $0xFFFFFEF7, lr;
	s5 =	simm.s32 $0xFFFFFFFF;
	p2 =	slt.u32 s8, $0xFFFFF086  }
0x1c: {  	p1 =	slt.u32 s9, $0xF7A;
	s5 =	simm.s32 @!p2 $0x0  }
0x1d: {  	s5 =	simm.s32 @p1 $0x1;
	p0 =	seq.s32 s7, s2  }
0x1e: {  	s7 =	smul.u32 @!p0 $0xF7A, s2;
	p2 =	seq.s32 @!p0 s5, $0x0  }
0x1f: {  	s9 =	smul.u32 $0xF7A, s1;
	s8 =	simm.s32 @!p0 $0x1BF5;
	p2 =	por !p2, p0  }
0x20: {  	[sflag:s8] =	ssyncset.s32 @!p0 $0xFFFFF086;
	s6 =	sadd.s32 @!p0 s3, s7;
	s7 =	simm.s32 @!p0 $0x108  }
0x21: {  	s3 =	sadd.s32 s3, s9;
	s6 =	sadd.s32 @!p0 $0x88, s6;
	s7 =	simm.s32 @p2 $0x1082  }
0x22: {  	[simem:s7], [sflag:s8] =	dma.local @!p0 [hbm:s6], $0xF7A  }
0x23: {  	s9 =	sor.u32 $0xD0000000, s2;
	s6 =	simm.s32 $0x108;
	_ =	swait.ge @!p0 [sflag:s8], $0x0  }
0x24: {  	s3 =	sadd.s32 $0x88, s3;
	s6 =	simm.s32 @!p1 $0x1082;
	[sflag:s4] =	ssyncset.s32 $0xFFFFF086  }
0x25: {  	[simem:s6], [sflag:s4] =	dma.local [hbm:s3], $0xF7A  }
0x26: {  	[smem:$0x3F84] =	sst s1;
	(tag) =	ssettag s2;
	_ =	strace s9  }
0x27: {  	s1 =	sld [smem:$0x3F94]  }
0x28: {  	s2 =	sld [smem:$0x3F95]  }
0x29: {  	s4 =	sld [smem:$0x3F97]  }
0x2a: {  	p0 =	seq.s32 s5, $0x0;
	s5 =	sld [smem:$0x3F98]  }
0x2b: {  	s6 =	sld [smem:$0x3F99]  }
0x2c: {  	s7 =	sld [smem:$0x3F9A]  }
0x2d: {  	s3 =	simm.s32 $0x108;
	s8 =	sld [smem:$0x3F9B]  }
0x2e: {  	s3 =	simm.s32 @!p0 $0x1082;
	s9 =	sld [smem:$0x3F9C]  }
0x2f: {  	lr =	sadd.s32 s0, s3;
	s0 =	sld [smem:$0x3F93]  }
0x30: {  	s3 =	sld [smem:$0x3F96]  }
0x31: {  	[smem:$0x3F9F] =	sst s10  }
0x32: {  	s10 =	sld [smem:$0x3F9D];
	_ =	sdelay $0x3  }
0x33: {  	p0 =	seq.s32 s10, $0x1;
	s10 =	sld [smem:$0x3F9F];
	_ =	sdelay $0x3  }
0x34: {  	[smem:$0x3F9F] =	sst s10  }
0x35: {  	s10 =	sld [smem:$0x3F9E];
	_ =	sdelay $0x3  }
0x36: {  	p1 =	seq.s32 s10, $0x1;
	s10 =	sld [smem:$0x3F9F];
	_ =	sdelay $0x3  }
0x37: {  	[smem:$0x3F9F] =	sst s10  }
0x38: {  	s10 =	sld [smem:$0x3FA0]  }
0x39: {  	_ = 	snop;
	(pc) =	sbr.ind lr, $3  }
0x3a: {  	_ = 	snop  }
0x3b: {  	_ = 	snop  }
0x3c: {  	p2 =	seq.s32 s10, $0x1;
	s10 =	sld [smem:$0x3F9F]  }
0x3d: {  	_ =	shalt  }
0x3e: {  	_ =	shalt  }
0x3f: {  	_ =	shalt  }
0x40: {  	_ =	shalt  }
0x41: {  	_ =	shalt  }
0x42: {  	_ =	shalt  }
0x43: {  	_ =	shalt  }
0x44: {  	_ =	shalt  }
0x45: {  	_ =	shalt  }
0x46: {  	_ =	shalt  }
0x47: {  	_ =	shalt  }
0x48: {  	_ =	shalt  }
0x49: {  	_ =	shalt  }
0x4a: {  	_ =	shalt  }
0x4b: {  	_ =	shalt  }
0x4c: {  	_ =	shalt  }
0x4d: {  	_ =	shalt  }
0x4e: {  	_ =	shalt  }
0x4f: {  	_ =	shalt  }
0x50: {  	_ =	shalt  }
0x51: {  	_ =	shalt  }
0x52: {  	_ =	shalt  }
0x53: {  	_ =	shalt  }
0x54: {  	_ =	shalt  }
0x55: {  	_ =	shalt  }
0x56: {  	_ =	shalt  }
0x57: {  	_ =	shalt  }
0x58: {  	_ =	shalt  }
0x59: {  	_ =	shalt  }
0x5a: {  	_ =	shalt  }
0x5b: {  	_ =	shalt  }
0x5c: {  	_ =	shalt  }
0x5d: {  	_ =	shalt  }
0x5e: {  	_ =	shalt  }
0x5f: {  	_ =	shalt  }
0x60: {  	_ =	shalt  }
0x61: {  	_ =	shalt  }
0x62: {  	_ =	shalt  }
0x63: {  	_ =	shalt  }
0x64: {  	_ =	shalt  }
0x65: {  	_ =	shalt  }
0x66: {  	_ =	shalt  }
0x67: {  	_ =	shalt  }
0x68: {  	_ =	shalt  }
0x69: {  	_ =	shalt  }
0x6a: {  	_ =	shalt  }
0x6b: {  	_ =	shalt  }
0x6c: {  	_ =	shalt  }
0x6d: {  	_ =	shalt  }
0x6e: {  	_ =	shalt  }
0x6f: {  	_ =	shalt  }
0x70: {  	_ =	shalt  }
0x71: {  	_ =	shalt  }
0x72: {  	_ =	shalt  }
0x73: {  	_ =	shalt  }
0x74: {  	_ =	shalt  }
0x75: {  	_ =	shalt  }
0x76: {  	_ =	shalt  }
0x77: {  	_ =	shalt  }
0x78: {  	_ =	shalt  }
0x79: {  	_ =	shalt  }
0x7a: {  	_ =	shalt  }
0x7b: {  	_ =	shalt  }
0x7c: {  	_ =	shalt  }
0x7d: {  	_ =	shalt  }
0x7e: {  	_ =	shalt  }
0x7f: {  	_ =	shalt  }
0x80: {  	_ =	shalt  }
0x81: {  	_ =	shalt  }
0x82: {  	_ =	shalt  }
0x83: {  	_ =	shalt  }
0x84: {  	_ =	shalt  }
0x85: {  	_ =	shalt  }
0x86: {  	_ =	shalt  }
0x87: {  	_ =	shalt  }
.Lfunc_end0:
.L_simem_size_0:
called_computation.2_lowered:
.L_overlay_start_0:
0x88: {  	s2 =	sld [smem:$0x3FD9]  }
0x89: {  	s3 =	sld [smem:$0x3FFE];
	_ =	sdelay $0x1  }
0x8a: {  	s1 =	srdreg.scid  }
0x8b: {  	s0 =	sand.u32 $0x1, s1  }
0x8c: {  	s17 =	sshll.u32 s0, $0xA;
	s2 =	sadd.s32 s3, s2  }
0x8d: {  	s2 =	sadd.s32 s2, s17  }
0x8e: {  	[smem:$0x3FAB] =	sst s2  }
0x8f: {  	_ = 	snop  }
0x90: {  	(tm) =	ssettm $0x1  }
0x91: {  	s18 =	sld [smem:$0x3FFB];
	_ =	sdelay $0x3  }
0x92: {  	_ =	strace s18  }
0x93: {  	s2 =	sld [smem:$0x3FFC];
	_ =	sdelay $0x3  }
0x94: {  	_ =	strace s2  }
0x95: {  	s2 =	sld [smem:$0x3FFD];
	_ =	sdelay $0x3  }
0x96: {  	_ =	strace s2  }
0x97: {  	_ =	strace $0x8FFFFFFF  }
0x98: {  	s19 =	sld [smem:$0x3FDB];
	_ =	sdelay $0x1  }
0x99: {  	s20 =	simm.s32 $_scs_section_size  }
0x9a: {  	s4 =	simm.s32 $_size__tile_overlayer_lowered;
	s5 =	simm.s32 $_tile_overlayer_lowered  }
0x9b: {  	s6 =	simm.s32 $0x1BFF;
	s21 =	sshll.u32 s5, $0x1;
	s3 =	sadd.s32 s20, s19  }
0x9c: {  	s22 =	simm.s32 $0x0;
	s4 =	sshll.u32 s4, $0x1;
	s5 =	sadd.s32 s21, s3  }
0x9d: {  	[timem:s22], [sflag:s6] =	dma.local [hbm:s5], s4  }
0x9e: {  	_ =	swait.ge [sflag:s6], s4  }
0x9f: {  	s4 =	ssub.s32 $0x0, s4;
	[sflag:s6] =	ssyncset.done $0x0  }
0xa0: {  	[sflag:s6] =	ssyncadd.s32 s4;
	_ =	sdelay $0x1  }
0xa1: {  	s23 =	simm.s32 $0x1B8B  }
0xa2: {  	_ =	swait.ge [sflag:s23], $0x1  }
0xa3: {  	[sflag:s23] =	ssyncset.done $0x0  }
0xa4: {  	[sflag:s23] =	ssyncadd.s32 $0xFFFFFFFF  }
0xa5: {  	s4 =	sld [smem:$0x0]  }
0xa6: {  	s5 =	sand.u32 $0xFFFFFFFE, s1  }
0xa7: {  	p0 =	sne.s32 s1, s5  }
0xa8: {  	s5 =	sshll.u32 @p0 s5, $0xE  }
0xa9: {  	s5 =	sadd.s32 @p0 $0x11B8D, s5;
	s6 =	sshll.u32 @p0 s4, $0x11  }
0xaa: {  	s5 =	sor.u32 @p0 s6, s5  }
0xab: {  	[sflag:s5] =	ssyncadd.remote.s32 @p0 $0x1;
	_ =	sdelay $0x1  }
0xac: {  	s5 =	simm.s32 @p0 $0x1B8D  }
0xad: {  	_ =	swait.eq @p0 [sflag:s5], $0x1  }
0xae: {  	[sflag:s5] =	ssyncadd.s32 @p0 $0xFFFFFFFF  }
0xaf: {  	s6 =	sshll.u32 @!p0 s1, $0xE  }
0xb0: {  	s6 =	sor.u32 @!p0 $0x4000, s6;
	s5 =	simm.s32 @!p0 $0x1B8D  }
0xb1: {  	s4 =	sshll.u32 @!p0 s4, $0x11;
	s6 =	sadd.s32 @!p0 $0x11B8D, s6;
	_ =	swait.eq @!p0 [sflag:s5], $0x1  }
0xb2: {  	s4 =	sor.u32 @!p0 s4, s6;
	[sflag:s5] =	ssyncadd.s32 @!p0 $0xFFFFFFFF  }
0xb3: {  	s25 =	simm.s32 $0x1B8E;
	s24 =	sld [smem:$0x3FFE];
	[sflag:s4] =	ssyncadd.remote.s32 @!p0 $0x1  }
0xb4: {  	s26 =	simm.s32 $execute0_lowered;
	[smem:$0x3FD2] =	sst s25  }
0xb5: {  	s5 =	sshll.u32 s26, $0x1;
	_ =	strace $0x80000055;
	[dreg:$0x1] =	wrdreg $0xFFFFFFFF  }
0xb6: {  	s28 =	simm.s32 $_size_execute0_lowered;
	s3 =	sadd.s32 s3, s5;
	[dreg:$0x0] =	wrdreg $0x0  }
0xb7: {  	s5 =	sshll.u32 s28, $0x1;
	[dreg:$0x2] =	wrdreg s3  }
0xb8: {  	[dreg:$0x3] =	wrdreg s5  }
0xb9: {  	[dreg:$0x4] =	wrdreg $0xC0  }
0xba: {  	_ =	task [dreg:s22], $0x5FFFF  }
0xbb: {  	[dreg:$0x1] =	wrdreg $0xFFFFFFFF  }
0xbc: {  	[dreg:$0x0] =	wrdreg $0x60  }
0xbd: {  	[dreg:$0x2] =	wrdreg s24  }
0xbe: {  	[dreg:$0x3] =	wrdreg $0x65400  }
0xbf: {  	[dreg:$0x4] =	wrdreg $0xB  }
0xc0: {  	_ =	task.clear_ibuf [dreg:s22], $0x5FFFF;
	_ =	strace $0x90000055  }
0xc1: {  	s29 =	simm.s32 $0xB;
	_ =	strace $0x80000057  }
0xc2: {  	_ =	swait.ge [sflag:s29], $0x1  }
0xc3: {  	[sflag:s29] =	ssyncadd.s32 $0xFFFFFFFF  }
0xc4: {  	_ =	strace $0x90000057  }
0xc5: {  	_ =	sfence  }
0xc6: {  	s30 =	sld [smem:$0x0];
	_ =	sdelay $0x2  }
0xc7: {  	s31 =	sshll.u32 s1, $0xD;
	s1 =	sshrl.u32 s1, $0x2  }
0xc8: {  	s4 =	sand.u32 $0x4000, s31;
	s1 =	sadd.s32 s1, s30  }
0xc9: {  	s0 =	sor.u32 s4, s0;
	s1 =	sshll.u32 s1, $0x11  }
0xca: {  	s0 =	sor.u32 s1, s0  }
0xcb: {  	s0 =	sadd.s32 $0x8F2B, s0  }
0xcc: {  	[sflag:s0] =	ssyncadd.remote.s32 $0x1  }
0xcd: {  	_ =	sfence.sel $0xFFFF  }
0xce: {  	[dreg:$0x0] =	wrdreg $0xFFFFFFFF;
	(pc) =	sbr.abs _section_cstart, $3  }
0xcf: {  	[dreg:$0x1] =	wrdreg $0xFFFFFFFF  }
0xd0: {  	_ =	task.clear_ibuf [dreg:s22], $0x2FFFF;
	_ =	strace $0x9FFFFFFF  }
0xd1: {  	(tm) =	ssettm $0x7FFFFFFF  }
tec
execute0_lowered:
.L_overlay_start_1:
0x0: {  	(tag) =	ssettag $0x1  }
0x1: {  	s7 =	rddreg [dreg:$0x0]  }
0x2: {  	s2 =	rddreg [dreg:$0x1]  }
0x3: {  	s0 =	rddreg [dreg:$0x2]  }
0x4: {  	s3 =	simm.s32 $0x0;
	s1 =	stileid.u32;
	s4 =	srdreg.scid  }
0x5: {  	s17 =	simm.s32 $0x50;
	s18 =	simm.s32 $0x140;
	s19 =	simm.s32 $0x1  }
0x6: {  	s20 =	simm.s32 $0x0;
	[smem:$0x7FF] =	sst s3;
	s8 =	smul.u32 $0x19000, s1  }
0x7: {  	s9 =	sand.u32 $0x1, s4;
	s4 =	sadd.s32 $0x24EC00, s7;
	s5 =	sadd.s32 $0x3E400, s7  }
0x8: {  	s6 =	sadd.s32 $0x34600, s7;
	s31 =	sshll.u32 s1, $0x6;
	s16 =	smul.u32 $0x2710, s1  }
0x9: {  	_ =	strace $0x80000056;
	s10 =	smul.u32 $0x190000, s9;
	s12 =	sshll.u32 s9, $0x4  }
0xa: {  	s13 =	ssub.s32 $0x2, s9;
	s30 =	smul.u32 $0x27100, s9;
	s11 =	sshrl.u32 s8, $0x3  }
0xb: {  	s12 =	sor.u32 s1, s12;
	s26 =	sshrl.u32 s13, $0x1;
	s15 =	sadd.s32 s8, s2  }
0xc: {  	s11 =	sadd.s32 s11, s7;
	s10 =	sadd.s32 s8, s10;
	s28 =	smul.u32 $0x2710, s12  }
0xd: {  	s29 =	ssub.s32 s13, s26;
	s8 =	sor.u32 $0x1C02, s31;
	s13 =	sadd.s32 s16, s30  }
0xe: {  	s16 =	simm.s32 $0xA0;
	s10 =	sshrl.u32 s10, $0x3;
	s12 =	smax.u32 s29, $0x1  }
0xf: {  	s13 =	sadd.s32 $0x50, s13;
	s14 =	sadd.s32 s10, s7;
	s10 =	sshrl.u32 s28, $0x3  }
0x10: {  	s7 =	sadd.s32 $0x79400, s11;
	s9 =	sadd.s32 s5, s10;
	s10 =	sadd.s32 s6, s10  }
0x11: {  	s11 =	sadd.s32 $0x27FA00, s14;
	s14 =	sshrl.u32 s15, $0x3;
	s15 =	simm.s32 $0x2  }
.LBB2_1:
0x12: {  	[spmem:s14], [sflag:s8] =	dma.local [hbm:s7], $0x3200  }
0x13: {  	_ =	swait.ge [sflag:s15], $0x3200  }
0x14: {  	[sflag:s15] =	ssyncset.done $0x0  }
0x15: {  	[sflag:s15] =	ssyncadd.s32 $0xFFFFCE00  }
0x16: {  	[bflag:$0x0] =	sbarrier.arrive $0xFFFF  }
0x17: {  	[tilespmem:s3], [sflag:$0x2] =	stream.linear.gather [hbm4b:s9+s3], $0x50, $0x38;
	[tilespmem:$0x1F540] =	vst v63  }
0x18: {  	_ =	swait.ge [sflag:s15], $0x50  }
0x19: {  	[sflag:s15] =	ssyncset.done $0x0  }
0x1a: {  	[sflag:s15] =	ssyncadd.s32 $0xFFFFFFB0  }
0x1b: {  	[tilespmem:s16], [sflag:$0x2] =	stream.linear.gather [hbm4b:s10+s3], $0x50, $0x38;
	[tilespmem:$0x1F540] =	vst v63  }
0x1c: {  	s21 =	sand.u32 $0x1, s3;
	_ =	swait.ge [sflag:s15], $0x50  }
0x1d: {  	s22 =	sxor.u32 $0x1, s21;
	[sflag:s15] =	ssyncset.done $0x0  }
0x1e: {  	s24 =	sshrl.u32 s13, $0x3;
	s23 =	smul.u32 $0x50, s22;
	[sflag:s15] =	ssyncadd.s32 $0xFFFFFFB0  }
0x1f: {  	[tilespmem:s18], [sflag:$0x1] =	stream.indirect.gather [hbm4b:s4+s17], $0xA0, s3, s17, $0xb8;
	[tilespmem:$0x1F540] =	vst v63  }
0x20: {  	s25 =	sadd.s32 s5, s24  }
0x21: {  	[tilespmem:s23], [sflag:$0x2] =	stream.linear.gather [hbm4b:s25+s3], $0x50, $0x38;
	[tilespmem:$0x1F540] =	vst v63  }
0x22: {  	_ =	swait.ge [sflag:s15], $0x50  }
0x23: {  	s24 =	sadd.s32 s6, s24;
	[sflag:s15] =	ssyncset.done $0x0  }
0x24: {  	s22 =	smul.u32 $0xC800, s22;
	s30 =	sadd.s32 $0xA0, s23;
	[sflag:s15] =	ssyncadd.s32 $0xFFFFFFB0  }
0x25: {  	[tilespmem:s30], [sflag:$0x2] =	stream.linear.gather [hbm4b:s24+s3], $0x50, $0x38;
	[tilespmem:$0x1F540] =	vst v63  }
0x26: {  	s31 =	smul.u32 $0xC800, s21;
	_ =	swait.ge [sflag:s15], $0x50  }
0x27: {  	s26 =	smul.u32 $0x140, s21;
	s22 =	sshrl.u32 s22, $0x2;
	[sflag:s15] =	ssyncset.done $0x0  }
0x28: {  	s21 =	simm.s32 $0x2;
	s29 =	sor.u32 $0x140, s22;
	[sflag:s15] =	ssyncadd.s32 $0xFFFFFFB0  }
0x29: {  	[tilespmem:s29], [sflag:$0x1] =	stream.indirect.gather [hbm4b:s4+s17], $0xA0, s23, s17, $0xb8;
	[tilespmem:$0x1F540] =	vst v63  }
0x2a: {  	s31 =	sshrl.u32 s31, $0x2;
	s30 =	sshrl.u32 s26, $0x2;
	_ =	swait.ge [sflag:s19], $0x3200  }
0x2b: {  	s24 =	simm.s32 $0x1;
	s22 =	sadd.s32 $0xA0, s30;
	[sflag:s19] =	ssyncset.done $0x0  }
0x2c: {  	s25 =	sand.u32 $0x1, s24;
	s23 =	sor.u32 $0x140, s31;
	[sflag:s19] =	ssyncadd.s32 $0xFFFFCE00  }
0x2d: {  	[spmem:s2] =	stream.indirect.scatter.add.f32 [tilespmem:s23], [sflag:$0x2], $0xA0, s22, s17, $0xb8;
	[tilespmem:$0x1F540] =	vst v63  }
0x2e: {  	s24 =	sadd.s32 $0x50, s13;
	s28 =	sxor.u32 $0x1, s25;
	s22 =	smul.u32 $0xC800, s25  }
0x2f: {  	s26 =	sshrl.u32 s24, $0x3;
	s23 =	smul.u32 $0x50, s28;
	_ =	swait.ge [sflag:s15], $0x3200  }
.LBB2_2:
0x30: {  	s29 =	sadd.s32 s5, s26  }
0x31: {  	s28 =	smul.u32 $0xC800, s28;
	[sflag:s15] =	ssyncset.done $0x0;
	s30 =	smov.u32 s21  }
0x32: {  	p0 =	sne.s32 s21, $0x7B;
	s25 =	smul.u32 $0x140, s25;
	[sflag:s15] =	ssyncadd.s32 $0xFFFFCE00  }
0x33: {  	[tilespmem:s23], [sflag:$0x2] =	stream.linear.gather [hbm4b:s29+s3], $0x50, $0x38;
	[tilespmem:$0x1F540] =	vst v63  }
0x34: {  	s21 =	sadd.s32 $0x1, s21;
	s25 =	sshrl.u32 s25, $0x2;
	_ =	swait.ge [sflag:s15], $0x50  }
0x35: {  	s26 =	sadd.s32 s6, s26;
	s29 =	sadd.s32 $0xA0, s23;
	[sflag:s15] =	ssyncset.done $0x0  }
0x36: {  	[sflag:s15] =	ssyncadd.s32 $0xFFFFFFB0  }
0x37: {  	[tilespmem:s29], [sflag:$0x2] =	stream.linear.gather [hbm4b:s26+s3], $0x50, $0x38;
	[tilespmem:$0x1F540] =	vst v63  }
0x38: {  	s26 =	sshrl.u32 s28, $0x2;
	_ =	swait.ge [sflag:s15], $0x50  }
0x39: {  	s26 =	sor.u32 $0x140, s26;
	[sflag:s15] =	ssyncset.done $0x0  }
0x3a: {  	s22 =	sshrl.u32 s22, $0x2;
	s24 =	sadd.s32 $0x50, s24;
	[sflag:s15] =	ssyncadd.s32 $0xFFFFFFB0  }
0x3b: {  	[tilespmem:s26], [sflag:$0x1] =	stream.indirect.gather [hbm4b:s4+s17], $0xA0, s23, s17, $0xb8;
	[tilespmem:$0x1F540] =	vst v63  }
.Ltmp0:
0x3c: {  	s23 =	sadd.s32 $0xA0, s25;
	_ =	swait.ge [sflag:s19], $0x3200;
	(pc) =	sbr.rel @p0 .LBB2_2-.Ltmp0, $4  }
0x3d: {  	s25 =	sand.u32 $0x1, s30;
	s26 =	sor.u32 $0x140, s22;
	[sflag:s19] =	ssyncset.done $0x0  }
0x3e: {  	s28 =	sxor.u32 $0x1, s25;
	s22 =	smul.u32 $0xC800, s25;
	[sflag:s19] =	ssyncadd.s32 $0xFFFFCE00  }
0x3f: {  	[spmem:s2] =	stream.indirect.scatter.add.f32 [tilespmem:s26], [sflag:$0x2], $0xA0, s23, s17, $0xb8;
	[tilespmem:$0x1F540] =	vst v63  }
0x40: {  	s23 =	smul.u32 $0x50, s28;
	s26 =	sshrl.u32 s24, $0x3;
	_ =	swait.ge [sflag:s15], $0x3200  }
0x41: {  	[sflag:s15] =	ssyncset.done $0x0  }
0x42: {  	s21 =	sadd.s32 s5, s26;
	[sflag:s15] =	ssyncadd.s32 $0xFFFFCE00  }
0x43: {  	[tilespmem:s23], [sflag:$0x2] =	stream.linear.gather [hbm4b:s21+s3], $0x50, $0x38;
	[tilespmem:$0x1F540] =	vst v63  }
0x44: {  	_ =	swait.ge [sflag:s15], $0x50  }
0x45: {  	s28 =	smul.u32 $0xC800, s28;
	[sflag:s15] =	ssyncset.done $0x0  }
0x46: {  	s29 =	sadd.s32 s6, s26;
	s24 =	sadd.s32 $0xA0, s23;
	[sflag:s15] =	ssyncadd.s32 $0xFFFFFFB0  }
0x47: {  	[tilespmem:s24], [sflag:$0x2] =	stream.linear.gather [hbm4b:s29+s3], $0x50, $0x38;
	[tilespmem:$0x1F540] =	vst v63  }
0x48: {  	_ =	swait.ge [sflag:s15], $0x50  }
0x49: {  	s21 =	sshrl.u32 s28, $0x2;
	[sflag:s15] =	ssyncset.done $0x0  }
0x4a: {  	s30 =	smul.u32 $0x140, s25;
	s21 =	sor.u32 $0x140, s21;
	[sflag:s15] =	ssyncadd.s32 $0xFFFFFFB0  }
0x4b: {  	[tilespmem:s21], [sflag:$0x1] =	stream.indirect.gather [hbm4b:s4+s17], $0xA0, s23, s17, $0xb8;
	[tilespmem:$0x1F540] =	vst v63  }
0x4c: {  	_ =	swait.ge [sflag:s19], $0x3200  }
0x4d: {  	s22 =	sshrl.u32 s22, $0x2;
	s31 =	sshrl.u32 s30, $0x2;
	[sflag:s19] =	ssyncset.done $0x0  }
0x4e: {  	s22 =	sor.u32 $0x140, s22;
	s21 =	sadd.s32 $0xA0, s31;
	[sflag:s19] =	ssyncadd.s32 $0xFFFFCE00  }
0x4f: {  	[spmem:s2] =	stream.indirect.scatter.add.f32 [tilespmem:s22], [sflag:$0x2], $0xA0, s21, s17, $0xb8;
	[tilespmem:$0x1F540] =	vst v63  }
0x50: {  	_ =	swait.ge [sflag:s15], $0x3200  }
0x51: {  	[sflag:s15] =	ssyncset.done $0x0  }
0x52: {  	[sflag:s15] =	ssyncadd.s32 $0xFFFFCE00  }
0x53: {  	_ =	swait.ge [sflag:s19], $0x3200  }
0x54: {  	[sflag:s19] =	ssyncset.done $0x0  }
0x55: {  	[sflag:s19] =	ssyncadd.s32 $0xFFFFCE00  }
0x56: {  	[spmem:s2] =	stream.indirect.scatter.add.f32 [tilespmem:s18], [sflag:$0x2], $0xA0, s16, s17, $0xb8;
	[tilespmem:$0x1F540] =	vst v63  }
0x57: {  	_ =	swait.ge [sflag:s15], $0x3200  }
0x58: {  	s20 =	sadd.s32 $0x1, s20;
	[sflag:s15] =	ssyncset.done $0x0  }
0x59: {  	p0 =	sne.s32 s20, s12;
	[sflag:s15] =	ssyncadd.s32 $0xFFFFCE00  }
.Ltmp1:
0x5a: {  	[bflag:$0x0] =	sbarrier.arrive $0xFFFF;
	(pc) =	sbr.rel @p0 .LBB2_1-.Ltmp1, $4  }
0x5b: {  	[hbm:s11], [sflag:s8] =	dma.local [spmem:s14], $0x3200  }
0x5c: {  	_ =	swait.ge [sflag:s15], $0x3200  }
0x5d: {  	[sflag:s15] =	ssyncset.done $0x0  }
0x5e: {  	[sflag:s15] =	ssyncadd.s32 $0xFFFFCE00  }
0x5f: {  	_ =	sfence.sel $0x180000  }
0x60: {  	[bflag:$0x0] =	sbarrier.arrive $0xFFFF  }
0x61: {  	p0 =	sne.s32 s1, $0x0;
	_ =	strace $0x90000056  }
0x62: {  	s0 =	sadd.s32 @!p0 $0x100000, s0;
	[bflag:$0x2] =	sbarrier.arrive $0xFFFF  }
0x63: {  	[sflag:s0] =	ssyncadd.tile.s32 @!p0 $0x1;
	_ =	shalt  }
.Lfunc_end2:
_tile_overlayer_lowered:
.L_overlay_start_2:
0x64: {  	(tag) =	ssettag $0x2  }
0x65: {  	s0 =	rddreg [dreg:$0x0];
	s2 =	stileid.u32  }
0x66: {  	s1 =	rddreg [dreg:$0x1];
	p0 =	sne.s32 s2, $0x0  }
0x67: {  	s3 =	rddreg [dreg:$0x2];
	[bflag:$0x3] =	sbarrier.arrive $0xFFFF;
	s2 =	simm.s32 @!p0 $0x1C02  }
0x68: {  	[timem:s3], [sflag:s2] =	dma.local @!p0 [hbm:s0], s1  }
0x69: {  	s0 =	simm.s32 @!p0 $0x2  }
0x6a: {  	_ =	swait.ge @!p0 [sflag:s0], s1  }
0x6b: {  	s1 =	ssub.s32 @!p0 $0x0, s1;
	[sflag:s0] =	ssyncset.done @!p0 $0x0  }
0x6c: {  	[sflag:s0] =	ssyncadd.s32 @!p0 s1  }
0x6d: {  	[bflag:$0x3] =	sbarrier.arrive $0xFFFF  }
0x6e: {  	_ =	shalt  }

// kernel: kernel.38.cloned.1.call-start
scs
__scs_entry_jumppad:
0x0: {  	(pc) =	sbr.rel $0x88, $3  }
0x1: {  	(tag) =	ssettag $0x0;
	lr =	simm.s32 $0x1  }
0x2: {  	[smem:$0x3F84] =	sst lr;
	_ =	strace $0xD0000000  }
0x3: {  	_ = 	snop  }
0x4: {  	_ = 	snop  }
0x5: {  	_ = 	snop  }
0x6: {  	_ = 	snop  }
0x7: {  	_ = 	snop  }
__scs_overlays_trampoline_lowered:
0x8: {  	[smem:$0x3F93] =	sst s0  }
0x9: {  	[smem:$0x3F94] =	sst s1  }
0xa: {  	[smem:$0x3F95] =	sst s2  }
0xb: {  	[smem:$0x3F96] =	sst s3  }
0xc: {  	[smem:$0x3F97] =	sst s4  }
0xd: {  	[smem:$0x3F98] =	sst s5  }
0xe: {  	[smem:$0x3F99] =	sst s6  }
0xf: {  	[smem:$0x3F9A] =	sst s7  }
0x10: {  	[smem:$0x3F9B] =	sst s8  }
0x11: {  	[smem:$0x3F9C] =	sst s9;
	s0 =	simm.s32 @!p0 $0x0  }
0x12: {  	s1 =	sld [smem:$0x3F82];
	s0 =	simm.s32 @p0 $0x1  }
0x13: {  	[smem:$0x3F9D] =	sst s0;
	s0 =	simm.s32 @!p1 $0x0  }
0x14: {  	s2 =	sld [smem:$0x3F81];
	s0 =	simm.s32 @p1 $0x1  }
0x15: {  	[smem:$0x3F9E] =	sst s0;
	s0 =	simm.s32 @!p2 $0x0  }
0x16: {  	s3 =	sld [smem:$0x3FDB];
	s0 =	simm.s32 @p2 $0x1  }
0x17: {  	s4 =	simm.s32 $0x1BF5;
	[smem:$0x3FA0] =	sst s0  }
0x18: {  	s0 =	sld [smem:$0x3F83];
	_ =	swait.ge [sflag:s4], $0x0  }
0x19: {  	s7 =	sld [smem:$0x3F84]  }
0x1a: {  	s8 =	sadd.s32 $0xFFFFE003, lr  }
0x1b: {  	s9 =	sadd.s32 $0xFFFFFEF7, lr;
	s5 =	simm.s32 $0xFFFFFFFF;
	p2 =	slt.u32 s8, $0xFFFFF086  }
0x1c: {  	p1 =	slt.u32 s9, $0xF7A;
	s5 =	simm.s32 @!p2 $0x0  }
0x1d: {  	s5 =	simm.s32 @p1 $0x1;
	p0 =	seq.s32 s7, s2  }
0x1e: {  	s7 =	smul.u32 @!p0 $0xF7A, s2;
	p2 =	seq.s32 @!p0 s5, $0x0  }
0x1f: {  	s9 =	smul.u32 $0xF7A, s1;
	s8 =	simm.s32 @!p0 $0x1BF5;
	p2 =	por !p2, p0  }
0x20: {  	[sflag:s8] =	ssyncset.s32 @!p0 $0xFFFFF086;
	s6 =	sadd.s32 @!p0 s3, s7;
	s7 =	simm.s32 @!p0 $0x108  }
0x21: {  	s3 =	sadd.s32 s3, s9;
	s6 =	sadd.s32 @!p0 $0x88, s6;
	s7 =	simm.s32 @p2 $0x1082  }
0x22: {  	[simem:s7], [sflag:s8] =	dma.local @!p0 [hbm:s6], $0xF7A  }
0x23: {  	s9 =	sor.u32 $0xD0000000, s2;
	s6 =	simm.s32 $0x108;
	_ =	swait.ge @!p0 [sflag:s8], $0x0  }
0x24: {  	s3 =	sadd.s32 $0x88, s3;
	s6 =	simm.s32 @!p1 $0x1082;
	[sflag:s4] =	ssyncset.s32 $0xFFFFF086  }
0x25: {  	[simem:s6], [sflag:s4] =	dma.local [hbm:s3], $0xF7A  }
0x26: {  	[smem:$0x3F84] =	sst s1;
	(tag) =	ssettag s2;
	_ =	strace s9  }
0x27: {  	s1 =	sld [smem:$0x3F94]  }
0x28: {  	s2 =	sld [smem:$0x3F95]  }
0x29: {  	s4 =	sld [smem:$0x3F97]  }
0x2a: {  	p0 =	seq.s32 s5, $0x0;
	s5 =	sld [smem:$0x3F98]  }
0x2b: {  	s6 =	sld [smem:$0x3F99]  }
0x2c: {  	s7 =	sld [smem:$0x3F9A]  }
0x2d: {  	s3 =	simm.s32 $0x108;
	s8 =	sld [smem:$0x3F9B]  }
0x2e: {  	s3 =	simm.s32 @!p0 $0x1082;
	s9 =	sld [smem:$0x3F9C]  }
0x2f: {  	lr =	sadd.s32 s0, s3;
	s0 =	sld [smem:$0x3F93]  }
0x30: {  	s3 =	sld [smem:$0x3F96]  }
0x31: {  	[smem:$0x3F9F] =	sst s10  }
0x32: {  	s10 =	sld [smem:$0x3F9D];
	_ =	sdelay $0x3  }
0x33: {  	p0 =	seq.s32 s10, $0x1;
	s10 =	sld [smem:$0x3F9F];
	_ =	sdelay $0x3  }
0x34: {  	[smem:$0x3F9F] =	sst s10  }
0x35: {  	s10 =	sld [smem:$0x3F9E];
	_ =	sdelay $0x3  }
0x36: {  	p1 =	seq.s32 s10, $0x1;
	s10 =	sld [smem:$0x3F9F];
	_ =	sdelay $0x3  }
0x37: {  	[smem:$0x3F9F] =	sst s10  }
0x38: {  	s10 =	sld [smem:$0x3FA0]  }
0x39: {  	_ = 	snop;
	(pc) =	sbr.ind lr, $3  }
0x3a: {  	_ = 	snop  }
0x3b: {  	_ = 	snop  }
0x3c: {  	p2 =	seq.s32 s10, $0x1;
	s10 =	sld [smem:$0x3F9F]  }
0x3d: {  	_ =	shalt  }
0x3e: {  	_ =	shalt  }
0x3f: {  	_ =	shalt  }
0x40: {  	_ =	shalt  }
0x41: {  	_ =	shalt  }
0x42: {  	_ =	shalt  }
0x43: {  	_ =	shalt  }
0x44: {  	_ =	shalt  }
0x45: {  	_ =	shalt  }
0x46: {  	_ =	shalt  }
0x47: {  	_ =	shalt  }
0x48: {  	_ =	shalt  }
0x49: {  	_ =	shalt  }
0x4a: {  	_ =	shalt  }
0x4b: {  	_ =	shalt  }
0x4c: {  	_ =	shalt  }
0x4d: {  	_ =	shalt  }
0x4e: {  	_ =	shalt  }
0x4f: {  	_ =	shalt  }
0x50: {  	_ =	shalt  }
0x51: {  	_ =	shalt  }
0x52: {  	_ =	shalt  }
0x53: {  	_ =	shalt  }
0x54: {  	_ =	shalt  }
0x55: {  	_ =	shalt  }
0x56: {  	_ =	shalt  }
0x57: {  	_ =	shalt  }
0x58: {  	_ =	shalt  }
0x59: {  	_ =	shalt  }
0x5a: {  	_ =	shalt  }
0x5b: {  	_ =	shalt  }
0x5c: {  	_ =	shalt  }
0x5d: {  	_ =	shalt  }
0x5e: {  	_ =	shalt  }
0x5f: {  	_ =	shalt  }
0x60: {  	_ =	shalt  }
0x61: {  	_ =	shalt  }
0x62: {  	_ =	shalt  }
0x63: {  	_ =	shalt  }
0x64: {  	_ =	shalt  }
0x65: {  	_ =	shalt  }
0x66: {  	_ =	shalt  }
0x67: {  	_ =	shalt  }
0x68: {  	_ =	shalt  }
0x69: {  	_ =	shalt  }
0x6a: {  	_ =	shalt  }
0x6b: {  	_ =	shalt  }
0x6c: {  	_ =	shalt  }
0x6d: {  	_ =	shalt  }
0x6e: {  	_ =	shalt  }
0x6f: {  	_ =	shalt  }
0x70: {  	_ =	shalt  }
0x71: {  	_ =	shalt  }
0x72: {  	_ =	shalt  }
0x73: {  	_ =	shalt  }
0x74: {  	_ =	shalt  }
0x75: {  	_ =	shalt  }
0x76: {  	_ =	shalt  }
0x77: {  	_ =	shalt  }
0x78: {  	_ =	shalt  }
0x79: {  	_ =	shalt  }
0x7a: {  	_ =	shalt  }
0x7b: {  	_ =	shalt  }
0x7c: {  	_ =	shalt  }
0x7d: {  	_ =	shalt  }
0x7e: {  	_ =	shalt  }
0x7f: {  	_ =	shalt  }
0x80: {  	_ =	shalt  }
0x81: {  	_ =	shalt  }
0x82: {  	_ =	shalt  }
0x83: {  	_ =	shalt  }
0x84: {  	_ =	shalt  }
0x85: {  	_ =	shalt  }
0x86: {  	_ =	shalt  }
0x87: {  	_ =	shalt  }
.Lfunc_end0:
.L_simem_size_0:
called_computation.3_lowered:
.L_overlay_start_0:
0x88: {  	s2 =	sld [smem:$0x3FD9]  }
0x89: {  	s3 =	sld [smem:$0x3FFE];
	_ =	sdelay $0x1  }
0x8a: {  	s1 =	srdreg.scid  }
0x8b: {  	s0 =	sand.u32 $0x1, s1  }
0x8c: {  	s17 =	sshll.u32 s0, $0xA;
	s2 =	sadd.s32 s3, s2  }
0x8d: {  	s2 =	sadd.s32 s2, s17  }
0x8e: {  	[smem:$0x3FAB] =	sst s2  }
0x8f: {  	_ = 	snop  }
0x90: {  	(tm) =	ssettm $0x1  }
0x91: {  	s18 =	sld [smem:$0x3FFB];
	_ =	sdelay $0x3  }
0x92: {  	_ =	strace s18  }
0x93: {  	s2 =	sld [smem:$0x3FFC];
	_ =	sdelay $0x3  }
0x94: {  	_ =	strace s2  }
0x95: {  	s2 =	sld [smem:$0x3FFD];
	_ =	sdelay $0x3  }
0x96: {  	_ =	strace s2  }
0x97: {  	_ =	strace $0x8FFFFFFF  }
0x98: {  	s19 =	sld [smem:$0x3FDB];
	_ =	sdelay $0x1  }
0x99: {  	s20 =	simm.s32 $_scs_section_size  }
0x9a: {  	s4 =	simm.s32 $_size__tile_overlayer_lowered;
	s5 =	simm.s32 $_tile_overlayer_lowered  }
0x9b: {  	s6 =	simm.s32 $0x1BFF;
	s21 =	sshll.u32 s5, $0x1;
	s3 =	sadd.s32 s20, s19  }
0x9c: {  	s22 =	simm.s32 $0x0;
	s4 =	sshll.u32 s4, $0x1;
	s5 =	sadd.s32 s21, s3  }
0x9d: {  	[timem:s22], [sflag:s6] =	dma.local [hbm:s5], s4  }
0x9e: {  	_ =	swait.ge [sflag:s6], s4  }
0x9f: {  	s4 =	ssub.s32 $0x0, s4;
	[sflag:s6] =	ssyncset.done $0x0  }
0xa0: {  	[sflag:s6] =	ssyncadd.s32 s4;
	_ =	sdelay $0x1  }
0xa1: {  	s23 =	simm.s32 $0x1B8B  }
0xa2: {  	_ =	swait.ge [sflag:s23], $0x1  }
0xa3: {  	[sflag:s23] =	ssyncset.done $0x0  }
0xa4: {  	[sflag:s23] =	ssyncadd.s32 $0xFFFFFFFF  }
0xa5: {  	s4 =	sld [smem:$0x0]  }
0xa6: {  	s5 =	sand.u32 $0xFFFFFFFE, s1  }
0xa7: {  	p0 =	sne.s32 s1, s5  }
0xa8: {  	s5 =	sshll.u32 @p0 s5, $0xE  }
0xa9: {  	s5 =	sadd.s32 @p0 $0x11B8D, s5;
	s6 =	sshll.u32 @p0 s4, $0x11  }
0xaa: {  	s5 =	sor.u32 @p0 s6, s5  }
0xab: {  	[sflag:s5] =	ssyncadd.remote.s32 @p0 $0x1;
	_ =	sdelay $0x1  }
0xac: {  	s5 =	simm.s32 @p0 $0x1B8D  }
0xad: {  	_ =	swait.eq @p0 [sflag:s5], $0x1  }
0xae: {  	[sflag:s5] =	ssyncadd.s32 @p0 $0xFFFFFFFF  }
0xaf: {  	s6 =	sshll.u32 @!p0 s1, $0xE  }
0xb0: {  	s6 =	sor.u32 @!p0 $0x4000, s6;
	s5 =	simm.s32 @!p0 $0x1B8D  }
0xb1: {  	s4 =	sshll.u32 @!p0 s4, $0x11;
	s6 =	sadd.s32 @!p0 $0x11B8D, s6;
	_ =	swait.eq @!p0 [sflag:s5], $0x1  }
0xb2: {  	s4 =	sor.u32 @!p0 s4, s6;
	[sflag:s5] =	ssyncadd.s32 @!p0 $0xFFFFFFFF  }
0xb3: {  	s25 =	simm.s32 $0x1B8E;
	s24 =	sld [smem:$0x3FFE];
	[sflag:s4] =	ssyncadd.remote.s32 @!p0 $0x1  }
0xb4: {  	s26 =	simm.s32 $execute0_lowered;
	[smem:$0x3FD2] =	sst s25  }
0xb5: {  	s5 =	sshll.u32 s26, $0x1;
	_ =	strace $0x8000005E;
	[dreg:$0x1] =	wrdreg $0xFFFFFFFF  }
0xb6: {  	s28 =	simm.s32 $_size_execute0_lowered;
	s3 =	sadd.s32 s3, s5;
	[dreg:$0x0] =	wrdreg $0x0  }
0xb7: {  	s5 =	sshll.u32 s28, $0x1;
	[dreg:$0x2] =	wrdreg s3  }
0xb8: {  	[dreg:$0x3] =	wrdreg s5  }
0xb9: {  	[dreg:$0x4] =	wrdreg $0xC0  }
0xba: {  	_ =	task [dreg:s22], $0x5FFFF  }
0xbb: {  	[dreg:$0x1] =	wrdreg $0xFFFFFFFF  }
0xbc: {  	[dreg:$0x0] =	wrdreg $0x60  }
0xbd: {  	[dreg:$0x2] =	wrdreg s24  }
0xbe: {  	[dreg:$0x3] =	wrdreg $0x65400  }
0xbf: {  	[dreg:$0x4] =	wrdreg $0xB  }
0xc0: {  	_ =	task.clear_ibuf [dreg:s22], $0x5FFFF;
	_ =	strace $0x9000005E  }
0xc1: {  	s29 =	simm.s32 $0xB;
	_ =	strace $0x80000060  }
0xc2: {  	_ =	swait.ge [sflag:s29], $0x1  }
0xc3: {  	[sflag:s29] =	ssyncadd.s32 $0xFFFFFFFF  }
0xc4: {  	_ =	strace $0x90000060  }
0xc5: {  	_ =	sfence  }
0xc6: {  	s30 =	sld [smem:$0x0];
	_ =	sdelay $0x2  }
0xc7: {  	s31 =	sshll.u32 s1, $0xD;
	s1 =	sshrl.u32 s1, $0x2  }
0xc8: {  	s4 =	sand.u32 $0x4000, s31;
	s1 =	sadd.s32 s1, s30  }
0xc9: {  	s0 =	sor.u32 s4, s0;
	s1 =	sshll.u32 s1, $0x11  }
0xca: {  	s0 =	sor.u32 s1, s0  }
0xcb: {  	s0 =	sadd.s32 $0x8F2B, s0  }
0xcc: {  	[sflag:s0] =	ssyncadd.remote.s32 $0x1  }
0xcd: {  	_ =	sfence.sel $0xFFFF  }
0xce: {  	[dreg:$0x0] =	wrdreg $0xFFFFFFFF;
	(pc) =	sbr.abs _section_cstart, $3  }
0xcf: {  	[dreg:$0x1] =	wrdreg $0xFFFFFFFF  }
0xd0: {  	_ =	task.clear_ibuf [dreg:s22], $0x2FFFF;
	_ =	strace $0x9FFFFFFF  }
0xd1: {  	(tm) =	ssettm $0x7FFFFFFF  }
tec
execute0_lowered:
.L_overlay_start_1:
0x0: {  	(tag) =	ssettag $0x1  }
0x1: {  	s7 =	rddreg [dreg:$0x0]  }
0x2: {  	s2 =	rddreg [dreg:$0x1]  }
0x3: {  	s0 =	rddreg [dreg:$0x2]  }
0x4: {  	s3 =	simm.s32 $0x0;
	s1 =	stileid.u32;
	s4 =	srdreg.scid  }
0x5: {  	s17 =	simm.s32 $0x50;
	s18 =	simm.s32 $0x140;
	s19 =	simm.s32 $0x1  }
0x6: {  	s20 =	simm.s32 $0x0;
	[smem:$0x7FF] =	sst s3;
	s8 =	smul.u32 $0x19000, s1  }
0x7: {  	s9 =	sand.u32 $0x1, s4;
	s4 =	sadd.s32 $0x12B000, s7;
	s5 =	sadd.s32 $0x3E400, s7  }
0x8: {  	s6 =	sadd.s32 $0x34600, s7;
	s31 =	sshll.u32 s1, $0x6;
	s16 =	smul.u32 $0x2710, s1  }
0x9: {  	_ =	strace $0x8000005F;
	s10 =	smul.u32 $0x190000, s9;
	s12 =	sshll.u32 s9, $0x4  }
0xa: {  	s13 =	ssub.s32 $0x2, s9;
	s30 =	smul.u32 $0x27100, s9;
	s11 =	sshrl.u32 s8, $0x3  }
0xb: {  	s12 =	sor.u32 s1, s12;
	s26 =	sshrl.u32 s13, $0x1;
	s15 =	sadd.s32 s8, s2  }
0xc: {  	s11 =	sadd.s32 s11, s7;
	s10 =	sadd.s32 s8, s10;
	s28 =	smul.u32 $0x2710, s12  }
0xd: {  	s29 =	ssub.s32 s13, s26;
	s8 =	sor.u32 $0x1C02, s31;
	s13 =	sadd.s32 s16, s30  }
0xe: {  	s16 =	simm.s32 $0xA0;
	s10 =	sshrl.u32 s10, $0x3;
	s12 =	smax.u32 s29, $0x1  }
0xf: {  	s13 =	sadd.s32 $0x50, s13;
	s14 =	sadd.s32 s10, s7;
	s10 =	sshrl.u32 s28, $0x3  }
0x10: {  	s7 =	sadd.s32 $0x79400, s11;
	s9 =	sadd.s32 s5, s10;
	s10 =	sadd.s32 s6, s10  }
0x11: {  	s11 =	sadd.s32 $0x3ABA00, s14;
	s14 =	sshrl.u32 s15, $0x3;
	s15 =	simm.s32 $0x2  }
.LBB2_1:
0x12: {  	[spmem:s14], [sflag:s8] =	dma.local [hbm:s7], $0x3200  }
0x13: {  	_ =	swait.ge [sflag:s15], $0x3200  }
0x14: {  	[sflag:s15] =	ssyncset.done $0x0  }
0x15: {  	[sflag:s15] =	ssyncadd.s32 $0xFFFFCE00  }
0x16: {  	[bflag:$0x0] =	sbarrier.arrive $0xFFFF  }
0x17: {  	[tilespmem:s3], [sflag:$0x2] =	stream.linear.gather [hbm4b:s9+s3], $0x50, $0x38;
	[tilespmem:$0x1F540] =	vst v63  }
0x18: {  	_ =	swait.ge [sflag:s15], $0x50  }
0x19: {  	[sflag:s15] =	ssyncset.done $0x0  }
0x1a: {  	[sflag:s15] =	ssyncadd.s32 $0xFFFFFFB0  }
0x1b: {  	[tilespmem:s16], [sflag:$0x2] =	stream.linear.gather [hbm4b:s10+s3], $0x50, $0x38;
	[tilespmem:$0x1F540] =	vst v63  }
0x1c: {  	s21 =	sand.u32 $0x1, s3;
	_ =	swait.ge [sflag:s15], $0x50  }
0x1d: {  	s22 =	sxor.u32 $0x1, s21;
	[sflag:s15] =	ssyncset.done $0x0  }
0x1e: {  	s24 =	sshrl.u32 s13, $0x3;
	s23 =	smul.u32 $0x50, s22;
	[sflag:s15] =	ssyncadd.s32 $0xFFFFFFB0  }
0x1f: {  	[tilespmem:s18], [sflag:$0x1] =	stream.indirect.gather [hbm4b:s4+s17], $0xA0, s3, s17, $0xb8;
	[tilespmem:$0x1F540] =	vst v63  }
0x20: {  	s25 =	sadd.s32 s5, s24  }
0x21: {  	[tilespmem:s23], [sflag:$0x2] =	stream.linear.gather [hbm4b:s25+s3], $0x50, $0x38;
	[tilespmem:$0x1F540] =	vst v63  }
0x22: {  	_ =	swait.ge [sflag:s15], $0x50  }
0x23: {  	s24 =	sadd.s32 s6, s24;
	[sflag:s15] =	ssyncset.done $0x0  }
0x24: {  	s22 =	smul.u32 $0xC800, s22;
	s30 =	sadd.s32 $0xA0, s23;
	[sflag:s15] =	ssyncadd.s32 $0xFFFFFFB0  }
0x25: {  	[tilespmem:s30], [sflag:$0x2] =	stream.linear.gather [hbm4b:s24+s3], $0x50, $0x38;
	[tilespmem:$0x1F540] =	vst v63  }
0x26: {  	s31 =	smul.u32 $0xC800, s21;
	_ =	swait.ge [sflag:s15], $0x50  }
0x27: {  	s26 =	smul.u32 $0x140, s21;
	s22 =	sshrl.u32 s22, $0x2;
	[sflag:s15] =	ssyncset.done $0x0  }
0x28: {  	s21 =	simm.s32 $0x2;
	s29 =	sor.u32 $0x140, s22;
	[sflag:s15] =	ssyncadd.s32 $0xFFFFFFB0  }
0x29: {  	[tilespmem:s29], [sflag:$0x1] =	stream.indirect.gather [hbm4b:s4+s17], $0xA0, s23, s17, $0xb8;
	[tilespmem:$0x1F540] =	vst v63  }
0x2a: {  	s31 =	sshrl.u32 s31, $0x2;
	s30 =	sshrl.u32 s26, $0x2;
	_ =	swait.ge [sflag:s19], $0x3200  }
0x2b: {  	s24 =	simm.s32 $0x1;
	s22 =	sadd.s32 $0xA0, s30;
	[sflag:s19] =	ssyncset.done $0x0  }
0x2c: {  	s25 =	sand.u32 $0x1, s24;
	s23 =	sor.u32 $0x140, s31;
	[sflag:s19] =	ssyncadd.s32 $0xFFFFCE00  }
0x2d: {  	[spmem:s2] =	stream.indirect.scatter.add.f32 [tilespmem:s23], [sflag:$0x2], $0xA0, s22, s17, $0xb8;
	[tilespmem:$0x1F540] =	vst v63  }
0x2e: {  	s24 =	sadd.s32 $0x50, s13;
	s28 =	sxor.u32 $0x1, s25;
	s22 =	smul.u32 $0xC800, s25  }
0x2f: {  	s26 =	sshrl.u32 s24, $0x3;
	s23 =	smul.u32 $0x50, s28;
	_ =	swait.ge [sflag:s15], $0x3200  }
.LBB2_2:
0x30: {  	s29 =	sadd.s32 s5, s26  }
0x31: {  	s28 =	smul.u32 $0xC800, s28;
	[sflag:s15] =	ssyncset.done $0x0;
	s30 =	smov.u32 s21  }
0x32: {  	p0 =	sne.s32 s21, $0x7B;
	s25 =	smul.u32 $0x140, s25;
	[sflag:s15] =	ssyncadd.s32 $0xFFFFCE00  }
0x33: {  	[tilespmem:s23], [sflag:$0x2] =	stream.linear.gather [hbm4b:s29+s3], $0x50, $0x38;
	[tilespmem:$0x1F540] =	vst v63  }
0x34: {  	s21 =	sadd.s32 $0x1, s21;
	s25 =	sshrl.u32 s25, $0x2;
	_ =	swait.ge [sflag:s15], $0x50  }
0x35: {  	s26 =	sadd.s32 s6, s26;
	s29 =	sadd.s32 $0xA0, s23;
	[sflag:s15] =	ssyncset.done $0x0  }
0x36: {  	[sflag:s15] =	ssyncadd.s32 $0xFFFFFFB0  }
0x37: {  	[tilespmem:s29], [sflag:$0x2] =	stream.linear.gather [hbm4b:s26+s3], $0x50, $0x38;
	[tilespmem:$0x1F540] =	vst v63  }
0x38: {  	s26 =	sshrl.u32 s28, $0x2;
	_ =	swait.ge [sflag:s15], $0x50  }
0x39: {  	s26 =	sor.u32 $0x140, s26;
	[sflag:s15] =	ssyncset.done $0x0  }
0x3a: {  	s22 =	sshrl.u32 s22, $0x2;
	s24 =	sadd.s32 $0x50, s24;
	[sflag:s15] =	ssyncadd.s32 $0xFFFFFFB0  }
0x3b: {  	[tilespmem:s26], [sflag:$0x1] =	stream.indirect.gather [hbm4b:s4+s17], $0xA0, s23, s17, $0xb8;
	[tilespmem:$0x1F540] =	vst v63  }
.Ltmp0:
0x3c: {  	s23 =	sadd.s32 $0xA0, s25;
	_ =	swait.ge [sflag:s19], $0x3200;
	(pc) =	sbr.rel @p0 .LBB2_2-.Ltmp0, $4  }
0x3d: {  	s25 =	sand.u32 $0x1, s30;
	s26 =	sor.u32 $0x140, s22;
	[sflag:s19] =	ssyncset.done $0x0  }
0x3e: {  	s28 =	sxor.u32 $0x1, s25;
	s22 =	smul.u32 $0xC800, s25;
	[sflag:s19] =	ssyncadd.s32 $0xFFFFCE00  }
0x3f: {  	[spmem:s2] =	stream.indirect.scatter.add.f32 [tilespmem:s26], [sflag:$0x2], $0xA0, s23, s17, $0xb8;
	[tilespmem:$0x1F540] =	vst v63  }
0x40: {  	s23 =	smul.u32 $0x50, s28;
	s26 =	sshrl.u32 s24, $0x3;
	_ =	swait.ge [sflag:s15], $0x3200  }
0x41: {  	[sflag:s15] =	ssyncset.done $0x0  }
0x42: {  	s21 =	sadd.s32 s5, s26;
	[sflag:s15] =	ssyncadd.s32 $0xFFFFCE00  }
0x43: {  	[tilespmem:s23], [sflag:$0x2] =	stream.linear.gather [hbm4b:s21+s3], $0x50, $0x38;
	[tilespmem:$0x1F540] =	vst v63  }
0x44: {  	_ =	swait.ge [sflag:s15], $0x50  }
0x45: {  	s28 =	smul.u32 $0xC800, s28;
	[sflag:s15] =	ssyncset.done $0x0  }
0x46: {  	s29 =	sadd.s32 s6, s26;
	s24 =	sadd.s32 $0xA0, s23;
	[sflag:s15] =	ssyncadd.s32 $0xFFFFFFB0  }
0x47: {  	[tilespmem:s24], [sflag:$0x2] =	stream.linear.gather [hbm4b:s29+s3], $0x50, $0x38;
	[tilespmem:$0x1F540] =	vst v63  }
0x48: {  	_ =	swait.ge [sflag:s15], $0x50  }
0x49: {  	s21 =	sshrl.u32 s28, $0x2;
	[sflag:s15] =	ssyncset.done $0x0  }
0x4a: {  	s30 =	smul.u32 $0x140, s25;
	s21 =	sor.u32 $0x140, s21;
	[sflag:s15] =	ssyncadd.s32 $0xFFFFFFB0  }
0x4b: {  	[tilespmem:s21], [sflag:$0x1] =	stream.indirect.gather [hbm4b:s4+s17], $0xA0, s23, s17, $0xb8;
	[tilespmem:$0x1F540] =	vst v63  }
0x4c: {  	_ =	swait.ge [sflag:s19], $0x3200  }
0x4d: {  	s22 =	sshrl.u32 s22, $0x2;
	s31 =	sshrl.u32 s30, $0x2;
	[sflag:s19] =	ssyncset.done $0x0  }
0x4e: {  	s22 =	sor.u32 $0x140, s22;
	s21 =	sadd.s32 $0xA0, s31;
	[sflag:s19] =	ssyncadd.s32 $0xFFFFCE00  }
0x4f: {  	[spmem:s2] =	stream.indirect.scatter.add.f32 [tilespmem:s22], [sflag:$0x2], $0xA0, s21, s17, $0xb8;
	[tilespmem:$0x1F540] =	vst v63  }
0x50: {  	_ =	swait.ge [sflag:s15], $0x3200  }
0x51: {  	[sflag:s15] =	ssyncset.done $0x0  }
0x52: {  	[sflag:s15] =	ssyncadd.s32 $0xFFFFCE00  }
0x53: {  	_ =	swait.ge [sflag:s19], $0x3200  }
0x54: {  	[sflag:s19] =	ssyncset.done $0x0  }
0x55: {  	[sflag:s19] =	ssyncadd.s32 $0xFFFFCE00  }
0x56: {  	[spmem:s2] =	stream.indirect.scatter.add.f32 [tilespmem:s18], [sflag:$0x2], $0xA0, s16, s17, $0xb8;
	[tilespmem:$0x1F540] =	vst v63  }
0x57: {  	_ =	swait.ge [sflag:s15], $0x3200  }
0x58: {  	s20 =	sadd.s32 $0x1, s20;
	[sflag:s15] =	ssyncset.done $0x0  }
0x59: {  	p0 =	sne.s32 s20, s12;
	[sflag:s15] =	ssyncadd.s32 $0xFFFFCE00  }
.Ltmp1:
0x5a: {  	[bflag:$0x0] =	sbarrier.arrive $0xFFFF;
	(pc) =	sbr.rel @p0 .LBB2_1-.Ltmp1, $4  }
0x5b: {  	[hbm:s11], [sflag:s8] =	dma.local [spmem:s14], $0x3200  }
0x5c: {  	_ =	swait.ge [sflag:s15], $0x3200  }
0x5d: {  	[sflag:s15] =	ssyncset.done $0x0  }
0x5e: {  	[sflag:s15] =	ssyncadd.s32 $0xFFFFCE00  }
0x5f: {  	_ =	sfence.sel $0x180000  }
0x60: {  	[bflag:$0x0] =	sbarrier.arrive $0xFFFF  }
0x61: {  	p0 =	sne.s32 s1, $0x0;
	_ =	strace $0x9000005F  }
0x62: {  	s0 =	sadd.s32 @!p0 $0x100000, s0;
	[bflag:$0x2] =	sbarrier.arrive $0xFFFF  }
0x63: {  	[sflag:s0] =	ssyncadd.tile.s32 @!p0 $0x1;
	_ =	shalt  }
.Lfunc_end2:
_tile_overlayer_lowered:
.L_overlay_start_2:
0x64: {  	(tag) =	ssettag $0x2  }
0x65: {  	s0 =	rddreg [dreg:$0x0];
	s2 =	stileid.u32  }
0x66: {  	s1 =	rddreg [dreg:$0x1];
	p0 =	sne.s32 s2, $0x0  }
0x67: {  	s3 =	rddreg [dreg:$0x2];
	[bflag:$0x3] =	sbarrier.arrive $0xFFFF;
	s2 =	simm.s32 @!p0 $0x1C02  }
0x68: {  	[timem:s3], [sflag:s2] =	dma.local @!p0 [hbm:s0], s1  }
0x69: {  	s0 =	simm.s32 @!p0 $0x2  }
0x6a: {  	_ =	swait.ge @!p0 [sflag:s0], s1  }
0x6b: {  	s1 =	ssub.s32 @!p0 $0x0, s1;
	[sflag:s0] =	ssyncset.done @!p0 $0x0  }
0x6c: {  	[sflag:s0] =	ssyncadd.s32 @!p0 s1  }
0x6d: {  	[bflag:$0x3] =	sbarrier.arrive $0xFFFF  }
0x6e: {  	_ =	shalt  }

// kernel: kernel.41.cloned.1.call-start
scs
__scs_entry_jumppad:
0x0: {  	(pc) =	sbr.rel $0x88, $3  }
0x1: {  	(tag) =	ssettag $0x0;
	lr =	simm.s32 $0x1  }
0x2: {  	[smem:$0x3F84] =	sst lr;
	_ =	strace $0xD0000000  }
0x3: {  	_ = 	snop  }
0x4: {  	_ = 	snop  }
0x5: {  	_ = 	snop  }
0x6: {  	_ = 	snop  }
0x7: {  	_ = 	snop  }
__scs_overlays_trampoline_lowered:
0x8: {  	[smem:$0x3F93] =	sst s0  }
0x9: {  	[smem:$0x3F94] =	sst s1  }
0xa: {  	[smem:$0x3F95] =	sst s2  }
0xb: {  	[smem:$0x3F96] =	sst s3  }
0xc: {  	[smem:$0x3F97] =	sst s4  }
0xd: {  	[smem:$0x3F98] =	sst s5  }
0xe: {  	[smem:$0x3F99] =	sst s6  }
0xf: {  	[smem:$0x3F9A] =	sst s7  }
0x10: {  	[smem:$0x3F9B] =	sst s8  }
0x11: {  	[smem:$0x3F9C] =	sst s9;
	s0 =	simm.s32 @!p0 $0x0  }
0x12: {  	s1 =	sld [smem:$0x3F82];
	s0 =	simm.s32 @p0 $0x1  }
0x13: {  	[smem:$0x3F9D] =	sst s0;
	s0 =	simm.s32 @!p1 $0x0  }
0x14: {  	s2 =	sld [smem:$0x3F81];
	s0 =	simm.s32 @p1 $0x1  }
0x15: {  	[smem:$0x3F9E] =	sst s0;
	s0 =	simm.s32 @!p2 $0x0  }
0x16: {  	s3 =	sld [smem:$0x3FDB];
	s0 =	simm.s32 @p2 $0x1  }
0x17: {  	s4 =	simm.s32 $0x1BF5;
	[smem:$0x3FA0] =	sst s0  }
0x18: {  	s0 =	sld [smem:$0x3F83];
	_ =	swait.ge [sflag:s4], $0x0  }
0x19: {  	s7 =	sld [smem:$0x3F84]  }
0x1a: {  	s8 =	sadd.s32 $0xFFFFE003, lr  }
0x1b: {  	s9 =	sadd.s32 $0xFFFFFEF7, lr;
	s5 =	simm.s32 $0xFFFFFFFF;
	p2 =	slt.u32 s8, $0xFFFFF086  }
0x1c: {  	p1 =	slt.u32 s9, $0xF7A;
	s5 =	simm.s32 @!p2 $0x0  }
0x1d: {  	s5 =	simm.s32 @p1 $0x1;
	p0 =	seq.s32 s7, s2  }
0x1e: {  	s7 =	smul.u32 @!p0 $0xF7A, s2;
	p2 =	seq.s32 @!p0 s5, $0x0  }
0x1f: {  	s9 =	smul.u32 $0xF7A, s1;
	s8 =	simm.s32 @!p0 $0x1BF5;
	p2 =	por !p2, p0  }
0x20: {  	[sflag:s8] =	ssyncset.s32 @!p0 $0xFFFFF086;
	s6 =	sadd.s32 @!p0 s3, s7;
	s7 =	simm.s32 @!p0 $0x108  }
0x21: {  	s3 =	sadd.s32 s3, s9;
	s6 =	sadd.s32 @!p0 $0x88, s6;
	s7 =	simm.s32 @p2 $0x1082  }
0x22: {  	[simem:s7], [sflag:s8] =	dma.local @!p0 [hbm:s6], $0xF7A  }
0x23: {  	s9 =	sor.u32 $0xD0000000, s2;
	s6 =	simm.s32 $0x108;
	_ =	swait.ge @!p0 [sflag:s8], $0x0  }
0x24: {  	s3 =	sadd.s32 $0x88, s3;
	s6 =	simm.s32 @!p1 $0x1082;
	[sflag:s4] =	ssyncset.s32 $0xFFFFF086  }
0x25: {  	[simem:s6], [sflag:s4] =	dma.local [hbm:s3], $0xF7A  }
0x26: {  	[smem:$0x3F84] =	sst s1;
	(tag) =	ssettag s2;
	_ =	strace s9  }
0x27: {  	s1 =	sld [smem:$0x3F94]  }
0x28: {  	s2 =	sld [smem:$0x3F95]  }
0x29: {  	s4 =	sld [smem:$0x3F97]  }
0x2a: {  	p0 =	seq.s32 s5, $0x0;
	s5 =	sld [smem:$0x3F98]  }
0x2b: {  	s6 =	sld [smem:$0x3F99]  }
0x2c: {  	s7 =	sld [smem:$0x3F9A]  }
0x2d: {  	s3 =	simm.s32 $0x108;
	s8 =	sld [smem:$0x3F9B]  }
0x2e: {  	s3 =	simm.s32 @!p0 $0x1082;
	s9 =	sld [smem:$0x3F9C]  }
0x2f: {  	lr =	sadd.s32 s0, s3;
	s0 =	sld [smem:$0x3F93]  }
0x30: {  	s3 =	sld [smem:$0x3F96]  }
0x31: {  	[smem:$0x3F9F] =	sst s10  }
0x32: {  	s10 =	sld [smem:$0x3F9D];
	_ =	sdelay $0x3  }
0x33: {  	p0 =	seq.s32 s10, $0x1;
	s10 =	sld [smem:$0x3F9F];
	_ =	sdelay $0x3  }
0x34: {  	[smem:$0x3F9F] =	sst s10  }
0x35: {  	s10 =	sld [smem:$0x3F9E];
	_ =	sdelay $0x3  }
0x36: {  	p1 =	seq.s32 s10, $0x1;
	s10 =	sld [smem:$0x3F9F];
	_ =	sdelay $0x3  }
0x37: {  	[smem:$0x3F9F] =	sst s10  }
0x38: {  	s10 =	sld [smem:$0x3FA0]  }
0x39: {  	_ = 	snop;
	(pc) =	sbr.ind lr, $3  }
0x3a: {  	_ = 	snop  }
0x3b: {  	_ = 	snop  }
0x3c: {  	p2 =	seq.s32 s10, $0x1;
	s10 =	sld [smem:$0x3F9F]  }
0x3d: {  	_ =	shalt  }
0x3e: {  	_ =	shalt  }
0x3f: {  	_ =	shalt  }
0x40: {  	_ =	shalt  }
0x41: {  	_ =	shalt  }
0x42: {  	_ =	shalt  }
0x43: {  	_ =	shalt  }
0x44: {  	_ =	shalt  }
0x45: {  	_ =	shalt  }
0x46: {  	_ =	shalt  }
0x47: {  	_ =	shalt  }
0x48: {  	_ =	shalt  }
0x49: {  	_ =	shalt  }
0x4a: {  	_ =	shalt  }
0x4b: {  	_ =	shalt  }
0x4c: {  	_ =	shalt  }
0x4d: {  	_ =	shalt  }
0x4e: {  	_ =	shalt  }
0x4f: {  	_ =	shalt  }
0x50: {  	_ =	shalt  }
0x51: {  	_ =	shalt  }
0x52: {  	_ =	shalt  }
0x53: {  	_ =	shalt  }
0x54: {  	_ =	shalt  }
0x55: {  	_ =	shalt  }
0x56: {  	_ =	shalt  }
0x57: {  	_ =	shalt  }
0x58: {  	_ =	shalt  }
0x59: {  	_ =	shalt  }
0x5a: {  	_ =	shalt  }
0x5b: {  	_ =	shalt  }
0x5c: {  	_ =	shalt  }
0x5d: {  	_ =	shalt  }
0x5e: {  	_ =	shalt  }
0x5f: {  	_ =	shalt  }
0x60: {  	_ =	shalt  }
0x61: {  	_ =	shalt  }
0x62: {  	_ =	shalt  }
0x63: {  	_ =	shalt  }
0x64: {  	_ =	shalt  }
0x65: {  	_ =	shalt  }
0x66: {  	_ =	shalt  }
0x67: {  	_ =	shalt  }
0x68: {  	_ =	shalt  }
0x69: {  	_ =	shalt  }
0x6a: {  	_ =	shalt  }
0x6b: {  	_ =	shalt  }
0x6c: {  	_ =	shalt  }
0x6d: {  	_ =	shalt  }
0x6e: {  	_ =	shalt  }
0x6f: {  	_ =	shalt  }
0x70: {  	_ =	shalt  }
0x71: {  	_ =	shalt  }
0x72: {  	_ =	shalt  }
0x73: {  	_ =	shalt  }
0x74: {  	_ =	shalt  }
0x75: {  	_ =	shalt  }
0x76: {  	_ =	shalt  }
0x77: {  	_ =	shalt  }
0x78: {  	_ =	shalt  }
0x79: {  	_ =	shalt  }
0x7a: {  	_ =	shalt  }
0x7b: {  	_ =	shalt  }
0x7c: {  	_ =	shalt  }
0x7d: {  	_ =	shalt  }
0x7e: {  	_ =	shalt  }
0x7f: {  	_ =	shalt  }
0x80: {  	_ =	shalt  }
0x81: {  	_ =	shalt  }
0x82: {  	_ =	shalt  }
0x83: {  	_ =	shalt  }
0x84: {  	_ =	shalt  }
0x85: {  	_ =	shalt  }
0x86: {  	_ =	shalt  }
0x87: {  	_ =	shalt  }
.Lfunc_end0:
.L_simem_size_0:
called_computation.4_lowered:
.L_overlay_start_0:
0x88: {  	s2 =	sld [smem:$0x3FD9]  }
0x89: {  	s3 =	sld [smem:$0x3FFE];
	_ =	sdelay $0x1  }
0x8a: {  	s1 =	srdreg.scid  }
0x8b: {  	s0 =	sand.u32 $0x1, s1  }
0x8c: {  	s17 =	sshll.u32 s0, $0xA;
	s2 =	sadd.s32 s3, s2  }
0x8d: {  	s2 =	sadd.s32 s2, s17  }
0x8e: {  	[smem:$0x3FAB] =	sst s2  }
0x8f: {  	_ = 	snop  }
0x90: {  	(tm) =	ssettm $0x1  }
0x91: {  	s18 =	sld [smem:$0x3FFB];
	_ =	sdelay $0x3  }
0x92: {  	_ =	strace s18  }
0x93: {  	s2 =	sld [smem:$0x3FFC];
	_ =	sdelay $0x3  }
0x94: {  	_ =	strace s2  }
0x95: {  	s2 =	sld [smem:$0x3FFD];
	_ =	sdelay $0x3  }
0x96: {  	_ =	strace s2  }
0x97: {  	_ =	strace $0x8FFFFFFF  }
0x98: {  	s19 =	sld [smem:$0x3FDB];
	_ =	sdelay $0x1  }
0x99: {  	s20 =	simm.s32 $_scs_section_size  }
0x9a: {  	s4 =	simm.s32 $_size__tile_overlayer_lowered;
	s5 =	simm.s32 $_tile_overlayer_lowered  }
0x9b: {  	s6 =	simm.s32 $0x1BFF;
	s21 =	sshll.u32 s5, $0x1;
	s3 =	sadd.s32 s20, s19  }
0x9c: {  	s22 =	simm.s32 $0x0;
	s4 =	sshll.u32 s4, $0x1;
	s5 =	sadd.s32 s21, s3  }
0x9d: {  	[timem:s22], [sflag:s6] =	dma.local [hbm:s5], s4  }
0x9e: {  	_ =	swait.ge [sflag:s6], s4  }
0x9f: {  	s4 =	ssub.s32 $0x0, s4;
	[sflag:s6] =	ssyncset.done $0x0  }
0xa0: {  	[sflag:s6] =	ssyncadd.s32 s4;
	_ =	sdelay $0x1  }
0xa1: {  	s23 =	simm.s32 $0x1B8B  }
0xa2: {  	_ =	swait.ge [sflag:s23], $0x1  }
0xa3: {  	[sflag:s23] =	ssyncset.done $0x0  }
0xa4: {  	[sflag:s23] =	ssyncadd.s32 $0xFFFFFFFF  }
0xa5: {  	s4 =	sld [smem:$0x0]  }
0xa6: {  	s5 =	sand.u32 $0xFFFFFFFE, s1  }
0xa7: {  	p0 =	sne.s32 s1, s5  }
0xa8: {  	s5 =	sshll.u32 @p0 s5, $0xE  }
0xa9: {  	s5 =	sadd.s32 @p0 $0x11B8D, s5;
	s6 =	sshll.u32 @p0 s4, $0x11  }
0xaa: {  	s5 =	sor.u32 @p0 s6, s5  }
0xab: {  	[sflag:s5] =	ssyncadd.remote.s32 @p0 $0x1;
	_ =	sdelay $0x1  }
0xac: {  	s5 =	simm.s32 @p0 $0x1B8D  }
0xad: {  	_ =	swait.eq @p0 [sflag:s5], $0x1  }
0xae: {  	[sflag:s5] =	ssyncadd.s32 @p0 $0xFFFFFFFF  }
0xaf: {  	s6 =	sshll.u32 @!p0 s1, $0xE  }
0xb0: {  	s6 =	sor.u32 @!p0 $0x4000, s6;
	s5 =	simm.s32 @!p0 $0x1B8D  }
0xb1: {  	s4 =	sshll.u32 @!p0 s4, $0x11;
	s6 =	sadd.s32 @!p0 $0x11B8D, s6;
	_ =	swait.eq @!p0 [sflag:s5], $0x1  }
0xb2: {  	s4 =	sor.u32 @!p0 s4, s6;
	[sflag:s5] =	ssyncadd.s32 @!p0 $0xFFFFFFFF  }
0xb3: {  	s25 =	simm.s32 $0x1B8E;
	s24 =	sld [smem:$0x3FFE];
	[sflag:s4] =	ssyncadd.remote.s32 @!p0 $0x1  }
0xb4: {  	s26 =	simm.s32 $execute0_lowered;
	[smem:$0x3FD2] =	sst s25  }
0xb5: {  	s5 =	sshll.u32 s26, $0x1;
	_ =	strace $0x80000061;
	[dreg:$0x1] =	wrdreg $0xFFFFFFFF  }
0xb6: {  	s28 =	simm.s32 $_size_execute0_lowered;
	s3 =	sadd.s32 s3, s5;
	[dreg:$0x0] =	wrdreg $0x0  }
0xb7: {  	s5 =	sshll.u32 s28, $0x1;
	[dreg:$0x2] =	wrdreg s3  }
0xb8: {  	[dreg:$0x3] =	wrdreg s5  }
0xb9: {  	[dreg:$0x4] =	wrdreg $0xC0  }
0xba: {  	_ =	task [dreg:s22], $0x5FFFF  }
0xbb: {  	[dreg:$0x1] =	wrdreg $0xFFFFFFFF  }
0xbc: {  	[dreg:$0x0] =	wrdreg $0x60  }
0xbd: {  	[dreg:$0x2] =	wrdreg s24  }
0xbe: {  	[dreg:$0x3] =	wrdreg $0x65400  }
0xbf: {  	[dreg:$0x4] =	wrdreg $0xC  }
0xc0: {  	_ =	task.clear_ibuf [dreg:s22], $0x5FFFF;
	_ =	strace $0x90000061  }
0xc1: {  	s29 =	simm.s32 $0xC;
	_ =	strace $0x80000063  }
0xc2: {  	_ =	swait.ge [sflag:s29], $0x1  }
0xc3: {  	[sflag:s29] =	ssyncadd.s32 $0xFFFFFFFF  }
0xc4: {  	_ =	strace $0x90000063  }
0xc5: {  	_ =	sfence  }
0xc6: {  	s30 =	sld [smem:$0x0];
	_ =	sdelay $0x2  }
0xc7: {  	s31 =	sshll.u32 s1, $0xD;
	s1 =	sshrl.u32 s1, $0x2  }
0xc8: {  	s4 =	sand.u32 $0x4000, s31;
	s1 =	sadd.s32 s1, s30  }
0xc9: {  	s0 =	sor.u32 s4, s0;
	s1 =	sshll.u32 s1, $0x11  }
0xca: {  	s0 =	sor.u32 s1, s0  }
0xcb: {  	s0 =	sadd.s32 $0x8F2B, s0  }
0xcc: {  	[sflag:s0] =	ssyncadd.remote.s32 $0x1  }
0xcd: {  	_ =	sfence.sel $0xFFFF  }
0xce: {  	[dreg:$0x0] =	wrdreg $0xFFFFFFFF;
	(pc) =	sbr.abs _section_cstart, $3  }
0xcf: {  	[dreg:$0x1] =	wrdreg $0xFFFFFFFF  }
0xd0: {  	_ =	task.clear_ibuf [dreg:s22], $0x2FFFF;
	_ =	strace $0x9FFFFFFF  }
0xd1: {  	(tm) =	ssettm $0x7FFFFFFF  }
tec
execute0_lowered:
.L_overlay_start_1:
0x0: {  	(tag) =	ssettag $0x1  }
0x1: {  	s7 =	rddreg [dreg:$0x0]  }
0x2: {  	s2 =	rddreg [dreg:$0x1]  }
0x3: {  	s0 =	rddreg [dreg:$0x2]  }
0x4: {  	s3 =	simm.s32 $0x0;
	s1 =	stileid.u32;
	s4 =	srdreg.scid  }
0x5: {  	s17 =	simm.s32 $0x50;
	s18 =	simm.s32 $0x140;
	s19 =	simm.s32 $0x1  }
0x6: {  	s20 =	simm.s32 $0x0;
	[smem:$0x7FF] =	sst s3;
	s8 =	smul.u32 $0x19000, s1  }
0x7: {  	s9 =	sand.u32 $0x1, s4;
	s4 =	sadd.s32 $0x294800, s7;
	s5 =	sadd.s32 $0x3E400, s7  }
0x8: {  	s6 =	sadd.s32 $0x34600, s7;
	s31 =	sshll.u32 s1, $0x6;
	s16 =	smul.u32 $0x2710, s1  }
0x9: {  	_ =	strace $0x80000062;
	s10 =	smul.u32 $0x190000, s9;
	s12 =	sshll.u32 s9, $0x4  }
0xa: {  	s13 =	ssub.s32 $0x2, s9;
	s30 =	smul.u32 $0x27100, s9;
	s11 =	sshrl.u32 s8, $0x3  }
0xb: {  	s12 =	sor.u32 s1, s12;
	s26 =	sshrl.u32 s13, $0x1;
	s15 =	sadd.s32 s8, s2  }
0xc: {  	s11 =	sadd.s32 s11, s7;
	s10 =	sadd.s32 s8, s10;
	s28 =	smul.u32 $0x2710, s12  }
0xd: {  	s29 =	ssub.s32 s13, s26;
	s8 =	sor.u32 $0x1C02, s31;
	s13 =	sadd.s32 s16, s30  }
0xe: {  	s16 =	simm.s32 $0xA0;
	s10 =	sshrl.u32 s10, $0x3;
	s12 =	smax.u32 s29, $0x1  }
0xf: {  	s13 =	sadd.s32 $0x50, s13;
	s14 =	sadd.s32 s10, s7;
	s10 =	sshrl.u32 s28, $0x3  }
0x10: {  	s7 =	sadd.s32 $0x79400, s11;
	s9 =	sadd.s32 s5, s10;
	s10 =	sadd.s32 s6, s10  }
0x11: {  	s11 =	sadd.s32 $0x40FA00, s14;
	s14 =	sshrl.u32 s15, $0x3;
	s15 =	simm.s32 $0x2  }
.LBB2_1:
0x12: {  	[spmem:s14], [sflag:s8] =	dma.local [hbm:s7], $0x3200  }
0x13: {  	_ =	swait.ge [sflag:s15], $0x3200  }
0x14: {  	[sflag:s15] =	ssyncset.done $0x0  }
0x15: {  	[sflag:s15] =	ssyncadd.s32 $0xFFFFCE00  }
0x16: {  	[bflag:$0x0] =	sbarrier.arrive $0xFFFF  }
0x17: {  	[tilespmem:s3], [sflag:$0x2] =	stream.linear.gather [hbm4b:s9+s3], $0x50, $0x38;
	[tilespmem:$0x1F540] =	vst v63  }
0x18: {  	_ =	swait.ge [sflag:s15], $0x50  }
0x19: {  	[sflag:s15] =	ssyncset.done $0x0  }
0x1a: {  	[sflag:s15] =	ssyncadd.s32 $0xFFFFFFB0  }
0x1b: {  	[tilespmem:s16], [sflag:$0x2] =	stream.linear.gather [hbm4b:s10+s3], $0x50, $0x38;
	[tilespmem:$0x1F540] =	vst v63  }
0x1c: {  	s21 =	sand.u32 $0x1, s3;
	_ =	swait.ge [sflag:s15], $0x50  }
0x1d: {  	s22 =	sxor.u32 $0x1, s21;
	[sflag:s15] =	ssyncset.done $0x0  }
0x1e: {  	s24 =	sshrl.u32 s13, $0x3;
	s23 =	smul.u32 $0x50, s22;
	[sflag:s15] =	ssyncadd.s32 $0xFFFFFFB0  }
0x1f: {  	[tilespmem:s18], [sflag:$0x1] =	stream.indirect.gather [hbm4b:s4+s17], $0xA0, s3, s17, $0xb8;
	[tilespmem:$0x1F540] =	vst v63  }
0x20: {  	s25 =	sadd.s32 s5, s24  }
0x21: {  	[tilespmem:s23], [sflag:$0x2] =	stream.linear.gather [hbm4b:s25+s3], $0x50, $0x38;
	[tilespmem:$0x1F540] =	vst v63  }
0x22: {  	_ =	swait.ge [sflag:s15], $0x50  }
0x23: {  	s24 =	sadd.s32 s6, s24;
	[sflag:s15] =	ssyncset.done $0x0  }
0x24: {  	s22 =	smul.u32 $0xC800, s22;
	s30 =	sadd.s32 $0xA0, s23;
	[sflag:s15] =	ssyncadd.s32 $0xFFFFFFB0  }
0x25: {  	[tilespmem:s30], [sflag:$0x2] =	stream.linear.gather [hbm4b:s24+s3], $0x50, $0x38;
	[tilespmem:$0x1F540] =	vst v63  }
0x26: {  	s31 =	smul.u32 $0xC800, s21;
	_ =	swait.ge [sflag:s15], $0x50  }
0x27: {  	s26 =	smul.u32 $0x140, s21;
	s22 =	sshrl.u32 s22, $0x2;
	[sflag:s15] =	ssyncset.done $0x0  }
0x28: {  	s21 =	simm.s32 $0x2;
	s29 =	sor.u32 $0x140, s22;
	[sflag:s15] =	ssyncadd.s32 $0xFFFFFFB0  }
0x29: {  	[tilespmem:s29], [sflag:$0x1] =	stream.indirect.gather [hbm4b:s4+s17], $0xA0, s23, s17, $0xb8;
	[tilespmem:$0x1F540] =	vst v63  }
0x2a: {  	s31 =	sshrl.u32 s31, $0x2;
	s30 =	sshrl.u32 s26, $0x2;
	_ =	swait.ge [sflag:s19], $0x3200  }
0x2b: {  	s24 =	simm.s32 $0x1;
	s22 =	sadd.s32 $0xA0, s30;
	[sflag:s19] =	ssyncset.done $0x0  }
0x2c: {  	s25 =	sand.u32 $0x1, s24;
	s23 =	sor.u32 $0x140, s31;
	[sflag:s19] =	ssyncadd.s32 $0xFFFFCE00  }
0x2d: {  	[spmem:s2] =	stream.indirect.scatter.add.f32 [tilespmem:s23], [sflag:$0x2], $0xA0, s22, s17, $0xb8;
	[tilespmem:$0x1F540] =	vst v63  }
0x2e: {  	s24 =	sadd.s32 $0x50, s13;
	s28 =	sxor.u32 $0x1, s25;
	s22 =	smul.u32 $0xC800, s25  }
0x2f: {  	s26 =	sshrl.u32 s24, $0x3;
	s23 =	smul.u32 $0x50, s28;
	_ =	swait.ge [sflag:s15], $0x3200  }
.LBB2_2:
0x30: {  	s29 =	sadd.s32 s5, s26  }
0x31: {  	s28 =	smul.u32 $0xC800, s28;
	[sflag:s15] =	ssyncset.done $0x0;
	s30 =	smov.u32 s21  }
0x32: {  	p0 =	sne.s32 s21, $0x7B;
	s25 =	smul.u32 $0x140, s25;
	[sflag:s15] =	ssyncadd.s32 $0xFFFFCE00  }
0x33: {  	[tilespmem:s23], [sflag:$0x2] =	stream.linear.gather [hbm4b:s29+s3], $0x50, $0x38;
	[tilespmem:$0x1F540] =	vst v63  }
0x34: {  	s21 =	sadd.s32 $0x1, s21;
	s25 =	sshrl.u32 s25, $0x2;
	_ =	swait.ge [sflag:s15], $0x50  }
0x35: {  	s26 =	sadd.s32 s6, s26;
	s29 =	sadd.s32 $0xA0, s23;
	[sflag:s15] =	ssyncset.done $0x0  }
0x36: {  	[sflag:s15] =	ssyncadd.s32 $0xFFFFFFB0  }
0x37: {  	[tilespmem:s29], [sflag:$0x2] =	stream.linear.gather [hbm4b:s26+s3], $0x50, $0x38;
	[tilespmem:$0x1F540] =	vst v63  }
0x38: {  	s26 =	sshrl.u32 s28, $0x2;
	_ =	swait.ge [sflag:s15], $0x50  }
0x39: {  	s26 =	sor.u32 $0x140, s26;
	[sflag:s15] =	ssyncset.done $0x0  }
0x3a: {  	s22 =	sshrl.u32 s22, $0x2;
	s24 =	sadd.s32 $0x50, s24;
	[sflag:s15] =	ssyncadd.s32 $0xFFFFFFB0  }
0x3b: {  	[tilespmem:s26], [sflag:$0x1] =	stream.indirect.gather [hbm4b:s4+s17], $0xA0, s23, s17, $0xb8;
	[tilespmem:$0x1F540] =	vst v63  }
.Ltmp0:
0x3c: {  	s23 =	sadd.s32 $0xA0, s25;
	_ =	swait.ge [sflag:s19], $0x3200;
	(pc) =	sbr.rel @p0 .LBB2_2-.Ltmp0, $4  }
0x3d: {  	s25 =	sand.u32 $0x1, s30;
	s26 =	sor.u32 $0x140, s22;
	[sflag:s19] =	ssyncset.done $0x0  }
0x3e: {  	s28 =	sxor.u32 $0x1, s25;
	s22 =	smul.u32 $0xC800, s25;
	[sflag:s19] =	ssyncadd.s32 $0xFFFFCE00  }
0x3f: {  	[spmem:s2] =	stream.indirect.scatter.add.f32 [tilespmem:s26], [sflag:$0x2], $0xA0, s23, s17, $0xb8;
	[tilespmem:$0x1F540] =	vst v63  }
0x40: {  	s23 =	smul.u32 $0x50, s28;
	s26 =	sshrl.u32 s24, $0x3;
	_ =	swait.ge [sflag:s15], $0x3200  }
0x41: {  	[sflag:s15] =	ssyncset.done $0x0  }
0x42: {  	s21 =	sadd.s32 s5, s26;
	[sflag:s15] =	ssyncadd.s32 $0xFFFFCE00  }
0x43: {  	[tilespmem:s23], [sflag:$0x2] =	stream.linear.gather [hbm4b:s21+s3], $0x50, $0x38;
	[tilespmem:$0x1F540] =	vst v63  }
0x44: {  	_ =	swait.ge [sflag:s15], $0x50  }
0x45: {  	s28 =	smul.u32 $0xC800, s28;
	[sflag:s15] =	ssyncset.done $0x0  }
0x46: {  	s29 =	sadd.s32 s6, s26;
	s24 =	sadd.s32 $0xA0, s23;
	[sflag:s15] =	ssyncadd.s32 $0xFFFFFFB0  }
0x47: {  	[tilespmem:s24], [sflag:$0x2] =	stream.linear.gather [hbm4b:s29+s3], $0x50, $0x38;
	[tilespmem:$0x1F540] =	vst v63  }
0x48: {  	_ =	swait.ge [sflag:s15], $0x50  }
0x49: {  	s21 =	sshrl.u32 s28, $0x2;
	[sflag:s15] =	ssyncset.done $0x0  }
0x4a: {  	s30 =	smul.u32 $0x140, s25;
	s21 =	sor.u32 $0x140, s21;
	[sflag:s15] =	ssyncadd.s32 $0xFFFFFFB0  }
0x4b: {  	[tilespmem:s21], [sflag:$0x1] =	stream.indirect.gather [hbm4b:s4+s17], $0xA0, s23, s17, $0xb8;
	[tilespmem:$0x1F540] =	vst v63  }
0x4c: {  	_ =	swait.ge [sflag:s19], $0x3200  }
0x4d: {  	s22 =	sshrl.u32 s22, $0x2;
	s31 =	sshrl.u32 s30, $0x2;
	[sflag:s19] =	ssyncset.done $0x0  }
0x4e: {  	s22 =	sor.u32 $0x140, s22;
	s21 =	sadd.s32 $0xA0, s31;
	[sflag:s19] =	ssyncadd.s32 $0xFFFFCE00  }
0x4f: {  	[spmem:s2] =	stream.indirect.scatter.add.f32 [tilespmem:s22], [sflag:$0x2], $0xA0, s21, s17, $0xb8;
	[tilespmem:$0x1F540] =	vst v63  }
0x50: {  	_ =	swait.ge [sflag:s15], $0x3200  }
0x51: {  	[sflag:s15] =	ssyncset.done $0x0  }
0x52: {  	[sflag:s15] =	ssyncadd.s32 $0xFFFFCE00  }
0x53: {  	_ =	swait.ge [sflag:s19], $0x3200  }
0x54: {  	[sflag:s19] =	ssyncset.done $0x0  }
0x55: {  	[sflag:s19] =	ssyncadd.s32 $0xFFFFCE00  }
0x56: {  	[spmem:s2] =	stream.indirect.scatter.add.f32 [tilespmem:s18], [sflag:$0x2], $0xA0, s16, s17, $0xb8;
	[tilespmem:$0x1F540] =	vst v63  }
0x57: {  	_ =	swait.ge [sflag:s15], $0x3200  }
0x58: {  	s20 =	sadd.s32 $0x1, s20;
	[sflag:s15] =	ssyncset.done $0x0  }
0x59: {  	p0 =	sne.s32 s20, s12;
	[sflag:s15] =	ssyncadd.s32 $0xFFFFCE00  }
.Ltmp1:
0x5a: {  	[bflag:$0x0] =	sbarrier.arrive $0xFFFF;
	(pc) =	sbr.rel @p0 .LBB2_1-.Ltmp1, $4  }
0x5b: {  	[hbm:s11], [sflag:s8] =	dma.local [spmem:s14], $0x3200  }
0x5c: {  	_ =	swait.ge [sflag:s15], $0x3200  }
0x5d: {  	[sflag:s15] =	ssyncset.done $0x0  }
0x5e: {  	[sflag:s15] =	ssyncadd.s32 $0xFFFFCE00  }
0x5f: {  	_ =	sfence.sel $0x180000  }
0x60: {  	[bflag:$0x0] =	sbarrier.arrive $0xFFFF  }
0x61: {  	p0 =	sne.s32 s1, $0x0;
	_ =	strace $0x90000062  }
0x62: {  	s0 =	sadd.s32 @!p0 $0x100000, s0;
	[bflag:$0x2] =	sbarrier.arrive $0xFFFF  }
0x63: {  	[sflag:s0] =	ssyncadd.tile.s32 @!p0 $0x1;
	_ =	shalt  }
.Lfunc_end2:
_tile_overlayer_lowered:
.L_overlay_start_2:
0x64: {  	(tag) =	ssettag $0x2  }
0x65: {  	s0 =	rddreg [dreg:$0x0];
	s2 =	stileid.u32  }
0x66: {  	s1 =	rddreg [dreg:$0x1];
	p0 =	sne.s32 s2, $0x0  }
0x67: {  	s3 =	rddreg [dreg:$0x2];
	[bflag:$0x3] =	sbarrier.arrive $0xFFFF;
	s2 =	simm.s32 @!p0 $0x1C02  }
0x68: {  	[timem:s3], [sflag:s2] =	dma.local @!p0 [hbm:s0], s1  }
0x69: {  	s0 =	simm.s32 @!p0 $0x2  }
0x6a: {  	_ =	swait.ge @!p0 [sflag:s0], s1  }
0x6b: {  	s1 =	ssub.s32 @!p0 $0x0, s1;
	[sflag:s0] =	ssyncset.done @!p0 $0x0  }
0x6c: {  	[sflag:s0] =	ssyncadd.s32 @!p0 s1  }
0x6d: {  	[bflag:$0x3] =	sbarrier.arrive $0xFFFF  }
0x6e: {  	_ =	shalt  }

// kernel: kernel.44.cloned.1.call-start
scs
__scs_entry_jumppad:
0x0: {  	(pc) =	sbr.rel $0x88, $3  }
0x1: {  	(tag) =	ssettag $0x0;
	lr =	simm.s32 $0x1  }
0x2: {  	[smem:$0x3F84] =	sst lr;
	_ =	strace $0xD0000000  }
0x3: {  	_ = 	snop  }
0x4: {  	_ = 	snop  }
0x5: {  	_ = 	snop  }
0x6: {  	_ = 	snop  }
0x7: {  	_ = 	snop  }
__scs_overlays_trampoline_lowered:
0x8: {  	[smem:$0x3F93] =	sst s0  }
0x9: {  	[smem:$0x3F94] =	sst s1  }
0xa: {  	[smem:$0x3F95] =	sst s2  }
0xb: {  	[smem:$0x3F96] =	sst s3  }
0xc: {  	[smem:$0x3F97] =	sst s4  }
0xd: {  	[smem:$0x3F98] =	sst s5  }
0xe: {  	[smem:$0x3F99] =	sst s6  }
0xf: {  	[smem:$0x3F9A] =	sst s7  }
0x10: {  	[smem:$0x3F9B] =	sst s8  }
0x11: {  	[smem:$0x3F9C] =	sst s9;
	s0 =	simm.s32 @!p0 $0x0  }
0x12: {  	s1 =	sld [smem:$0x3F82];
	s0 =	simm.s32 @p0 $0x1  }
0x13: {  	[smem:$0x3F9D] =	sst s0;
	s0 =	simm.s32 @!p1 $0x0  }
0x14: {  	s2 =	sld [smem:$0x3F81];
	s0 =	simm.s32 @p1 $0x1  }
0x15: {  	[smem:$0x3F9E] =	sst s0;
	s0 =	simm.s32 @!p2 $0x0  }
0x16: {  	s3 =	sld [smem:$0x3FDB];
	s0 =	simm.s32 @p2 $0x1  }
0x17: {  	s4 =	simm.s32 $0x1BF5;
	[smem:$0x3FA0] =	sst s0  }
0x18: {  	s0 =	sld [smem:$0x3F83];
	_ =	swait.ge [sflag:s4], $0x0  }
0x19: {  	s7 =	sld [smem:$0x3F84]  }
0x1a: {  	s8 =	sadd.s32 $0xFFFFE003, lr  }
0x1b: {  	s9 =	sadd.s32 $0xFFFFFEF7, lr;
	s5 =	simm.s32 $0xFFFFFFFF;
	p2 =	slt.u32 s8, $0xFFFFF086  }
0x1c: {  	p1 =	slt.u32 s9, $0xF7A;
	s5 =	simm.s32 @!p2 $0x0  }
0x1d: {  	s5 =	simm.s32 @p1 $0x1;
	p0 =	seq.s32 s7, s2  }
0x1e: {  	s7 =	smul.u32 @!p0 $0xF7A, s2;
	p2 =	seq.s32 @!p0 s5, $0x0  }
0x1f: {  	s9 =	smul.u32 $0xF7A, s1;
	s8 =	simm.s32 @!p0 $0x1BF5;
	p2 =	por !p2, p0  }
0x20: {  	[sflag:s8] =	ssyncset.s32 @!p0 $0xFFFFF086;
	s6 =	sadd.s32 @!p0 s3, s7;
	s7 =	simm.s32 @!p0 $0x108  }
0x21: {  	s3 =	sadd.s32 s3, s9;
	s6 =	sadd.s32 @!p0 $0x88, s6;
	s7 =	simm.s32 @p2 $0x1082  }
0x22: {  	[simem:s7], [sflag:s8] =	dma.local @!p0 [hbm:s6], $0xF7A  }
0x23: {  	s9 =	sor.u32 $0xD0000000, s2;
	s6 =	simm.s32 $0x108;
	_ =	swait.ge @!p0 [sflag:s8], $0x0  }
0x24: {  	s3 =	sadd.s32 $0x88, s3;
	s6 =	simm.s32 @!p1 $0x1082;
	[sflag:s4] =	ssyncset.s32 $0xFFFFF086  }
0x25: {  	[simem:s6], [sflag:s4] =	dma.local [hbm:s3], $0xF7A  }
0x26: {  	[smem:$0x3F84] =	sst s1;
	(tag) =	ssettag s2;
	_ =	strace s9  }
0x27: {  	s1 =	sld [smem:$0x3F94]  }
0x28: {  	s2 =	sld [smem:$0x3F95]  }
0x29: {  	s4 =	sld [smem:$0x3F97]  }
0x2a: {  	p0 =	seq.s32 s5, $0x0;
	s5 =	sld [smem:$0x3F98]  }
0x2b: {  	s6 =	sld [smem:$0x3F99]  }
0x2c: {  	s7 =	sld [smem:$0x3F9A]  }
0x2d: {  	s3 =	simm.s32 $0x108;
	s8 =	sld [smem:$0x3F9B]  }
0x2e: {  	s3 =	simm.s32 @!p0 $0x1082;
	s9 =	sld [smem:$0x3F9C]  }
0x2f: {  	lr =	sadd.s32 s0, s3;
	s0 =	sld [smem:$0x3F93]  }
0x30: {  	s3 =	sld [smem:$0x3F96]  }
0x31: {  	[smem:$0x3F9F] =	sst s10  }
0x32: {  	s10 =	sld [smem:$0x3F9D];
	_ =	sdelay $0x3  }
0x33: {  	p0 =	seq.s32 s10, $0x1;
	s10 =	sld [smem:$0x3F9F];
	_ =	sdelay $0x3  }
0x34: {  	[smem:$0x3F9F] =	sst s10  }
0x35: {  	s10 =	sld [smem:$0x3F9E];
	_ =	sdelay $0x3  }
0x36: {  	p1 =	seq.s32 s10, $0x1;
	s10 =	sld [smem:$0x3F9F];
	_ =	sdelay $0x3  }
0x37: {  	[smem:$0x3F9F] =	sst s10  }
0x38: {  	s10 =	sld [smem:$0x3FA0]  }
0x39: {  	_ = 	snop;
	(pc) =	sbr.ind lr, $3  }
0x3a: {  	_ = 	snop  }
0x3b: {  	_ = 	snop  }
0x3c: {  	p2 =	seq.s32 s10, $0x1;
	s10 =	sld [smem:$0x3F9F]  }
0x3d: {  	_ =	shalt  }
0x3e: {  	_ =	shalt  }
0x3f: {  	_ =	shalt  }
0x40: {  	_ =	shalt  }
0x41: {  	_ =	shalt  }
0x42: {  	_ =	shalt  }
0x43: {  	_ =	shalt  }
0x44: {  	_ =	shalt  }
0x45: {  	_ =	shalt  }
0x46: {  	_ =	shalt  }
0x47: {  	_ =	shalt  }
0x48: {  	_ =	shalt  }
0x49: {  	_ =	shalt  }
0x4a: {  	_ =	shalt  }
0x4b: {  	_ =	shalt  }
0x4c: {  	_ =	shalt  }
0x4d: {  	_ =	shalt  }
0x4e: {  	_ =	shalt  }
0x4f: {  	_ =	shalt  }
0x50: {  	_ =	shalt  }
0x51: {  	_ =	shalt  }
0x52: {  	_ =	shalt  }
0x53: {  	_ =	shalt  }
0x54: {  	_ =	shalt  }
0x55: {  	_ =	shalt  }
0x56: {  	_ =	shalt  }
0x57: {  	_ =	shalt  }
0x58: {  	_ =	shalt  }
0x59: {  	_ =	shalt  }
0x5a: {  	_ =	shalt  }
0x5b: {  	_ =	shalt  }
0x5c: {  	_ =	shalt  }
0x5d: {  	_ =	shalt  }
0x5e: {  	_ =	shalt  }
0x5f: {  	_ =	shalt  }
0x60: {  	_ =	shalt  }
0x61: {  	_ =	shalt  }
0x62: {  	_ =	shalt  }
0x63: {  	_ =	shalt  }
0x64: {  	_ =	shalt  }
0x65: {  	_ =	shalt  }
0x66: {  	_ =	shalt  }
0x67: {  	_ =	shalt  }
0x68: {  	_ =	shalt  }
0x69: {  	_ =	shalt  }
0x6a: {  	_ =	shalt  }
0x6b: {  	_ =	shalt  }
0x6c: {  	_ =	shalt  }
0x6d: {  	_ =	shalt  }
0x6e: {  	_ =	shalt  }
0x6f: {  	_ =	shalt  }
0x70: {  	_ =	shalt  }
0x71: {  	_ =	shalt  }
0x72: {  	_ =	shalt  }
0x73: {  	_ =	shalt  }
0x74: {  	_ =	shalt  }
0x75: {  	_ =	shalt  }
0x76: {  	_ =	shalt  }
0x77: {  	_ =	shalt  }
0x78: {  	_ =	shalt  }
0x79: {  	_ =	shalt  }
0x7a: {  	_ =	shalt  }
0x7b: {  	_ =	shalt  }
0x7c: {  	_ =	shalt  }
0x7d: {  	_ =	shalt  }
0x7e: {  	_ =	shalt  }
0x7f: {  	_ =	shalt  }
0x80: {  	_ =	shalt  }
0x81: {  	_ =	shalt  }
0x82: {  	_ =	shalt  }
0x83: {  	_ =	shalt  }
0x84: {  	_ =	shalt  }
0x85: {  	_ =	shalt  }
0x86: {  	_ =	shalt  }
0x87: {  	_ =	shalt  }
.Lfunc_end0:
.L_simem_size_0:
called_computation.5_lowered:
.L_overlay_start_0:
0x88: {  	s2 =	sld [smem:$0x3FD9]  }
0x89: {  	s3 =	sld [smem:$0x3FFE];
	_ =	sdelay $0x1  }
0x8a: {  	s1 =	srdreg.scid  }
0x8b: {  	s0 =	sand.u32 $0x1, s1  }
0x8c: {  	s16 =	sshll.u32 s0, $0xA;
	s2 =	sadd.s32 s3, s2  }
0x8d: {  	s2 =	sadd.s32 s2, s16  }
0x8e: {  	[smem:$0x3FAB] =	sst s2  }
0x8f: {  	_ = 	snop  }
0x90: {  	(tm) =	ssettm $0x1  }
0x91: {  	s17 =	sld [smem:$0x3FFB];
	_ =	sdelay $0x3  }
0x92: {  	_ =	strace s17  }
0x93: {  	s2 =	sld [smem:$0x3FFC];
	_ =	sdelay $0x3  }
0x94: {  	_ =	strace s2  }
0x95: {  	s2 =	sld [smem:$0x3FFD];
	_ =	sdelay $0x3  }
0x96: {  	_ =	strace s2  }
0x97: {  	_ =	strace $0x8FFFFFFF  }
0x98: {  	s18 =	sld [smem:$0x3FDB];
	_ =	sdelay $0x1  }
0x99: {  	s19 =	simm.s32 $_scs_section_size  }
0x9a: {  	s4 =	simm.s32 $_size__tile_overlayer_lowered;
	s5 =	simm.s32 $_tile_overlayer_lowered  }
0x9b: {  	s22 =	simm.s32 $0x1BFF;
	s21 =	sshll.u32 s5, $0x1;
	s2 =	sadd.s32 s19, s18  }
0x9c: {  	s6 =	simm.s32 $0x0;
	s20 =	sshll.u32 s4, $0x1;
	s4 =	sadd.s32 s21, s2  }
0x9d: {  	[timem:s6], [sflag:s22] =	dma.local [hbm:s4], s20  }
0x9e: {  	_ =	swait.ge [sflag:s22], s20  }
0x9f: {  	s3 =	ssub.s32 $0x0, s20;
	[sflag:s22] =	ssyncset.done $0x0  }
0xa0: {  	[sflag:s22] =	ssyncadd.s32 s3;
	_ =	sdelay $0x1  }
0xa1: {  	s23 =	simm.s32 $0x1B8B  }
0xa2: {  	_ =	swait.ge [sflag:s23], $0x1  }
0xa3: {  	[sflag:s23] =	ssyncset.done $0x0  }
0xa4: {  	s25 =	simm.s32 $0x1B8E;
	s24 =	sld [smem:$0x3FFE];
	[sflag:s23] =	ssyncadd.s32 $0xFFFFFFFF  }
0xa5: {  	s26 =	simm.s32 $execute0_lowered;
	[smem:$0x3FD2] =	sst s25  }
0xa6: {  	s4 =	sshll.u32 s26, $0x1;
	_ =	strace $0x80000046;
	[dreg:$0x1] =	wrdreg $0xFFFFFFFF  }
0xa7: {  	s28 =	simm.s32 $_size_execute0_lowered;
	s2 =	sadd.s32 s2, s4;
	[dreg:$0x0] =	wrdreg $0x0  }
0xa8: {  	s4 =	sshll.u32 s28, $0x1;
	[dreg:$0x2] =	wrdreg s2  }
0xa9: {  	[dreg:$0x3] =	wrdreg s4  }
0xaa: {  	[dreg:$0x4] =	wrdreg $0xC0  }
0xab: {  	_ =	task [dreg:s6], $0x5FFFF  }
0xac: {  	[dreg:$0x1] =	wrdreg $0xFFFFFFFF  }
0xad: {  	[dreg:$0x0] =	wrdreg $0x60  }
0xae: {  	[dreg:$0x2] =	wrdreg s24  }
0xaf: {  	[dreg:$0x3] =	wrdreg $0xB400  }
0xb0: {  	[dreg:$0x4] =	wrdreg $0xA  }
0xb1: {  	_ =	task.clear_ibuf [dreg:s6], $0x5FFFF;
	_ =	strace $0x90000046  }
0xb2: {  	s29 =	simm.s32 $0xA;
	_ =	strace $0x80000048  }
0xb3: {  	_ =	swait.ge [sflag:s29], $0x1  }
0xb4: {  	[sflag:s29] =	ssyncadd.s32 $0xFFFFFFFF  }
0xb5: {  	_ =	strace $0x90000048  }
0xb6: {  	_ =	sfence  }
0xb7: {  	s30 =	sld [smem:$0x0];
	_ =	sdelay $0x2  }
0xb8: {  	s31 =	sshll.u32 s1, $0xD;
	s1 =	sshrl.u32 s1, $0x2  }
0xb9: {  	s3 =	sand.u32 $0x4000, s31;
	s1 =	sadd.s32 s1, s30  }
0xba: {  	s0 =	sor.u32 s3, s0;
	s1 =	sshll.u32 s1, $0x11  }
0xbb: {  	s0 =	sor.u32 s1, s0  }
0xbc: {  	s0 =	sadd.s32 $0x8F2B, s0  }
0xbd: {  	[sflag:s0] =	ssyncadd.remote.s32 $0x1  }
0xbe: {  	_ =	sfence.sel $0xFFFF  }
0xbf: {  	[dreg:$0x0] =	wrdreg $0xFFFFFFFF;
	(pc) =	sbr.abs _section_cstart, $3  }
0xc0: {  	[dreg:$0x1] =	wrdreg $0xFFFFFFFF  }
0xc1: {  	_ =	task.clear_ibuf [dreg:s6], $0x2FFFF;
	_ =	strace $0x9FFFFFFF  }
0xc2: {  	(tm) =	ssettm $0x7FFFFFFF  }
0xc3: {  	_ =	shalt  }
tec
execute0_lowered:
.L_overlay_start_1:
0x0: {  	(tag) =	ssettag $0x1  }
0x1: {  	s7 =	rddreg [dreg:$0x0]  }
0x2: {  	s2 =	rddreg [dreg:$0x1]  }
0x3: {  	s0 =	rddreg [dreg:$0x2]  }
0x4: {  	s3 =	simm.s32 $0x0;
	s1 =	stileid.u32;
	s4 =	srdreg.scid  }
0x5: {  	s17 =	simm.s32 $0x50;
	s18 =	simm.s32 $0x140;
	s19 =	simm.s32 $0x1  }
0x6: {  	s20 =	simm.s32 $0x0;
	[smem:$0x7FF] =	sst s3;
	s8 =	smul.u32 $0x2800, s1  }
0x7: {  	s9 =	sand.u32 $0x1, s4;
	s4 =	sadd.s32 $0x25600, s7;
	s5 =	sadd.s32 $0x16800, s7  }
0x8: {  	s6 =	sadd.s32 $0xCA00, s7;
	s31 =	sshll.u32 s1, $0x6;
	s16 =	smul.u32 $0x2710, s1  }
0x9: {  	_ =	strace $0x80000047;
	s10 =	smul.u32 $0x28000, s9;
	s12 =	sshll.u32 s9, $0x4  }
0xa: {  	s13 =	ssub.s32 $0x2, s9;
	s30 =	smul.u32 $0x27100, s9;
	s11 =	sshrl.u32 s8, $0x3  }
0xb: {  	s12 =	sor.u32 s1, s12;
	s26 =	sshrl.u32 s13, $0x1;
	s15 =	sadd.s32 s8, s2  }
0xc: {  	s11 =	sadd.s32 s11, s7;
	s10 =	sadd.s32 s8, s10;
	s28 =	smul.u32 $0x2710, s12  }
0xd: {  	s29 =	ssub.s32 s13, s26;
	s8 =	sor.u32 $0x1C02, s31;
	s13 =	sadd.s32 s16, s30  }
0xe: {  	s16 =	simm.s32 $0xA0;
	s10 =	sshrl.u32 s10, $0x3;
	s12 =	smax.u32 s29, $0x1  }
0xf: {  	s13 =	sadd.s32 $0x50, s13;
	s14 =	sadd.s32 s10, s7;
	s10 =	sshrl.u32 s28, $0x3  }
0x10: {  	s7 =	sadd.s32 $0x20600, s11;
	s9 =	sadd.s32 s5, s10;
	s10 =	sadd.s32 s6, s10  }
0x11: {  	s11 =	sadd.s32 $0x2A600, s14;
	s14 =	sshrl.u32 s15, $0x3;
	s15 =	simm.s32 $0x2  }
.LBB2_1:
0x12: {  	[spmem:s14], [sflag:s8] =	dma.local [hbm:s7], $0x500  }
0x13: {  	_ =	swait.ge [sflag:s15], $0x500  }
0x14: {  	[sflag:s15] =	ssyncset.done $0x0  }
0x15: {  	[sflag:s15] =	ssyncadd.s32 $0xFFFFFB00  }
0x16: {  	[bflag:$0x0] =	sbarrier.arrive $0xFFFF  }
0x17: {  	[tilespmem:s3], [sflag:$0x2] =	stream.linear.gather [hbm4b:s9+s3], $0x50, $0x38;
	[tilespmem:$0x3340] =	vst v63  }
0x18: {  	_ =	swait.ge [sflag:s15], $0x50  }
0x19: {  	[sflag:s15] =	ssyncset.done $0x0  }
0x1a: {  	[sflag:s15] =	ssyncadd.s32 $0xFFFFFFB0  }
0x1b: {  	[tilespmem:s16], [sflag:$0x2] =	stream.linear.gather [hbm4b:s10+s3], $0x50, $0x38;
	[tilespmem:$0x3340] =	vst v63  }
0x1c: {  	s21 =	sand.u32 $0x1, s3;
	_ =	swait.ge [sflag:s15], $0x50  }
0x1d: {  	s22 =	sxor.u32 $0x1, s21;
	[sflag:s15] =	ssyncset.done $0x0  }
0x1e: {  	s24 =	sshrl.u32 s13, $0x3;
	s23 =	smul.u32 $0x50, s22;
	[sflag:s15] =	ssyncadd.s32 $0xFFFFFFB0  }
0x1f: {  	[tilespmem:s18], [sflag:$0x1] =	stream.indirect.gather [hbm4b:s4+s17], $0x10, s3, s17, $0xb8;
	[tilespmem:$0x3340] =	vst v63  }
0x20: {  	s25 =	sadd.s32 s5, s24  }
0x21: {  	[tilespmem:s23], [sflag:$0x2] =	stream.linear.gather [hbm4b:s25+s3], $0x50, $0x38;
	[tilespmem:$0x3340] =	vst v63  }
0x22: {  	_ =	swait.ge [sflag:s15], $0x50  }
0x23: {  	s24 =	sadd.s32 s6, s24;
	[sflag:s15] =	ssyncset.done $0x0  }
0x24: {  	s22 =	smul.u32 $0x1400, s22;
	s30 =	sadd.s32 $0xA0, s23;
	[sflag:s15] =	ssyncadd.s32 $0xFFFFFFB0  }
0x25: {  	[tilespmem:s30], [sflag:$0x2] =	stream.linear.gather [hbm4b:s24+s3], $0x50, $0x38;
	[tilespmem:$0x3340] =	vst v63  }
0x26: {  	s31 =	smul.u32 $0x1400, s21;
	_ =	swait.ge [sflag:s15], $0x50  }
0x27: {  	s26 =	smul.u32 $0x140, s21;
	s22 =	sshrl.u32 s22, $0x2;
	[sflag:s15] =	ssyncset.done $0x0  }
0x28: {  	s21 =	simm.s32 $0x2;
	s29 =	sadd.s32 $0x140, s22;
	[sflag:s15] =	ssyncadd.s32 $0xFFFFFFB0  }
0x29: {  	[tilespmem:s29], [sflag:$0x1] =	stream.indirect.gather [hbm4b:s4+s17], $0x10, s23, s17, $0xb8;
	[tilespmem:$0x3340] =	vst v63  }
0x2a: {  	s31 =	sshrl.u32 s31, $0x2;
	s30 =	sshrl.u32 s26, $0x2;
	_ =	swait.ge [sflag:s19], $0x500  }
0x2b: {  	s24 =	simm.s32 $0x1;
	s22 =	sadd.s32 $0xA0, s30;
	[sflag:s19] =	ssyncset.done $0x0  }
0x2c: {  	s25 =	sand.u32 $0x1, s24;
	s23 =	sadd.s32 $0x140, s31;
	[sflag:s19] =	ssyncadd.s32 $0xFFFFFB00  }
0x2d: {  	[spmem:s2] =	stream.indirect.scatter.add.f32 [tilespmem:s23], [sflag:$0x2], $0x10, s22, s17, $0xb8;
	[tilespmem:$0x3340] =	vst v63  }
0x2e: {  	s24 =	sadd.s32 $0x50, s13;
	s28 =	sxor.u32 $0x1, s25;
	s22 =	smul.u32 $0x1400, s25  }
0x2f: {  	s26 =	sshrl.u32 s24, $0x3;
	s23 =	smul.u32 $0x50, s28;
	_ =	swait.ge [sflag:s15], $0x500  }
.LBB2_2:
0x30: {  	s29 =	sadd.s32 s5, s26  }
0x31: {  	s28 =	smul.u32 $0x1400, s28;
	[sflag:s15] =	ssyncset.done $0x0;
	s30 =	smov.u32 s21  }
0x32: {  	p0 =	sne.s32 s21, $0x7B;
	s25 =	smul.u32 $0x140, s25;
	[sflag:s15] =	ssyncadd.s32 $0xFFFFFB00  }
0x33: {  	[tilespmem:s23], [sflag:$0x2] =	stream.linear.gather [hbm4b:s29+s3], $0x50, $0x38;
	[tilespmem:$0x3340] =	vst v63  }
0x34: {  	s21 =	sadd.s32 $0x1, s21;
	s25 =	sshrl.u32 s25, $0x2;
	_ =	swait.ge [sflag:s15], $0x50  }
0x35: {  	s26 =	sadd.s32 s6, s26;
	s29 =	sadd.s32 $0xA0, s23;
	[sflag:s15] =	ssyncset.done $0x0  }
0x36: {  	[sflag:s15] =	ssyncadd.s32 $0xFFFFFFB0  }
0x37: {  	[tilespmem:s29], [sflag:$0x2] =	stream.linear.gather [hbm4b:s26+s3], $0x50, $0x38;
	[tilespmem:$0x3340] =	vst v63  }
0x38: {  	s26 =	sshrl.u32 s28, $0x2;
	_ =	swait.ge [sflag:s15], $0x50  }
0x39: {  	s26 =	sadd.s32 $0x140, s26;
	[sflag:s15] =	ssyncset.done $0x0  }
0x3a: {  	s22 =	sshrl.u32 s22, $0x2;
	s24 =	sadd.s32 $0x50, s24;
	[sflag:s15] =	ssyncadd.s32 $0xFFFFFFB0  }
0x3b: {  	[tilespmem:s26], [sflag:$0x1] =	stream.indirect.gather [hbm4b:s4+s17], $0x10, s23, s17, $0xb8;
	[tilespmem:$0x3340] =	vst v63  }
.Ltmp0:
0x3c: {  	s23 =	sadd.s32 $0xA0, s25;
	_ =	swait.ge [sflag:s19], $0x500;
	(pc) =	sbr.rel @p0 .LBB2_2-.Ltmp0, $4  }
0x3d: {  	s25 =	sand.u32 $0x1, s30;
	s26 =	sadd.s32 $0x140, s22;
	[sflag:s19] =	ssyncset.done $0x0  }
0x3e: {  	s28 =	sxor.u32 $0x1, s25;
	s22 =	smul.u32 $0x1400, s25;
	[sflag:s19] =	ssyncadd.s32 $0xFFFFFB00  }
0x3f: {  	[spmem:s2] =	stream.indirect.scatter.add.f32 [tilespmem:s26], [sflag:$0x2], $0x10, s23, s17, $0xb8;
	[tilespmem:$0x3340] =	vst v63  }
0x40: {  	s23 =	smul.u32 $0x50, s28;
	s26 =	sshrl.u32 s24, $0x3;
	_ =	swait.ge [sflag:s15], $0x500  }
0x41: {  	[sflag:s15] =	ssyncset.done $0x0  }
0x42: {  	s21 =	sadd.s32 s5, s26;
	[sflag:s15] =	ssyncadd.s32 $0xFFFFFB00  }
0x43: {  	[tilespmem:s23], [sflag:$0x2] =	stream.linear.gather [hbm4b:s21+s3], $0x50, $0x38;
	[tilespmem:$0x3340] =	vst v63  }
0x44: {  	_ =	swait.ge [sflag:s15], $0x50  }
0x45: {  	s28 =	smul.u32 $0x1400, s28;
	[sflag:s15] =	ssyncset.done $0x0  }
0x46: {  	s29 =	sadd.s32 s6, s26;
	s24 =	sadd.s32 $0xA0, s23;
	[sflag:s15] =	ssyncadd.s32 $0xFFFFFFB0  }
0x47: {  	[tilespmem:s24], [sflag:$0x2] =	stream.linear.gather [hbm4b:s29+s3], $0x50, $0x38;
	[tilespmem:$0x3340] =	vst v63  }
0x48: {  	_ =	swait.ge [sflag:s15], $0x50  }
0x49: {  	s21 =	sshrl.u32 s28, $0x2;
	[sflag:s15] =	ssyncset.done $0x0  }
0x4a: {  	s30 =	smul.u32 $0x140, s25;
	s21 =	sadd.s32 $0x140, s21;
	[sflag:s15] =	ssyncadd.s32 $0xFFFFFFB0  }
0x4b: {  	[tilespmem:s21], [sflag:$0x1] =	stream.indirect.gather [hbm4b:s4+s17], $0x10, s23, s17, $0xb8;
	[tilespmem:$0x3340] =	vst v63  }
0x4c: {  	_ =	swait.ge [sflag:s19], $0x500  }
0x4d: {  	s22 =	sshrl.u32 s22, $0x2;
	s31 =	sshrl.u32 s30, $0x2;
	[sflag:s19] =	ssyncset.done $0x0  }
0x4e: {  	s22 =	sadd.s32 $0x140, s22;
	s21 =	sadd.s32 $0xA0, s31;
	[sflag:s19] =	ssyncadd.s32 $0xFFFFFB00  }
0x4f: {  	[spmem:s2] =	stream.indirect.scatter.add.f32 [tilespmem:s22], [sflag:$0x2], $0x10, s21, s17, $0xb8;
	[tilespmem:$0x3340] =	vst v63  }
0x50: {  	_ =	swait.ge [sflag:s15], $0x500  }
0x51: {  	[sflag:s15] =	ssyncset.done $0x0  }
0x52: {  	[sflag:s15] =	ssyncadd.s32 $0xFFFFFB00  }
0x53: {  	_ =	swait.ge [sflag:s19], $0x500  }
0x54: {  	[sflag:s19] =	ssyncset.done $0x0  }
0x55: {  	[sflag:s19] =	ssyncadd.s32 $0xFFFFFB00  }
0x56: {  	[spmem:s2] =	stream.indirect.scatter.add.f32 [tilespmem:s18], [sflag:$0x2], $0x10, s16, s17, $0xb8;
	[tilespmem:$0x3340] =	vst v63  }
0x57: {  	_ =	swait.ge [sflag:s15], $0x500  }
0x58: {  	s20 =	sadd.s32 $0x1, s20;
	[sflag:s15] =	ssyncset.done $0x0  }
0x59: {  	p0 =	sne.s32 s20, s12;
	[sflag:s15] =	ssyncadd.s32 $0xFFFFFB00  }
.Ltmp1:
0x5a: {  	[bflag:$0x0] =	sbarrier.arrive $0xFFFF;
	(pc) =	sbr.rel @p0 .LBB2_1-.Ltmp1, $4  }
0x5b: {  	[hbm:s11], [sflag:s8] =	dma.local [spmem:s14], $0x500  }
0x5c: {  	_ =	swait.ge [sflag:s15], $0x500  }
0x5d: {  	[sflag:s15] =	ssyncset.done $0x0  }
0x5e: {  	[sflag:s15] =	ssyncadd.s32 $0xFFFFFB00  }
0x5f: {  	_ =	sfence.sel $0x180000  }
0x60: {  	[bflag:$0x0] =	sbarrier.arrive $0xFFFF  }
0x61: {  	p0 =	sne.s32 s1, $0x0;
	_ =	strace $0x90000047  }
0x62: {  	s0 =	sadd.s32 @!p0 $0x100000, s0;
	[bflag:$0x2] =	sbarrier.arrive $0xFFFF  }
0x63: {  	[sflag:s0] =	ssyncadd.tile.s32 @!p0 $0x1;
	_ =	shalt  }
.Lfunc_end2:
_tile_overlayer_lowered:
.L_overlay_start_2:
0x64: {  	(tag) =	ssettag $0x2  }
0x65: {  	s0 =	rddreg [dreg:$0x0];
	s2 =	stileid.u32  }
0x66: {  	s1 =	rddreg [dreg:$0x1];
	p0 =	sne.s32 s2, $0x0  }
0x67: {  	s3 =	rddreg [dreg:$0x2];
	[bflag:$0x3] =	sbarrier.arrive $0xFFFF;
	s2 =	simm.s32 @!p0 $0x1C02  }
0x68: {  	[timem:s3], [sflag:s2] =	dma.local @!p0 [hbm:s0], s1  }
0x69: {  	s0 =	simm.s32 @!p0 $0x2  }
0x6a: {  	_ =	swait.ge @!p0 [sflag:s0], s1  }
0x6b: {  	s1 =	ssub.s32 @!p0 $0x0, s1;
	[sflag:s0] =	ssyncset.done @!p0 $0x0  }
0x6c: {  	[sflag:s0] =	ssyncadd.s32 @!p0 s1  }
0x6d: {  	[bflag:$0x3] =	sbarrier.arrive $0xFFFF  }
0x6e: {  	_ =	shalt  }

// kernel: kernel.47.cloned.1.call-start
scs
__scs_entry_jumppad:
0x0: {  	(pc) =	sbr.rel $0x88, $3  }
0x1: {  	(tag) =	ssettag $0x0;
	lr =	simm.s32 $0x1  }
0x2: {  	[smem:$0x3F84] =	sst lr;
	_ =	strace $0xD0000000  }
0x3: {  	_ = 	snop  }
0x4: {  	_ = 	snop  }
0x5: {  	_ = 	snop  }
0x6: {  	_ = 	snop  }
0x7: {  	_ = 	snop  }
__scs_overlays_trampoline_lowered:
0x8: {  	[smem:$0x3F93] =	sst s0  }
0x9: {  	[smem:$0x3F94] =	sst s1  }
0xa: {  	[smem:$0x3F95] =	sst s2  }
0xb: {  	[smem:$0x3F96] =	sst s3  }
0xc: {  	[smem:$0x3F97] =	sst s4  }
0xd: {  	[smem:$0x3F98] =	sst s5  }
0xe: {  	[smem:$0x3F99] =	sst s6  }
0xf: {  	[smem:$0x3F9A] =	sst s7  }
0x10: {  	[smem:$0x3F9B] =	sst s8  }
0x11: {  	[smem:$0x3F9C] =	sst s9;
	s0 =	simm.s32 @!p0 $0x0  }
0x12: {  	s1 =	sld [smem:$0x3F82];
	s0 =	simm.s32 @p0 $0x1  }
0x13: {  	[smem:$0x3F9D] =	sst s0;
	s0 =	simm.s32 @!p1 $0x0  }
0x14: {  	s2 =	sld [smem:$0x3F81];
	s0 =	simm.s32 @p1 $0x1  }
0x15: {  	[smem:$0x3F9E] =	sst s0;
	s0 =	simm.s32 @!p2 $0x0  }
0x16: {  	s3 =	sld [smem:$0x3FDB];
	s0 =	simm.s32 @p2 $0x1  }
0x17: {  	s4 =	simm.s32 $0x1BF5;
	[smem:$0x3FA0] =	sst s0  }
0x18: {  	s0 =	sld [smem:$0x3F83];
	_ =	swait.ge [sflag:s4], $0x0  }
0x19: {  	s7 =	sld [smem:$0x3F84]  }
0x1a: {  	s8 =	sadd.s32 $0xFFFFE003, lr  }
0x1b: {  	s9 =	sadd.s32 $0xFFFFFEF7, lr;
	s5 =	simm.s32 $0xFFFFFFFF;
	p2 =	slt.u32 s8, $0xFFFFF086  }
0x1c: {  	p1 =	slt.u32 s9, $0xF7A;
	s5 =	simm.s32 @!p2 $0x0  }
0x1d: {  	s5 =	simm.s32 @p1 $0x1;
	p0 =	seq.s32 s7, s2  }
0x1e: {  	s7 =	smul.u32 @!p0 $0xF7A, s2;
	p2 =	seq.s32 @!p0 s5, $0x0  }
0x1f: {  	s9 =	smul.u32 $0xF7A, s1;
	s8 =	simm.s32 @!p0 $0x1BF5;
	p2 =	por !p2, p0  }
0x20: {  	[sflag:s8] =	ssyncset.s32 @!p0 $0xFFFFF086;
	s6 =	sadd.s32 @!p0 s3, s7;
	s7 =	simm.s32 @!p0 $0x108  }
0x21: {  	s3 =	sadd.s32 s3, s9;
	s6 =	sadd.s32 @!p0 $0x88, s6;
	s7 =	simm.s32 @p2 $0x1082  }
0x22: {  	[simem:s7], [sflag:s8] =	dma.local @!p0 [hbm:s6], $0xF7A  }
0x23: {  	s9 =	sor.u32 $0xD0000000, s2;
	s6 =	simm.s32 $0x108;
	_ =	swait.ge @!p0 [sflag:s8], $0x0  }
0x24: {  	s3 =	sadd.s32 $0x88, s3;
	s6 =	simm.s32 @!p1 $0x1082;
	[sflag:s4] =	ssyncset.s32 $0xFFFFF086  }
0x25: {  	[simem:s6], [sflag:s4] =	dma.local [hbm:s3], $0xF7A  }
0x26: {  	[smem:$0x3F84] =	sst s1;
	(tag) =	ssettag s2;
	_ =	strace s9  }
0x27: {  	s1 =	sld [smem:$0x3F94]  }
0x28: {  	s2 =	sld [smem:$0x3F95]  }
0x29: {  	s4 =	sld [smem:$0x3F97]  }
0x2a: {  	p0 =	seq.s32 s5, $0x0;
	s5 =	sld [smem:$0x3F98]  }
0x2b: {  	s6 =	sld [smem:$0x3F99]  }
0x2c: {  	s7 =	sld [smem:$0x3F9A]  }
0x2d: {  	s3 =	simm.s32 $0x108;
	s8 =	sld [smem:$0x3F9B]  }
0x2e: {  	s3 =	simm.s32 @!p0 $0x1082;
	s9 =	sld [smem:$0x3F9C]  }
0x2f: {  	lr =	sadd.s32 s0, s3;
	s0 =	sld [smem:$0x3F93]  }
0x30: {  	s3 =	sld [smem:$0x3F96]  }
0x31: {  	[smem:$0x3F9F] =	sst s10  }
0x32: {  	s10 =	sld [smem:$0x3F9D];
	_ =	sdelay $0x3  }
0x33: {  	p0 =	seq.s32 s10, $0x1;
	s10 =	sld [smem:$0x3F9F];
	_ =	sdelay $0x3  }
0x34: {  	[smem:$0x3F9F] =	sst s10  }
0x35: {  	s10 =	sld [smem:$0x3F9E];
	_ =	sdelay $0x3  }
0x36: {  	p1 =	seq.s32 s10, $0x1;
	s10 =	sld [smem:$0x3F9F];
	_ =	sdelay $0x3  }
0x37: {  	[smem:$0x3F9F] =	sst s10  }
0x38: {  	s10 =	sld [smem:$0x3FA0]  }
0x39: {  	_ = 	snop;
	(pc) =	sbr.ind lr, $3  }
0x3a: {  	_ = 	snop  }
0x3b: {  	_ = 	snop  }
0x3c: {  	p2 =	seq.s32 s10, $0x1;
	s10 =	sld [smem:$0x3F9F]  }
0x3d: {  	_ =	shalt  }
0x3e: {  	_ =	shalt  }
0x3f: {  	_ =	shalt  }
0x40: {  	_ =	shalt  }
0x41: {  	_ =	shalt  }
0x42: {  	_ =	shalt  }
0x43: {  	_ =	shalt  }
0x44: {  	_ =	shalt  }
0x45: {  	_ =	shalt  }
0x46: {  	_ =	shalt  }
0x47: {  	_ =	shalt  }
0x48: {  	_ =	shalt  }
0x49: {  	_ =	shalt  }
0x4a: {  	_ =	shalt  }
0x4b: {  	_ =	shalt  }
0x4c: {  	_ =	shalt  }
0x4d: {  	_ =	shalt  }
0x4e: {  	_ =	shalt  }
0x4f: {  	_ =	shalt  }
0x50: {  	_ =	shalt  }
0x51: {  	_ =	shalt  }
0x52: {  	_ =	shalt  }
0x53: {  	_ =	shalt  }
0x54: {  	_ =	shalt  }
0x55: {  	_ =	shalt  }
0x56: {  	_ =	shalt  }
0x57: {  	_ =	shalt  }
0x58: {  	_ =	shalt  }
0x59: {  	_ =	shalt  }
0x5a: {  	_ =	shalt  }
0x5b: {  	_ =	shalt  }
0x5c: {  	_ =	shalt  }
0x5d: {  	_ =	shalt  }
0x5e: {  	_ =	shalt  }
0x5f: {  	_ =	shalt  }
0x60: {  	_ =	shalt  }
0x61: {  	_ =	shalt  }
0x62: {  	_ =	shalt  }
0x63: {  	_ =	shalt  }
0x64: {  	_ =	shalt  }
0x65: {  	_ =	shalt  }
0x66: {  	_ =	shalt  }
0x67: {  	_ =	shalt  }
0x68: {  	_ =	shalt  }
0x69: {  	_ =	shalt  }
0x6a: {  	_ =	shalt  }
0x6b: {  	_ =	shalt  }
0x6c: {  	_ =	shalt  }
0x6d: {  	_ =	shalt  }
0x6e: {  	_ =	shalt  }
0x6f: {  	_ =	shalt  }
0x70: {  	_ =	shalt  }
0x71: {  	_ =	shalt  }
0x72: {  	_ =	shalt  }
0x73: {  	_ =	shalt  }
0x74: {  	_ =	shalt  }
0x75: {  	_ =	shalt  }
0x76: {  	_ =	shalt  }
0x77: {  	_ =	shalt  }
0x78: {  	_ =	shalt  }
0x79: {  	_ =	shalt  }
0x7a: {  	_ =	shalt  }
0x7b: {  	_ =	shalt  }
0x7c: {  	_ =	shalt  }
0x7d: {  	_ =	shalt  }
0x7e: {  	_ =	shalt  }
0x7f: {  	_ =	shalt  }
0x80: {  	_ =	shalt  }
0x81: {  	_ =	shalt  }
0x82: {  	_ =	shalt  }
0x83: {  	_ =	shalt  }
0x84: {  	_ =	shalt  }
0x85: {  	_ =	shalt  }
0x86: {  	_ =	shalt  }
0x87: {  	_ =	shalt  }
.Lfunc_end0:
.L_simem_size_0:
called_computation.6_lowered:
.L_overlay_start_0:
0x88: {  	s2 =	sld [smem:$0x3FD9]  }
0x89: {  	s3 =	sld [smem:$0x3FFE];
	_ =	sdelay $0x1  }
0x8a: {  	s1 =	srdreg.scid  }
0x8b: {  	s0 =	sand.u32 $0x1, s1  }
0x8c: {  	s17 =	sshll.u32 s0, $0xA;
	s2 =	sadd.s32 s3, s2  }
0x8d: {  	s2 =	sadd.s32 s2, s17  }
0x8e: {  	[smem:$0x3FAB] =	sst s2  }
0x8f: {  	_ = 	snop  }
0x90: {  	(tm) =	ssettm $0x1  }
0x91: {  	s18 =	sld [smem:$0x3FFB];
	_ =	sdelay $0x3  }
0x92: {  	_ =	strace s18  }
0x93: {  	s2 =	sld [smem:$0x3FFC];
	_ =	sdelay $0x3  }
0x94: {  	_ =	strace s2  }
0x95: {  	s2 =	sld [smem:$0x3FFD];
	_ =	sdelay $0x3  }
0x96: {  	_ =	strace s2  }
0x97: {  	_ =	strace $0x8FFFFFFF  }
0x98: {  	s19 =	sld [smem:$0x3FDB];
	_ =	sdelay $0x1  }
0x99: {  	s20 =	simm.s32 $_scs_section_size  }
0x9a: {  	s4 =	simm.s32 $_size__tile_overlayer_lowered;
	s5 =	simm.s32 $_tile_overlayer_lowered  }
0x9b: {  	s6 =	simm.s32 $0x1BFF;
	s21 =	sshll.u32 s5, $0x1;
	s3 =	sadd.s32 s20, s19  }
0x9c: {  	s22 =	simm.s32 $0x0;
	s4 =	sshll.u32 s4, $0x1;
	s5 =	sadd.s32 s21, s3  }
0x9d: {  	[timem:s22], [sflag:s6] =	dma.local [hbm:s5], s4  }
0x9e: {  	_ =	swait.ge [sflag:s6], s4  }
0x9f: {  	s4 =	ssub.s32 $0x0, s4;
	[sflag:s6] =	ssyncset.done $0x0  }
0xa0: {  	[sflag:s6] =	ssyncadd.s32 s4;
	_ =	sdelay $0x1  }
0xa1: {  	s23 =	simm.s32 $0x1B8B  }
0xa2: {  	_ =	swait.ge [sflag:s23], $0x1  }
0xa3: {  	[sflag:s23] =	ssyncset.done $0x0  }
0xa4: {  	[sflag:s23] =	ssyncadd.s32 $0xFFFFFFFF  }
0xa5: {  	s4 =	sld [smem:$0x0]  }
0xa6: {  	s5 =	sand.u32 $0xFFFFFFFE, s1  }
0xa7: {  	p0 =	sne.s32 s1, s5  }
0xa8: {  	s5 =	sshll.u32 @p0 s5, $0xE  }
0xa9: {  	s5 =	sadd.s32 @p0 $0x11B8D, s5;
	s6 =	sshll.u32 @p0 s4, $0x11  }
0xaa: {  	s5 =	sor.u32 @p0 s6, s5  }
0xab: {  	[sflag:s5] =	ssyncadd.remote.s32 @p0 $0x1;
	_ =	sdelay $0x1  }
0xac: {  	s5 =	simm.s32 @p0 $0x1B8D  }
0xad: {  	_ =	swait.eq @p0 [sflag:s5], $0x1  }
0xae: {  	[sflag:s5] =	ssyncadd.s32 @p0 $0xFFFFFFFF  }
0xaf: {  	s6 =	sshll.u32 @!p0 s1, $0xE  }
0xb0: {  	s6 =	sor.u32 @!p0 $0x4000, s6;
	s5 =	simm.s32 @!p0 $0x1B8D  }
0xb1: {  	s4 =	sshll.u32 @!p0 s4, $0x11;
	s6 =	sadd.s32 @!p0 $0x11B8D, s6;
	_ =	swait.eq @!p0 [sflag:s5], $0x1  }
0xb2: {  	s4 =	sor.u32 @!p0 s4, s6;
	[sflag:s5] =	ssyncadd.s32 @!p0 $0xFFFFFFFF  }
0xb3: {  	s25 =	simm.s32 $0x1B8E;
	s24 =	sld [smem:$0x3FFE];
	[sflag:s4] =	ssyncadd.remote.s32 @!p0 $0x1  }
0xb4: {  	s26 =	simm.s32 $execute0_lowered;
	[smem:$0x3FD2] =	sst s25  }
0xb5: {  	s5 =	sshll.u32 s26, $0x1;
	_ =	strace $0x8000004C;
	[dreg:$0x1] =	wrdreg $0xFFFFFFFF  }
0xb6: {  	s28 =	simm.s32 $_size_execute0_lowered;
	s3 =	sadd.s32 s3, s5;
	[dreg:$0x0] =	wrdreg $0x0  }
0xb7: {  	s5 =	sshll.u32 s28, $0x1;
	[dreg:$0x2] =	wrdreg s3  }
0xb8: {  	[dreg:$0x3] =	wrdreg s5  }
0xb9: {  	[dreg:$0x4] =	wrdreg $0xC0  }
0xba: {  	_ =	task [dreg:s22], $0x5FFFF  }
0xbb: {  	[dreg:$0x1] =	wrdreg $0xFFFFFFFF  }
0xbc: {  	[dreg:$0x0] =	wrdreg $0x60  }
0xbd: {  	[dreg:$0x2] =	wrdreg s24  }
0xbe: {  	[dreg:$0x3] =	wrdreg $0x33400  }
0xbf: {  	[dreg:$0x4] =	wrdreg $0xA  }
0xc0: {  	_ =	task.clear_ibuf [dreg:s22], $0x5FFFF;
	_ =	strace $0x9000004C  }
0xc1: {  	s29 =	simm.s32 $0xA;
	_ =	strace $0x8000004E  }
0xc2: {  	_ =	swait.ge [sflag:s29], $0x1  }
0xc3: {  	[sflag:s29] =	ssyncadd.s32 $0xFFFFFFFF  }
0xc4: {  	_ =	strace $0x9000004E  }
0xc5: {  	_ =	sfence  }
0xc6: {  	s30 =	sld [smem:$0x0];
	_ =	sdelay $0x2  }
0xc7: {  	s31 =	sshll.u32 s1, $0xD;
	s1 =	sshrl.u32 s1, $0x2  }
0xc8: {  	s4 =	sand.u32 $0x4000, s31;
	s1 =	sadd.s32 s1, s30  }
0xc9: {  	s0 =	sor.u32 s4, s0;
	s1 =	sshll.u32 s1, $0x11  }
0xca: {  	s0 =	sor.u32 s1, s0  }
0xcb: {  	s0 =	sadd.s32 $0x8F2B, s0  }
0xcc: {  	[sflag:s0] =	ssyncadd.remote.s32 $0x1  }
0xcd: {  	_ =	sfence.sel $0xFFFF  }
0xce: {  	[dreg:$0x0] =	wrdreg $0xFFFFFFFF;
	(pc) =	sbr.abs _section_cstart, $3  }
0xcf: {  	[dreg:$0x1] =	wrdreg $0xFFFFFFFF  }
0xd0: {  	_ =	task.clear_ibuf [dreg:s22], $0x2FFFF;
	_ =	strace $0x9FFFFFFF  }
0xd1: {  	(tm) =	ssettm $0x7FFFFFFF  }
tec
execute0_lowered:
.L_overlay_start_1:
0x0: {  	(tag) =	ssettag $0x1  }
0x1: {  	s7 =	rddreg [dreg:$0x0]  }
0x2: {  	s2 =	rddreg [dreg:$0x1]  }
0x3: {  	s0 =	rddreg [dreg:$0x2]  }
0x4: {  	s3 =	simm.s32 $0x0;
	s1 =	stileid.u32;
	s4 =	srdreg.scid  }
0x5: {  	s17 =	simm.s32 $0x50;
	s18 =	simm.s32 $0x140;
	s19 =	simm.s32 $0x1  }
0x6: {  	s20 =	simm.s32 $0x0;
	[smem:$0x7FF] =	sst s3;
	s8 =	smul.u32 $0xC800, s1  }
0x7: {  	s9 =	sand.u32 $0x1, s4;
	s4 =	sadd.s32 $0xA0600, s7;
	s5 =	sadd.s32 $0x16800, s7  }
0x8: {  	s6 =	sadd.s32 $0xCA00, s7;
	s31 =	sshll.u32 s1, $0x6;
	s16 =	smul.u32 $0x2710, s1  }
0x9: {  	_ =	strace $0x8000004D;
	s10 =	smul.u32 $0xC8000, s9;
	s12 =	sshll.u32 s9, $0x4  }
0xa: {  	s13 =	ssub.s32 $0x2, s9;
	s30 =	smul.u32 $0x27100, s9;
	s11 =	sshrl.u32 s8, $0x3  }
0xb: {  	s12 =	sor.u32 s1, s12;
	s26 =	sshrl.u32 s13, $0x1;
	s15 =	sadd.s32 s8, s2  }
0xc: {  	s11 =	sadd.s32 s11, s7;
	s10 =	sadd.s32 s8, s10;
	s28 =	smul.u32 $0x2710, s12  }
0xd: {  	s29 =	ssub.s32 s13, s26;
	s8 =	sor.u32 $0x1C02, s31;
	s13 =	sadd.s32 s16, s30  }
0xe: {  	s16 =	simm.s32 $0xA0;
	s10 =	sshrl.u32 s10, $0x3;
	s12 =	smax.u32 s29, $0x1  }
0xf: {  	s13 =	sadd.s32 $0x50, s13;
	s14 =	sadd.s32 s10, s7;
	s10 =	sshrl.u32 s28, $0x3  }
0x10: {  	s7 =	sadd.s32 $0xB8E00, s11;
	s9 =	sadd.s32 s5, s10;
	s10 =	sadd.s32 s6, s10  }
0x11: {  	s11 =	sadd.s32 $0xD1E00, s14;
	s14 =	sshrl.u32 s15, $0x3;
	s15 =	simm.s32 $0x2  }
.LBB2_1:
0x12: {  	[spmem:s14], [sflag:s8] =	dma.local [hbm:s7], $0x1900  }
0x13: {  	_ =	swait.ge [sflag:s15], $0x1900  }
0x14: {  	[sflag:s15] =	ssyncset.done $0x0  }
0x15: {  	[sflag:s15] =	ssyncadd.s32 $0xFFFFE700  }
0x16: {  	[bflag:$0x0] =	sbarrier.arrive $0xFFFF  }
0x17: {  	[tilespmem:s3], [sflag:$0x2] =	stream.linear.gather [hbm4b:s9+s3], $0x50, $0x38;
	[tilespmem:$0xFB40] =	vst v63  }
0x18: {  	_ =	swait.ge [sflag:s15], $0x50  }
0x19: {  	[sflag:s15] =	ssyncset.done $0x0  }
0x1a: {  	[sflag:s15] =	ssyncadd.s32 $0xFFFFFFB0  }
0x1b: {  	[tilespmem:s16], [sflag:$0x2] =	stream.linear.gather [hbm4b:s10+s3], $0x50, $0x38;
	[tilespmem:$0xFB40] =	vst v63  }
0x1c: {  	s21 =	sand.u32 $0x1, s3;
	_ =	swait.ge [sflag:s15], $0x50  }
0x1d: {  	s22 =	sxor.u32 $0x1, s21;
	[sflag:s15] =	ssyncset.done $0x0  }
0x1e: {  	s24 =	sshrl.u32 s13, $0x3;
	s23 =	smul.u32 $0x50, s22;
	[sflag:s15] =	ssyncadd.s32 $0xFFFFFFB0  }
0x1f: {  	[tilespmem:s18], [sflag:$0x1] =	stream.indirect.gather [hbm4b:s4+s17], $0x50, s3, s17, $0xb8;
	[tilespmem:$0xFB40] =	vst v63  }
0x20: {  	s25 =	sadd.s32 s5, s24  }
0x21: {  	[tilespmem:s23], [sflag:$0x2] =	stream.linear.gather [hbm4b:s25+s3], $0x50, $0x38;
	[tilespmem:$0xFB40] =	vst v63  }
0x22: {  	_ =	swait.ge [sflag:s15], $0x50  }
0x23: {  	s24 =	sadd.s32 s6, s24;
	[sflag:s15] =	ssyncset.done $0x0  }
0x24: {  	s22 =	smul.u32 $0x6400, s22;
	s30 =	sadd.s32 $0xA0, s23;
	[sflag:s15] =	ssyncadd.s32 $0xFFFFFFB0  }
0x25: {  	[tilespmem:s30], [sflag:$0x2] =	stream.linear.gather [hbm4b:s24+s3], $0x50, $0x38;
	[tilespmem:$0xFB40] =	vst v63  }
0x26: {  	s31 =	smul.u32 $0x6400, s21;
	_ =	swait.ge [sflag:s15], $0x50  }
0x27: {  	s26 =	smul.u32 $0x140, s21;
	s22 =	sshrl.u32 s22, $0x2;
	[sflag:s15] =	ssyncset.done $0x0  }
0x28: {  	s21 =	simm.s32 $0x2;
	s29 =	sadd.s32 $0x140, s22;
	[sflag:s15] =	ssyncadd.s32 $0xFFFFFFB0  }
0x29: {  	[tilespmem:s29], [sflag:$0x1] =	stream.indirect.gather [hbm4b:s4+s17], $0x50, s23, s17, $0xb8;
	[tilespmem:$0xFB40] =	vst v63  }
0x2a: {  	s31 =	sshrl.u32 s31, $0x2;
	s30 =	sshrl.u32 s26, $0x2;
	_ =	swait.ge [sflag:s19], $0x1900  }
0x2b: {  	s24 =	simm.s32 $0x1;
	s22 =	sadd.s32 $0xA0, s30;
	[sflag:s19] =	ssyncset.done $0x0  }
0x2c: {  	s25 =	sand.u32 $0x1, s24;
	s23 =	sadd.s32 $0x140, s31;
	[sflag:s19] =	ssyncadd.s32 $0xFFFFE700  }
0x2d: {  	[spmem:s2] =	stream.indirect.scatter.add.f32 [tilespmem:s23], [sflag:$0x2], $0x50, s22, s17, $0xb8;
	[tilespmem:$0xFB40] =	vst v63  }
0x2e: {  	s24 =	sadd.s32 $0x50, s13;
	s28 =	sxor.u32 $0x1, s25;
	s22 =	smul.u32 $0x6400, s25  }
0x2f: {  	s26 =	sshrl.u32 s24, $0x3;
	s23 =	smul.u32 $0x50, s28;
	_ =	swait.ge [sflag:s15], $0x1900  }
.LBB2_2:
0x30: {  	s29 =	sadd.s32 s5, s26  }
0x31: {  	s28 =	smul.u32 $0x6400, s28;
	[sflag:s15] =	ssyncset.done $0x0;
	s30 =	smov.u32 s21  }
0x32: {  	p0 =	sne.s32 s21, $0x7B;
	s25 =	smul.u32 $0x140, s25;
	[sflag:s15] =	ssyncadd.s32 $0xFFFFE700  }
0x33: {  	[tilespmem:s23], [sflag:$0x2] =	stream.linear.gather [hbm4b:s29+s3], $0x50, $0x38;
	[tilespmem:$0xFB40] =	vst v63  }
0x34: {  	s21 =	sadd.s32 $0x1, s21;
	s25 =	sshrl.u32 s25, $0x2;
	_ =	swait.ge [sflag:s15], $0x50  }
0x35: {  	s26 =	sadd.s32 s6, s26;
	s29 =	sadd.s32 $0xA0, s23;
	[sflag:s15] =	ssyncset.done $0x0  }
0x36: {  	[sflag:s15] =	ssyncadd.s32 $0xFFFFFFB0  }
0x37: {  	[tilespmem:s29], [sflag:$0x2] =	stream.linear.gather [hbm4b:s26+s3], $0x50, $0x38;
	[tilespmem:$0xFB40] =	vst v63  }
0x38: {  	s26 =	sshrl.u32 s28, $0x2;
	_ =	swait.ge [sflag:s15], $0x50  }
0x39: {  	s26 =	sadd.s32 $0x140, s26;
	[sflag:s15] =	ssyncset.done $0x0  }
0x3a: {  	s22 =	sshrl.u32 s22, $0x2;
	s24 =	sadd.s32 $0x50, s24;
	[sflag:s15] =	ssyncadd.s32 $0xFFFFFFB0  }
0x3b: {  	[tilespmem:s26], [sflag:$0x1] =	stream.indirect.gather [hbm4b:s4+s17], $0x50, s23, s17, $0xb8;
	[tilespmem:$0xFB40] =	vst v63  }
.Ltmp0:
0x3c: {  	s23 =	sadd.s32 $0xA0, s25;
	_ =	swait.ge [sflag:s19], $0x1900;
	(pc) =	sbr.rel @p0 .LBB2_2-.Ltmp0, $4  }
0x3d: {  	s25 =	sand.u32 $0x1, s30;
	s26 =	sadd.s32 $0x140, s22;
	[sflag:s19] =	ssyncset.done $0x0  }
0x3e: {  	s28 =	sxor.u32 $0x1, s25;
	s22 =	smul.u32 $0x6400, s25;
	[sflag:s19] =	ssyncadd.s32 $0xFFFFE700  }
0x3f: {  	[spmem:s2] =	stream.indirect.scatter.add.f32 [tilespmem:s26], [sflag:$0x2], $0x50, s23, s17, $0xb8;
	[tilespmem:$0xFB40] =	vst v63  }
0x40: {  	s23 =	smul.u32 $0x50, s28;
	s26 =	sshrl.u32 s24, $0x3;
	_ =	swait.ge [sflag:s15], $0x1900  }
0x41: {  	[sflag:s15] =	ssyncset.done $0x0  }
0x42: {  	s21 =	sadd.s32 s5, s26;
	[sflag:s15] =	ssyncadd.s32 $0xFFFFE700  }
0x43: {  	[tilespmem:s23], [sflag:$0x2] =	stream.linear.gather [hbm4b:s21+s3], $0x50, $0x38;
	[tilespmem:$0xFB40] =	vst v63  }
0x44: {  	_ =	swait.ge [sflag:s15], $0x50  }
0x45: {  	s28 =	smul.u32 $0x6400, s28;
	[sflag:s15] =	ssyncset.done $0x0  }
0x46: {  	s29 =	sadd.s32 s6, s26;
	s24 =	sadd.s32 $0xA0, s23;
	[sflag:s15] =	ssyncadd.s32 $0xFFFFFFB0  }
0x47: {  	[tilespmem:s24], [sflag:$0x2] =	stream.linear.gather [hbm4b:s29+s3], $0x50, $0x38;
	[tilespmem:$0xFB40] =	vst v63  }
0x48: {  	_ =	swait.ge [sflag:s15], $0x50  }
0x49: {  	s21 =	sshrl.u32 s28, $0x2;
	[sflag:s15] =	ssyncset.done $0x0  }
0x4a: {  	s30 =	smul.u32 $0x140, s25;
	s21 =	sadd.s32 $0x140, s21;
	[sflag:s15] =	ssyncadd.s32 $0xFFFFFFB0  }
0x4b: {  	[tilespmem:s21], [sflag:$0x1] =	stream.indirect.gather [hbm4b:s4+s17], $0x50, s23, s17, $0xb8;
	[tilespmem:$0xFB40] =	vst v63  }
0x4c: {  	_ =	swait.ge [sflag:s19], $0x1900  }
0x4d: {  	s22 =	sshrl.u32 s22, $0x2;
	s31 =	sshrl.u32 s30, $0x2;
	[sflag:s19] =	ssyncset.done $0x0  }
0x4e: {  	s22 =	sadd.s32 $0x140, s22;
	s21 =	sadd.s32 $0xA0, s31;
	[sflag:s19] =	ssyncadd.s32 $0xFFFFE700  }
0x4f: {  	[spmem:s2] =	stream.indirect.scatter.add.f32 [tilespmem:s22], [sflag:$0x2], $0x50, s21, s17, $0xb8;
	[tilespmem:$0xFB40] =	vst v63  }
0x50: {  	_ =	swait.ge [sflag:s15], $0x1900  }
0x51: {  	[sflag:s15] =	ssyncset.done $0x0  }
0x52: {  	[sflag:s15] =	ssyncadd.s32 $0xFFFFE700  }
0x53: {  	_ =	swait.ge [sflag:s19], $0x1900  }
0x54: {  	[sflag:s19] =	ssyncset.done $0x0  }
0x55: {  	[sflag:s19] =	ssyncadd.s32 $0xFFFFE700  }
0x56: {  	[spmem:s2] =	stream.indirect.scatter.add.f32 [tilespmem:s18], [sflag:$0x2], $0x50, s16, s17, $0xb8;
	[tilespmem:$0xFB40] =	vst v63  }
0x57: {  	_ =	swait.ge [sflag:s15], $0x1900  }
0x58: {  	s20 =	sadd.s32 $0x1, s20;
	[sflag:s15] =	ssyncset.done $0x0  }
0x59: {  	p0 =	sne.s32 s20, s12;
	[sflag:s15] =	ssyncadd.s32 $0xFFFFE700  }
.Ltmp1:
0x5a: {  	[bflag:$0x0] =	sbarrier.arrive $0xFFFF;
	(pc) =	sbr.rel @p0 .LBB2_1-.Ltmp1, $4  }
0x5b: {  	[hbm:s11], [sflag:s8] =	dma.local [spmem:s14], $0x1900  }
0x5c: {  	_ =	swait.ge [sflag:s15], $0x1900  }
0x5d: {  	[sflag:s15] =	ssyncset.done $0x0  }
0x5e: {  	[sflag:s15] =	ssyncadd.s32 $0xFFFFE700  }
0x5f: {  	_ =	sfence.sel $0x180000  }
0x60: {  	[bflag:$0x0] =	sbarrier.arrive $0xFFFF  }
0x61: {  	p0 =	sne.s32 s1, $0x0;
	_ =	strace $0x9000004D  }
0x62: {  	s0 =	sadd.s32 @!p0 $0x100000, s0;
	[bflag:$0x2] =	sbarrier.arrive $0xFFFF  }
0x63: {  	[sflag:s0] =	ssyncadd.tile.s32 @!p0 $0x1;
	_ =	shalt  }
.Lfunc_end2:
_tile_overlayer_lowered:
.L_overlay_start_2:
0x64: {  	(tag) =	ssettag $0x2  }
0x65: {  	s0 =	rddreg [dreg:$0x0];
	s2 =	stileid.u32  }
0x66: {  	s1 =	rddreg [dreg:$0x1];
	p0 =	sne.s32 s2, $0x0  }
0x67: {  	s3 =	rddreg [dreg:$0x2];
	[bflag:$0x3] =	sbarrier.arrive $0xFFFF;
	s2 =	simm.s32 @!p0 $0x1C02  }
0x68: {  	[timem:s3], [sflag:s2] =	dma.local @!p0 [hbm:s0], s1  }
0x69: {  	s0 =	simm.s32 @!p0 $0x2  }
0x6a: {  	_ =	swait.ge @!p0 [sflag:s0], s1  }
0x6b: {  	s1 =	ssub.s32 @!p0 $0x0, s1;
	[sflag:s0] =	ssyncset.done @!p0 $0x0  }
0x6c: {  	[sflag:s0] =	ssyncadd.s32 @!p0 s1  }
0x6d: {  	[bflag:$0x3] =	sbarrier.arrive $0xFFFF  }
0x6e: {  	_ =	shalt  }

// kernel: kernel.50.cloned.1.call-start
scs
__scs_entry_jumppad:
0x0: {  	(pc) =	sbr.rel $0x88, $3  }
0x1: {  	(tag) =	ssettag $0x0;
	lr =	simm.s32 $0x1  }
0x2: {  	[smem:$0x3F84] =	sst lr;
	_ =	strace $0xD0000000  }
0x3: {  	_ = 	snop  }
0x4: {  	_ = 	snop  }
0x5: {  	_ = 	snop  }
0x6: {  	_ = 	snop  }
0x7: {  	_ = 	snop  }
__scs_overlays_trampoline_lowered:
0x8: {  	[smem:$0x3F93] =	sst s0  }
0x9: {  	[smem:$0x3F94] =	sst s1  }
0xa: {  	[smem:$0x3F95] =	sst s2  }
0xb: {  	[smem:$0x3F96] =	sst s3  }
0xc: {  	[smem:$0x3F97] =	sst s4  }
0xd: {  	[smem:$0x3F98] =	sst s5  }
0xe: {  	[smem:$0x3F99] =	sst s6  }
0xf: {  	[smem:$0x3F9A] =	sst s7  }
0x10: {  	[smem:$0x3F9B] =	sst s8  }
0x11: {  	[smem:$0x3F9C] =	sst s9;
	s0 =	simm.s32 @!p0 $0x0  }
0x12: {  	s1 =	sld [smem:$0x3F82];
	s0 =	simm.s32 @p0 $0x1  }
0x13: {  	[smem:$0x3F9D] =	sst s0;
	s0 =	simm.s32 @!p1 $0x0  }
0x14: {  	s2 =	sld [smem:$0x3F81];
	s0 =	simm.s32 @p1 $0x1  }
0x15: {  	[smem:$0x3F9E] =	sst s0;
	s0 =	simm.s32 @!p2 $0x0  }
0x16: {  	s3 =	sld [smem:$0x3FDB];
	s0 =	simm.s32 @p2 $0x1  }
0x17: {  	s4 =	simm.s32 $0x1BF5;
	[smem:$0x3FA0] =	sst s0  }
0x18: {  	s0 =	sld [smem:$0x3F83];
	_ =	swait.ge [sflag:s4], $0x0  }
0x19: {  	s7 =	sld [smem:$0x3F84]  }
0x1a: {  	s8 =	sadd.s32 $0xFFFFE003, lr  }
0x1b: {  	s9 =	sadd.s32 $0xFFFFFEF7, lr;
	s5 =	simm.s32 $0xFFFFFFFF;
	p2 =	slt.u32 s8, $0xFFFFF086  }
0x1c: {  	p1 =	slt.u32 s9, $0xF7A;
	s5 =	simm.s32 @!p2 $0x0  }
0x1d: {  	s5 =	simm.s32 @p1 $0x1;
	p0 =	seq.s32 s7, s2  }
0x1e: {  	s7 =	smul.u32 @!p0 $0xF7A, s2;
	p2 =	seq.s32 @!p0 s5, $0x0  }
0x1f: {  	s9 =	smul.u32 $0xF7A, s1;
	s8 =	simm.s32 @!p0 $0x1BF5;
	p2 =	por !p2, p0  }
0x20: {  	[sflag:s8] =	ssyncset.s32 @!p0 $0xFFFFF086;
	s6 =	sadd.s32 @!p0 s3, s7;
	s7 =	simm.s32 @!p0 $0x108  }
0x21: {  	s3 =	sadd.s32 s3, s9;
	s6 =	sadd.s32 @!p0 $0x88, s6;
	s7 =	simm.s32 @p2 $0x1082  }
0x22: {  	[simem:s7], [sflag:s8] =	dma.local @!p0 [hbm:s6], $0xF7A  }
0x23: {  	s9 =	sor.u32 $0xD0000000, s2;
	s6 =	simm.s32 $0x108;
	_ =	swait.ge @!p0 [sflag:s8], $0x0  }
0x24: {  	s3 =	sadd.s32 $0x88, s3;
	s6 =	simm.s32 @!p1 $0x1082;
	[sflag:s4] =	ssyncset.s32 $0xFFFFF086  }
0x25: {  	[simem:s6], [sflag:s4] =	dma.local [hbm:s3], $0xF7A  }
0x26: {  	[smem:$0x3F84] =	sst s1;
	(tag) =	ssettag s2;
	_ =	strace s9  }
0x27: {  	s1 =	sld [smem:$0x3F94]  }
0x28: {  	s2 =	sld [smem:$0x3F95]  }
0x29: {  	s4 =	sld [smem:$0x3F97]  }
0x2a: {  	p0 =	seq.s32 s5, $0x0;
	s5 =	sld [smem:$0x3F98]  }
0x2b: {  	s6 =	sld [smem:$0x3F99]  }
0x2c: {  	s7 =	sld [smem:$0x3F9A]  }
0x2d: {  	s3 =	simm.s32 $0x108;
	s8 =	sld [smem:$0x3F9B]  }
0x2e: {  	s3 =	simm.s32 @!p0 $0x1082;
	s9 =	sld [smem:$0x3F9C]  }
0x2f: {  	lr =	sadd.s32 s0, s3;
	s0 =	sld [smem:$0x3F93]  }
0x30: {  	s3 =	sld [smem:$0x3F96]  }
0x31: {  	[smem:$0x3F9F] =	sst s10  }
0x32: {  	s10 =	sld [smem:$0x3F9D];
	_ =	sdelay $0x3  }
0x33: {  	p0 =	seq.s32 s10, $0x1;
	s10 =	sld [smem:$0x3F9F];
	_ =	sdelay $0x3  }
0x34: {  	[smem:$0x3F9F] =	sst s10  }
0x35: {  	s10 =	sld [smem:$0x3F9E];
	_ =	sdelay $0x3  }
0x36: {  	p1 =	seq.s32 s10, $0x1;
	s10 =	sld [smem:$0x3F9F];
	_ =	sdelay $0x3  }
0x37: {  	[smem:$0x3F9F] =	sst s10  }
0x38: {  	s10 =	sld [smem:$0x3FA0]  }
0x39: {  	_ = 	snop;
	(pc) =	sbr.ind lr, $3  }
0x3a: {  	_ = 	snop  }
0x3b: {  	_ = 	snop  }
0x3c: {  	p2 =	seq.s32 s10, $0x1;
	s10 =	sld [smem:$0x3F9F]  }
0x3d: {  	_ =	shalt  }
0x3e: {  	_ =	shalt  }
0x3f: {  	_ =	shalt  }
0x40: {  	_ =	shalt  }
0x41: {  	_ =	shalt  }
0x42: {  	_ =	shalt  }
0x43: {  	_ =	shalt  }
0x44: {  	_ =	shalt  }
0x45: {  	_ =	shalt  }
0x46: {  	_ =	shalt  }
0x47: {  	_ =	shalt  }
0x48: {  	_ =	shalt  }
0x49: {  	_ =	shalt  }
0x4a: {  	_ =	shalt  }
0x4b: {  	_ =	shalt  }
0x4c: {  	_ =	shalt  }
0x4d: {  	_ =	shalt  }
0x4e: {  	_ =	shalt  }
0x4f: {  	_ =	shalt  }
0x50: {  	_ =	shalt  }
0x51: {  	_ =	shalt  }
0x52: {  	_ =	shalt  }
0x53: {  	_ =	shalt  }
0x54: {  	_ =	shalt  }
0x55: {  	_ =	shalt  }
0x56: {  	_ =	shalt  }
0x57: {  	_ =	shalt  }
0x58: {  	_ =	shalt  }
0x59: {  	_ =	shalt  }
0x5a: {  	_ =	shalt  }
0x5b: {  	_ =	shalt  }
0x5c: {  	_ =	shalt  }
0x5d: {  	_ =	shalt  }
0x5e: {  	_ =	shalt  }
0x5f: {  	_ =	shalt  }
0x60: {  	_ =	shalt  }
0x61: {  	_ =	shalt  }
0x62: {  	_ =	shalt  }
0x63: {  	_ =	shalt  }
0x64: {  	_ =	shalt  }
0x65: {  	_ =	shalt  }
0x66: {  	_ =	shalt  }
0x67: {  	_ =	shalt  }
0x68: {  	_ =	shalt  }
0x69: {  	_ =	shalt  }
0x6a: {  	_ =	shalt  }
0x6b: {  	_ =	shalt  }
0x6c: {  	_ =	shalt  }
0x6d: {  	_ =	shalt  }
0x6e: {  	_ =	shalt  }
0x6f: {  	_ =	shalt  }
0x70: {  	_ =	shalt  }
0x71: {  	_ =	shalt  }
0x72: {  	_ =	shalt  }
0x73: {  	_ =	shalt  }
0x74: {  	_ =	shalt  }
0x75: {  	_ =	shalt  }
0x76: {  	_ =	shalt  }
0x77: {  	_ =	shalt  }
0x78: {  	_ =	shalt  }
0x79: {  	_ =	shalt  }
0x7a: {  	_ =	shalt  }
0x7b: {  	_ =	shalt  }
0x7c: {  	_ =	shalt  }
0x7d: {  	_ =	shalt  }
0x7e: {  	_ =	shalt  }
0x7f: {  	_ =	shalt  }
0x80: {  	_ =	shalt  }
0x81: {  	_ =	shalt  }
0x82: {  	_ =	shalt  }
0x83: {  	_ =	shalt  }
0x84: {  	_ =	shalt  }
0x85: {  	_ =	shalt  }
0x86: {  	_ =	shalt  }
0x87: {  	_ =	shalt  }
.Lfunc_end0:
.L_simem_size_0:
called_computation.7_lowered:
.L_overlay_start_0:
0x88: {  	s2 =	sld [smem:$0x3FD9]  }
0x89: {  	s3 =	sld [smem:$0x3FFE];
	_ =	sdelay $0x1  }
0x8a: {  	s1 =	srdreg.scid  }
0x8b: {  	s0 =	sand.u32 $0x1, s1  }
0x8c: {  	s17 =	sshll.u32 s0, $0xA;
	s2 =	sadd.s32 s3, s2  }
0x8d: {  	s2 =	sadd.s32 s2, s17  }
0x8e: {  	[smem:$0x3FAB] =	sst s2  }
0x8f: {  	_ = 	snop  }
0x90: {  	(tm) =	ssettm $0x1  }
0x91: {  	s18 =	sld [smem:$0x3FFB];
	_ =	sdelay $0x3  }
0x92: {  	_ =	strace s18  }
0x93: {  	s2 =	sld [smem:$0x3FFC];
	_ =	sdelay $0x3  }
0x94: {  	_ =	strace s2  }
0x95: {  	s2 =	sld [smem:$0x3FFD];
	_ =	sdelay $0x3  }
0x96: {  	_ =	strace s2  }
0x97: {  	_ =	strace $0x8FFFFFFF  }
0x98: {  	s19 =	sld [smem:$0x3FDB];
	_ =	sdelay $0x1  }
0x99: {  	s20 =	simm.s32 $_scs_section_size  }
0x9a: {  	s4 =	simm.s32 $_size__tile_overlayer_lowered;
	s5 =	simm.s32 $_tile_overlayer_lowered  }
0x9b: {  	s6 =	simm.s32 $0x1BFF;
	s21 =	sshll.u32 s5, $0x1;
	s3 =	sadd.s32 s20, s19  }
0x9c: {  	s22 =	simm.s32 $0x0;
	s4 =	sshll.u32 s4, $0x1;
	s5 =	sadd.s32 s21, s3  }
0x9d: {  	[timem:s22], [sflag:s6] =	dma.local [hbm:s5], s4  }
0x9e: {  	_ =	swait.ge [sflag:s6], s4  }
0x9f: {  	s4 =	ssub.s32 $0x0, s4;
	[sflag:s6] =	ssyncset.done $0x0  }
0xa0: {  	[sflag:s6] =	ssyncadd.s32 s4;
	_ =	sdelay $0x1  }
0xa1: {  	s23 =	simm.s32 $0x1B8B  }
0xa2: {  	_ =	swait.ge [sflag:s23], $0x1  }
0xa3: {  	[sflag:s23] =	ssyncset.done $0x0  }
0xa4: {  	[sflag:s23] =	ssyncadd.s32 $0xFFFFFFFF  }
0xa5: {  	s4 =	sld [smem:$0x0]  }
0xa6: {  	s5 =	sand.u32 $0xFFFFFFFE, s1  }
0xa7: {  	p0 =	sne.s32 s1, s5  }
0xa8: {  	s5 =	sshll.u32 @p0 s5, $0xE  }
0xa9: {  	s5 =	sadd.s32 @p0 $0x11B8D, s5;
	s6 =	sshll.u32 @p0 s4, $0x11  }
0xaa: {  	s5 =	sor.u32 @p0 s6, s5  }
0xab: {  	[sflag:s5] =	ssyncadd.remote.s32 @p0 $0x1;
	_ =	sdelay $0x1  }
0xac: {  	s5 =	simm.s32 @p0 $0x1B8D  }
0xad: {  	_ =	swait.eq @p0 [sflag:s5], $0x1  }
0xae: {  	[sflag:s5] =	ssyncadd.s32 @p0 $0xFFFFFFFF  }
0xaf: {  	s6 =	sshll.u32 @!p0 s1, $0xE  }
0xb0: {  	s6 =	sor.u32 @!p0 $0x4000, s6;
	s5 =	simm.s32 @!p0 $0x1B8D  }
0xb1: {  	s4 =	sshll.u32 @!p0 s4, $0x11;
	s6 =	sadd.s32 @!p0 $0x11B8D, s6;
	_ =	swait.eq @!p0 [sflag:s5], $0x1  }
0xb2: {  	s4 =	sor.u32 @!p0 s4, s6;
	[sflag:s5] =	ssyncadd.s32 @!p0 $0xFFFFFFFF  }
0xb3: {  	s25 =	simm.s32 $0x1B8E;
	s24 =	sld [smem:$0x3FFE];
	[sflag:s4] =	ssyncadd.remote.s32 @!p0 $0x1  }
0xb4: {  	s26 =	simm.s32 $execute0_lowered;
	[smem:$0x3FD2] =	sst s25  }
0xb5: {  	s5 =	sshll.u32 s26, $0x1;
	_ =	strace $0x80000052;
	[dreg:$0x1] =	wrdreg $0xFFFFFFFF  }
0xb6: {  	s28 =	simm.s32 $_size_execute0_lowered;
	s3 =	sadd.s32 s3, s5;
	[dreg:$0x0] =	wrdreg $0x0  }
0xb7: {  	s5 =	sshll.u32 s28, $0x1;
	[dreg:$0x2] =	wrdreg s3  }
0xb8: {  	[dreg:$0x3] =	wrdreg s5  }
0xb9: {  	[dreg:$0x4] =	wrdreg $0xC0  }
0xba: {  	_ =	task [dreg:s22], $0x5FFFF  }
0xbb: {  	[dreg:$0x1] =	wrdreg $0xFFFFFFFF  }
0xbc: {  	[dreg:$0x0] =	wrdreg $0x60  }
0xbd: {  	[dreg:$0x2] =	wrdreg s24  }
0xbe: {  	[dreg:$0x3] =	wrdreg $0x65400  }
0xbf: {  	[dreg:$0x4] =	wrdreg $0xA  }
0xc0: {  	_ =	task.clear_ibuf [dreg:s22], $0x5FFFF;
	_ =	strace $0x90000052  }
0xc1: {  	s29 =	simm.s32 $0xA;
	_ =	strace $0x80000054  }
0xc2: {  	_ =	swait.ge [sflag:s29], $0x1  }
0xc3: {  	[sflag:s29] =	ssyncadd.s32 $0xFFFFFFFF  }
0xc4: {  	_ =	strace $0x90000054  }
0xc5: {  	_ =	sfence  }
0xc6: {  	s30 =	sld [smem:$0x0];
	_ =	sdelay $0x2  }
0xc7: {  	s31 =	sshll.u32 s1, $0xD;
	s1 =	sshrl.u32 s1, $0x2  }
0xc8: {  	s4 =	sand.u32 $0x4000, s31;
	s1 =	sadd.s32 s1, s30  }
0xc9: {  	s0 =	sor.u32 s4, s0;
	s1 =	sshll.u32 s1, $0x11  }
0xca: {  	s0 =	sor.u32 s1, s0  }
0xcb: {  	s0 =	sadd.s32 $0x8F2B, s0  }
0xcc: {  	[sflag:s0] =	ssyncadd.remote.s32 $0x1  }
0xcd: {  	_ =	sfence.sel $0xFFFF  }
0xce: {  	[dreg:$0x0] =	wrdreg $0xFFFFFFFF;
	(pc) =	sbr.abs _section_cstart, $3  }
0xcf: {  	[dreg:$0x1] =	wrdreg $0xFFFFFFFF  }
0xd0: {  	_ =	task.clear_ibuf [dreg:s22], $0x2FFFF;
	_ =	strace $0x9FFFFFFF  }
0xd1: {  	(tm) =	ssettm $0x7FFFFFFF  }
tec
execute0_lowered:
.L_overlay_start_1:
0x0: {  	(tag) =	ssettag $0x1  }
0x1: {  	s7 =	rddreg [dreg:$0x0]  }
0x2: {  	s2 =	rddreg [dreg:$0x1]  }
0x3: {  	s0 =	rddreg [dreg:$0x2]  }
0x4: {  	s3 =	simm.s32 $0x0;
	s1 =	stileid.u32;
	s4 =	srdreg.scid  }
0x5: {  	s17 =	simm.s32 $0x50;
	s18 =	simm.s32 $0x140;
	s19 =	simm.s32 $0x1  }
0x6: {  	s20 =	simm.s32 $0x0;
	[smem:$0x7FF] =	sst s3;
	s8 =	smul.u32 $0x19000, s1  }
0x7: {  	s9 =	sand.u32 $0x1, s4;
	s4 =	sadd.s32 $0xD1E00, s7;
	s5 =	sadd.s32 $0x16800, s7  }
0x8: {  	s6 =	sadd.s32 $0xCA00, s7;
	s31 =	sshll.u32 s1, $0x6;
	s16 =	smul.u32 $0x2710, s1  }
0x9: {  	_ =	strace $0x80000053;
	s10 =	smul.u32 $0x190000, s9;
	s12 =	sshll.u32 s9, $0x4  }
0xa: {  	s13 =	ssub.s32 $0x2, s9;
	s30 =	smul.u32 $0x27100, s9;
	s11 =	sshrl.u32 s8, $0x3  }
0xb: {  	s12 =	sor.u32 s1, s12;
	s26 =	sshrl.u32 s13, $0x1;
	s15 =	sadd.s32 s8, s2  }
0xc: {  	s11 =	sadd.s32 s11, s7;
	s10 =	sadd.s32 s8, s10;
	s28 =	smul.u32 $0x2710, s12  }
0xd: {  	s29 =	ssub.s32 s13, s26;
	s8 =	sor.u32 $0x1C02, s31;
	s13 =	sadd.s32 s16, s30  }
0xe: {  	s16 =	simm.s32 $0xA0;
	s10 =	sshrl.u32 s10, $0x3;
	s12 =	smax.u32 s29, $0x1  }
0xf: {  	s13 =	sadd.s32 $0x50, s13;
	s14 =	sadd.s32 s10, s7;
	s10 =	sshrl.u32 s28, $0x3  }
0x10: {  	s7 =	sadd.s32 $0x79400, s11;
	s9 =	sadd.s32 s5, s10;
	s10 =	sadd.s32 s6, s10  }
0x11: {  	s11 =	sadd.s32 $0x1EAC00, s14;
	s14 =	sshrl.u32 s15, $0x3;
	s15 =	simm.s32 $0x2  }
.LBB2_1:
0x12: {  	[spmem:s14], [sflag:s8] =	dma.local [hbm:s7], $0x3200  }
0x13: {  	_ =	swait.ge [sflag:s15], $0x3200  }
0x14: {  	[sflag:s15] =	ssyncset.done $0x0  }
0x15: {  	[sflag:s15] =	ssyncadd.s32 $0xFFFFCE00  }
0x16: {  	[bflag:$0x0] =	sbarrier.arrive $0xFFFF  }
0x17: {  	[tilespmem:s3], [sflag:$0x2] =	stream.linear.gather [hbm4b:s9+s3], $0x50, $0x38;
	[tilespmem:$0x1F540] =	vst v63  }
0x18: {  	_ =	swait.ge [sflag:s15], $0x50  }
0x19: {  	[sflag:s15] =	ssyncset.done $0x0  }
0x1a: {  	[sflag:s15] =	ssyncadd.s32 $0xFFFFFFB0  }
0x1b: {  	[tilespmem:s16], [sflag:$0x2] =	stream.linear.gather [hbm4b:s10+s3], $0x50, $0x38;
	[tilespmem:$0x1F540] =	vst v63  }
0x1c: {  	s21 =	sand.u32 $0x1, s3;
	_ =	swait.ge [sflag:s15], $0x50  }
0x1d: {  	s22 =	sxor.u32 $0x1, s21;
	[sflag:s15] =	ssyncset.done $0x0  }
0x1e: {  	s24 =	sshrl.u32 s13, $0x3;
	s23 =	smul.u32 $0x50, s22;
	[sflag:s15] =	ssyncadd.s32 $0xFFFFFFB0  }
0x1f: {  	[tilespmem:s18], [sflag:$0x1] =	stream.indirect.gather [hbm4b:s4+s17], $0xA0, s3, s17, $0xb8;
	[tilespmem:$0x1F540] =	vst v63  }
0x20: {  	s25 =	sadd.s32 s5, s24  }
0x21: {  	[tilespmem:s23], [sflag:$0x2] =	stream.linear.gather [hbm4b:s25+s3], $0x50, $0x38;
	[tilespmem:$0x1F540] =	vst v63  }
0x22: {  	_ =	swait.ge [sflag:s15], $0x50  }
0x23: {  	s24 =	sadd.s32 s6, s24;
	[sflag:s15] =	ssyncset.done $0x0  }
0x24: {  	s22 =	smul.u32 $0xC800, s22;
	s30 =	sadd.s32 $0xA0, s23;
	[sflag:s15] =	ssyncadd.s32 $0xFFFFFFB0  }
0x25: {  	[tilespmem:s30], [sflag:$0x2] =	stream.linear.gather [hbm4b:s24+s3], $0x50, $0x38;
	[tilespmem:$0x1F540] =	vst v63  }
0x26: {  	s31 =	smul.u32 $0xC800, s21;
	_ =	swait.ge [sflag:s15], $0x50  }
0x27: {  	s26 =	smul.u32 $0x140, s21;
	s22 =	sshrl.u32 s22, $0x2;
	[sflag:s15] =	ssyncset.done $0x0  }
0x28: {  	s21 =	simm.s32 $0x2;
	s29 =	sor.u32 $0x140, s22;
	[sflag:s15] =	ssyncadd.s32 $0xFFFFFFB0  }
0x29: {  	[tilespmem:s29], [sflag:$0x1] =	stream.indirect.gather [hbm4b:s4+s17], $0xA0, s23, s17, $0xb8;
	[tilespmem:$0x1F540] =	vst v63  }
0x2a: {  	s31 =	sshrl.u32 s31, $0x2;
	s30 =	sshrl.u32 s26, $0x2;
	_ =	swait.ge [sflag:s19], $0x3200  }
0x2b: {  	s24 =	simm.s32 $0x1;
	s22 =	sadd.s32 $0xA0, s30;
	[sflag:s19] =	ssyncset.done $0x0  }
0x2c: {  	s25 =	sand.u32 $0x1, s24;
	s23 =	sor.u32 $0x140, s31;
	[sflag:s19] =	ssyncadd.s32 $0xFFFFCE00  }
0x2d: {  	[spmem:s2] =	stream.indirect.scatter.add.f32 [tilespmem:s23], [sflag:$0x2], $0xA0, s22, s17, $0xb8;
	[tilespmem:$0x1F540] =	vst v63  }
0x2e: {  	s24 =	sadd.s32 $0x50, s13;
	s28 =	sxor.u32 $0x1, s25;
	s22 =	smul.u32 $0xC800, s25  }
0x2f: {  	s26 =	sshrl.u32 s24, $0x3;
	s23 =	smul.u32 $0x50, s28;
	_ =	swait.ge [sflag:s15], $0x3200  }
.LBB2_2:
0x30: {  	s29 =	sadd.s32 s5, s26  }
0x31: {  	s28 =	smul.u32 $0xC800, s28;
	[sflag:s15] =	ssyncset.done $0x0;
	s30 =	smov.u32 s21  }
0x32: {  	p0 =	sne.s32 s21, $0x7B;
	s25 =	smul.u32 $0x140, s25;
	[sflag:s15] =	ssyncadd.s32 $0xFFFFCE00  }
0x33: {  	[tilespmem:s23], [sflag:$0x2] =	stream.linear.gather [hbm4b:s29+s3], $0x50, $0x38;
	[tilespmem:$0x1F540] =	vst v63  }
0x34: {  	s21 =	sadd.s32 $0x1, s21;
	s25 =	sshrl.u32 s25, $0x2;
	_ =	swait.ge [sflag:s15], $0x50  }
0x35: {  	s26 =	sadd.s32 s6, s26;
	s29 =	sadd.s32 $0xA0, s23;
	[sflag:s15] =	ssyncset.done $0x0  }
0x36: {  	[sflag:s15] =	ssyncadd.s32 $0xFFFFFFB0  }
0x37: {  	[tilespmem:s29], [sflag:$0x2] =	stream.linear.gather [hbm4b:s26+s3], $0x50, $0x38;
	[tilespmem:$0x1F540] =	vst v63  }
0x38: {  	s26 =	sshrl.u32 s28, $0x2;
	_ =	swait.ge [sflag:s15], $0x50  }
0x39: {  	s26 =	sor.u32 $0x140, s26;
	[sflag:s15] =	ssyncset.done $0x0  }
0x3a: {  	s22 =	sshrl.u32 s22, $0x2;
	s24 =	sadd.s32 $0x50, s24;
	[sflag:s15] =	ssyncadd.s32 $0xFFFFFFB0  }
0x3b: {  	[tilespmem:s26], [sflag:$0x1] =	stream.indirect.gather [hbm4b:s4+s17], $0xA0, s23, s17, $0xb8;
	[tilespmem:$0x1F540] =	vst v63  }
.Ltmp0:
0x3c: {  	s23 =	sadd.s32 $0xA0, s25;
	_ =	swait.ge [sflag:s19], $0x3200;
	(pc) =	sbr.rel @p0 .LBB2_2-.Ltmp0, $4  }
0x3d: {  	s25 =	sand.u32 $0x1, s30;
	s26 =	sor.u32 $0x140, s22;
	[sflag:s19] =	ssyncset.done $0x0  }
0x3e: {  	s28 =	sxor.u32 $0x1, s25;
	s22 =	smul.u32 $0xC800, s25;
	[sflag:s19] =	ssyncadd.s32 $0xFFFFCE00  }
0x3f: {  	[spmem:s2] =	stream.indirect.scatter.add.f32 [tilespmem:s26], [sflag:$0x2], $0xA0, s23, s17, $0xb8;
	[tilespmem:$0x1F540] =	vst v63  }
0x40: {  	s23 =	smul.u32 $0x50, s28;
	s26 =	sshrl.u32 s24, $0x3;
	_ =	swait.ge [sflag:s15], $0x3200  }
0x41: {  	[sflag:s15] =	ssyncset.done $0x0  }
0x42: {  	s21 =	sadd.s32 s5, s26;
	[sflag:s15] =	ssyncadd.s32 $0xFFFFCE00  }
0x43: {  	[tilespmem:s23], [sflag:$0x2] =	stream.linear.gather [hbm4b:s21+s3], $0x50, $0x38;
	[tilespmem:$0x1F540] =	vst v63  }
0x44: {  	_ =	swait.ge [sflag:s15], $0x50  }
0x45: {  	s28 =	smul.u32 $0xC800, s28;
	[sflag:s15] =	ssyncset.done $0x0  }
0x46: {  	s29 =	sadd.s32 s6, s26;
	s24 =	sadd.s32 $0xA0, s23;
	[sflag:s15] =	ssyncadd.s32 $0xFFFFFFB0  }
0x47: {  	[tilespmem:s24], [sflag:$0x2] =	stream.linear.gather [hbm4b:s29+s3], $0x50, $0x38;
	[tilespmem:$0x1F540] =	vst v63  }
0x48: {  	_ =	swait.ge [sflag:s15], $0x50  }
0x49: {  	s21 =	sshrl.u32 s28, $0x2;
	[sflag:s15] =	ssyncset.done $0x0  }
0x4a: {  	s30 =	smul.u32 $0x140, s25;
	s21 =	sor.u32 $0x140, s21;
	[sflag:s15] =	ssyncadd.s32 $0xFFFFFFB0  }
0x4b: {  	[tilespmem:s21], [sflag:$0x1] =	stream.indirect.gather [hbm4b:s4+s17], $0xA0, s23, s17, $0xb8;
	[tilespmem:$0x1F540] =	vst v63  }
0x4c: {  	_ =	swait.ge [sflag:s19], $0x3200  }
0x4d: {  	s22 =	sshrl.u32 s22, $0x2;
	s31 =	sshrl.u32 s30, $0x2;
	[sflag:s19] =	ssyncset.done $0x0  }
0x4e: {  	s22 =	sor.u32 $0x140, s22;
	s21 =	sadd.s32 $0xA0, s31;
	[sflag:s19] =	ssyncadd.s32 $0xFFFFCE00  }
0x4f: {  	[spmem:s2] =	stream.indirect.scatter.add.f32 [tilespmem:s22], [sflag:$0x2], $0xA0, s21, s17, $0xb8;
	[tilespmem:$0x1F540] =	vst v63  }
0x50: {  	_ =	swait.ge [sflag:s15], $0x3200  }
0x51: {  	[sflag:s15] =	ssyncset.done $0x0  }
0x52: {  	[sflag:s15] =	ssyncadd.s32 $0xFFFFCE00  }
0x53: {  	_ =	swait.ge [sflag:s19], $0x3200  }
0x54: {  	[sflag:s19] =	ssyncset.done $0x0  }
0x55: {  	[sflag:s19] =	ssyncadd.s32 $0xFFFFCE00  }
0x56: {  	[spmem:s2] =	stream.indirect.scatter.add.f32 [tilespmem:s18], [sflag:$0x2], $0xA0, s16, s17, $0xb8;
	[tilespmem:$0x1F540] =	vst v63  }
0x57: {  	_ =	swait.ge [sflag:s15], $0x3200  }
0x58: {  	s20 =	sadd.s32 $0x1, s20;
	[sflag:s15] =	ssyncset.done $0x0  }
0x59: {  	p0 =	sne.s32 s20, s12;
	[sflag:s15] =	ssyncadd.s32 $0xFFFFCE00  }
.Ltmp1:
0x5a: {  	[bflag:$0x0] =	sbarrier.arrive $0xFFFF;
	(pc) =	sbr.rel @p0 .LBB2_1-.Ltmp1, $4  }
0x5b: {  	[hbm:s11], [sflag:s8] =	dma.local [spmem:s14], $0x3200  }
0x5c: {  	_ =	swait.ge [sflag:s15], $0x3200  }
0x5d: {  	[sflag:s15] =	ssyncset.done $0x0  }
0x5e: {  	[sflag:s15] =	ssyncadd.s32 $0xFFFFCE00  }
0x5f: {  	_ =	sfence.sel $0x180000  }
0x60: {  	[bflag:$0x0] =	sbarrier.arrive $0xFFFF  }
0x61: {  	p0 =	sne.s32 s1, $0x0;
	_ =	strace $0x90000053  }
0x62: {  	s0 =	sadd.s32 @!p0 $0x100000, s0;
	[bflag:$0x2] =	sbarrier.arrive $0xFFFF  }
0x63: {  	[sflag:s0] =	ssyncadd.tile.s32 @!p0 $0x1;
	_ =	shalt  }
.Lfunc_end2:
_tile_overlayer_lowered:
.L_overlay_start_2:
0x64: {  	(tag) =	ssettag $0x2  }
0x65: {  	s0 =	rddreg [dreg:$0x0];
	s2 =	stileid.u32  }
0x66: {  	s1 =	rddreg [dreg:$0x1];
	p0 =	sne.s32 s2, $0x0  }
0x67: {  	s3 =	rddreg [dreg:$0x2];
	[bflag:$0x3] =	sbarrier.arrive $0xFFFF;
	s2 =	simm.s32 @!p0 $0x1C02  }
0x68: {  	[timem:s3], [sflag:s2] =	dma.local @!p0 [hbm:s0], s1  }
0x69: {  	s0 =	simm.s32 @!p0 $0x2  }
0x6a: {  	_ =	swait.ge @!p0 [sflag:s0], s1  }
0x6b: {  	s1 =	ssub.s32 @!p0 $0x0, s1;
	[sflag:s0] =	ssyncset.done @!p0 $0x0  }
0x6c: {  	[sflag:s0] =	ssyncadd.s32 @!p0 s1  }
0x6d: {  	[bflag:$0x3] =	sbarrier.arrive $0xFFFF  }
0x6e: {  	_ =	shalt  }

// kernel: kernel.53.cloned.1.call-start
scs
__scs_entry_jumppad:
0x0: {  	(pc) =	sbr.rel $0x88, $3  }
0x1: {  	(tag) =	ssettag $0x0;
	lr =	simm.s32 $0x1  }
0x2: {  	[smem:$0x3F84] =	sst lr;
	_ =	strace $0xD0000000  }
0x3: {  	_ = 	snop  }
0x4: {  	_ = 	snop  }
0x5: {  	_ = 	snop  }
0x6: {  	_ = 	snop  }
0x7: {  	_ = 	snop  }
__scs_overlays_trampoline_lowered:
0x8: {  	[smem:$0x3F93] =	sst s0  }
0x9: {  	[smem:$0x3F94] =	sst s1  }
0xa: {  	[smem:$0x3F95] =	sst s2  }
0xb: {  	[smem:$0x3F96] =	sst s3  }
0xc: {  	[smem:$0x3F97] =	sst s4  }
0xd: {  	[smem:$0x3F98] =	sst s5  }
0xe: {  	[smem:$0x3F99] =	sst s6  }
0xf: {  	[smem:$0x3F9A] =	sst s7  }
0x10: {  	[smem:$0x3F9B] =	sst s8  }
0x11: {  	[smem:$0x3F9C] =	sst s9;
	s0 =	simm.s32 @!p0 $0x0  }
0x12: {  	s1 =	sld [smem:$0x3F82];
	s0 =	simm.s32 @p0 $0x1  }
0x13: {  	[smem:$0x3F9D] =	sst s0;
	s0 =	simm.s32 @!p1 $0x0  }
0x14: {  	s2 =	sld [smem:$0x3F81];
	s0 =	simm.s32 @p1 $0x1  }
0x15: {  	[smem:$0x3F9E] =	sst s0;
	s0 =	simm.s32 @!p2 $0x0  }
0x16: {  	s3 =	sld [smem:$0x3FDB];
	s0 =	simm.s32 @p2 $0x1  }
0x17: {  	s4 =	simm.s32 $0x1BF5;
	[smem:$0x3FA0] =	sst s0  }
0x18: {  	s0 =	sld [smem:$0x3F83];
	_ =	swait.ge [sflag:s4], $0x0  }
0x19: {  	s7 =	sld [smem:$0x3F84]  }
0x1a: {  	s8 =	sadd.s32 $0xFFFFE003, lr  }
0x1b: {  	s9 =	sadd.s32 $0xFFFFFEF7, lr;
	s5 =	simm.s32 $0xFFFFFFFF;
	p2 =	slt.u32 s8, $0xFFFFF086  }
0x1c: {  	p1 =	slt.u32 s9, $0xF7A;
	s5 =	simm.s32 @!p2 $0x0  }
0x1d: {  	s5 =	simm.s32 @p1 $0x1;
	p0 =	seq.s32 s7, s2  }
0x1e: {  	s7 =	smul.u32 @!p0 $0xF7A, s2;
	p2 =	seq.s32 @!p0 s5, $0x0  }
0x1f: {  	s9 =	smul.u32 $0xF7A, s1;
	s8 =	simm.s32 @!p0 $0x1BF5;
	p2 =	por !p2, p0  }
0x20: {  	[sflag:s8] =	ssyncset.s32 @!p0 $0xFFFFF086;
	s6 =	sadd.s32 @!p0 s3, s7;
	s7 =	simm.s32 @!p0 $0x108  }
0x21: {  	s3 =	sadd.s32 s3, s9;
	s6 =	sadd.s32 @!p0 $0x88, s6;
	s7 =	simm.s32 @p2 $0x1082  }
0x22: {  	[simem:s7], [sflag:s8] =	dma.local @!p0 [hbm:s6], $0xF7A  }
0x23: {  	s9 =	sor.u32 $0xD0000000, s2;
	s6 =	simm.s32 $0x108;
	_ =	swait.ge @!p0 [sflag:s8], $0x0  }
0x24: {  	s3 =	sadd.s32 $0x88, s3;
	s6 =	simm.s32 @!p1 $0x1082;
	[sflag:s4] =	ssyncset.s32 $0xFFFFF086  }
0x25: {  	[simem:s6], [sflag:s4] =	dma.local [hbm:s3], $0xF7A  }
0x26: {  	[smem:$0x3F84] =	sst s1;
	(tag) =	ssettag s2;
	_ =	strace s9  }
0x27: {  	s1 =	sld [smem:$0x3F94]  }
0x28: {  	s2 =	sld [smem:$0x3F95]  }
0x29: {  	s4 =	sld [smem:$0x3F97]  }
0x2a: {  	p0 =	seq.s32 s5, $0x0;
	s5 =	sld [smem:$0x3F98]  }
0x2b: {  	s6 =	sld [smem:$0x3F99]  }
0x2c: {  	s7 =	sld [smem:$0x3F9A]  }
0x2d: {  	s3 =	simm.s32 $0x108;
	s8 =	sld [smem:$0x3F9B]  }
0x2e: {  	s3 =	simm.s32 @!p0 $0x1082;
	s9 =	sld [smem:$0x3F9C]  }
0x2f: {  	lr =	sadd.s32 s0, s3;
	s0 =	sld [smem:$0x3F93]  }
0x30: {  	s3 =	sld [smem:$0x3F96]  }
0x31: {  	[smem:$0x3F9F] =	sst s10  }
0x32: {  	s10 =	sld [smem:$0x3F9D];
	_ =	sdelay $0x3  }
0x33: {  	p0 =	seq.s32 s10, $0x1;
	s10 =	sld [smem:$0x3F9F];
	_ =	sdelay $0x3  }
0x34: {  	[smem:$0x3F9F] =	sst s10  }
0x35: {  	s10 =	sld [smem:$0x3F9E];
	_ =	sdelay $0x3  }
0x36: {  	p1 =	seq.s32 s10, $0x1;
	s10 =	sld [smem:$0x3F9F];
	_ =	sdelay $0x3  }
0x37: {  	[smem:$0x3F9F] =	sst s10  }
0x38: {  	s10 =	sld [smem:$0x3FA0]  }
0x39: {  	_ = 	snop;
	(pc) =	sbr.ind lr, $3  }
0x3a: {  	_ = 	snop  }
0x3b: {  	_ = 	snop  }
0x3c: {  	p2 =	seq.s32 s10, $0x1;
	s10 =	sld [smem:$0x3F9F]  }
0x3d: {  	_ =	shalt  }
0x3e: {  	_ =	shalt  }
0x3f: {  	_ =	shalt  }
0x40: {  	_ =	shalt  }
0x41: {  	_ =	shalt  }
0x42: {  	_ =	shalt  }
0x43: {  	_ =	shalt  }
0x44: {  	_ =	shalt  }
0x45: {  	_ =	shalt  }
0x46: {  	_ =	shalt  }
0x47: {  	_ =	shalt  }
0x48: {  	_ =	shalt  }
0x49: {  	_ =	shalt  }
0x4a: {  	_ =	shalt  }
0x4b: {  	_ =	shalt  }
0x4c: {  	_ =	shalt  }
0x4d: {  	_ =	shalt  }
0x4e: {  	_ =	shalt  }
0x4f: {  	_ =	shalt  }
0x50: {  	_ =	shalt  }
0x51: {  	_ =	shalt  }
0x52: {  	_ =	shalt  }
0x53: {  	_ =	shalt  }
0x54: {  	_ =	shalt  }
0x55: {  	_ =	shalt  }
0x56: {  	_ =	shalt  }
0x57: {  	_ =	shalt  }
0x58: {  	_ =	shalt  }
0x59: {  	_ =	shalt  }
0x5a: {  	_ =	shalt  }
0x5b: {  	_ =	shalt  }
0x5c: {  	_ =	shalt  }
0x5d: {  	_ =	shalt  }
0x5e: {  	_ =	shalt  }
0x5f: {  	_ =	shalt  }
0x60: {  	_ =	shalt  }
0x61: {  	_ =	shalt  }
0x62: {  	_ =	shalt  }
0x63: {  	_ =	shalt  }
0x64: {  	_ =	shalt  }
0x65: {  	_ =	shalt  }
0x66: {  	_ =	shalt  }
0x67: {  	_ =	shalt  }
0x68: {  	_ =	shalt  }
0x69: {  	_ =	shalt  }
0x6a: {  	_ =	shalt  }
0x6b: {  	_ =	shalt  }
0x6c: {  	_ =	shalt  }
0x6d: {  	_ =	shalt  }
0x6e: {  	_ =	shalt  }
0x6f: {  	_ =	shalt  }
0x70: {  	_ =	shalt  }
0x71: {  	_ =	shalt  }
0x72: {  	_ =	shalt  }
0x73: {  	_ =	shalt  }
0x74: {  	_ =	shalt  }
0x75: {  	_ =	shalt  }
0x76: {  	_ =	shalt  }
0x77: {  	_ =	shalt  }
0x78: {  	_ =	shalt  }
0x79: {  	_ =	shalt  }
0x7a: {  	_ =	shalt  }
0x7b: {  	_ =	shalt  }
0x7c: {  	_ =	shalt  }
0x7d: {  	_ =	shalt  }
0x7e: {  	_ =	shalt  }
0x7f: {  	_ =	shalt  }
0x80: {  	_ =	shalt  }
0x81: {  	_ =	shalt  }
0x82: {  	_ =	shalt  }
0x83: {  	_ =	shalt  }
0x84: {  	_ =	shalt  }
0x85: {  	_ =	shalt  }
0x86: {  	_ =	shalt  }
0x87: {  	_ =	shalt  }
.Lfunc_end0:
.L_simem_size_0:
called_computation.8_lowered:
.L_overlay_start_0:
0x88: {  	s2 =	sld [smem:$0x3FD9]  }
0x89: {  	s3 =	sld [smem:$0x3FFE];
	_ =	sdelay $0x1  }
0x8a: {  	s1 =	srdreg.scid  }
0x8b: {  	s0 =	sand.u32 $0x1, s1  }
0x8c: {  	s17 =	sshll.u32 s0, $0xA;
	s2 =	sadd.s32 s3, s2  }
0x8d: {  	s2 =	sadd.s32 s2, s17  }
0x8e: {  	[smem:$0x3FAB] =	sst s2  }
0x8f: {  	_ = 	snop  }
0x90: {  	(tm) =	ssettm $0x1  }
0x91: {  	s18 =	sld [smem:$0x3FFB];
	_ =	sdelay $0x3  }
0x92: {  	_ =	strace s18  }
0x93: {  	s2 =	sld [smem:$0x3FFC];
	_ =	sdelay $0x3  }
0x94: {  	_ =	strace s2  }
0x95: {  	s2 =	sld [smem:$0x3FFD];
	_ =	sdelay $0x3  }
0x96: {  	_ =	strace s2  }
0x97: {  	_ =	strace $0x8FFFFFFF  }
0x98: {  	s19 =	sld [smem:$0x3FDB];
	_ =	sdelay $0x1  }
0x99: {  	s20 =	simm.s32 $_scs_section_size  }
0x9a: {  	s4 =	simm.s32 $_size__tile_overlayer_lowered;
	s5 =	simm.s32 $_tile_overlayer_lowered  }
0x9b: {  	s6 =	simm.s32 $0x1BFF;
	s21 =	sshll.u32 s5, $0x1;
	s3 =	sadd.s32 s20, s19  }
0x9c: {  	s22 =	simm.s32 $0x0;
	s4 =	sshll.u32 s4, $0x1;
	s5 =	sadd.s32 s21, s3  }
0x9d: {  	[timem:s22], [sflag:s6] =	dma.local [hbm:s5], s4  }
0x9e: {  	_ =	swait.ge [sflag:s6], s4  }
0x9f: {  	s4 =	ssub.s32 $0x0, s4;
	[sflag:s6] =	ssyncset.done $0x0  }
0xa0: {  	[sflag:s6] =	ssyncadd.s32 s4;
	_ =	sdelay $0x1  }
0xa1: {  	s23 =	simm.s32 $0x1B8B  }
0xa2: {  	_ =	swait.ge [sflag:s23], $0x1  }
0xa3: {  	[sflag:s23] =	ssyncset.done $0x0  }
0xa4: {  	[sflag:s23] =	ssyncadd.s32 $0xFFFFFFFF  }
0xa5: {  	s4 =	sld [smem:$0x0]  }
0xa6: {  	s5 =	sand.u32 $0xFFFFFFFE, s1  }
0xa7: {  	p0 =	sne.s32 s1, s5  }
0xa8: {  	s5 =	sshll.u32 @p0 s5, $0xE  }
0xa9: {  	s5 =	sadd.s32 @p0 $0x11B8D, s5;
	s6 =	sshll.u32 @p0 s4, $0x11  }
0xaa: {  	s5 =	sor.u32 @p0 s6, s5  }
0xab: {  	[sflag:s5] =	ssyncadd.remote.s32 @p0 $0x1;
	_ =	sdelay $0x1  }
0xac: {  	s5 =	simm.s32 @p0 $0x1B8D  }
0xad: {  	_ =	swait.eq @p0 [sflag:s5], $0x1  }
0xae: {  	[sflag:s5] =	ssyncadd.s32 @p0 $0xFFFFFFFF  }
0xaf: {  	s6 =	sshll.u32 @!p0 s1, $0xE  }
0xb0: {  	s6 =	sor.u32 @!p0 $0x4000, s6;
	s5 =	simm.s32 @!p0 $0x1B8D  }
0xb1: {  	s4 =	sshll.u32 @!p0 s4, $0x11;
	s6 =	sadd.s32 @!p0 $0x11B8D, s6;
	_ =	swait.eq @!p0 [sflag:s5], $0x1  }
0xb2: {  	s4 =	sor.u32 @!p0 s4, s6;
	[sflag:s5] =	ssyncadd.s32 @!p0 $0xFFFFFFFF  }
0xb3: {  	s25 =	simm.s32 $0x1B8E;
	s24 =	sld [smem:$0x3FFE];
	[sflag:s4] =	ssyncadd.remote.s32 @!p0 $0x1  }
0xb4: {  	s26 =	simm.s32 $execute0_lowered;
	[smem:$0x3FD2] =	sst s25  }
0xb5: {  	s5 =	sshll.u32 s26, $0x1;
	_ =	strace $0x80000058;
	[dreg:$0x1] =	wrdreg $0xFFFFFFFF  }
0xb6: {  	s28 =	simm.s32 $_size_execute0_lowered;
	s3 =	sadd.s32 s3, s5;
	[dreg:$0x0] =	wrdreg $0x0  }
0xb7: {  	s5 =	sshll.u32 s28, $0x1;
	[dreg:$0x2] =	wrdreg s3  }
0xb8: {  	[dreg:$0x3] =	wrdreg s5  }
0xb9: {  	[dreg:$0x4] =	wrdreg $0xC0  }
0xba: {  	_ =	task [dreg:s22], $0x5FFFF  }
0xbb: {  	[dreg:$0x1] =	wrdreg $0xFFFFFFFF  }
0xbc: {  	[dreg:$0x0] =	wrdreg $0x60  }
0xbd: {  	[dreg:$0x2] =	wrdreg s24  }
0xbe: {  	[dreg:$0x3] =	wrdreg $0x65400  }
0xbf: {  	[dreg:$0x4] =	wrdreg $0x9  }
0xc0: {  	_ =	task.clear_ibuf [dreg:s22], $0x5FFFF;
	_ =	strace $0x90000058  }
0xc1: {  	s29 =	simm.s32 $0x9;
	_ =	strace $0x8000005A  }
0xc2: {  	_ =	swait.ge [sflag:s29], $0x1  }
0xc3: {  	[sflag:s29] =	ssyncadd.s32 $0xFFFFFFFF  }
0xc4: {  	_ =	strace $0x9000005A  }
0xc5: {  	_ =	sfence  }
0xc6: {  	s30 =	sld [smem:$0x0];
	_ =	sdelay $0x2  }
0xc7: {  	s31 =	sshll.u32 s1, $0xD;
	s1 =	sshrl.u32 s1, $0x2  }
0xc8: {  	s4 =	sand.u32 $0x4000, s31;
	s1 =	sadd.s32 s1, s30  }
0xc9: {  	s0 =	sor.u32 s4, s0;
	s1 =	sshll.u32 s1, $0x11  }
0xca: {  	s0 =	sor.u32 s1, s0  }
0xcb: {  	s0 =	sadd.s32 $0x8F2B, s0  }
0xcc: {  	[sflag:s0] =	ssyncadd.remote.s32 $0x1  }
0xcd: {  	_ =	sfence.sel $0xFFFF  }
0xce: {  	[dreg:$0x0] =	wrdreg $0xFFFFFFFF;
	(pc) =	sbr.abs _section_cstart, $3  }
0xcf: {  	[dreg:$0x1] =	wrdreg $0xFFFFFFFF  }
0xd0: {  	_ =	task.clear_ibuf [dreg:s22], $0x2FFFF;
	_ =	strace $0x9FFFFFFF  }
0xd1: {  	(tm) =	ssettm $0x7FFFFFFF  }
tec
execute0_lowered:
.L_overlay_start_1:
0x0: {  	(tag) =	ssettag $0x1  }
0x1: {  	s7 =	rddreg [dreg:$0x0]  }
0x2: {  	s2 =	rddreg [dreg:$0x1]  }
0x3: {  	s0 =	rddreg [dreg:$0x2]  }
0x4: {  	s3 =	simm.s32 $0x0;
	s1 =	stileid.u32;
	s4 =	srdreg.scid  }
0x5: {  	s17 =	simm.s32 $0x50;
	s18 =	simm.s32 $0x140;
	s19 =	simm.s32 $0x1  }
0x6: {  	s20 =	simm.s32 $0x0;
	[smem:$0x7FF] =	sst s3;
	s8 =	smul.u32 $0x19000, s1  }
0x7: {  	s9 =	sand.u32 $0x1, s4;
	s4 =	sadd.s32 $0xAB400, s7;
	s5 =	sadd.s32 $0x16800, s7  }
0x8: {  	s6 =	sadd.s32 $0xCA00, s7;
	s31 =	sshll.u32 s1, $0x6;
	s16 =	smul.u32 $0x2710, s1  }
0x9: {  	_ =	strace $0x80000059;
	s10 =	smul.u32 $0x190000, s9;
	s12 =	sshll.u32 s9, $0x4  }
0xa: {  	s13 =	ssub.s32 $0x2, s9;
	s30 =	smul.u32 $0x27100, s9;
	s11 =	sshrl.u32 s8, $0x3  }
0xb: {  	s12 =	sor.u32 s1, s12;
	s26 =	sshrl.u32 s13, $0x1;
	s15 =	sadd.s32 s8, s2  }
0xc: {  	s11 =	sadd.s32 s11, s7;
	s10 =	sadd.s32 s8, s10;
	s28 =	smul.u32 $0x2710, s12  }
0xd: {  	s29 =	ssub.s32 s13, s26;
	s8 =	sor.u32 $0x1C02, s31;
	s13 =	sadd.s32 s16, s30  }
0xe: {  	s16 =	simm.s32 $0xA0;
	s10 =	sshrl.u32 s10, $0x3;
	s12 =	smax.u32 s29, $0x1  }
0xf: {  	s13 =	sadd.s32 $0x50, s13;
	s14 =	sadd.s32 s10, s7;
	s10 =	sshrl.u32 s28, $0x3  }
0x10: {  	s7 =	sadd.s32 $0x79400, s11;
	s9 =	sadd.s32 s5, s10;
	s10 =	sadd.s32 s6, s10  }
0x11: {  	s11 =	sadd.s32 $0x2E3A00, s14;
	s14 =	sshrl.u32 s15, $0x3;
	s15 =	simm.s32 $0x2  }
.LBB2_1:
0x12: {  	[spmem:s14], [sflag:s8] =	dma.local [hbm:s7], $0x3200  }
0x13: {  	_ =	swait.ge [sflag:s15], $0x3200  }
0x14: {  	[sflag:s15] =	ssyncset.done $0x0  }
0x15: {  	[sflag:s15] =	ssyncadd.s32 $0xFFFFCE00  }
0x16: {  	[bflag:$0x0] =	sbarrier.arrive $0xFFFF  }
0x17: {  	[tilespmem:s3], [sflag:$0x2] =	stream.linear.gather [hbm4b:s9+s3], $0x50, $0x38;
	[tilespmem:$0x1F540] =	vst v63  }
0x18: {  	_ =	swait.ge [sflag:s15], $0x50  }
0x19: {  	[sflag:s15] =	ssyncset.done $0x0  }
0x1a: {  	[sflag:s15] =	ssyncadd.s32 $0xFFFFFFB0  }
0x1b: {  	[tilespmem:s16], [sflag:$0x2] =	stream.linear.gather [hbm4b:s10+s3], $0x50, $0x38;
	[tilespmem:$0x1F540] =	vst v63  }
0x1c: {  	s21 =	sand.u32 $0x1, s3;
	_ =	swait.ge [sflag:s15], $0x50  }
0x1d: {  	s22 =	sxor.u32 $0x1, s21;
	[sflag:s15] =	ssyncset.done $0x0  }
0x1e: {  	s24 =	sshrl.u32 s13, $0x3;
	s23 =	smul.u32 $0x50, s22;
	[sflag:s15] =	ssyncadd.s32 $0xFFFFFFB0  }
0x1f: {  	[tilespmem:s18], [sflag:$0x1] =	stream.indirect.gather [hbm4b:s4+s17], $0xA0, s3, s17, $0xb8;
	[tilespmem:$0x1F540] =	vst v63  }
0x20: {  	s25 =	sadd.s32 s5, s24  }
0x21: {  	[tilespmem:s23], [sflag:$0x2] =	stream.linear.gather [hbm4b:s25+s3], $0x50, $0x38;
	[tilespmem:$0x1F540] =	vst v63  }
0x22: {  	_ =	swait.ge [sflag:s15], $0x50  }
0x23: {  	s24 =	sadd.s32 s6, s24;
	[sflag:s15] =	ssyncset.done $0x0  }
0x24: {  	s22 =	smul.u32 $0xC800, s22;
	s30 =	sadd.s32 $0xA0, s23;
	[sflag:s15] =	ssyncadd.s32 $0xFFFFFFB0  }
0x25: {  	[tilespmem:s30], [sflag:$0x2] =	stream.linear.gather [hbm4b:s24+s3], $0x50, $0x38;
	[tilespmem:$0x1F540] =	vst v63  }
0x26: {  	s31 =	smul.u32 $0xC800, s21;
	_ =	swait.ge [sflag:s15], $0x50  }
0x27: {  	s26 =	smul.u32 $0x140, s21;
	s22 =	sshrl.u32 s22, $0x2;
	[sflag:s15] =	ssyncset.done $0x0  }
0x28: {  	s21 =	simm.s32 $0x2;
	s29 =	sor.u32 $0x140, s22;
	[sflag:s15] =	ssyncadd.s32 $0xFFFFFFB0  }
0x29: {  	[tilespmem:s29], [sflag:$0x1] =	stream.indirect.gather [hbm4b:s4+s17], $0xA0, s23, s17, $0xb8;
	[tilespmem:$0x1F540] =	vst v63  }
0x2a: {  	s31 =	sshrl.u32 s31, $0x2;
	s30 =	sshrl.u32 s26, $0x2;
	_ =	swait.ge [sflag:s19], $0x3200  }
0x2b: {  	s24 =	simm.s32 $0x1;
	s22 =	sadd.s32 $0xA0, s30;
	[sflag:s19] =	ssyncset.done $0x0  }
0x2c: {  	s25 =	sand.u32 $0x1, s24;
	s23 =	sor.u32 $0x140, s31;
	[sflag:s19] =	ssyncadd.s32 $0xFFFFCE00  }
0x2d: {  	[spmem:s2] =	stream.indirect.scatter.add.f32 [tilespmem:s23], [sflag:$0x2], $0xA0, s22, s17, $0xb8;
	[tilespmem:$0x1F540] =	vst v63  }
0x2e: {  	s24 =	sadd.s32 $0x50, s13;
	s28 =	sxor.u32 $0x1, s25;
	s22 =	smul.u32 $0xC800, s25  }
0x2f: {  	s26 =	sshrl.u32 s24, $0x3;
	s23 =	smul.u32 $0x50, s28;
	_ =	swait.ge [sflag:s15], $0x3200  }
.LBB2_2:
0x30: {  	s29 =	sadd.s32 s5, s26  }
0x31: {  	s28 =	smul.u32 $0xC800, s28;
	[sflag:s15] =	ssyncset.done $0x0;
	s30 =	smov.u32 s21  }
0x32: {  	p0 =	sne.s32 s21, $0x7B;
	s25 =	smul.u32 $0x140, s25;
	[sflag:s15] =	ssyncadd.s32 $0xFFFFCE00  }
0x33: {  	[tilespmem:s23], [sflag:$0x2] =	stream.linear.gather [hbm4b:s29+s3], $0x50, $0x38;
	[tilespmem:$0x1F540] =	vst v63  }
0x34: {  	s21 =	sadd.s32 $0x1, s21;
	s25 =	sshrl.u32 s25, $0x2;
	_ =	swait.ge [sflag:s15], $0x50  }
0x35: {  	s26 =	sadd.s32 s6, s26;
	s29 =	sadd.s32 $0xA0, s23;
	[sflag:s15] =	ssyncset.done $0x0  }
0x36: {  	[sflag:s15] =	ssyncadd.s32 $0xFFFFFFB0  }
0x37: {  	[tilespmem:s29], [sflag:$0x2] =	stream.linear.gather [hbm4b:s26+s3], $0x50, $0x38;
	[tilespmem:$0x1F540] =	vst v63  }
0x38: {  	s26 =	sshrl.u32 s28, $0x2;
	_ =	swait.ge [sflag:s15], $0x50  }
0x39: {  	s26 =	sor.u32 $0x140, s26;
	[sflag:s15] =	ssyncset.done $0x0  }
0x3a: {  	s22 =	sshrl.u32 s22, $0x2;
	s24 =	sadd.s32 $0x50, s24;
	[sflag:s15] =	ssyncadd.s32 $0xFFFFFFB0  }
0x3b: {  	[tilespmem:s26], [sflag:$0x1] =	stream.indirect.gather [hbm4b:s4+s17], $0xA0, s23, s17, $0xb8;
	[tilespmem:$0x1F540] =	vst v63  }
.Ltmp0:
0x3c: {  	s23 =	sadd.s32 $0xA0, s25;
	_ =	swait.ge [sflag:s19], $0x3200;
	(pc) =	sbr.rel @p0 .LBB2_2-.Ltmp0, $4  }
0x3d: {  	s25 =	sand.u32 $0x1, s30;
	s26 =	sor.u32 $0x140, s22;
	[sflag:s19] =	ssyncset.done $0x0  }
0x3e: {  	s28 =	sxor.u32 $0x1, s25;
	s22 =	smul.u32 $0xC800, s25;
	[sflag:s19] =	ssyncadd.s32 $0xFFFFCE00  }
0x3f: {  	[spmem:s2] =	stream.indirect.scatter.add.f32 [tilespmem:s26], [sflag:$0x2], $0xA0, s23, s17, $0xb8;
	[tilespmem:$0x1F540] =	vst v63  }
0x40: {  	s23 =	smul.u32 $0x50, s28;
	s26 =	sshrl.u32 s24, $0x3;
	_ =	swait.ge [sflag:s15], $0x3200  }
0x41: {  	[sflag:s15] =	ssyncset.done $0x0  }
0x42: {  	s21 =	sadd.s32 s5, s26;
	[sflag:s15] =	ssyncadd.s32 $0xFFFFCE00  }
0x43: {  	[tilespmem:s23], [sflag:$0x2] =	stream.linear.gather [hbm4b:s21+s3], $0x50, $0x38;
	[tilespmem:$0x1F540] =	vst v63  }
0x44: {  	_ =	swait.ge [sflag:s15], $0x50  }
0x45: {  	s28 =	smul.u32 $0xC800, s28;
	[sflag:s15] =	ssyncset.done $0x0  }
0x46: {  	s29 =	sadd.s32 s6, s26;
	s24 =	sadd.s32 $0xA0, s23;
	[sflag:s15] =	ssyncadd.s32 $0xFFFFFFB0  }
0x47: {  	[tilespmem:s24], [sflag:$0x2] =	stream.linear.gather [hbm4b:s29+s3], $0x50, $0x38;
	[tilespmem:$0x1F540] =	vst v63  }
0x48: {  	_ =	swait.ge [sflag:s15], $0x50  }
0x49: {  	s21 =	sshrl.u32 s28, $0x2;
	[sflag:s15] =	ssyncset.done $0x0  }
0x4a: {  	s30 =	smul.u32 $0x140, s25;
	s21 =	sor.u32 $0x140, s21;
	[sflag:s15] =	ssyncadd.s32 $0xFFFFFFB0  }
0x4b: {  	[tilespmem:s21], [sflag:$0x1] =	stream.indirect.gather [hbm4b:s4+s17], $0xA0, s23, s17, $0xb8;
	[tilespmem:$0x1F540] =	vst v63  }
0x4c: {  	_ =	swait.ge [sflag:s19], $0x3200  }
0x4d: {  	s22 =	sshrl.u32 s22, $0x2;
	s31 =	sshrl.u32 s30, $0x2;
	[sflag:s19] =	ssyncset.done $0x0  }
0x4e: {  	s22 =	sor.u32 $0x140, s22;
	s21 =	sadd.s32 $0xA0, s31;
	[sflag:s19] =	ssyncadd.s32 $0xFFFFCE00  }
0x4f: {  	[spmem:s2] =	stream.indirect.scatter.add.f32 [tilespmem:s22], [sflag:$0x2], $0xA0, s21, s17, $0xb8;
	[tilespmem:$0x1F540] =	vst v63  }
0x50: {  	_ =	swait.ge [sflag:s15], $0x3200  }
0x51: {  	[sflag:s15] =	ssyncset.done $0x0  }
0x52: {  	[sflag:s15] =	ssyncadd.s32 $0xFFFFCE00  }
0x53: {  	_ =	swait.ge [sflag:s19], $0x3200  }
0x54: {  	[sflag:s19] =	ssyncset.done $0x0  }
0x55: {  	[sflag:s19] =	ssyncadd.s32 $0xFFFFCE00  }
0x56: {  	[spmem:s2] =	stream.indirect.scatter.add.f32 [tilespmem:s18], [sflag:$0x2], $0xA0, s16, s17, $0xb8;
	[tilespmem:$0x1F540] =	vst v63  }
0x57: {  	_ =	swait.ge [sflag:s15], $0x3200  }
0x58: {  	s20 =	sadd.s32 $0x1, s20;
	[sflag:s15] =	ssyncset.done $0x0  }
0x59: {  	p0 =	sne.s32 s20, s12;
	[sflag:s15] =	ssyncadd.s32 $0xFFFFCE00  }
.Ltmp1:
0x5a: {  	[bflag:$0x0] =	sbarrier.arrive $0xFFFF;
	(pc) =	sbr.rel @p0 .LBB2_1-.Ltmp1, $4  }
0x5b: {  	[hbm:s11], [sflag:s8] =	dma.local [spmem:s14], $0x3200  }
0x5c: {  	_ =	swait.ge [sflag:s15], $0x3200  }
0x5d: {  	[sflag:s15] =	ssyncset.done $0x0  }
0x5e: {  	[sflag:s15] =	ssyncadd.s32 $0xFFFFCE00  }
0x5f: {  	_ =	sfence.sel $0x180000  }
0x60: {  	[bflag:$0x0] =	sbarrier.arrive $0xFFFF  }
0x61: {  	p0 =	sne.s32 s1, $0x0;
	_ =	strace $0x90000059  }
0x62: {  	s0 =	sadd.s32 @!p0 $0x100000, s0;
	[bflag:$0x2] =	sbarrier.arrive $0xFFFF  }
0x63: {  	[sflag:s0] =	ssyncadd.tile.s32 @!p0 $0x1;
	_ =	shalt  }
.Lfunc_end2:
_tile_overlayer_lowered:
.L_overlay_start_2:
0x64: {  	(tag) =	ssettag $0x2  }
0x65: {  	s0 =	rddreg [dreg:$0x0];
	s2 =	stileid.u32  }
0x66: {  	s1 =	rddreg [dreg:$0x1];
	p0 =	sne.s32 s2, $0x0  }
0x67: {  	s3 =	rddreg [dreg:$0x2];
	[bflag:$0x3] =	sbarrier.arrive $0xFFFF;
	s2 =	simm.s32 @!p0 $0x1C02  }
0x68: {  	[timem:s3], [sflag:s2] =	dma.local @!p0 [hbm:s0], s1  }
0x69: {  	s0 =	simm.s32 @!p0 $0x2  }
0x6a: {  	_ =	swait.ge @!p0 [sflag:s0], s1  }
0x6b: {  	s1 =	ssub.s32 @!p0 $0x0, s1;
	[sflag:s0] =	ssyncset.done @!p0 $0x0  }
0x6c: {  	[sflag:s0] =	ssyncadd.s32 @!p0 s1  }
0x6d: {  	[bflag:$0x3] =	sbarrier.arrive $0xFFFF  }
0x6e: {  	_ =	shalt  }

// kernel: kernel.56.cloned.1.call-start
scs
__scs_entry_jumppad:
0x0: {  	(pc) =	sbr.rel $0x88, $3  }
0x1: {  	(tag) =	ssettag $0x0;
	lr =	simm.s32 $0x1  }
0x2: {  	[smem:$0x3F84] =	sst lr;
	_ =	strace $0xD0000000  }
0x3: {  	_ = 	snop  }
0x4: {  	_ = 	snop  }
0x5: {  	_ = 	snop  }
0x6: {  	_ = 	snop  }
0x7: {  	_ = 	snop  }
__scs_overlays_trampoline_lowered:
0x8: {  	[smem:$0x3F93] =	sst s0  }
0x9: {  	[smem:$0x3F94] =	sst s1  }
0xa: {  	[smem:$0x3F95] =	sst s2  }
0xb: {  	[smem:$0x3F96] =	sst s3  }
0xc: {  	[smem:$0x3F97] =	sst s4  }
0xd: {  	[smem:$0x3F98] =	sst s5  }
0xe: {  	[smem:$0x3F99] =	sst s6  }
0xf: {  	[smem:$0x3F9A] =	sst s7  }
0x10: {  	[smem:$0x3F9B] =	sst s8  }
0x11: {  	[smem:$0x3F9C] =	sst s9;
	s0 =	simm.s32 @!p0 $0x0  }
0x12: {  	s1 =	sld [smem:$0x3F82];
	s0 =	simm.s32 @p0 $0x1  }
0x13: {  	[smem:$0x3F9D] =	sst s0;
	s0 =	simm.s32 @!p1 $0x0  }
0x14: {  	s2 =	sld [smem:$0x3F81];
	s0 =	simm.s32 @p1 $0x1  }
0x15: {  	[smem:$0x3F9E] =	sst s0;
	s0 =	simm.s32 @!p2 $0x0  }
0x16: {  	s3 =	sld [smem:$0x3FDB];
	s0 =	simm.s32 @p2 $0x1  }
0x17: {  	s4 =	simm.s32 $0x1BF5;
	[smem:$0x3FA0] =	sst s0  }
0x18: {  	s0 =	sld [smem:$0x3F83];
	_ =	swait.ge [sflag:s4], $0x0  }
0x19: {  	s7 =	sld [smem:$0x3F84]  }
0x1a: {  	s8 =	sadd.s32 $0xFFFFE003, lr  }
0x1b: {  	s9 =	sadd.s32 $0xFFFFFEF7, lr;
	s5 =	simm.s32 $0xFFFFFFFF;
	p2 =	slt.u32 s8, $0xFFFFF086  }
0x1c: {  	p1 =	slt.u32 s9, $0xF7A;
	s5 =	simm.s32 @!p2 $0x0  }
0x1d: {  	s5 =	simm.s32 @p1 $0x1;
	p0 =	seq.s32 s7, s2  }
0x1e: {  	s7 =	smul.u32 @!p0 $0xF7A, s2;
	p2 =	seq.s32 @!p0 s5, $0x0  }
0x1f: {  	s9 =	smul.u32 $0xF7A, s1;
	s8 =	simm.s32 @!p0 $0x1BF5;
	p2 =	por !p2, p0  }
0x20: {  	[sflag:s8] =	ssyncset.s32 @!p0 $0xFFFFF086;
	s6 =	sadd.s32 @!p0 s3, s7;
	s7 =	simm.s32 @!p0 $0x108  }
0x21: {  	s3 =	sadd.s32 s3, s9;
	s6 =	sadd.s32 @!p0 $0x88, s6;
	s7 =	simm.s32 @p2 $0x1082  }
0x22: {  	[simem:s7], [sflag:s8] =	dma.local @!p0 [hbm:s6], $0xF7A  }
0x23: {  	s9 =	sor.u32 $0xD0000000, s2;
	s6 =	simm.s32 $0x108;
	_ =	swait.ge @!p0 [sflag:s8], $0x0  }
0x24: {  	s3 =	sadd.s32 $0x88, s3;
	s6 =	simm.s32 @!p1 $0x1082;
	[sflag:s4] =	ssyncset.s32 $0xFFFFF086  }
0x25: {  	[simem:s6], [sflag:s4] =	dma.local [hbm:s3], $0xF7A  }
0x26: {  	[smem:$0x3F84] =	sst s1;
	(tag) =	ssettag s2;
	_ =	strace s9  }
0x27: {  	s1 =	sld [smem:$0x3F94]  }
0x28: {  	s2 =	sld [smem:$0x3F95]  }
0x29: {  	s4 =	sld [smem:$0x3F97]  }
0x2a: {  	p0 =	seq.s32 s5, $0x0;
	s5 =	sld [smem:$0x3F98]  }
0x2b: {  	s6 =	sld [smem:$0x3F99]  }
0x2c: {  	s7 =	sld [smem:$0x3F9A]  }
0x2d: {  	s3 =	simm.s32 $0x108;
	s8 =	sld [smem:$0x3F9B]  }
0x2e: {  	s3 =	simm.s32 @!p0 $0x1082;
	s9 =	sld [smem:$0x3F9C]  }
0x2f: {  	lr =	sadd.s32 s0, s3;
	s0 =	sld [smem:$0x3F93]  }
0x30: {  	s3 =	sld [smem:$0x3F96]  }
0x31: {  	[smem:$0x3F9F] =	sst s10  }
0x32: {  	s10 =	sld [smem:$0x3F9D];
	_ =	sdelay $0x3  }
0x33: {  	p0 =	seq.s32 s10, $0x1;
	s10 =	sld [smem:$0x3F9F];
	_ =	sdelay $0x3  }
0x34: {  	[smem:$0x3F9F] =	sst s10  }
0x35: {  	s10 =	sld [smem:$0x3F9E];
	_ =	sdelay $0x3  }
0x36: {  	p1 =	seq.s32 s10, $0x1;
	s10 =	sld [smem:$0x3F9F];
	_ =	sdelay $0x3  }
0x37: {  	[smem:$0x3F9F] =	sst s10  }
0x38: {  	s10 =	sld [smem:$0x3FA0]  }
0x39: {  	_ = 	snop;
	(pc) =	sbr.ind lr, $3  }
0x3a: {  	_ = 	snop  }
0x3b: {  	_ = 	snop  }
0x3c: {  	p2 =	seq.s32 s10, $0x1;
	s10 =	sld [smem:$0x3F9F]  }
0x3d: {  	_ =	shalt  }
0x3e: {  	_ =	shalt  }
0x3f: {  	_ =	shalt  }
0x40: {  	_ =	shalt  }
0x41: {  	_ =	shalt  }
0x42: {  	_ =	shalt  }
0x43: {  	_ =	shalt  }
0x44: {  	_ =	shalt  }
0x45: {  	_ =	shalt  }
0x46: {  	_ =	shalt  }
0x47: {  	_ =	shalt  }
0x48: {  	_ =	shalt  }
0x49: {  	_ =	shalt  }
0x4a: {  	_ =	shalt  }
0x4b: {  	_ =	shalt  }
0x4c: {  	_ =	shalt  }
0x4d: {  	_ =	shalt  }
0x4e: {  	_ =	shalt  }
0x4f: {  	_ =	shalt  }
0x50: {  	_ =	shalt  }
0x51: {  	_ =	shalt  }
0x52: {  	_ =	shalt  }
0x53: {  	_ =	shalt  }
0x54: {  	_ =	shalt  }
0x55: {  	_ =	shalt  }
0x56: {  	_ =	shalt  }
0x57: {  	_ =	shalt  }
0x58: {  	_ =	shalt  }
0x59: {  	_ =	shalt  }
0x5a: {  	_ =	shalt  }
0x5b: {  	_ =	shalt  }
0x5c: {  	_ =	shalt  }
0x5d: {  	_ =	shalt  }
0x5e: {  	_ =	shalt  }
0x5f: {  	_ =	shalt  }
0x60: {  	_ =	shalt  }
0x61: {  	_ =	shalt  }
0x62: {  	_ =	shalt  }
0x63: {  	_ =	shalt  }
0x64: {  	_ =	shalt  }
0x65: {  	_ =	shalt  }
0x66: {  	_ =	shalt  }
0x67: {  	_ =	shalt  }
0x68: {  	_ =	shalt  }
0x69: {  	_ =	shalt  }
0x6a: {  	_ =	shalt  }
0x6b: {  	_ =	shalt  }
0x6c: {  	_ =	shalt  }
0x6d: {  	_ =	shalt  }
0x6e: {  	_ =	shalt  }
0x6f: {  	_ =	shalt  }
0x70: {  	_ =	shalt  }
0x71: {  	_ =	shalt  }
0x72: {  	_ =	shalt  }
0x73: {  	_ =	shalt  }
0x74: {  	_ =	shalt  }
0x75: {  	_ =	shalt  }
0x76: {  	_ =	shalt  }
0x77: {  	_ =	shalt  }
0x78: {  	_ =	shalt  }
0x79: {  	_ =	shalt  }
0x7a: {  	_ =	shalt  }
0x7b: {  	_ =	shalt  }
0x7c: {  	_ =	shalt  }
0x7d: {  	_ =	shalt  }
0x7e: {  	_ =	shalt  }
0x7f: {  	_ =	shalt  }
0x80: {  	_ =	shalt  }
0x81: {  	_ =	shalt  }
0x82: {  	_ =	shalt  }
0x83: {  	_ =	shalt  }
0x84: {  	_ =	shalt  }
0x85: {  	_ =	shalt  }
0x86: {  	_ =	shalt  }
0x87: {  	_ =	shalt  }
.Lfunc_end0:
.L_simem_size_0:
called_computation.9_lowered:
.L_overlay_start_0:
0x88: {  	s2 =	sld [smem:$0x3FD9]  }
0x89: {  	s3 =	sld [smem:$0x3FFE];
	_ =	sdelay $0x1  }
0x8a: {  	s1 =	srdreg.scid  }
0x8b: {  	s0 =	sand.u32 $0x1, s1  }
0x8c: {  	s17 =	sshll.u32 s0, $0xA;
	s2 =	sadd.s32 s3, s2  }
0x8d: {  	s2 =	sadd.s32 s2, s17  }
0x8e: {  	[smem:$0x3FAB] =	sst s2  }
0x8f: {  	_ = 	snop  }
0x90: {  	(tm) =	ssettm $0x1  }
0x91: {  	s18 =	sld [smem:$0x3FFB];
	_ =	sdelay $0x3  }
0x92: {  	_ =	strace s18  }
0x93: {  	s2 =	sld [smem:$0x3FFC];
	_ =	sdelay $0x3  }
0x94: {  	_ =	strace s2  }
0x95: {  	s2 =	sld [smem:$0x3FFD];
	_ =	sdelay $0x3  }
0x96: {  	_ =	strace s2  }
0x97: {  	_ =	strace $0x8FFFFFFF  }
0x98: {  	s19 =	sld [smem:$0x3FDB];
	_ =	sdelay $0x1  }
0x99: {  	s20 =	simm.s32 $_scs_section_size  }
0x9a: {  	s4 =	simm.s32 $_size__tile_overlayer_lowered;
	s5 =	simm.s32 $_tile_overlayer_lowered  }
0x9b: {  	s6 =	simm.s32 $0x1BFF;
	s21 =	sshll.u32 s5, $0x1;
	s3 =	sadd.s32 s20, s19  }
0x9c: {  	s22 =	simm.s32 $0x0;
	s4 =	sshll.u32 s4, $0x1;
	s5 =	sadd.s32 s21, s3  }
0x9d: {  	[timem:s22], [sflag:s6] =	dma.local [hbm:s5], s4  }
0x9e: {  	_ =	swait.ge [sflag:s6], s4  }
0x9f: {  	s4 =	ssub.s32 $0x0, s4;
	[sflag:s6] =	ssyncset.done $0x0  }
0xa0: {  	[sflag:s6] =	ssyncadd.s32 s4;
	_ =	sdelay $0x1  }
0xa1: {  	s23 =	simm.s32 $0x1B8B  }
0xa2: {  	_ =	swait.ge [sflag:s23], $0x1  }
0xa3: {  	[sflag:s23] =	ssyncset.done $0x0  }
0xa4: {  	[sflag:s23] =	ssyncadd.s32 $0xFFFFFFFF  }
0xa5: {  	s4 =	sld [smem:$0x0]  }
0xa6: {  	s5 =	sand.u32 $0xFFFFFFFE, s1  }
0xa7: {  	p0 =	sne.s32 s1, s5  }
0xa8: {  	s5 =	sshll.u32 @p0 s5, $0xE  }
0xa9: {  	s5 =	sadd.s32 @p0 $0x11B8D, s5;
	s6 =	sshll.u32 @p0 s4, $0x11  }
0xaa: {  	s5 =	sor.u32 @p0 s6, s5  }
0xab: {  	[sflag:s5] =	ssyncadd.remote.s32 @p0 $0x1;
	_ =	sdelay $0x1  }
0xac: {  	s5 =	simm.s32 @p0 $0x1B8D  }
0xad: {  	_ =	swait.eq @p0 [sflag:s5], $0x1  }
0xae: {  	[sflag:s5] =	ssyncadd.s32 @p0 $0xFFFFFFFF  }
0xaf: {  	s6 =	sshll.u32 @!p0 s1, $0xE  }
0xb0: {  	s6 =	sor.u32 @!p0 $0x4000, s6;
	s5 =	simm.s32 @!p0 $0x1B8D  }
0xb1: {  	s4 =	sshll.u32 @!p0 s4, $0x11;
	s6 =	sadd.s32 @!p0 $0x11B8D, s6;
	_ =	swait.eq @!p0 [sflag:s5], $0x1  }
0xb2: {  	s4 =	sor.u32 @!p0 s4, s6;
	[sflag:s5] =	ssyncadd.s32 @!p0 $0xFFFFFFFF  }
0xb3: {  	s25 =	simm.s32 $0x1B8E;
	s24 =	sld [smem:$0x3FFE];
	[sflag:s4] =	ssyncadd.remote.s32 @!p0 $0x1  }
0xb4: {  	s26 =	simm.s32 $execute0_lowered;
	[smem:$0x3FD2] =	sst s25  }
0xb5: {  	s5 =	sshll.u32 s26, $0x1;
	_ =	strace $0x8000005B;
	[dreg:$0x1] =	wrdreg $0xFFFFFFFF  }
0xb6: {  	s28 =	simm.s32 $_size_execute0_lowered;
	s3 =	sadd.s32 s3, s5;
	[dreg:$0x0] =	wrdreg $0x0  }
0xb7: {  	s5 =	sshll.u32 s28, $0x1;
	[dreg:$0x2] =	wrdreg s3  }
0xb8: {  	[dreg:$0x3] =	wrdreg s5  }
0xb9: {  	[dreg:$0x4] =	wrdreg $0xC0  }
0xba: {  	_ =	task [dreg:s22], $0x5FFFF  }
0xbb: {  	[dreg:$0x1] =	wrdreg $0xFFFFFFFF  }
0xbc: {  	[dreg:$0x0] =	wrdreg $0x60  }
0xbd: {  	[dreg:$0x2] =	wrdreg s24  }
0xbe: {  	[dreg:$0x3] =	wrdreg $0x65400  }
0xbf: {  	[dreg:$0x4] =	wrdreg $0xA  }
0xc0: {  	_ =	task.clear_ibuf [dreg:s22], $0x5FFFF;
	_ =	strace $0x9000005B  }
0xc1: {  	s29 =	simm.s32 $0xA;
	_ =	strace $0x8000005D  }
0xc2: {  	_ =	swait.ge [sflag:s29], $0x1  }
0xc3: {  	[sflag:s29] =	ssyncadd.s32 $0xFFFFFFFF  }
0xc4: {  	_ =	strace $0x9000005D  }
0xc5: {  	_ =	sfence  }
0xc6: {  	s30 =	sld [smem:$0x0];
	_ =	sdelay $0x2  }
0xc7: {  	s31 =	sshll.u32 s1, $0xD;
	s1 =	sshrl.u32 s1, $0x2  }
0xc8: {  	s4 =	sand.u32 $0x4000, s31;
	s1 =	sadd.s32 s1, s30  }
0xc9: {  	s0 =	sor.u32 s4, s0;
	s1 =	sshll.u32 s1, $0x11  }
0xca: {  	s0 =	sor.u32 s1, s0  }
0xcb: {  	s0 =	sadd.s32 $0x8F2B, s0  }
0xcc: {  	[sflag:s0] =	ssyncadd.remote.s32 $0x1  }
0xcd: {  	_ =	sfence.sel $0xFFFF  }
0xce: {  	[dreg:$0x0] =	wrdreg $0xFFFFFFFF;
	(pc) =	sbr.abs _section_cstart, $3  }
0xcf: {  	[dreg:$0x1] =	wrdreg $0xFFFFFFFF  }
0xd0: {  	_ =	task.clear_ibuf [dreg:s22], $0x2FFFF;
	_ =	strace $0x9FFFFFFF  }
0xd1: {  	(tm) =	ssettm $0x7FFFFFFF  }
tec
execute0_lowered:
.L_overlay_start_1:
0x0: {  	(tag) =	ssettag $0x1  }
0x1: {  	s7 =	rddreg [dreg:$0x0]  }
0x2: {  	s2 =	rddreg [dreg:$0x1]  }
0x3: {  	s0 =	rddreg [dreg:$0x2]  }
0x4: {  	s3 =	simm.s32 $0x0;
	s1 =	stileid.u32;
	s4 =	srdreg.scid  }
0x5: {  	s17 =	simm.s32 $0x50;
	s18 =	simm.s32 $0x140;
	s19 =	simm.s32 $0x1  }
0x6: {  	s20 =	simm.s32 $0x0;
	[smem:$0x7FF] =	sst s3;
	s8 =	smul.u32 $0x19000, s1  }
0x7: {  	s9 =	sand.u32 $0x1, s4;
	s4 =	sadd.s32 $0x1EE600, s7;
	s5 =	sadd.s32 $0x16800, s7  }
0x8: {  	s6 =	sadd.s32 $0xCA00, s7;
	s31 =	sshll.u32 s1, $0x6;
	s16 =	smul.u32 $0x2710, s1  }
0x9: {  	_ =	strace $0x8000005C;
	s10 =	smul.u32 $0x190000, s9;
	s12 =	sshll.u32 s9, $0x4  }
0xa: {  	s13 =	ssub.s32 $0x2, s9;
	s30 =	smul.u32 $0x27100, s9;
	s11 =	sshrl.u32 s8, $0x3  }
0xb: {  	s12 =	sor.u32 s1, s12;
	s26 =	sshrl.u32 s13, $0x1;
	s15 =	sadd.s32 s8, s2  }
0xc: {  	s11 =	sadd.s32 s11, s7;
	s10 =	sadd.s32 s8, s10;
	s28 =	smul.u32 $0x2710, s12  }
0xd: {  	s29 =	ssub.s32 s13, s26;
	s8 =	sor.u32 $0x1C02, s31;
	s13 =	sadd.s32 s16, s30  }
0xe: {  	s16 =	simm.s32 $0xA0;
	s10 =	sshrl.u32 s10, $0x3;
	s12 =	smax.u32 s29, $0x1  }
0xf: {  	s13 =	sadd.s32 $0x50, s13;
	s14 =	sadd.s32 s10, s7;
	s10 =	sshrl.u32 s28, $0x3  }
0x10: {  	s7 =	sadd.s32 $0x79400, s11;
	s9 =	sadd.s32 s5, s10;
	s10 =	sadd.s32 s6, s10  }
0x11: {  	s11 =	sadd.s32 $0x347A00, s14;
	s14 =	sshrl.u32 s15, $0x3;
	s15 =	simm.s32 $0x2  }
.LBB2_1:
0x12: {  	[spmem:s14], [sflag:s8] =	dma.local [hbm:s7], $0x3200  }
0x13: {  	_ =	swait.ge [sflag:s15], $0x3200  }
0x14: {  	[sflag:s15] =	ssyncset.done $0x0  }
0x15: {  	[sflag:s15] =	ssyncadd.s32 $0xFFFFCE00  }
0x16: {  	[bflag:$0x0] =	sbarrier.arrive $0xFFFF  }
0x17: {  	[tilespmem:s3], [sflag:$0x2] =	stream.linear.gather [hbm4b:s9+s3], $0x50, $0x38;
	[tilespmem:$0x1F540] =	vst v63  }
0x18: {  	_ =	swait.ge [sflag:s15], $0x50  }
0x19: {  	[sflag:s15] =	ssyncset.done $0x0  }
0x1a: {  	[sflag:s15] =	ssyncadd.s32 $0xFFFFFFB0  }
0x1b: {  	[tilespmem:s16], [sflag:$0x2] =	stream.linear.gather [hbm4b:s10+s3], $0x50, $0x38;
	[tilespmem:$0x1F540] =	vst v63  }
0x1c: {  	s21 =	sand.u32 $0x1, s3;
	_ =	swait.ge [sflag:s15], $0x50  }
0x1d: {  	s22 =	sxor.u32 $0x1, s21;
	[sflag:s15] =	ssyncset.done $0x0  }
0x1e: {  	s24 =	sshrl.u32 s13, $0x3;
	s23 =	smul.u32 $0x50, s22;
	[sflag:s15] =	ssyncadd.s32 $0xFFFFFFB0  }
0x1f: {  	[tilespmem:s18], [sflag:$0x1] =	stream.indirect.gather [hbm4b:s4+s17], $0xA0, s3, s17, $0xb8;
	[tilespmem:$0x1F540] =	vst v63  }
0x20: {  	s25 =	sadd.s32 s5, s24  }
0x21: {  	[tilespmem:s23], [sflag:$0x2] =	stream.linear.gather [hbm4b:s25+s3], $0x50, $0x38;
	[tilespmem:$0x1F540] =	vst v63  }
0x22: {  	_ =	swait.ge [sflag:s15], $0x50  }
0x23: {  	s24 =	sadd.s32 s6, s24;
	[sflag:s15] =	ssyncset.done $0x0  }
0x24: {  	s22 =	smul.u32 $0xC800, s22;
	s30 =	sadd.s32 $0xA0, s23;
	[sflag:s15] =	ssyncadd.s32 $0xFFFFFFB0  }
0x25: {  	[tilespmem:s30], [sflag:$0x2] =	stream.linear.gather [hbm4b:s24+s3], $0x50, $0x38;
	[tilespmem:$0x1F540] =	vst v63  }
0x26: {  	s31 =	smul.u32 $0xC800, s21;
	_ =	swait.ge [sflag:s15], $0x50  }
0x27: {  	s26 =	smul.u32 $0x140, s21;
	s22 =	sshrl.u32 s22, $0x2;
	[sflag:s15] =	ssyncset.done $0x0  }
0x28: {  	s21 =	simm.s32 $0x2;
	s29 =	sor.u32 $0x140, s22;
	[sflag:s15] =	ssyncadd.s32 $0xFFFFFFB0  }
0x29: {  	[tilespmem:s29], [sflag:$0x1] =	stream.indirect.gather [hbm4b:s4+s17], $0xA0, s23, s17, $0xb8;
	[tilespmem:$0x1F540] =	vst v63  }
0x2a: {  	s31 =	sshrl.u32 s31, $0x2;
	s30 =	sshrl.u32 s26, $0x2;
	_ =	swait.ge [sflag:s19], $0x3200  }
0x2b: {  	s24 =	simm.s32 $0x1;
	s22 =	sadd.s32 $0xA0, s30;
	[sflag:s19] =	ssyncset.done $0x0  }
0x2c: {  	s25 =	sand.u32 $0x1, s24;
	s23 =	sor.u32 $0x140, s31;
	[sflag:s19] =	ssyncadd.s32 $0xFFFFCE00  }
0x2d: {  	[spmem:s2] =	stream.indirect.scatter.add.f32 [tilespmem:s23], [sflag:$0x2], $0xA0, s22, s17, $0xb8;
	[tilespmem:$0x1F540] =	vst v63  }
0x2e: {  	s24 =	sadd.s32 $0x50, s13;
	s28 =	sxor.u32 $0x1, s25;
	s22 =	smul.u32 $0xC800, s25  }
0x2f: {  	s26 =	sshrl.u32 s24, $0x3;
	s23 =	smul.u32 $0x50, s28;
	_ =	swait.ge [sflag:s15], $0x3200  }
.LBB2_2:
0x30: {  	s29 =	sadd.s32 s5, s26  }
0x31: {  	s28 =	smul.u32 $0xC800, s28;
	[sflag:s15] =	ssyncset.done $0x0;
	s30 =	smov.u32 s21  }
0x32: {  	p0 =	sne.s32 s21, $0x7B;
	s25 =	smul.u32 $0x140, s25;
	[sflag:s15] =	ssyncadd.s32 $0xFFFFCE00  }
0x33: {  	[tilespmem:s23], [sflag:$0x2] =	stream.linear.gather [hbm4b:s29+s3], $0x50, $0x38;
	[tilespmem:$0x1F540] =	vst v63  }
0x34: {  	s21 =	sadd.s32 $0x1, s21;
	s25 =	sshrl.u32 s25, $0x2;
	_ =	swait.ge [sflag:s15], $0x50  }
0x35: {  	s26 =	sadd.s32 s6, s26;
	s29 =	sadd.s32 $0xA0, s23;
	[sflag:s15] =	ssyncset.done $0x0  }
0x36: {  	[sflag:s15] =	ssyncadd.s32 $0xFFFFFFB0  }
0x37: {  	[tilespmem:s29], [sflag:$0x2] =	stream.linear.gather [hbm4b:s26+s3], $0x50, $0x38;
	[tilespmem:$0x1F540] =	vst v63  }
0x38: {  	s26 =	sshrl.u32 s28, $0x2;
	_ =	swait.ge [sflag:s15], $0x50  }
0x39: {  	s26 =	sor.u32 $0x140, s26;
	[sflag:s15] =	ssyncset.done $0x0  }
0x3a: {  	s22 =	sshrl.u32 s22, $0x2;
	s24 =	sadd.s32 $0x50, s24;
	[sflag:s15] =	ssyncadd.s32 $0xFFFFFFB0  }
0x3b: {  	[tilespmem:s26], [sflag:$0x1] =	stream.indirect.gather [hbm4b:s4+s17], $0xA0, s23, s17, $0xb8;
	[tilespmem:$0x1F540] =	vst v63  }
.Ltmp0:
0x3c: {  	s23 =	sadd.s32 $0xA0, s25;
	_ =	swait.ge [sflag:s19], $0x3200;
	(pc) =	sbr.rel @p0 .LBB2_2-.Ltmp0, $4  }
0x3d: {  	s25 =	sand.u32 $0x1, s30;
	s26 =	sor.u32 $0x140, s22;
	[sflag:s19] =	ssyncset.done $0x0  }
0x3e: {  	s28 =	sxor.u32 $0x1, s25;
	s22 =	smul.u32 $0xC800, s25;
	[sflag:s19] =	ssyncadd.s32 $0xFFFFCE00  }
0x3f: {  	[spmem:s2] =	stream.indirect.scatter.add.f32 [tilespmem:s26], [sflag:$0x2], $0xA0, s23, s17, $0xb8;
	[tilespmem:$0x1F540] =	vst v63  }
0x40: {  	s23 =	smul.u32 $0x50, s28;
	s26 =	sshrl.u32 s24, $0x3;
	_ =	swait.ge [sflag:s15], $0x3200  }
0x41: {  	[sflag:s15] =	ssyncset.done $0x0  }
0x42: {  	s21 =	sadd.s32 s5, s26;
	[sflag:s15] =	ssyncadd.s32 $0xFFFFCE00  }
0x43: {  	[tilespmem:s23], [sflag:$0x2] =	stream.linear.gather [hbm4b:s21+s3], $0x50, $0x38;
	[tilespmem:$0x1F540] =	vst v63  }
0x44: {  	_ =	swait.ge [sflag:s15], $0x50  }
0x45: {  	s28 =	smul.u32 $0xC800, s28;
	[sflag:s15] =	ssyncset.done $0x0  }
0x46: {  	s29 =	sadd.s32 s6, s26;
	s24 =	sadd.s32 $0xA0, s23;
	[sflag:s15] =	ssyncadd.s32 $0xFFFFFFB0  }
0x47: {  	[tilespmem:s24], [sflag:$0x2] =	stream.linear.gather [hbm4b:s29+s3], $0x50, $0x38;
	[tilespmem:$0x1F540] =	vst v63  }
0x48: {  	_ =	swait.ge [sflag:s15], $0x50  }
0x49: {  	s21 =	sshrl.u32 s28, $0x2;
	[sflag:s15] =	ssyncset.done $0x0  }
0x4a: {  	s30 =	smul.u32 $0x140, s25;
	s21 =	sor.u32 $0x140, s21;
	[sflag:s15] =	ssyncadd.s32 $0xFFFFFFB0  }
0x4b: {  	[tilespmem:s21], [sflag:$0x1] =	stream.indirect.gather [hbm4b:s4+s17], $0xA0, s23, s17, $0xb8;
	[tilespmem:$0x1F540] =	vst v63  }
0x4c: {  	_ =	swait.ge [sflag:s19], $0x3200  }
0x4d: {  	s22 =	sshrl.u32 s22, $0x2;
	s31 =	sshrl.u32 s30, $0x2;
	[sflag:s19] =	ssyncset.done $0x0  }
0x4e: {  	s22 =	sor.u32 $0x140, s22;
	s21 =	sadd.s32 $0xA0, s31;
	[sflag:s19] =	ssyncadd.s32 $0xFFFFCE00  }
0x4f: {  	[spmem:s2] =	stream.indirect.scatter.add.f32 [tilespmem:s22], [sflag:$0x2], $0xA0, s21, s17, $0xb8;
	[tilespmem:$0x1F540] =	vst v63  }
0x50: {  	_ =	swait.ge [sflag:s15], $0x3200  }
0x51: {  	[sflag:s15] =	ssyncset.done $0x0  }
0x52: {  	[sflag:s15] =	ssyncadd.s32 $0xFFFFCE00  }
0x53: {  	_ =	swait.ge [sflag:s19], $0x3200  }
0x54: {  	[sflag:s19] =	ssyncset.done $0x0  }
0x55: {  	[sflag:s19] =	ssyncadd.s32 $0xFFFFCE00  }
0x56: {  	[spmem:s2] =	stream.indirect.scatter.add.f32 [tilespmem:s18], [sflag:$0x2], $0xA0, s16, s17, $0xb8;
	[tilespmem:$0x1F540] =	vst v63  }
0x57: {  	_ =	swait.ge [sflag:s15], $0x3200  }
0x58: {  	s20 =	sadd.s32 $0x1, s20;
	[sflag:s15] =	ssyncset.done $0x0  }
0x59: {  	p0 =	sne.s32 s20, s12;
	[sflag:s15] =	ssyncadd.s32 $0xFFFFCE00  }
.Ltmp1:
0x5a: {  	[bflag:$0x0] =	sbarrier.arrive $0xFFFF;
	(pc) =	sbr.rel @p0 .LBB2_1-.Ltmp1, $4  }
0x5b: {  	[hbm:s11], [sflag:s8] =	dma.local [spmem:s14], $0x3200  }
0x5c: {  	_ =	swait.ge [sflag:s15], $0x3200  }
0x5d: {  	[sflag:s15] =	ssyncset.done $0x0  }
0x5e: {  	[sflag:s15] =	ssyncadd.s32 $0xFFFFCE00  }
0x5f: {  	_ =	sfence.sel $0x180000  }
0x60: {  	[bflag:$0x0] =	sbarrier.arrive $0xFFFF  }
0x61: {  	p0 =	sne.s32 s1, $0x0;
	_ =	strace $0x9000005C  }
0x62: {  	s0 =	sadd.s32 @!p0 $0x100000, s0;
	[bflag:$0x2] =	sbarrier.arrive $0xFFFF  }
0x63: {  	[sflag:s0] =	ssyncadd.tile.s32 @!p0 $0x1;
	_ =	shalt  }
.Lfunc_end2:
_tile_overlayer_lowered:
.L_overlay_start_2:
0x64: {  	(tag) =	ssettag $0x2  }
0x65: {  	s0 =	rddreg [dreg:$0x0];
	s2 =	stileid.u32  }
0x66: {  	s1 =	rddreg [dreg:$0x1];
	p0 =	sne.s32 s2, $0x0  }
0x67: {  	s3 =	rddreg [dreg:$0x2];
	[bflag:$0x3] =	sbarrier.arrive $0xFFFF;
	s2 =	simm.s32 @!p0 $0x1C02  }
0x68: {  	[timem:s3], [sflag:s2] =	dma.local @!p0 [hbm:s0], s1  }
0x69: {  	s0 =	simm.s32 @!p0 $0x2  }
0x6a: {  	_ =	swait.ge @!p0 [sflag:s0], s1  }
0x6b: {  	s1 =	ssub.s32 @!p0 $0x0, s1;
	[sflag:s0] =	ssyncset.done @!p0 $0x0  }
0x6c: {  	[sflag:s0] =	ssyncadd.s32 @!p0 s1  }
0x6d: {  	[bflag:$0x3] =	sbarrier.arrive $0xFFFF  }
0x6e: {  	_ =	shalt  }

</sc_bundles>
